<compile_context>
chip_gen: v7x
topology: tpu7x:2x2x1
jax: 0.10.2.dev20260603
libtpu: 0.0.44.dev20260713+nightly
codegen_flags: <defaults>
</compile_context>

<pallas_src>
import functools

import jax
import jax.numpy as jnp
from jax import lax
from jax.experimental import pallas as pl
from jax.experimental.pallas import tpu as pltpu
from jax.experimental.pallas import tpu_sc as plsc

N_NODES = 1024
P_PHASES = 12
BATCH = 64
EPS = 1e-06

NC = 2
NS = 16
NW = NC * NS
ROWS = N_NODES // NW
LANES = 16
NCH = N_NODES // LANES


def _prep_body(ph_ref, g_ref, gains_ref, order_ref, starts_ref):
    g = jax.nn.softplus(g_ref[...]) + 1e-06
    denom = jnp.maximum(jnp.sum(g, axis=-1, keepdims=True), EPS)
    gains_ref[...] = g * (N_NODES / denom)

    ph = ph_ref[...]
    prow = lax.broadcasted_iota(jnp.int32, (LANES, BATCH), 0)
    ohp = (ph == prow).astype(jnp.float32)
    counts = jnp.sum(ohp, axis=1, keepdims=True)
    lrow = lax.broadcasted_iota(jnp.int32, (LANES, LANES), 0)
    lcol = lax.broadcasted_iota(jnp.int32, (LANES, LANES), 1)
    ls = (lcol < lrow).astype(jnp.float32)
    starts = jnp.dot(ls, counts, preferred_element_type=jnp.float32)
    brow = lax.broadcasted_iota(jnp.int32, (BATCH, BATCH), 0)
    bcol = lax.broadcasted_iota(jnp.int32, (BATCH, BATCH), 1)
    ub = (brow < bcol).astype(jnp.float32)
    pre = jnp.dot(ohp, ub, preferred_element_type=jnp.float32)
    rank = jnp.sum(pre * ohp, axis=0, keepdims=True)
    startsb = jnp.sum(starts * ohp, axis=0, keepdims=True)
    pos = (rank + startsb).astype(jnp.int32)
    eq = (brow == pos)
    order = jnp.sum(
        eq.astype(jnp.float32) * bcol.astype(jnp.float32), axis=1,
        keepdims=True)
    order_ref[...] = order.astype(jnp.int32)
    starts_ref[...] = starts.astype(jnp.int32)


def _prep(phases, G):
    return pl.pallas_call(
        _prep_body,
        out_shape=(
            jax.ShapeDtypeStruct((P_PHASES, N_NODES), jnp.float32),
            jax.ShapeDtypeStruct((BATCH, 1), jnp.int32),
            jax.ShapeDtypeStruct((LANES, 1), jnp.int32),
        ),
    )(phases.reshape(1, BATCH), G)


def _sc_body(s_hbm, gains_hbm, order_hbm, starts_hbm, out_hbm,
             buf, gbuf, order_v, starts_v, sem0, sem1, sem2, rd_sem):
    c = lax.axis_index("c")
    s = lax.axis_index("s")
    wid = s * NC + c
    base_row = pl.multiple_of(wid * ROWS, ROWS)
    lanes = lax.iota(jnp.int32, LANES)

    pltpu.sync_copy(order_hbm, order_v)
    pltpu.sync_copy(starts_hbm, starts_v)
    starts_vec = starts_v[...]
    sems = (sem0, sem1, sem2)

    def sel_i32(vec, i):
        return jnp.sum(jnp.where(lanes == i, vec, 0))

    pltpu.async_copy(s_hbm.at[0, pl.ds(base_row, ROWS)], buf.at[0], rd_sem)

    def phase_work(p, slot, nslot):
        dstart = sel_i32(starts_vec, p - 2)
        dend = sel_i32(starts_vec, p - 1)

        def drain_body(k, _):
            pltpu.make_async_copy(
                s_hbm.at[0, pl.ds(0, ROWS)], buf.at[nslot], sems[nslot]).wait()
            return 0

        lax.fori_loop(dstart, dend, drain_body, 0)

        pltpu.make_async_copy(
            s_hbm.at[0, pl.ds(0, ROWS)], buf.at[slot], rd_sem).wait()
        pnext = jnp.minimum(p + 1, P_PHASES - 1)
        pltpu.async_copy(
            s_hbm.at[pnext, pl.ds(base_row, ROWS)], buf.at[nslot], rd_sem)
        pltpu.sync_copy(gains_hbm.at[p, pl.ds(base_row, ROWS)], gbuf)

        def row_body(r, _):
            i_global = base_row + r
            accs = [jnp.zeros((LANES,), jnp.float32) for _ in range(4)]
            for ch in range(NCH):
                x = buf[slot, r, pl.ds(ch * LANES, LANES)]
                accs[ch % 4] = accs[ch % 4] + jnp.abs(x)
            dch = pl.multiple_of((i_global // LANES) * LANES, LANES)
            dlane = i_global - dch
            dchunk = buf[slot, r, pl.ds(dch, LANES)]
            acc = (accs[0] + accs[1]) + (accs[2] + accs[3])
            acc = acc - jnp.where(lanes == dlane, jnp.abs(dchunk), 0.0)
            denom = jnp.maximum(jnp.sum(acc), EPS)
            gb = pl.multiple_of((r // LANES) * LANES, LANES)
            gchunk = gbuf[pl.ds(gb, LANES)]
            gval = jnp.sum(jnp.where(lanes == (r - gb), gchunk, 0.0))
            scale = jnp.full((LANES,), gval) / jnp.full((LANES,), denom)
            for ch in range(NCH):
                ds = pl.ds(ch * LANES, LANES)
                buf[slot, r, ds] = buf[slot, r, ds] * scale
            dchunk2 = buf[slot, r, pl.ds(dch, LANES)]
            buf[slot, r, pl.ds(dch, LANES)] = jnp.where(
                lanes == dlane, 0.0, dchunk2)
            return 0

        lax.fori_loop(0, ROWS, row_body, 0)

        start = sel_i32(starts_vec, p)
        end = sel_i32(starts_vec, p + 1)

        def w_body(k, _):
            kb = pl.multiple_of((k // LANES) * LANES, LANES)
            ochunk = order_v[pl.ds(kb, LANES)]
            b = sel_i32(ochunk, k - kb)
            pltpu.async_copy(
                buf.at[slot], out_hbm.at[b, pl.ds(base_row, ROWS)], sems[slot])
            return 0

        lax.fori_loop(start, end, w_body, 0)

    def triple_body(t, _):
        phase_work(3 * t, 0, 1)
        phase_work(3 * t + 1, 1, 2)
        phase_work(3 * t + 2, 2, 0)
        return 0

    lax.fori_loop(0, P_PHASES // 3, triple_body, 0)

    pltpu.make_async_copy(
        s_hbm.at[0, pl.ds(0, ROWS)], buf.at[0], rd_sem).wait()

    for p in (P_PHASES - 2, P_PHASES - 1):
        pstart = sel_i32(starts_vec, p)
        pend = sel_i32(starts_vec, p + 1)
        slot = p % 3

        def tail_drain(k, _):
            pltpu.make_async_copy(
                s_hbm.at[0, pl.ds(0, ROWS)], buf.at[slot], sems[slot]).wait()
            return 0

        lax.fori_loop(pstart, pend, tail_drain, 0)


_sc_call = functools.partial(
    pl.kernel,
    out_type=jax.ShapeDtypeStruct((BATCH, N_NODES, N_NODES), jnp.float32),
    mesh=plsc.VectorSubcoreMesh(
        core_axis_name="c", subcore_axis_name="s",
        num_cores=NC, num_subcores=NS),
    compiler_params=pltpu.CompilerParams(needs_layout_passes=False),
    scratch_types=[
        pltpu.VMEM((3, ROWS, N_NODES), jnp.float32),
        pltpu.VMEM((ROWS,), jnp.float32),
        pltpu.VMEM((BATCH,), jnp.int32),
        pltpu.VMEM((LANES,), jnp.int32),
        pltpu.SemaphoreType.DMA,
        pltpu.SemaphoreType.DMA,
        pltpu.SemaphoreType.DMA,
        pltpu.SemaphoreType.DMA,
    ],
)(_sc_body)


@jax.jit
def kernel(phases, S, G):
    gains, order, starts = _prep(phases.astype(jnp.int32), G)
    return _sc_call(S, gains, order.reshape(BATCH), starts.reshape(LANES))

# --- scband reference (transcript-rebuilt; emitter-appended) ---
"""Pipeline reference for scband-phase-graphs-38302518346398 (READ-ONLY COPY).

The authoritative reference and input builder live on the scoring server;
editing this copy changes nothing except your own understanding.
"""

import jax, jax.numpy as jnp
import numpy as np

N_NODES = 1024
P_PHASES = 12
BATCH = 64
EPS = 1e-06

def setup_inputs(seed: int = 0) -> dict:
    key = jax.random.key(seed)
    k1, k2, k3 = jax.random.split(key, 3)
    phases = jax.random.randint(k1, (BATCH,), 0, P_PHASES)
    S = jax.random.normal(k2, (P_PHASES, N_NODES, N_NODES), dtype=jnp.float32)
    G = jax.random.normal(k3, (P_PHASES, N_NODES), dtype=jnp.float32)
    return {"phases": phases, "S": S, "G": G}

def reference(phases, S, G):
    N = S.shape[-1]
    I = jnp.eye(N, dtype=S.dtype)
    # zero diagonal
    S0 = S * (1.0 - I)
    # signed L1 row normalization
    denom = jnp.maximum(jnp.sum(jnp.abs(S0), axis=-1, keepdims=True), EPS)
    A_tilde = S0 / denom
    # gather per-phase adjacency (memory-bound slab gather)
    A = jnp.take(A_tilde, phases, axis=0)
    # row gain: softplus, normalized so each phase's gains sum to N
    g_all = jax.nn.softplus(G) + 1e-06
    g_all = g_all * (N / jnp.maximum(jnp.sum(g_all, axis=-1, keepdims=True), EPS))
    g = jnp.take(g_all, phases, axis=0)[..., None]
    return A * g

if __name__ == "__main__":
    import jax
    _d = setup_inputs()
    print(jax.jit(kernel)(*tuple(_d.values())))

</pallas_src>

<mosaic_0001>
#map = affine_map<(d0, d1) -> (0, 0, 0)>
#map1 = affine_map<(d0, d1) -> (0, 0)>
#map2 = affine_map<(d0, d1) -> (0)>
module attributes {stable_mosaic.version = 14 : i64} {
  func.func @_sc_body(%arg0: i32, %arg1: i32, %arg2: memref<12x1024x1024xf32, #tpu.memory_space<hbm>>, %arg3: memref<12x1024xf32, #tpu.memory_space<hbm>>, %arg4: memref<64xi32, #tpu.memory_space<hbm>>, %arg5: memref<16xi32, #tpu.memory_space<hbm>>, %arg6: memref<64x1024x1024xf32, #tpu.memory_space<hbm>>, %arg7: memref<3x32x1024xf32, #tpu.memory_space<vmem>>, %arg8: memref<32xf32, #tpu.memory_space<vmem>>, %arg9: memref<64xi32, #tpu.memory_space<vmem>>, %arg10: memref<16xi32, #tpu.memory_space<vmem>>, %arg11: memref<!tpu.dma_semaphore, #tpu.memory_space<semaphore_mem>>, %arg12: memref<!tpu.dma_semaphore, #tpu.memory_space<semaphore_mem>>, %arg13: memref<!tpu.dma_semaphore, #tpu.memory_space<semaphore_mem>>, %arg14: memref<!tpu.dma_semaphore, #tpu.memory_space<semaphore_mem>>) attributes {dimension_semantics = [#tpu.dimension_semantics<core_parallel>, #tpu.dimension_semantics<subcore_parallel>], iteration_bounds = array<i64: 2, 16>, scalar_prefetch = 0 : i64, scratch_operands = 8 : i64, tpu.core_type = #tpu.core_type<sc_vector_subcore>, window_params = [{transform_indices = #map}, {transform_indices = #map1}, {transform_indices = #map2}, {transform_indices = #map2}, {transform_indices = #map}]} {
    %mul3A = arith.constant 2 : i32
    %mul3A_0 = arith.muli %arg1, %mul3A : i32
    %add3A = arith.addi %mul3A_0, %arg0 : i32
    %mul3A_1 = arith.constant 32 : i32
    %mul3A_2 = arith.muli %add3A, %mul3A_1 : i32
    %multiple_of3A = tpu.assume_multiple %mul3A_2, 32 : i32
    %iota3A = tpu.iota {dimensions = array<i32: 0>} : vector<16xi32>
    "tpu.region"() ({
      %run_scoped3A = tpu.sem_alloc : memref<!tpu.dma_semaphore, #tpu.memory_space<semaphore_mem>>
      tpu.enqueue_dma source(%arg4 : memref<64xi32, #tpu.memory_space<hbm>>) target(%arg9 : memref<64xi32, #tpu.memory_space<vmem>>) target_semaphore(%run_scoped3A : memref<!tpu.dma_semaphore, #tpu.memory_space<semaphore_mem>>)
      tpu.wait_dma2 semaphore(%run_scoped3A : memref<!tpu.dma_semaphore, #tpu.memory_space<semaphore_mem>>) src(%arg4 : memref<64xi32, #tpu.memory_space<hbm>>) dst(%arg9 : memref<64xi32, #tpu.memory_space<vmem>>)
      tpu.yield
    }) : () -> ()
    "tpu.region"() ({
      %run_scoped3A = tpu.sem_alloc : memref<!tpu.dma_semaphore, #tpu.memory_space<semaphore_mem>>
      tpu.enqueue_dma source(%arg5 : memref<16xi32, #tpu.memory_space<hbm>>) target(%arg10 : memref<16xi32, #tpu.memory_space<vmem>>) target_semaphore(%run_scoped3A : memref<!tpu.dma_semaphore, #tpu.memory_space<semaphore_mem>>)
      tpu.wait_dma2 semaphore(%run_scoped3A : memref<!tpu.dma_semaphore, #tpu.memory_space<semaphore_mem>>) src(%arg5 : memref<16xi32, #tpu.memory_space<hbm>>) dst(%arg10 : memref<16xi32, #tpu.memory_space<vmem>>)
      tpu.yield
    }) : () -> ()
    %get3A = arith.constant 0 : index
    %get3A_3 = tpu.vector_load %arg10[%get3A] {strides = array<i32>} : memref<16xi32, #tpu.memory_space<vmem>>, vector<16xi32>,
    %dma_start3A = arith.constant 0 : i32
    %dma_start3A_4 = arith.constant 0 : i32
    %dma_start3A_5 = arith.constant 0 : i32
    %dma_start3A_6 = arith.constant 0 : i32
    %dma_start3A_7 = tpu.memref_slice %arg7[%dma_start3A_4, %dma_start3A_5, %dma_start3A_6] : memref<3x32x1024xf32, #tpu.memory_space<vmem>> -> memref<1x32x1024xf32, #tpu.memory_space<vmem>>
    %dma_start3A_8 = tpu.memref_squeeze %dma_start3A_7 : memref<1x32x1024xf32, #tpu.memory_space<vmem>> -> memref<32x1024xf32, #tpu.memory_space<vmem>>
    %dma_start3A_9 = arith.constant 0 : i32
    %dma_start3A_10 = tpu.memref_slice %arg2[%dma_start3A, %multiple_of3A, %dma_start3A_9] : memref<12x1024x1024xf32, #tpu.memory_space<hbm>> -> memref<1x32x1024xf32, #tpu.memory_space<hbm>>
    %dma_start3A_11 = tpu.memref_squeeze %dma_start3A_10 : memref<1x32x1024xf32, #tpu.memory_space<hbm>> -> memref<32x1024xf32, #tpu.memory_space<hbm>>
    %dma_start3A_12 = arith.constant 0 : i32
    %dma_start3A_13 = arith.constant 0 : i32
    %dma_start3A_14 = tpu.memref_slice %arg7[%dma_start3A_4, %dma_start3A_12, %dma_start3A_13] : memref<3x32x1024xf32, #tpu.memory_space<vmem>> -> memref<1x32x1024xf32, #tpu.memory_space<vmem>>
    %dma_start3A_15 = tpu.memref_squeeze %dma_start3A_14 : memref<1x32x1024xf32, #tpu.memory_space<vmem>> -> memref<32x1024xf32, #tpu.memory_space<vmem>>
    %dma_start3A_16 = arith.constant 0 : i32
    %dma_start3A_17 = tpu.memref_slice %arg2[%dma_start3A, %multiple_of3A, %dma_start3A_16] : memref<12x1024x1024xf32, #tpu.memory_space<hbm>> -> memref<1x32x1024xf32, #tpu.memory_space<hbm>>
    %dma_start3A_18 = tpu.memref_squeeze %dma_start3A_17 : memref<1x32x1024xf32, #tpu.memory_space<hbm>> -> memref<32x1024xf32, #tpu.memory_space<hbm>>
    tpu.enqueue_dma source(%dma_start3A_18 : memref<32x1024xf32, #tpu.memory_space<hbm>>) target(%dma_start3A_15 : memref<32x1024xf32, #tpu.memory_space<vmem>>) target_semaphore(%arg14 : memref<!tpu.dma_semaphore, #tpu.memory_space<semaphore_mem>>)
    %scan3A = arith.constant 0 : i32
    %scan3A_19 = arith.constant 0 : i32
    %scan3A_20 = arith.constant 4 : i32
    %scan3A_21 = arith.addi %scan3A_19, %scan3A_20 : i32
    %scan3A_22 = arith.constant 1 : i32
    %scan3A_23 = scf.for %scan3A_98 = %scan3A_19 to %scan3A_21 step %scan3A_22 iter_args(%scan3A_99 = %scan3A) -> (i32)  : i32 {
      %mul3A_100 = arith.constant 3 : i32
      %mul3A_101 = arith.muli %mul3A_100, %scan3A_98 : i32
      %sub3A = arith.constant 2 : i32
      %sub3A_102 = arith.subi %mul3A_101, %sub3A : i32
      %eq3A_103 = vector.broadcast %sub3A_102 : i32 to vector<16xi32>
      %eq3A_104 = arith.cmpi eq, %iota3A, %eq3A_103 : vector<16xi32>
      %jit3A_105 = arith.constant 0 : i32
      %broadcast_in_dim3A_106 = vector.broadcast %jit3A_105 : i32 to vector<16xi32>
      %select_n3A_107 = arith.select %eq3A_104, %get3A_3, %broadcast_in_dim3A_106 : vector<16xi1>, vector<16xi32>
      %reduce_sum3A_108 = arith.constant true
      %reduce_sum3A_109 = vector.broadcast %reduce_sum3A_108 : i1 to vector<16xi1>
      %reduce_sum3A_110 = tpu.scan <sum>, %select_n3A_107 masked %reduce_sum3A_109 : vector<16xi32>, vector<16xi1> -> vector<16xi32>
      %reduce_sum3A_111 = vector.extract %reduce_sum3A_110[15] : i32 from vector<16xi32>
      %sub3A_112 = arith.constant 1 : i32
      %sub3A_113 = arith.subi %mul3A_101, %sub3A_112 : i32
      %eq3A_114 = vector.broadcast %sub3A_113 : i32 to vector<16xi32>
      %eq3A_115 = arith.cmpi eq, %iota3A, %eq3A_114 : vector<16xi32>
      %jit3A_116 = arith.constant 0 : i32
      %broadcast_in_dim3A_117 = vector.broadcast %jit3A_116 : i32 to vector<16xi32>
      %select_n3A_118 = arith.select %eq3A_115, %get3A_3, %broadcast_in_dim3A_117 : vector<16xi1>, vector<16xi32>
      %reduce_sum3A_119 = arith.constant true
      %reduce_sum3A_120 = vector.broadcast %reduce_sum3A_119 : i1 to vector<16xi1>
      %reduce_sum3A_121 = tpu.scan <sum>, %select_n3A_118 masked %reduce_sum3A_120 : vector<16xi32>, vector<16xi1> -> vector<16xi32>
      %reduce_sum3A_122 = vector.extract %reduce_sum3A_121[15] : i32 from vector<16xi32>
      %while3A_123 = arith.constant 0 : i32
      %while3A_124 = arith.subi %reduce_sum3A_122, %reduce_sum3A_111 : i32
      %while3A_125 = arith.addi %reduce_sum3A_111, %while3A_124 : i32
      %while3A_126 = arith.constant 1 : i32
      %while3A_127 = arith.divsi %while3A_124, %while3A_126 : i32
      %while3A_128 = arith.muli %while3A_127, %while3A_126 : i32
      %while3A_129 = arith.addi %reduce_sum3A_111, %while3A_128 : i32
      %while3A_130 = arith.constant 1 : i32
      %while3A_131 = scf.for %while3A_433 = %reduce_sum3A_111 to %while3A_129 step %while3A_130 iter_args(%while3A_434 = %while3A_123) -> (i32)  : i32 {
        %dma_wait3A_435 = arith.constant 0 : i32
        %dma_wait3A_436 = arith.constant 1 : i32
        %dma_wait3A_437 = arith.constant 0 : i32
        %dma_wait3A_438 = arith.constant 0 : i32
        %dma_wait3A_439 = tpu.memref_slice %arg7[%dma_wait3A_436, %dma_wait3A_437, %dma_wait3A_438] : memref<3x32x1024xf32, #tpu.memory_space<vmem>> -> memref<1x32x1024xf32, #tpu.memory_space<vmem>>
        %dma_wait3A_440 = tpu.memref_squeeze %dma_wait3A_439 : memref<1x32x1024xf32, #tpu.memory_space<vmem>> -> memref<32x1024xf32, #tpu.memory_space<vmem>>
        %dma_wait3A_441 = arith.constant 0 : i32
        %dma_wait3A_442 = arith.constant 0 : i32
        %dma_wait3A_443 = tpu.memref_slice %arg2[%dma_wait3A_435, %dma_wait3A_441, %dma_wait3A_442] : memref<12x1024x1024xf32, #tpu.memory_space<hbm>> -> memref<1x32x1024xf32, #tpu.memory_space<hbm>>
        %dma_wait3A_444 = tpu.memref_squeeze %dma_wait3A_443 : memref<1x32x1024xf32, #tpu.memory_space<hbm>> -> memref<32x1024xf32, #tpu.memory_space<hbm>>
        %dma_wait3A_445 = arith.constant 0 : i32
        %dma_wait3A_446 = arith.constant 0 : i32
        %dma_wait3A_447 = tpu.memref_slice %arg7[%dma_wait3A_436, %dma_wait3A_445, %dma_wait3A_446] : memref<3x32x1024xf32, #tpu.memory_space<vmem>> -> memref<1x32x1024xf32, #tpu.memory_space<vmem>>
        %dma_wait3A_448 = tpu.memref_squeeze %dma_wait3A_447 : memref<1x32x1024xf32, #tpu.memory_space<vmem>> -> memref<32x1024xf32, #tpu.memory_space<vmem>>
        %dma_wait3A_449 = arith.constant 0 : i32
        %dma_wait3A_450 = arith.constant 0 : i32
        %dma_wait3A_451 = tpu.memref_slice %arg2[%dma_wait3A_435, %dma_wait3A_449, %dma_wait3A_450] : memref<12x1024x1024xf32, #tpu.memory_space<hbm>> -> memref<1x32x1024xf32, #tpu.memory_space<hbm>>
        %dma_wait3A_452 = tpu.memref_squeeze %dma_wait3A_451 : memref<1x32x1024xf32, #tpu.memory_space<hbm>> -> memref<32x1024xf32, #tpu.memory_space<hbm>>
        tpu.wait_dma2 semaphore(%arg12 : memref<!tpu.dma_semaphore, #tpu.memory_space<semaphore_mem>>) src(%dma_wait3A_452 : memref<32x1024xf32, #tpu.memory_space<hbm>>) dst(%dma_wait3A_448 : memref<32x1024xf32, #tpu.memory_space<vmem>>)
        %while3A_453 = arith.constant 0 : i32
        scf.yield %while3A_453 : i32
      }
      %while3A_132 = arith.constant 1 : i32
      %while3A_133 = scf.for %while3A_433 = %while3A_129 to %while3A_125 step %while3A_132 iter_args(%while3A_434 = %while3A_131) -> (i32)  : i32 {
        %dma_wait3A_435 = arith.constant 0 : i32
        %dma_wait3A_436 = arith.constant 1 : i32
        %dma_wait3A_437 = arith.constant 0 : i32
        %dma_wait3A_438 = arith.constant 0 : i32
        %dma_wait3A_439 = tpu.memref_slice %arg7[%dma_wait3A_436, %dma_wait3A_437, %dma_wait3A_438] : memref<3x32x1024xf32, #tpu.memory_space<vmem>> -> memref<1x32x1024xf32, #tpu.memory_space<vmem>>
        %dma_wait3A_440 = tpu.memref_squeeze %dma_wait3A_439 : memref<1x32x1024xf32, #tpu.memory_space<vmem>> -> memref<32x1024xf32, #tpu.memory_space<vmem>>
        %dma_wait3A_441 = arith.constant 0 : i32
        %dma_wait3A_442 = arith.constant 0 : i32
        %dma_wait3A_443 = tpu.memref_slice %arg2[%dma_wait3A_435, %dma_wait3A_441, %dma_wait3A_442] : memref<12x1024x1024xf32, #tpu.memory_space<hbm>> -> memref<1x32x1024xf32, #tpu.memory_space<hbm>>
        %dma_wait3A_444 = tpu.memref_squeeze %dma_wait3A_443 : memref<1x32x1024xf32, #tpu.memory_space<hbm>> -> memref<32x1024xf32, #tpu.memory_space<hbm>>
        %dma_wait3A_445 = arith.constant 0 : i32
        %dma_wait3A_446 = arith.constant 0 : i32
        %dma_wait3A_447 = tpu.memref_slice %arg7[%dma_wait3A_436, %dma_wait3A_445, %dma_wait3A_446] : memref<3x32x1024xf32, #tpu.memory_space<vmem>> -> memref<1x32x1024xf32, #tpu.memory_space<vmem>>
        %dma_wait3A_448 = tpu.memref_squeeze %dma_wait3A_447 : memref<1x32x1024xf32, #tpu.memory_space<vmem>> -> memref<32x1024xf32, #tpu.memory_space<vmem>>
        %dma_wait3A_449 = arith.constant 0 : i32
        %dma_wait3A_450 = arith.constant 0 : i32
        %dma_wait3A_451 = tpu.memref_slice %arg2[%dma_wait3A_435, %dma_wait3A_449, %dma_wait3A_450] : memref<12x1024x1024xf32, #tpu.memory_space<hbm>> -> memref<1x32x1024xf32, #tpu.memory_space<hbm>>
        %dma_wait3A_452 = tpu.memref_squeeze %dma_wait3A_451 : memref<1x32x1024xf32, #tpu.memory_space<hbm>> -> memref<32x1024xf32, #tpu.memory_space<hbm>>
        tpu.wait_dma2 semaphore(%arg12 : memref<!tpu.dma_semaphore, #tpu.memory_space<semaphore_mem>>) src(%dma_wait3A_452 : memref<32x1024xf32, #tpu.memory_space<hbm>>) dst(%dma_wait3A_448 : memref<32x1024xf32, #tpu.memory_space<vmem>>)
        %while3A_453 = arith.constant 0 : i32
        scf.yield %while3A_453 : i32
      }
      %dma_wait3A_134 = arith.constant 0 : i32
      %dma_wait3A_135 = arith.constant 0 : i32
      %dma_wait3A_136 = arith.constant 0 : i32
      %dma_wait3A_137 = arith.constant 0 : i32
      %dma_wait3A_138 = tpu.memref_slice %arg7[%dma_wait3A_135, %dma_wait3A_136, %dma_wait3A_137] : memref<3x32x1024xf32, #tpu.memory_space<vmem>> -> memref<1x32x1024xf32, #tpu.memory_space<vmem>>
      %dma_wait3A_139 = tpu.memref_squeeze %dma_wait3A_138 : memref<1x32x1024xf32, #tpu.memory_space<vmem>> -> memref<32x1024xf32, #tpu.memory_space<vmem>>
      %dma_wait3A_140 = arith.constant 0 : i32
      %dma_wait3A_141 = arith.constant 0 : i32
      %dma_wait3A_142 = tpu.memref_slice %arg2[%dma_wait3A_134, %dma_wait3A_140, %dma_wait3A_141] : memref<12x1024x1024xf32, #tpu.memory_space<hbm>> -> memref<1x32x1024xf32, #tpu.memory_space<hbm>>
      %dma_wait3A_143 = tpu.memref_squeeze %dma_wait3A_142 : memref<1x32x1024xf32, #tpu.memory_space<hbm>> -> memref<32x1024xf32, #tpu.memory_space<hbm>>
      %dma_wait3A_144 = arith.constant 0 : i32
      %dma_wait3A_145 = arith.constant 0 : i32
      %dma_wait3A_146 = tpu.memref_slice %arg7[%dma_wait3A_135, %dma_wait3A_144, %dma_wait3A_145] : memref<3x32x1024xf32, #tpu.memory_space<vmem>> -> memref<1x32x1024xf32, #tpu.memory_space<vmem>>
      %dma_wait3A_147 = tpu.memref_squeeze %dma_wait3A_146 : memref<1x32x1024xf32, #tpu.memory_space<vmem>> -> memref<32x1024xf32, #tpu.memory_space<vmem>>
      %dma_wait3A_148 = arith.constant 0 : i32
      %dma_wait3A_149 = arith.constant 0 : i32
      %dma_wait3A_150 = tpu.memref_slice %arg2[%dma_wait3A_134, %dma_wait3A_148, %dma_wait3A_149] : memref<12x1024x1024xf32, #tpu.memory_space<hbm>> -> memref<1x32x1024xf32, #tpu.memory_space<hbm>>
      %dma_wait3A_151 = tpu.memref_squeeze %dma_wait3A_150 : memref<1x32x1024xf32, #tpu.memory_space<hbm>> -> memref<32x1024xf32, #tpu.memory_space<hbm>>
      tpu.wait_dma2 semaphore(%arg14 : memref<!tpu.dma_semaphore, #tpu.memory_space<semaphore_mem>>) src(%dma_wait3A_151 : memref<32x1024xf32, #tpu.memory_space<hbm>>) dst(%dma_wait3A_147 : memref<32x1024xf32, #tpu.memory_space<vmem>>)
      %add3A_152 = arith.constant 1 : i32
      %add3A_153 = arith.addi %mul3A_101, %add3A_152 : i32
      %min3A = arith.constant 11 : i32
      %min3A_154 = arith.minsi %add3A_153, %min3A : i32
      %dma_start3A_155 = arith.constant 1 : i32
      %dma_start3A_156 = arith.constant 0 : i32
      %dma_start3A_157 = arith.constant 0 : i32
      %dma_start3A_158 = tpu.memref_slice %arg7[%dma_start3A_155, %dma_start3A_156, %dma_start3A_157] : memref<3x32x1024xf32, #tpu.memory_space<vmem>> -> memref<1x32x1024xf32, #tpu.memory_space<vmem>>
      %dma_start3A_159 = tpu.memref_squeeze %dma_start3A_158 : memref<1x32x1024xf32, #tpu.memory_space<vmem>> -> memref<32x1024xf32, #tpu.memory_space<vmem>>
      %dma_start3A_160 = arith.constant 0 : i32
      %dma_start3A_161 = tpu.memref_slice %arg2[%min3A_154, %multiple_of3A, %dma_start3A_160] : memref<12x1024x1024xf32, #tpu.memory_space<hbm>> -> memref<1x32x1024xf32, #tpu.memory_space<hbm>>
      %dma_start3A_162 = tpu.memref_squeeze %dma_start3A_161 : memref<1x32x1024xf32, #tpu.memory_space<hbm>> -> memref<32x1024xf32, #tpu.memory_space<hbm>>
      %dma_start3A_163 = arith.constant 0 : i32
      %dma_start3A_164 = arith.constant 0 : i32
      %dma_start3A_165 = tpu.memref_slice %arg7[%dma_start3A_155, %dma_start3A_163, %dma_start3A_164] : memref<3x32x1024xf32, #tpu.memory_space<vmem>> -> memref<1x32x1024xf32, #tpu.memory_space<vmem>>
      %dma_start3A_166 = tpu.memref_squeeze %dma_start3A_165 : memref<1x32x1024xf32, #tpu.memory_space<vmem>> -> memref<32x1024xf32, #tpu.memory_space<vmem>>
      %dma_start3A_167 = arith.constant 0 : i32
      %dma_start3A_168 = tpu.memref_slice %arg2[%min3A_154, %multiple_of3A, %dma_start3A_167] : memref<12x1024x1024xf32, #tpu.memory_space<hbm>> -> memref<1x32x1024xf32, #tpu.memory_space<hbm>>
      %dma_start3A_169 = tpu.memref_squeeze %dma_start3A_168 : memref<1x32x1024xf32, #tpu.memory_space<hbm>> -> memref<32x1024xf32, #tpu.memory_space<hbm>>
      tpu.enqueue_dma source(%dma_start3A_169 : memref<32x1024xf32, #tpu.memory_space<hbm>>) target(%dma_start3A_166 : memref<32x1024xf32, #tpu.memory_space<vmem>>) target_semaphore(%arg14 : memref<!tpu.dma_semaphore, #tpu.memory_space<semaphore_mem>>)
      "tpu.region"() ({
        %run_scoped3A = tpu.sem_alloc : memref<!tpu.dma_semaphore, #tpu.memory_space<semaphore_mem>>
        %dma_start3A_433 = tpu.memref_slice %arg3[%mul3A_101, %multiple_of3A] : memref<12x1024xf32, #tpu.memory_space<hbm>> -> memref<1x32xf32, #tpu.memory_space<hbm>>
        %dma_start3A_434 = tpu.memref_squeeze %dma_start3A_433 : memref<1x32xf32, #tpu.memory_space<hbm>> -> memref<32xf32, #tpu.memory_space<hbm>>
        %dma_start3A_435 = tpu.memref_slice %arg3[%mul3A_101, %multiple_of3A] : memref<12x1024xf32, #tpu.memory_space<hbm>> -> memref<1x32xf32, #tpu.memory_space<hbm>>
        %dma_start3A_436 = tpu.memref_squeeze %dma_start3A_435 : memref<1x32xf32, #tpu.memory_space<hbm>> -> memref<32xf32, #tpu.memory_space<hbm>>
        tpu.enqueue_dma source(%dma_start3A_436 : memref<32xf32, #tpu.memory_space<hbm>>) target(%arg8 : memref<32xf32, #tpu.memory_space<vmem>>) target_semaphore(%run_scoped3A : memref<!tpu.dma_semaphore, #tpu.memory_space<semaphore_mem>>)
        %dma_wait3A_437 = tpu.memref_slice %arg3[%mul3A_101, %multiple_of3A] : memref<12x1024xf32, #tpu.memory_space<hbm>> -> memref<1x32xf32, #tpu.memory_space<hbm>>
        %dma_wait3A_438 = tpu.memref_squeeze %dma_wait3A_437 : memref<1x32xf32, #tpu.memory_space<hbm>> -> memref<32xf32, #tpu.memory_space<hbm>>
        %dma_wait3A_439 = tpu.memref_slice %arg3[%mul3A_101, %multiple_of3A] : memref<12x1024xf32, #tpu.memory_space<hbm>> -> memref<1x32xf32, #tpu.memory_space<hbm>>
        %dma_wait3A_440 = tpu.memref_squeeze %dma_wait3A_439 : memref<1x32xf32, #tpu.memory_space<hbm>> -> memref<32xf32, #tpu.memory_space<hbm>>
        tpu.wait_dma2 semaphore(%run_scoped3A : memref<!tpu.dma_semaphore, #tpu.memory_space<semaphore_mem>>) src(%dma_wait3A_440 : memref<32xf32, #tpu.memory_space<hbm>>) dst(%arg8 : memref<32xf32, #tpu.memory_space<vmem>>)
        tpu.yield
      }) : () -> ()
      %scan3A_170 = arith.constant 0 : i32
      %scan3A_171 = arith.constant 0 : i32
      %scan3A_172 = arith.constant 32 : i32
      %scan3A_173 = arith.addi %scan3A_171, %scan3A_172 : i32
      %scan3A_174 = arith.constant 1 : i32
      %scan3A_175 = scf.for %scan3A_433 = %scan3A_171 to %scan3A_173 step %scan3A_174 iter_args(%scan3A_434 = %scan3A_170) -> (i32)  : i32 {
        %add3A_435 = arith.addi %multiple_of3A, %scan3A_433 : i32
        %broadcast_in_dim3A_436 = arith.constant 0.000000e+00 : f32
        %broadcast_in_dim3A_437 = vector.broadcast %broadcast_in_dim3A_436 : f32 to vector<16xf32>
        %broadcast_in_dim3A_438 = arith.constant 0.000000e+00 : f32
        %broadcast_in_dim3A_439 = vector.broadcast %broadcast_in_dim3A_438 : f32 to vector<16xf32>
        %broadcast_in_dim3A_440 = arith.constant 0.000000e+00 : f32
        %broadcast_in_dim3A_441 = vector.broadcast %broadcast_in_dim3A_440 : f32 to vector<16xf32>
        %broadcast_in_dim3A_442 = arith.constant 0.000000e+00 : f32
        %broadcast_in_dim3A_443 = vector.broadcast %broadcast_in_dim3A_442 : f32 to vector<16xf32>
        %get3A_444 = arith.constant 0 : i32
        %get3A_445 = arith.index_cast %get3A_444 : i32 to index
        %get3A_446 = arith.index_cast %scan3A_433 : i32 to index
        %get3A_447 = arith.constant 0 : index
        %get3A_448 = tpu.vector_load %arg7[%get3A_445, %get3A_446, %get3A_447] {strides = array<i32>} : memref<3x32x1024xf32, #tpu.memory_space<vmem>>, vector<16xf32>,
        %abs3A = math.absf %get3A_448 : vector<16xf32>
        %add3A_449 = arith.addf %broadcast_in_dim3A_437, %abs3A : vector<16xf32>
        %get3A_450 = arith.constant 0 : i32
        %get3A_451 = arith.index_cast %get3A_450 : i32 to index
        %get3A_452 = arith.index_cast %scan3A_433 : i32 to index
        %get3A_453 = arith.constant 16 : index
        %get3A_454 = tpu.vector_load %arg7[%get3A_451, %get3A_452, %get3A_453] {strides = array<i32>} : memref<3x32x1024xf32, #tpu.memory_space<vmem>>, vector<16xf32>,
        %abs3A_455 = math.absf %get3A_454 : vector<16xf32>
        %add3A_456 = arith.addf %broadcast_in_dim3A_439, %abs3A_455 : vector<16xf32>
        %get3A_457 = arith.constant 0 : i32
        %get3A_458 = arith.index_cast %get3A_457 : i32 to index
        %get3A_459 = arith.index_cast %scan3A_433 : i32 to index
        %get3A_460 = arith.constant 32 : index
        %get3A_461 = tpu.vector_load %arg7[%get3A_458, %get3A_459, %get3A_460] {strides = array<i32>} : memref<3x32x1024xf32, #tpu.memory_space<vmem>>, vector<16xf32>,
        %abs3A_462 = math.absf %get3A_461 : vector<16xf32>
        %add3A_463 = arith.addf %broadcast_in_dim3A_441, %abs3A_462 : vector<16xf32>
        %get3A_464 = arith.constant 0 : i32
        %get3A_465 = arith.index_cast %get3A_464 : i32 to index
        %get3A_466 = arith.index_cast %scan3A_433 : i32 to index
        %get3A_467 = arith.constant 48 : index
        %get3A_468 = tpu.vector_load %arg7[%get3A_465, %get3A_466, %get3A_467] {strides = array<i32>} : memref<3x32x1024xf32, #tpu.memory_space<vmem>>, vector<16xf32>,
        %abs3A_469 = math.absf %get3A_468 : vector<16xf32>
        %add3A_470 = arith.addf %broadcast_in_dim3A_443, %abs3A_469 : vector<16xf32>
        %get3A_471 = arith.constant 0 : i32
        %get3A_472 = arith.index_cast %get3A_471 : i32 to index
        %get3A_473 = arith.index_cast %scan3A_433 : i32 to index
        %get3A_474 = arith.constant 64 : index
        %get3A_475 = tpu.vector_load %arg7[%get3A_472, %get3A_473, %get3A_474] {strides = array<i32>} : memref<3x32x1024xf32, #tpu.memory_space<vmem>>, vector<16xf32>,
        %abs3A_476 = math.absf %get3A_475 : vector<16xf32>
        %add3A_477 = arith.addf %add3A_449, %abs3A_476 : vector<16xf32>
        %get3A_478 = arith.constant 0 : i32
        %get3A_479 = arith.index_cast %get3A_478 : i32 to index
        %get3A_480 = arith.index_cast %scan3A_433 : i32 to index
        %get3A_481 = arith.constant 80 : index
        %get3A_482 = tpu.vector_load %arg7[%get3A_479, %get3A_480, %get3A_481] {strides = array<i32>} : memref<3x32x1024xf32, #tpu.memory_space<vmem>>, vector<16xf32>,
        %abs3A_483 = math.absf %get3A_482 : vector<16xf32>
        %add3A_484 = arith.addf %add3A_456, %abs3A_483 : vector<16xf32>
        %get3A_485 = arith.constant 0 : i32
        %get3A_486 = arith.index_cast %get3A_485 : i32 to index
        %get3A_487 = arith.index_cast %scan3A_433 : i32 to index
        %get3A_488 = arith.constant 96 : index
        %get3A_489 = tpu.vector_load %arg7[%get3A_486, %get3A_487, %get3A_488] {strides = array<i32>} : memref<3x32x1024xf32, #tpu.memory_space<vmem>>, vector<16xf32>,
        %abs3A_490 = math.absf %get3A_489 : vector<16xf32>
        %add3A_491 = arith.addf %add3A_463, %abs3A_490 : vector<16xf32>
        %get3A_492 = arith.constant 0 : i32
        %get3A_493 = arith.index_cast %get3A_492 : i32 to index
        %get3A_494 = arith.index_cast %scan3A_433 : i32 to index
        %get3A_495 = arith.constant 112 : index
        %get3A_496 = tpu.vector_load %arg7[%get3A_493, %get3A_494, %get3A_495] {strides = array<i32>} : memref<3x32x1024xf32, #tpu.memory_space<vmem>>, vector<16xf32>,
        %abs3A_497 = math.absf %get3A_496 : vector<16xf32>
        %add3A_498 = arith.addf %add3A_470, %abs3A_497 : vector<16xf32>
        %get3A_499 = arith.constant 0 : i32
        %get3A_500 = arith.index_cast %get3A_499 : i32 to index
        %get3A_501 = arith.index_cast %scan3A_433 : i32 to index
        %get3A_502 = arith.constant 128 : index
        %get3A_503 = tpu.vector_load %arg7[%get3A_500, %get3A_501, %get3A_502] {strides = array<i32>} : memref<3x32x1024xf32, #tpu.memory_space<vmem>>, vector<16xf32>,
        %abs3A_504 = math.absf %get3A_503 : vector<16xf32>
        %add3A_505 = arith.addf %add3A_477, %abs3A_504 : vector<16xf32>
        %get3A_506 = arith.constant 0 : i32
        %get3A_507 = arith.index_cast %get3A_506 : i32 to index
        %get3A_508 = arith.index_cast %scan3A_433 : i32 to index
        %get3A_509 = arith.constant 144 : index
        %get3A_510 = tpu.vector_load %arg7[%get3A_507, %get3A_508, %get3A_509] {strides = array<i32>} : memref<3x32x1024xf32, #tpu.memory_space<vmem>>, vector<16xf32>,
        %abs3A_511 = math.absf %get3A_510 : vector<16xf32>
        %add3A_512 = arith.addf %add3A_484, %abs3A_511 : vector<16xf32>
        %get3A_513 = arith.constant 0 : i32
        %get3A_514 = arith.index_cast %get3A_513 : i32 to index
        %get3A_515 = arith.index_cast %scan3A_433 : i32 to index
        %get3A_516 = arith.constant 160 : index
        %get3A_517 = tpu.vector_load %arg7[%get3A_514, %get3A_515, %get3A_516] {strides = array<i32>} : memref<3x32x1024xf32, #tpu.memory_space<vmem>>, vector<16xf32>,
        %abs3A_518 = math.absf %get3A_517 : vector<16xf32>
        %add3A_519 = arith.addf %add3A_491, %abs3A_518 : vector<16xf32>
        %get3A_520 = arith.constant 0 : i32
        %get3A_521 = arith.index_cast %get3A_520 : i32 to index
        %get3A_522 = arith.index_cast %scan3A_433 : i32 to index
        %get3A_523 = arith.constant 176 : index
        %get3A_524 = tpu.vector_load %arg7[%get3A_521, %get3A_522, %get3A_523] {strides = array<i32>} : memref<3x32x1024xf32, #tpu.memory_space<vmem>>, vector<16xf32>,
        %abs3A_525 = math.absf %get3A_524 : vector<16xf32>
        %add3A_526 = arith.addf %add3A_498, %abs3A_525 : vector<16xf32>
        %get3A_527 = arith.constant 0 : i32
        %get3A_528 = arith.index_cast %get3A_527 : i32 to index
        %get3A_529 = arith.index_cast %scan3A_433 : i32 to index
        %get3A_530 = arith.constant 192 : index
        %get3A_531 = tpu.vector_load %arg7[%get3A_528, %get3A_529, %get3A_530] {strides = array<i32>} : memref<3x32x1024xf32, #tpu.memory_space<vmem>>, vector<16xf32>,
        %abs3A_532 = math.absf %get3A_531 : vector<16xf32>
        %add3A_533 = arith.addf %add3A_505, %abs3A_532 : vector<16xf32>
        %get3A_534 = arith.constant 0 : i32
        %get3A_535 = arith.index_cast %get3A_534 : i32 to index
        %get3A_536 = arith.index_cast %scan3A_433 : i32 to index
        %get3A_537 = arith.constant 208 : index
        %get3A_538 = tpu.vector_load %arg7[%get3A_535, %get3A_536, %get3A_537] {strides = array<i32>} : memref<3x32x1024xf32, #tpu.memory_space<vmem>>, vector<16xf32>,
        %abs3A_539 = math.absf %get3A_538 : vector<16xf32>
        %add3A_540 = arith.addf %add3A_512, %abs3A_539 : vector<16xf32>
        %get3A_541 = arith.constant 0 : i32
        %get3A_542 = arith.index_cast %get3A_541 : i32 to index
        %get3A_543 = arith.index_cast %scan3A_433 : i32 to index
        %get3A_544 = arith.constant 224 : index
        %get3A_545 = tpu.vector_load %arg7[%get3A_542, %get3A_543, %get3A_544] {strides = array<i32>} : memref<3x32x1024xf32, #tpu.memory_space<vmem>>, vector<16xf32>,
        %abs3A_546 = math.absf %get3A_545 : vector<16xf32>
        %add3A_547 = arith.addf %add3A_519, %abs3A_546 : vector<16xf32>
        %get3A_548 = arith.constant 0 : i32
        %get3A_549 = arith.index_cast %get3A_548 : i32 to index
        %get3A_550 = arith.index_cast %scan3A_433 : i32 to index
        %get3A_551 = arith.constant 240 : index
        %get3A_552 = tpu.vector_load %arg7[%get3A_549, %get3A_550, %get3A_551] {strides = array<i32>} : memref<3x32x1024xf32, #tpu.memory_space<vmem>>, vector<16xf32>,
        %abs3A_553 = math.absf %get3A_552 : vector<16xf32>
        %add3A_554 = arith.addf %add3A_526, %abs3A_553 : vector<16xf32>
        %get3A_555 = arith.constant 0 : i32
        %get3A_556 = arith.index_cast %get3A_555 : i32 to index
        %get3A_557 = arith.index_cast %scan3A_433 : i32 to index
        %get3A_558 = arith.constant 256 : index
        %get3A_559 = tpu.vector_load %arg7[%get3A_556, %get3A_557, %get3A_558] {strides = array<i32>} : memref<3x32x1024xf32, #tpu.memory_space<vmem>>, vector<16xf32>,
        %abs3A_560 = math.absf %get3A_559 : vector<16xf32>
        %add3A_561 = arith.addf %add3A_533, %abs3A_560 : vector<16xf32>
        %get3A_562 = arith.constant 0 : i32
        %get3A_563 = arith.index_cast %get3A_562 : i32 to index
        %get3A_564 = arith.index_cast %scan3A_433 : i32 to index
        %get3A_565 = arith.constant 272 : index
        %get3A_566 = tpu.vector_load %arg7[%get3A_563, %get3A_564, %get3A_565] {strides = array<i32>} : memref<3x32x1024xf32, #tpu.memory_space<vmem>>, vector<16xf32>,
        %abs3A_567 = math.absf %get3A_566 : vector<16xf32>
        %add3A_568 = arith.addf %add3A_540, %abs3A_567 : vector<16xf32>
        %get3A_569 = arith.constant 0 : i32
        %get3A_570 = arith.index_cast %get3A_569 : i32 to index
        %get3A_571 = arith.index_cast %scan3A_433 : i32 to index
        %get3A_572 = arith.constant 288 : index
        %get3A_573 = tpu.vector_load %arg7[%get3A_570, %get3A_571, %get3A_572] {strides = array<i32>} : memref<3x32x1024xf32, #tpu.memory_space<vmem>>, vector<16xf32>,
        %abs3A_574 = math.absf %get3A_573 : vector<16xf32>
        %add3A_575 = arith.addf %add3A_547, %abs3A_574 : vector<16xf32>
        %get3A_576 = arith.constant 0 : i32
        %get3A_577 = arith.index_cast %get3A_576 : i32 to index
        %get3A_578 = arith.index_cast %scan3A_433 : i32 to index
        %get3A_579 = arith.constant 304 : index
        %get3A_580 = tpu.vector_load %arg7[%get3A_577, %get3A_578, %get3A_579] {strides = array<i32>} : memref<3x32x1024xf32, #tpu.memory_space<vmem>>, vector<16xf32>,
        %abs3A_581 = math.absf %get3A_580 : vector<16xf32>
        %add3A_582 = arith.addf %add3A_554, %abs3A_581 : vector<16xf32>
        %get3A_583 = arith.constant 0 : i32
        %get3A_584 = arith.index_cast %get3A_583 : i32 to index
        %get3A_585 = arith.index_cast %scan3A_433 : i32 to index
        %get3A_586 = arith.constant 320 : index
        %get3A_587 = tpu.vector_load %arg7[%get3A_584, %get3A_585, %get3A_586] {strides = array<i32>} : memref<3x32x1024xf32, #tpu.memory_space<vmem>>, vector<16xf32>,
        %abs3A_588 = math.absf %get3A_587 : vector<16xf32>
        %add3A_589 = arith.addf %add3A_561, %abs3A_588 : vector<16xf32>
        %get3A_590 = arith.constant 0 : i32
        %get3A_591 = arith.index_cast %get3A_590 : i32 to index
        %get3A_592 = arith.index_cast %scan3A_433 : i32 to index
        %get3A_593 = arith.constant 336 : index
        %get3A_594 = tpu.vector_load %arg7[%get3A_591, %get3A_592, %get3A_593] {strides = array<i32>} : memref<3x32x1024xf32, #tpu.memory_space<vmem>>, vector<16xf32>,
        %abs3A_595 = math.absf %get3A_594 : vector<16xf32>
        %add3A_596 = arith.addf %add3A_568, %abs3A_595 : vector<16xf32>
        %get3A_597 = arith.constant 0 : i32
        %get3A_598 = arith.index_cast %get3A_597 : i32 to index
        %get3A_599 = arith.index_cast %scan3A_433 : i32 to index
        %get3A_600 = arith.constant 352 : index
        %get3A_601 = tpu.vector_load %arg7[%get3A_598, %get3A_599, %get3A_600] {strides = array<i32>} : memref<3x32x1024xf32, #tpu.memory_space<vmem>>, vector<16xf32>,
        %abs3A_602 = math.absf %get3A_601 : vector<16xf32>
        %add3A_603 = arith.addf %add3A_575, %abs3A_602 : vector<16xf32>
        %get3A_604 = arith.constant 0 : i32
        %get3A_605 = arith.index_cast %get3A_604 : i32 to index
        %get3A_606 = arith.index_cast %scan3A_433 : i32 to index
        %get3A_607 = arith.constant 368 : index
        %get3A_608 = tpu.vector_load %arg7[%get3A_605, %get3A_606, %get3A_607] {strides = array<i32>} : memref<3x32x1024xf32, #tpu.memory_space<vmem>>, vector<16xf32>,
        %abs3A_609 = math.absf %get3A_608 : vector<16xf32>
        %add3A_610 = arith.addf %add3A_582, %abs3A_609 : vector<16xf32>
        %get3A_611 = arith.constant 0 : i32
        %get3A_612 = arith.index_cast %get3A_611 : i32 to index
        %get3A_613 = arith.index_cast %scan3A_433 : i32 to index
        %get3A_614 = arith.constant 384 : index
        %get3A_615 = tpu.vector_load %arg7[%get3A_612, %get3A_613, %get3A_614] {strides = array<i32>} : memref<3x32x1024xf32, #tpu.memory_space<vmem>>, vector<16xf32>,
        %abs3A_616 = math.absf %get3A_615 : vector<16xf32>
        %add3A_617 = arith.addf %add3A_589, %abs3A_616 : vector<16xf32>
        %get3A_618 = arith.constant 0 : i32
        %get3A_619 = arith.index_cast %get3A_618 : i32 to index
        %get3A_620 = arith.index_cast %scan3A_433 : i32 to index
        %get3A_621 = arith.constant 400 : index
        %get3A_622 = tpu.vector_load %arg7[%get3A_619, %get3A_620, %get3A_621] {strides = array<i32>} : memref<3x32x1024xf32, #tpu.memory_space<vmem>>, vector<16xf32>,
        %abs3A_623 = math.absf %get3A_622 : vector<16xf32>
        %add3A_624 = arith.addf %add3A_596, %abs3A_623 : vector<16xf32>
        %get3A_625 = arith.constant 0 : i32
        %get3A_626 = arith.index_cast %get3A_625 : i32 to index
        %get3A_627 = arith.index_cast %scan3A_433 : i32 to index
        %get3A_628 = arith.constant 416 : index
        %get3A_629 = tpu.vector_load %arg7[%get3A_626, %get3A_627, %get3A_628] {strides = array<i32>} : memref<3x32x1024xf32, #tpu.memory_space<vmem>>, vector<16xf32>,
        %abs3A_630 = math.absf %get3A_629 : vector<16xf32>
        %add3A_631 = arith.addf %add3A_603, %abs3A_630 : vector<16xf32>
        %get3A_632 = arith.constant 0 : i32
        %get3A_633 = arith.index_cast %get3A_632 : i32 to index
        %get3A_634 = arith.index_cast %scan3A_433 : i32 to index
        %get3A_635 = arith.constant 432 : index
        %get3A_636 = tpu.vector_load %arg7[%get3A_633, %get3A_634, %get3A_635] {strides = array<i32>} : memref<3x32x1024xf32, #tpu.memory_space<vmem>>, vector<16xf32>,
        %abs3A_637 = math.absf %get3A_636 : vector<16xf32>
        %add3A_638 = arith.addf %add3A_610, %abs3A_637 : vector<16xf32>
        %get3A_639 = arith.constant 0 : i32
        %get3A_640 = arith.index_cast %get3A_639 : i32 to index
        %get3A_641 = arith.index_cast %scan3A_433 : i32 to index
        %get3A_642 = arith.constant 448 : index
        %get3A_643 = tpu.vector_load %arg7[%get3A_640, %get3A_641, %get3A_642] {strides = array<i32>} : memref<3x32x1024xf32, #tpu.memory_space<vmem>>, vector<16xf32>,
        %abs3A_644 = math.absf %get3A_643 : vector<16xf32>
        %add3A_645 = arith.addf %add3A_617, %abs3A_644 : vector<16xf32>
        %get3A_646 = arith.constant 0 : i32
        %get3A_647 = arith.index_cast %get3A_646 : i32 to index
        %get3A_648 = arith.index_cast %scan3A_433 : i32 to index
        %get3A_649 = arith.constant 464 : index
        %get3A_650 = tpu.vector_load %arg7[%get3A_647, %get3A_648, %get3A_649] {strides = array<i32>} : memref<3x32x1024xf32, #tpu.memory_space<vmem>>, vector<16xf32>,
        %abs3A_651 = math.absf %get3A_650 : vector<16xf32>
        %add3A_652 = arith.addf %add3A_624, %abs3A_651 : vector<16xf32>
        %get3A_653 = arith.constant 0 : i32
        %get3A_654 = arith.index_cast %get3A_653 : i32 to index
        %get3A_655 = arith.index_cast %scan3A_433 : i32 to index
        %get3A_656 = arith.constant 480 : index
        %get3A_657 = tpu.vector_load %arg7[%get3A_654, %get3A_655, %get3A_656] {strides = array<i32>} : memref<3x32x1024xf32, #tpu.memory_space<vmem>>, vector<16xf32>,
        %abs3A_658 = math.absf %get3A_657 : vector<16xf32>
        %add3A_659 = arith.addf %add3A_631, %abs3A_658 : vector<16xf32>
        %get3A_660 = arith.constant 0 : i32
        %get3A_661 = arith.index_cast %get3A_660 : i32 to index
        %get3A_662 = arith.index_cast %scan3A_433 : i32 to index
        %get3A_663 = arith.constant 496 : index
        %get3A_664 = tpu.vector_load %arg7[%get3A_661, %get3A_662, %get3A_663] {strides = array<i32>} : memref<3x32x1024xf32, #tpu.memory_space<vmem>>, vector<16xf32>,
        %abs3A_665 = math.absf %get3A_664 : vector<16xf32>
        %add3A_666 = arith.addf %add3A_638, %abs3A_665 : vector<16xf32>
        %get3A_667 = arith.constant 0 : i32
        %get3A_668 = arith.index_cast %get3A_667 : i32 to index
        %get3A_669 = arith.index_cast %scan3A_433 : i32 to index
        %get3A_670 = arith.constant 512 : index
        %get3A_671 = tpu.vector_load %arg7[%get3A_668, %get3A_669, %get3A_670] {strides = array<i32>} : memref<3x32x1024xf32, #tpu.memory_space<vmem>>, vector<16xf32>,
        %abs3A_672 = math.absf %get3A_671 : vector<16xf32>
        %add3A_673 = arith.addf %add3A_645, %abs3A_672 : vector<16xf32>
        %get3A_674 = arith.constant 0 : i32
        %get3A_675 = arith.index_cast %get3A_674 : i32 to index
        %get3A_676 = arith.index_cast %scan3A_433 : i32 to index
        %get3A_677 = arith.constant 528 : index
        %get3A_678 = tpu.vector_load %arg7[%get3A_675, %get3A_676, %get3A_677] {strides = array<i32>} : memref<3x32x1024xf32, #tpu.memory_space<vmem>>, vector<16xf32>,
        %abs3A_679 = math.absf %get3A_678 : vector<16xf32>
        %add3A_680 = arith.addf %add3A_652, %abs3A_679 : vector<16xf32>
        %get3A_681 = arith.constant 0 : i32
        %get3A_682 = arith.index_cast %get3A_681 : i32 to index
        %get3A_683 = arith.index_cast %scan3A_433 : i32 to index
        %get3A_684 = arith.constant 544 : index
        %get3A_685 = tpu.vector_load %arg7[%get3A_682, %get3A_683, %get3A_684] {strides = array<i32>} : memref<3x32x1024xf32, #tpu.memory_space<vmem>>, vector<16xf32>,
        %abs3A_686 = math.absf %get3A_685 : vector<16xf32>
        %add3A_687 = arith.addf %add3A_659, %abs3A_686 : vector<16xf32>
        %get3A_688 = arith.constant 0 : i32
        %get3A_689 = arith.index_cast %get3A_688 : i32 to index
        %get3A_690 = arith.index_cast %scan3A_433 : i32 to index
        %get3A_691 = arith.constant 560 : index
        %get3A_692 = tpu.vector_load %arg7[%get3A_689, %get3A_690, %get3A_691] {strides = array<i32>} : memref<3x32x1024xf32, #tpu.memory_space<vmem>>, vector<16xf32>,
        %abs3A_693 = math.absf %get3A_692 : vector<16xf32>
        %add3A_694 = arith.addf %add3A_666, %abs3A_693 : vector<16xf32>
        %get3A_695 = arith.constant 0 : i32
        %get3A_696 = arith.index_cast %get3A_695 : i32 to index
        %get3A_697 = arith.index_cast %scan3A_433 : i32 to index
        %get3A_698 = arith.constant 576 : index
        %get3A_699 = tpu.vector_load %arg7[%get3A_696, %get3A_697, %get3A_698] {strides = array<i32>} : memref<3x32x1024xf32, #tpu.memory_space<vmem>>, vector<16xf32>,
        %abs3A_700 = math.absf %get3A_699 : vector<16xf32>
        %add3A_701 = arith.addf %add3A_673, %abs3A_700 : vector<16xf32>
        %get3A_702 = arith.constant 0 : i32
        %get3A_703 = arith.index_cast %get3A_702 : i32 to index
        %get3A_704 = arith.index_cast %scan3A_433 : i32 to index
        %get3A_705 = arith.constant 592 : index
        %get3A_706 = tpu.vector_load %arg7[%get3A_703, %get3A_704, %get3A_705] {strides = array<i32>} : memref<3x32x1024xf32, #tpu.memory_space<vmem>>, vector<16xf32>,
        %abs3A_707 = math.absf %get3A_706 : vector<16xf32>
        %add3A_708 = arith.addf %add3A_680, %abs3A_707 : vector<16xf32>
        %get3A_709 = arith.constant 0 : i32
        %get3A_710 = arith.index_cast %get3A_709 : i32 to index
        %get3A_711 = arith.index_cast %scan3A_433 : i32 to index
        %get3A_712 = arith.constant 608 : index
        %get3A_713 = tpu.vector_load %arg7[%get3A_710, %get3A_711, %get3A_712] {strides = array<i32>} : memref<3x32x1024xf32, #tpu.memory_space<vmem>>, vector<16xf32>,
        %abs3A_714 = math.absf %get3A_713 : vector<16xf32>
        %add3A_715 = arith.addf %add3A_687, %abs3A_714 : vector<16xf32>
        %get3A_716 = arith.constant 0 : i32
        %get3A_717 = arith.index_cast %get3A_716 : i32 to index
        %get3A_718 = arith.index_cast %scan3A_433 : i32 to index
        %get3A_719 = arith.constant 624 : index
        %get3A_720 = tpu.vector_load %arg7[%get3A_717, %get3A_718, %get3A_719] {strides = array<i32>} : memref<3x32x1024xf32, #tpu.memory_space<vmem>>, vector<16xf32>,
        %abs3A_721 = math.absf %get3A_720 : vector<16xf32>
        %add3A_722 = arith.addf %add3A_694, %abs3A_721 : vector<16xf32>
        %get3A_723 = arith.constant 0 : i32
        %get3A_724 = arith.index_cast %get3A_723 : i32 to index
        %get3A_725 = arith.index_cast %scan3A_433 : i32 to index
        %get3A_726 = arith.constant 640 : index
        %get3A_727 = tpu.vector_load %arg7[%get3A_724, %get3A_725, %get3A_726] {strides = array<i32>} : memref<3x32x1024xf32, #tpu.memory_space<vmem>>, vector<16xf32>,
        %abs3A_728 = math.absf %get3A_727 : vector<16xf32>
        %add3A_729 = arith.addf %add3A_701, %abs3A_728 : vector<16xf32>
        %get3A_730 = arith.constant 0 : i32
        %get3A_731 = arith.index_cast %get3A_730 : i32 to index
        %get3A_732 = arith.index_cast %scan3A_433 : i32 to index
        %get3A_733 = arith.constant 656 : index
        %get3A_734 = tpu.vector_load %arg7[%get3A_731, %get3A_732, %get3A_733] {strides = array<i32>} : memref<3x32x1024xf32, #tpu.memory_space<vmem>>, vector<16xf32>,
        %abs3A_735 = math.absf %get3A_734 : vector<16xf32>
        %add3A_736 = arith.addf %add3A_708, %abs3A_735 : vector<16xf32>
        %get3A_737 = arith.constant 0 : i32
        %get3A_738 = arith.index_cast %get3A_737 : i32 to index
        %get3A_739 = arith.index_cast %scan3A_433 : i32 to index
        %get3A_740 = arith.constant 672 : index
        %get3A_741 = tpu.vector_load %arg7[%get3A_738, %get3A_739, %get3A_740] {strides = array<i32>} : memref<3x32x1024xf32, #tpu.memory_space<vmem>>, vector<16xf32>,
        %abs3A_742 = math.absf %get3A_741 : vector<16xf32>
        %add3A_743 = arith.addf %add3A_715, %abs3A_742 : vector<16xf32>
        %get3A_744 = arith.constant 0 : i32
        %get3A_745 = arith.index_cast %get3A_744 : i32 to index
        %get3A_746 = arith.index_cast %scan3A_433 : i32 to index
        %get3A_747 = arith.constant 688 : index
        %get3A_748 = tpu.vector_load %arg7[%get3A_745, %get3A_746, %get3A_747] {strides = array<i32>} : memref<3x32x1024xf32, #tpu.memory_space<vmem>>, vector<16xf32>,
        %abs3A_749 = math.absf %get3A_748 : vector<16xf32>
        %add3A_750 = arith.addf %add3A_722, %abs3A_749 : vector<16xf32>
        %get3A_751 = arith.constant 0 : i32
        %get3A_752 = arith.index_cast %get3A_751 : i32 to index
        %get3A_753 = arith.index_cast %scan3A_433 : i32 to index
        %get3A_754 = arith.constant 704 : index
        %get3A_755 = tpu.vector_load %arg7[%get3A_752, %get3A_753, %get3A_754] {strides = array<i32>} : memref<3x32x1024xf32, #tpu.memory_space<vmem>>, vector<16xf32>,
        %abs3A_756 = math.absf %get3A_755 : vector<16xf32>
        %add3A_757 = arith.addf %add3A_729, %abs3A_756 : vector<16xf32>
        %get3A_758 = arith.constant 0 : i32
        %get3A_759 = arith.index_cast %get3A_758 : i32 to index
        %get3A_760 = arith.index_cast %scan3A_433 : i32 to index
        %get3A_761 = arith.constant 720 : index
        %get3A_762 = tpu.vector_load %arg7[%get3A_759, %get3A_760, %get3A_761] {strides = array<i32>} : memref<3x32x1024xf32, #tpu.memory_space<vmem>>, vector<16xf32>,
        %abs3A_763 = math.absf %get3A_762 : vector<16xf32>
        %add3A_764 = arith.addf %add3A_736, %abs3A_763 : vector<16xf32>
        %get3A_765 = arith.constant 0 : i32
        %get3A_766 = arith.index_cast %get3A_765 : i32 to index
        %get3A_767 = arith.index_cast %scan3A_433 : i32 to index
        %get3A_768 = arith.constant 736 : index
        %get3A_769 = tpu.vector_load %arg7[%get3A_766, %get3A_767, %get3A_768] {strides = array<i32>} : memref<3x32x1024xf32, #tpu.memory_space<vmem>>, vector<16xf32>,
        %abs3A_770 = math.absf %get3A_769 : vector<16xf32>
        %add3A_771 = arith.addf %add3A_743, %abs3A_770 : vector<16xf32>
        %get3A_772 = arith.constant 0 : i32
        %get3A_773 = arith.index_cast %get3A_772 : i32 to index
        %get3A_774 = arith.index_cast %scan3A_433 : i32 to index
        %get3A_775 = arith.constant 752 : index
        %get3A_776 = tpu.vector_load %arg7[%get3A_773, %get3A_774, %get3A_775] {strides = array<i32>} : memref<3x32x1024xf32, #tpu.memory_space<vmem>>, vector<16xf32>,
        %abs3A_777 = math.absf %get3A_776 : vector<16xf32>
        %add3A_778 = arith.addf %add3A_750, %abs3A_777 : vector<16xf32>
        %get3A_779 = arith.constant 0 : i32
        %get3A_780 = arith.index_cast %get3A_779 : i32 to index
        %get3A_781 = arith.index_cast %scan3A_433 : i32 to index
        %get3A_782 = arith.constant 768 : index
        %get3A_783 = tpu.vector_load %arg7[%get3A_780, %get3A_781, %get3A_782] {strides = array<i32>} : memref<3x32x1024xf32, #tpu.memory_space<vmem>>, vector<16xf32>,
        %abs3A_784 = math.absf %get3A_783 : vector<16xf32>
        %add3A_785 = arith.addf %add3A_757, %abs3A_784 : vector<16xf32>
        %get3A_786 = arith.constant 0 : i32
        %get3A_787 = arith.index_cast %get3A_786 : i32 to index
        %get3A_788 = arith.index_cast %scan3A_433 : i32 to index
        %get3A_789 = arith.constant 784 : index
        %get3A_790 = tpu.vector_load %arg7[%get3A_787, %get3A_788, %get3A_789] {strides = array<i32>} : memref<3x32x1024xf32, #tpu.memory_space<vmem>>, vector<16xf32>,
        %abs3A_791 = math.absf %get3A_790 : vector<16xf32>
        %add3A_792 = arith.addf %add3A_764, %abs3A_791 : vector<16xf32>
        %get3A_793 = arith.constant 0 : i32
        %get3A_794 = arith.index_cast %get3A_793 : i32 to index
        %get3A_795 = arith.index_cast %scan3A_433 : i32 to index
        %get3A_796 = arith.constant 800 : index
        %get3A_797 = tpu.vector_load %arg7[%get3A_794, %get3A_795, %get3A_796] {strides = array<i32>} : memref<3x32x1024xf32, #tpu.memory_space<vmem>>, vector<16xf32>,
        %abs3A_798 = math.absf %get3A_797 : vector<16xf32>
        %add3A_799 = arith.addf %add3A_771, %abs3A_798 : vector<16xf32>
        %get3A_800 = arith.constant 0 : i32
        %get3A_801 = arith.index_cast %get3A_800 : i32 to index
        %get3A_802 = arith.index_cast %scan3A_433 : i32 to index
        %get3A_803 = arith.constant 816 : index
        %get3A_804 = tpu.vector_load %arg7[%get3A_801, %get3A_802, %get3A_803] {strides = array<i32>} : memref<3x32x1024xf32, #tpu.memory_space<vmem>>, vector<16xf32>,
        %abs3A_805 = math.absf %get3A_804 : vector<16xf32>
        %add3A_806 = arith.addf %add3A_778, %abs3A_805 : vector<16xf32>
        %get3A_807 = arith.constant 0 : i32
        %get3A_808 = arith.index_cast %get3A_807 : i32 to index
        %get3A_809 = arith.index_cast %scan3A_433 : i32 to index
        %get3A_810 = arith.constant 832 : index
        %get3A_811 = tpu.vector_load %arg7[%get3A_808, %get3A_809, %get3A_810] {strides = array<i32>} : memref<3x32x1024xf32, #tpu.memory_space<vmem>>, vector<16xf32>,
        %abs3A_812 = math.absf %get3A_811 : vector<16xf32>
        %add3A_813 = arith.addf %add3A_785, %abs3A_812 : vector<16xf32>
        %get3A_814 = arith.constant 0 : i32
        %get3A_815 = arith.index_cast %get3A_814 : i32 to index
        %get3A_816 = arith.index_cast %scan3A_433 : i32 to index
        %get3A_817 = arith.constant 848 : index
        %get3A_818 = tpu.vector_load %arg7[%get3A_815, %get3A_816, %get3A_817] {strides = array<i32>} : memref<3x32x1024xf32, #tpu.memory_space<vmem>>, vector<16xf32>,
        %abs3A_819 = math.absf %get3A_818 : vector<16xf32>
        %add3A_820 = arith.addf %add3A_792, %abs3A_819 : vector<16xf32>
        %get3A_821 = arith.constant 0 : i32
        %get3A_822 = arith.index_cast %get3A_821 : i32 to index
        %get3A_823 = arith.index_cast %scan3A_433 : i32 to index
        %get3A_824 = arith.constant 864 : index
        %get3A_825 = tpu.vector_load %arg7[%get3A_822, %get3A_823, %get3A_824] {strides = array<i32>} : memref<3x32x1024xf32, #tpu.memory_space<vmem>>, vector<16xf32>,
        %abs3A_826 = math.absf %get3A_825 : vector<16xf32>
        %add3A_827 = arith.addf %add3A_799, %abs3A_826 : vector<16xf32>
        %get3A_828 = arith.constant 0 : i32
        %get3A_829 = arith.index_cast %get3A_828 : i32 to index
        %get3A_830 = arith.index_cast %scan3A_433 : i32 to index
        %get3A_831 = arith.constant 880 : index
        %get3A_832 = tpu.vector_load %arg7[%get3A_829, %get3A_830, %get3A_831] {strides = array<i32>} : memref<3x32x1024xf32, #tpu.memory_space<vmem>>, vector<16xf32>,
        %abs3A_833 = math.absf %get3A_832 : vector<16xf32>
        %add3A_834 = arith.addf %add3A_806, %abs3A_833 : vector<16xf32>
        %get3A_835 = arith.constant 0 : i32
        %get3A_836 = arith.index_cast %get3A_835 : i32 to index
        %get3A_837 = arith.index_cast %scan3A_433 : i32 to index
        %get3A_838 = arith.constant 896 : index
        %get3A_839 = tpu.vector_load %arg7[%get3A_836, %get3A_837, %get3A_838] {strides = array<i32>} : memref<3x32x1024xf32, #tpu.memory_space<vmem>>, vector<16xf32>,
        %abs3A_840 = math.absf %get3A_839 : vector<16xf32>
        %add3A_841 = arith.addf %add3A_813, %abs3A_840 : vector<16xf32>
        %get3A_842 = arith.constant 0 : i32
        %get3A_843 = arith.index_cast %get3A_842 : i32 to index
        %get3A_844 = arith.index_cast %scan3A_433 : i32 to index
        %get3A_845 = arith.constant 912 : index
        %get3A_846 = tpu.vector_load %arg7[%get3A_843, %get3A_844, %get3A_845] {strides = array<i32>} : memref<3x32x1024xf32, #tpu.memory_space<vmem>>, vector<16xf32>,
        %abs3A_847 = math.absf %get3A_846 : vector<16xf32>
        %add3A_848 = arith.addf %add3A_820, %abs3A_847 : vector<16xf32>
        %get3A_849 = arith.constant 0 : i32
        %get3A_850 = arith.index_cast %get3A_849 : i32 to index
        %get3A_851 = arith.index_cast %scan3A_433 : i32 to index
        %get3A_852 = arith.constant 928 : index
        %get3A_853 = tpu.vector_load %arg7[%get3A_850, %get3A_851, %get3A_852] {strides = array<i32>} : memref<3x32x1024xf32, #tpu.memory_space<vmem>>, vector<16xf32>,
        %abs3A_854 = math.absf %get3A_853 : vector<16xf32>
        %add3A_855 = arith.addf %add3A_827, %abs3A_854 : vector<16xf32>
        %get3A_856 = arith.constant 0 : i32
        %get3A_857 = arith.index_cast %get3A_856 : i32 to index
        %get3A_858 = arith.index_cast %scan3A_433 : i32 to index
        %get3A_859 = arith.constant 944 : index
        %get3A_860 = tpu.vector_load %arg7[%get3A_857, %get3A_858, %get3A_859] {strides = array<i32>} : memref<3x32x1024xf32, #tpu.memory_space<vmem>>, vector<16xf32>,
        %abs3A_861 = math.absf %get3A_860 : vector<16xf32>
        %add3A_862 = arith.addf %add3A_834, %abs3A_861 : vector<16xf32>
        %get3A_863 = arith.constant 0 : i32
        %get3A_864 = arith.index_cast %get3A_863 : i32 to index
        %get3A_865 = arith.index_cast %scan3A_433 : i32 to index
        %get3A_866 = arith.constant 960 : index
        %get3A_867 = tpu.vector_load %arg7[%get3A_864, %get3A_865, %get3A_866] {strides = array<i32>} : memref<3x32x1024xf32, #tpu.memory_space<vmem>>, vector<16xf32>,
        %abs3A_868 = math.absf %get3A_867 : vector<16xf32>
        %add3A_869 = arith.addf %add3A_841, %abs3A_868 : vector<16xf32>
        %get3A_870 = arith.constant 0 : i32
        %get3A_871 = arith.index_cast %get3A_870 : i32 to index
        %get3A_872 = arith.index_cast %scan3A_433 : i32 to index
        %get3A_873 = arith.constant 976 : index
        %get3A_874 = tpu.vector_load %arg7[%get3A_871, %get3A_872, %get3A_873] {strides = array<i32>} : memref<3x32x1024xf32, #tpu.memory_space<vmem>>, vector<16xf32>,
        %abs3A_875 = math.absf %get3A_874 : vector<16xf32>
        %add3A_876 = arith.addf %add3A_848, %abs3A_875 : vector<16xf32>
        %get3A_877 = arith.constant 0 : i32
        %get3A_878 = arith.index_cast %get3A_877 : i32 to index
        %get3A_879 = arith.index_cast %scan3A_433 : i32 to index
        %get3A_880 = arith.constant 992 : index
        %get3A_881 = tpu.vector_load %arg7[%get3A_878, %get3A_879, %get3A_880] {strides = array<i32>} : memref<3x32x1024xf32, #tpu.memory_space<vmem>>, vector<16xf32>,
        %abs3A_882 = math.absf %get3A_881 : vector<16xf32>
        %add3A_883 = arith.addf %add3A_855, %abs3A_882 : vector<16xf32>
        %get3A_884 = arith.constant 0 : i32
        %get3A_885 = arith.index_cast %get3A_884 : i32 to index
        %get3A_886 = arith.index_cast %scan3A_433 : i32 to index
        %get3A_887 = arith.constant 1008 : index
        %get3A_888 = tpu.vector_load %arg7[%get3A_885, %get3A_886, %get3A_887] {strides = array<i32>} : memref<3x32x1024xf32, #tpu.memory_space<vmem>>, vector<16xf32>,
        %abs3A_889 = math.absf %get3A_888 : vector<16xf32>
        %add3A_890 = arith.addf %add3A_862, %abs3A_889 : vector<16xf32>
        %jit3A_891 = arith.constant 16 : i32
        %div3A = arith.divsi %add3A_435, %jit3A_891 : i32
        %sign3A = arith.constant 0 : i32
        %sign3A_892 = arith.cmpi sgt, %add3A_435, %sign3A : i32
        %sign3A_893 = arith.extui %sign3A_892 : i1 to i32
        %sign3A_894 = arith.constant 0 : i32
        %sign3A_895 = arith.cmpi slt, %add3A_435, %sign3A_894 : i32
        %sign3A_896 = arith.extui %sign3A_895 : i1 to i32
        %sign3A_897 = arith.subi %sign3A_893, %sign3A_896 : i32
        %sign3A_898 = arith.constant 0 : i32
        %sign3A_899 = arith.cmpi sgt, %jit3A_891, %sign3A_898 : i32
        %sign3A_900 = arith.extui %sign3A_899 : i1 to i32
        %sign3A_901 = arith.constant 0 : i32
        %sign3A_902 = arith.cmpi slt, %jit3A_891, %sign3A_901 : i32
        %sign3A_903 = arith.extui %sign3A_902 : i1 to i32
        %sign3A_904 = arith.subi %sign3A_900, %sign3A_903 : i32
        %ne3A = arith.cmpi ne, %sign3A_897, %sign3A_904 : i32
        %rem3A = arith.remsi %add3A_435, %jit3A_891 : i32
        %ne3A_905 = arith.constant 0 : i32
        %ne3A_906 = arith.cmpi ne, %rem3A, %ne3A_905 : i32
        %and3A = arith.andi %ne3A, %ne3A_906 : i1
        %sub3A_907 = arith.constant 1 : i32
        %sub3A_908 = arith.subi %div3A, %sub3A_907 : i32
        %select_n3A_909 = arith.select %and3A, %sub3A_908, %div3A : i32
        %mul3A_910 = arith.constant 16 : i32
        %mul3A_911 = arith.muli %select_n3A_909, %mul3A_910 : i32
        %multiple_of3A_912 = tpu.assume_multiple %mul3A_911, 16 : i32
        %sub3A_913 = arith.subi %add3A_435, %multiple_of3A_912 : i32
        %get3A_914 = arith.constant 0 : i32
        %get3A_915 = arith.index_cast %get3A_914 : i32 to index
        %get3A_916 = arith.index_cast %scan3A_433 : i32 to index
        %get3A_917 = arith.index_cast %multiple_of3A_912 : i32 to index
        %get3A_918 = tpu.vector_load %arg7[%get3A_915, %get3A_916, %get3A_917] {strides = array<i32>} : memref<3x32x1024xf32, #tpu.memory_space<vmem>>, vector<16xf32>,
        %add3A_919 = arith.addf %add3A_869, %add3A_876 : vector<16xf32>
        %add3A_920 = arith.addf %add3A_883, %add3A_890 : vector<16xf32>
        %add3A_921 = arith.addf %add3A_919, %add3A_920 : vector<16xf32>
        %eq3A_922 = vector.broadcast %sub3A_913 : i32 to vector<16xi32>
        %eq3A_923 = arith.cmpi eq, %iota3A, %eq3A_922 : vector<16xi32>
        %abs3A_924 = math.absf %get3A_918 : vector<16xf32>
        %jit3A_925 = arith.constant 0.000000e+00 : f32
        %broadcast_in_dim3A_926 = vector.broadcast %jit3A_925 : f32 to vector<16xf32>
        %select_n3A_927 = arith.select %eq3A_923, %abs3A_924, %broadcast_in_dim3A_926 : vector<16xi1>, vector<16xf32>
        %sub3A_928 = arith.subf %add3A_921, %select_n3A_927 : vector<16xf32>
        %reduce_sum3A_929 = arith.constant true
        %reduce_sum3A_930 = vector.broadcast %reduce_sum3A_929 : i1 to vector<16xi1>
        %reduce_sum3A_931 = tpu.scan <sum>, %sub3A_928 masked %reduce_sum3A_930 : vector<16xf32>, vector<16xi1> -> vector<16xf32>
        %reduce_sum3A_932 = vector.extract %reduce_sum3A_931[15] : f32 from vector<16xf32>
        %max3A = arith.constant 9.99999997E-7 : f32
        %max3A_933 = arith.maximumf %reduce_sum3A_932, %max3A : f32
        %jit3A_934 = arith.constant 16 : i32
        %div3A_935 = arith.divsi %scan3A_433, %jit3A_934 : i32
        %sign3A_936 = arith.constant 0 : i32
        %sign3A_937 = arith.cmpi sgt, %scan3A_433, %sign3A_936 : i32
        %sign3A_938 = arith.extui %sign3A_937 : i1 to i32
        %sign3A_939 = arith.constant 0 : i32
        %sign3A_940 = arith.cmpi slt, %scan3A_433, %sign3A_939 : i32
        %sign3A_941 = arith.extui %sign3A_940 : i1 to i32
        %sign3A_942 = arith.subi %sign3A_938, %sign3A_941 : i32
        %sign3A_943 = arith.constant 0 : i32
        %sign3A_944 = arith.cmpi sgt, %jit3A_934, %sign3A_943 : i32
        %sign3A_945 = arith.extui %sign3A_944 : i1 to i32
        %sign3A_946 = arith.constant 0 : i32
        %sign3A_947 = arith.cmpi slt, %jit3A_934, %sign3A_946 : i32
        %sign3A_948 = arith.extui %sign3A_947 : i1 to i32
        %sign3A_949 = arith.subi %sign3A_945, %sign3A_948 : i32
        %ne3A_950 = arith.cmpi ne, %sign3A_942, %sign3A_949 : i32
        %rem3A_951 = arith.remsi %scan3A_433, %jit3A_934 : i32
        %ne3A_952 = arith.constant 0 : i32
        %ne3A_953 = arith.cmpi ne, %rem3A_951, %ne3A_952 : i32
        %and3A_954 = arith.andi %ne3A_950, %ne3A_953 : i1
        %sub3A_955 = arith.constant 1 : i32
        %sub3A_956 = arith.subi %div3A_935, %sub3A_955 : i32
        %select_n3A_957 = arith.select %and3A_954, %sub3A_956, %div3A_935 : i32
        %mul3A_958 = arith.constant 16 : i32
        %mul3A_959 = arith.muli %select_n3A_957, %mul3A_958 : i32
        %multiple_of3A_960 = tpu.assume_multiple %mul3A_959, 16 : i32
        %get3A_961 = arith.index_cast %multiple_of3A_960 : i32 to index
        %get3A_962 = tpu.vector_load %arg8[%get3A_961] {strides = array<i32>} : memref<32xf32, #tpu.memory_space<vmem>>, vector<16xf32>,
        %sub3A_963 = arith.subi %scan3A_433, %multiple_of3A_960 : i32
        %eq3A_964 = vector.broadcast %sub3A_963 : i32 to vector<16xi32>
        %eq3A_965 = arith.cmpi eq, %iota3A, %eq3A_964 : vector<16xi32>
        %jit3A_966 = arith.constant 0.000000e+00 : f32
        %broadcast_in_dim3A_967 = vector.broadcast %jit3A_966 : f32 to vector<16xf32>
        %select_n3A_968 = arith.select %eq3A_965, %get3A_962, %broadcast_in_dim3A_967 : vector<16xi1>, vector<16xf32>
        %reduce_sum3A_969 = arith.constant true
        %reduce_sum3A_970 = vector.broadcast %reduce_sum3A_969 : i1 to vector<16xi1>
        %reduce_sum3A_971 = tpu.scan <sum>, %select_n3A_968 masked %reduce_sum3A_970 : vector<16xf32>, vector<16xi1> -> vector<16xf32>
        %reduce_sum3A_972 = vector.extract %reduce_sum3A_971[15] : f32 from vector<16xf32>
        %broadcast_in_dim3A_973 = vector.broadcast %reduce_sum3A_972 : f32 to vector<16xf32>
        %broadcast_in_dim3A_974 = vector.broadcast %max3A_933 : f32 to vector<16xf32>
        %div3A_975 = arith.divf %broadcast_in_dim3A_973, %broadcast_in_dim3A_974 : vector<16xf32>
        %get3A_976 = arith.constant 0 : i32
        %get3A_977 = arith.index_cast %get3A_976 : i32 to index
        %get3A_978 = arith.index_cast %scan3A_433 : i32 to index
        %get3A_979 = arith.constant 0 : index
        %get3A_980 = tpu.vector_load %arg7[%get3A_977, %get3A_978, %get3A_979] {strides = array<i32>} : memref<3x32x1024xf32, #tpu.memory_space<vmem>>, vector<16xf32>,
        %mul3A_981 = arith.mulf %get3A_980, %div3A_975 : vector<16xf32>
        %swap3A = arith.constant 0 : i32
        %swap3A_982 = arith.index_cast %swap3A : i32 to index
        %swap3A_983 = arith.index_cast %scan3A_433 : i32 to index
        %swap3A_984 = arith.constant 0 : index
        %swap3A_985 = tpu.vector_load %arg7[%swap3A_982, %swap3A_983, %swap3A_984] {strides = array<i32>} : memref<3x32x1024xf32, #tpu.memory_space<vmem>>, vector<16xf32>,
        tpu.vector_store %arg7[%swap3A_982, %swap3A_983, %swap3A_984], %mul3A_981 {strides = array<i32>} : memref<3x32x1024xf32, #tpu.memory_space<vmem>>, vector<16xf32>,
        %get3A_986 = arith.constant 0 : i32
        %get3A_987 = arith.index_cast %get3A_986 : i32 to index
        %get3A_988 = arith.index_cast %scan3A_433 : i32 to index
        %get3A_989 = arith.constant 16 : index
        %get3A_990 = tpu.vector_load %arg7[%get3A_987, %get3A_988, %get3A_989] {strides = array<i32>} : memref<3x32x1024xf32, #tpu.memory_space<vmem>>, vector<16xf32>,
        %mul3A_991 = arith.mulf %get3A_990, %div3A_975 : vector<16xf32>
        %swap3A_992 = arith.constant 0 : i32
        %swap3A_993 = arith.index_cast %swap3A_992 : i32 to index
        %swap3A_994 = arith.index_cast %scan3A_433 : i32 to index
        %swap3A_995 = arith.constant 16 : index
        %swap3A_996 = tpu.vector_load %arg7[%swap3A_993, %swap3A_994, %swap3A_995] {strides = array<i32>} : memref<3x32x1024xf32, #tpu.memory_space<vmem>>, vector<16xf32>,
        tpu.vector_store %arg7[%swap3A_993, %swap3A_994, %swap3A_995], %mul3A_991 {strides = array<i32>} : memref<3x32x1024xf32, #tpu.memory_space<vmem>>, vector<16xf32>,
        %get3A_997 = arith.constant 0 : i32
        %get3A_998 = arith.index_cast %get3A_997 : i32 to index
        %get3A_999 = arith.index_cast %scan3A_433 : i32 to index
        %get3A_1000 = arith.constant 32 : index
        %get3A_1001 = tpu.vector_load %arg7[%get3A_998, %get3A_999, %get3A_1000] {strides = array<i32>} : memref<3x32x1024xf32, #tpu.memory_space<vmem>>, vector<16xf32>,
        %mul3A_1002 = arith.mulf %get3A_1001, %div3A_975 : vector<16xf32>
        %swap3A_1003 = arith.constant 0 : i32
        %swap3A_1004 = arith.index_cast %swap3A_1003 : i32 to index
        %swap3A_1005 = arith.index_cast %scan3A_433 : i32 to index
        %swap3A_1006 = arith.constant 32 : index
        %swap3A_1007 = tpu.vector_load %arg7[%swap3A_1004, %swap3A_1005, %swap3A_1006] {strides = array<i32>} : memref<3x32x1024xf32, #tpu.memory_space<vmem>>, vector<16xf32>,
        tpu.vector_store %arg7[%swap3A_1004, %swap3A_1005, %swap3A_1006], %mul3A_1002 {strides = array<i32>} : memref<3x32x1024xf32, #tpu.memory_space<vmem>>, vector<16xf32>,
        %get3A_1008 = arith.constant 0 : i32
        %get3A_1009 = arith.index_cast %get3A_1008 : i32 to index
        %get3A_1010 = arith.index_cast %scan3A_433 : i32 to index
        %get3A_1011 = arith.constant 48 : index
        %get3A_1012 = tpu.vector_load %arg7[%get3A_1009, %get3A_1010, %get3A_1011] {strides = array<i32>} : memref<3x32x1024xf32, #tpu.memory_space<vmem>>, vector<16xf32>,
        %mul3A_1013 = arith.mulf %get3A_1012, %div3A_975 : vector<16xf32>
        %swap3A_1014 = arith.constant 0 : i32
        %swap3A_1015 = arith.index_cast %swap3A_1014 : i32 to index
        %swap3A_1016 = arith.index_cast %scan3A_433 : i32 to index
        %swap3A_1017 = arith.constant 48 : index
        %swap3A_1018 = tpu.vector_load %arg7[%swap3A_1015, %swap3A_1016, %swap3A_1017] {strides = array<i32>} : memref<3x32x1024xf32, #tpu.memory_space<vmem>>, vector<16xf32>,
        tpu.vector_store %arg7[%swap3A_1015, %swap3A_1016, %swap3A_1017], %mul3A_1013 {strides = array<i32>} : memref<3x32x1024xf32, #tpu.memory_space<vmem>>, vector<16xf32>,
        %get3A_1019 = arith.constant 0 : i32
        %get3A_1020 = arith.index_cast %get3A_1019 : i32 to index
        %get3A_1021 = arith.index_cast %scan3A_433 : i32 to index
        %get3A_1022 = arith.constant 64 : index
        %get3A_1023 = tpu.vector_load %arg7[%get3A_1020, %get3A_1021, %get3A_1022] {strides = array<i32>} : memref<3x32x1024xf32, #tpu.memory_space<vmem>>, vector<16xf32>,
        %mul3A_1024 = arith.mulf %get3A_1023, %div3A_975 : vector<16xf32>
        %swap3A_1025 = arith.constant 0 : i32
        %swap3A_1026 = arith.index_cast %swap3A_1025 : i32 to index
        %swap3A_1027 = arith.index_cast %scan3A_433 : i32 to index
        %swap3A_1028 = arith.constant 64 : index
        %swap3A_1029 = tpu.vector_load %arg7[%swap3A_1026, %swap3A_1027, %swap3A_1028] {strides = array<i32>} : memref<3x32x1024xf32, #tpu.memory_space<vmem>>, vector<16xf32>,
        tpu.vector_store %arg7[%swap3A_1026, %swap3A_1027, %swap3A_1028], %mul3A_1024 {strides = array<i32>} : memref<3x32x1024xf32, #tpu.memory_space<vmem>>, vector<16xf32>,
        %get3A_1030 = arith.constant 0 : i32
        %get3A_1031 = arith.index_cast %get3A_1030 : i32 to index
        %get3A_1032 = arith.index_cast %scan3A_433 : i32 to index
        %get3A_1033 = arith.constant 80 : index
        %get3A_1034 = tpu.vector_load %arg7[%get3A_1031, %get3A_1032, %get3A_1033] {strides = array<i32>} : memref<3x32x1024xf32, #tpu.memory_space<vmem>>, vector<16xf32>,
        %mul3A_1035 = arith.mulf %get3A_1034, %div3A_975 : vector<16xf32>
        %swap3A_1036 = arith.constant 0 : i32
        %swap3A_1037 = arith.index_cast %swap3A_1036 : i32 to index
        %swap3A_1038 = arith.index_cast %scan3A_433 : i32 to index
        %swap3A_1039 = arith.constant 80 : index
        %swap3A_1040 = tpu.vector_load %arg7[%swap3A_1037, %swap3A_1038, %swap3A_1039] {strides = array<i32>} : memref<3x32x1024xf32, #tpu.memory_space<vmem>>, vector<16xf32>,
        tpu.vector_store %arg7[%swap3A_1037, %swap3A_1038, %swap3A_1039], %mul3A_1035 {strides = array<i32>} : memref<3x32x1024xf32, #tpu.memory_space<vmem>>, vector<16xf32>,
        %get3A_1041 = arith.constant 0 : i32
        %get3A_1042 = arith.index_cast %get3A_1041 : i32 to index
        %get3A_1043 = arith.index_cast %scan3A_433 : i32 to index
        %get3A_1044 = arith.constant 96 : index
        %get3A_1045 = tpu.vector_load %arg7[%get3A_1042, %get3A_1043, %get3A_1044] {strides = array<i32>} : memref<3x32x1024xf32, #tpu.memory_space<vmem>>, vector<16xf32>,
        %mul3A_1046 = arith.mulf %get3A_1045, %div3A_975 : vector<16xf32>
        %swap3A_1047 = arith.constant 0 : i32
        %swap3A_1048 = arith.index_cast %swap3A_1047 : i32 to index
        %swap3A_1049 = arith.index_cast %scan3A_433 : i32 to index
        %swap3A_1050 = arith.constant 96 : index
        %swap3A_1051 = tpu.vector_load %arg7[%swap3A_1048, %swap3A_1049, %swap3A_1050] {strides = array<i32>} : memref<3x32x1024xf32, #tpu.memory_space<vmem>>, vector<16xf32>,
        tpu.vector_store %arg7[%swap3A_1048, %swap3A_1049, %swap3A_1050], %mul3A_1046 {strides = array<i32>} : memref<3x32x1024xf32, #tpu.memory_space<vmem>>, vector<16xf32>,
        %get3A_1052 = arith.constant 0 : i32
        %get3A_1053 = arith.index_cast %get3A_1052 : i32 to index
        %get3A_1054 = arith.index_cast %scan3A_433 : i32 to index
        %get3A_1055 = arith.constant 112 : index
        %get3A_1056 = tpu.vector_load %arg7[%get3A_1053, %get3A_1054, %get3A_1055] {strides = array<i32>} : memref<3x32x1024xf32, #tpu.memory_space<vmem>>, vector<16xf32>,
        %mul3A_1057 = arith.mulf %get3A_1056, %div3A_975 : vector<16xf32>
        %swap3A_1058 = arith.constant 0 : i32
        %swap3A_1059 = arith.index_cast %swap3A_1058 : i32 to index
        %swap3A_1060 = arith.index_cast %scan3A_433 : i32 to index
        %swap3A_1061 = arith.constant 112 : index
        %swap3A_1062 = tpu.vector_load %arg7[%swap3A_1059, %swap3A_1060, %swap3A_1061] {strides = array<i32>} : memref<3x32x1024xf32, #tpu.memory_space<vmem>>, vector<16xf32>,
        tpu.vector_store %arg7[%swap3A_1059, %swap3A_1060, %swap3A_1061], %mul3A_1057 {strides = array<i32>} : memref<3x32x1024xf32, #tpu.memory_space<vmem>>, vector<16xf32>,
        %get3A_1063 = arith.constant 0 : i32
        %get3A_1064 = arith.index_cast %get3A_1063 : i32 to index
        %get3A_1065 = arith.index_cast %scan3A_433 : i32 to index
        %get3A_1066 = arith.constant 128 : index
        %get3A_1067 = tpu.vector_load %arg7[%get3A_1064, %get3A_1065, %get3A_1066] {strides = array<i32>} : memref<3x32x1024xf32, #tpu.memory_space<vmem>>, vector<16xf32>,
        %mul3A_1068 = arith.mulf %get3A_1067, %div3A_975 : vector<16xf32>
        %swap3A_1069 = arith.constant 0 : i32
        %swap3A_1070 = arith.index_cast %swap3A_1069 : i32 to index
        %swap3A_1071 = arith.index_cast %scan3A_433 : i32 to index
        %swap3A_1072 = arith.constant 128 : index
        %swap3A_1073 = tpu.vector_load %arg7[%swap3A_1070, %swap3A_1071, %swap3A_1072] {strides = array<i32>} : memref<3x32x1024xf32, #tpu.memory_space<vmem>>, vector<16xf32>,
        tpu.vector_store %arg7[%swap3A_1070, %swap3A_1071, %swap3A_1072], %mul3A_1068 {strides = array<i32>} : memref<3x32x1024xf32, #tpu.memory_space<vmem>>, vector<16xf32>,
        %get3A_1074 = arith.constant 0 : i32
        %get3A_1075 = arith.index_cast %get3A_1074 : i32 to index
        %get3A_1076 = arith.index_cast %scan3A_433 : i32 to index
        %get3A_1077 = arith.constant 144 : index
        %get3A_1078 = tpu.vector_load %arg7[%get3A_1075, %get3A_1076, %get3A_1077] {strides = array<i32>} : memref<3x32x1024xf32, #tpu.memory_space<vmem>>, vector<16xf32>,
        %mul3A_1079 = arith.mulf %get3A_1078, %div3A_975 : vector<16xf32>
        %swap3A_1080 = arith.constant 0 : i32
        %swap3A_1081 = arith.index_cast %swap3A_1080 : i32 to index
        %swap3A_1082 = arith.index_cast %scan3A_433 : i32 to index
        %swap3A_1083 = arith.constant 144 : index
        %swap3A_1084 = tpu.vector_load %arg7[%swap3A_1081, %swap3A_1082, %swap3A_1083] {strides = array<i32>} : memref<3x32x1024xf32, #tpu.memory_space<vmem>>, vector<16xf32>,
        tpu.vector_store %arg7[%swap3A_1081, %swap3A_1082, %swap3A_1083], %mul3A_1079 {strides = array<i32>} : memref<3x32x1024xf32, #tpu.memory_space<vmem>>, vector<16xf32>,
        %get3A_1085 = arith.constant 0 : i32
        %get3A_1086 = arith.index_cast %get3A_1085 : i32 to index
        %get3A_1087 = arith.index_cast %scan3A_433 : i32 to index
        %get3A_1088 = arith.constant 160 : index
        %get3A_1089 = tpu.vector_load %arg7[%get3A_1086, %get3A_1087, %get3A_1088] {strides = array<i32>} : memref<3x32x1024xf32, #tpu.memory_space<vmem>>, vector<16xf32>,
        %mul3A_1090 = arith.mulf %get3A_1089, %div3A_975 : vector<16xf32>
        %swap3A_1091 = arith.constant 0 : i32
        %swap3A_1092 = arith.index_cast %swap3A_1091 : i32 to index
        %swap3A_1093 = arith.index_cast %scan3A_433 : i32 to index
        %swap3A_1094 = arith.constant 160 : index
        %swap3A_1095 = tpu.vector_load %arg7[%swap3A_1092, %swap3A_1093, %swap3A_1094] {strides = array<i32>} : memref<3x32x1024xf32, #tpu.memory_space<vmem>>, vector<16xf32>,
        tpu.vector_store %arg7[%swap3A_1092, %swap3A_1093, %swap3A_1094], %mul3A_1090 {strides = array<i32>} : memref<3x32x1024xf32, #tpu.memory_space<vmem>>, vector<16xf32>,
        %get3A_1096 = arith.constant 0 : i32
        %get3A_1097 = arith.index_cast %get3A_1096 : i32 to index
        %get3A_1098 = arith.index_cast %scan3A_433 : i32 to index
        %get3A_1099 = arith.constant 176 : index
        %get3A_1100 = tpu.vector_load %arg7[%get3A_1097, %get3A_1098, %get3A_1099] {strides = array<i32>} : memref<3x32x1024xf32, #tpu.memory_space<vmem>>, vector<16xf32>,
        %mul3A_1101 = arith.mulf %get3A_1100, %div3A_975 : vector<16xf32>
        %swap3A_1102 = arith.constant 0 : i32
        %swap3A_1103 = arith.index_cast %swap3A_1102 : i32 to index
        %swap3A_1104 = arith.index_cast %scan3A_433 : i32 to index
        %swap3A_1105 = arith.constant 176 : index
        %swap3A_1106 = tpu.vector_load %arg7[%swap3A_1103, %swap3A_1104, %swap3A_1105] {strides = array<i32>} : memref<3x32x1024xf32, #tpu.memory_space<vmem>>, vector<16xf32>,
        tpu.vector_store %arg7[%swap3A_1103, %swap3A_1104, %swap3A_1105], %mul3A_1101 {strides = array<i32>} : memref<3x32x1024xf32, #tpu.memory_space<vmem>>, vector<16xf32>,
        %get3A_1107 = arith.constant 0 : i32
        %get3A_1108 = arith.index_cast %get3A_1107 : i32 to index
        %get3A_1109 = arith.index_cast %scan3A_433 : i32 to index
        %get3A_1110 = arith.constant 192 : index
        %get3A_1111 = tpu.vector_load %arg7[%get3A_1108, %get3A_1109, %get3A_1110] {strides = array<i32>} : memref<3x32x1024xf32, #tpu.memory_space<vmem>>, vector<16xf32>,
        %mul3A_1112 = arith.mulf %get3A_1111, %div3A_975 : vector<16xf32>
        %swap3A_1113 = arith.constant 0 : i32
        %swap3A_1114 = arith.index_cast %swap3A_1113 : i32 to index
        %swap3A_1115 = arith.index_cast %scan3A_433 : i32 to index
        %swap3A_1116 = arith.constant 192 : index
        %swap3A_1117 = tpu.vector_load %arg7[%swap3A_1114, %swap3A_1115, %swap3A_1116] {strides = array<i32>} : memref<3x32x1024xf32, #tpu.memory_space<vmem>>, vector<16xf32>,
        tpu.vector_store %arg7[%swap3A_1114, %swap3A_1115, %swap3A_1116], %mul3A_1112 {strides = array<i32>} : memref<3x32x1024xf32, #tpu.memory_space<vmem>>, vector<16xf32>,
        %get3A_1118 = arith.constant 0 : i32
        %get3A_1119 = arith.index_cast %get3A_1118 : i32 to index
        %get3A_1120 = arith.index_cast %scan3A_433 : i32 to index
        %get3A_1121 = arith.constant 208 : index
        %get3A_1122 = tpu.vector_load %arg7[%get3A_1119, %get3A_1120, %get3A_1121] {strides = array<i32>} : memref<3x32x1024xf32, #tpu.memory_space<vmem>>, vector<16xf32>,
        %mul3A_1123 = arith.mulf %get3A_1122, %div3A_975 : vector<16xf32>
        %swap3A_1124 = arith.constant 0 : i32
        %swap3A_1125 = arith.index_cast %swap3A_1124 : i32 to index
        %swap3A_1126 = arith.index_cast %scan3A_433 : i32 to index
        %swap3A_1127 = arith.constant 208 : index
        %swap3A_1128 = tpu.vector_load %arg7[%swap3A_1125, %swap3A_1126, %swap3A_1127] {strides = array<i32>} : memref<3x32x1024xf32, #tpu.memory_space<vmem>>, vector<16xf32>,
        tpu.vector_store %arg7[%swap3A_1125, %swap3A_1126, %swap3A_1127], %mul3A_1123 {strides = array<i32>} : memref<3x32x1024xf32, #tpu.memory_space<vmem>>, vector<16xf32>,
        %get3A_1129 = arith.constant 0 : i32
        %get3A_1130 = arith.index_cast %get3A_1129 : i32 to index
        %get3A_1131 = arith.index_cast %scan3A_433 : i32 to index
        %get3A_1132 = arith.constant 224 : index
        %get3A_1133 = tpu.vector_load %arg7[%get3A_1130, %get3A_1131, %get3A_1132] {strides = array<i32>} : memref<3x32x1024xf32, #tpu.memory_space<vmem>>, vector<16xf32>,
        %mul3A_1134 = arith.mulf %get3A_1133, %div3A_975 : vector<16xf32>
        %swap3A_1135 = arith.constant 0 : i32
        %swap3A_1136 = arith.index_cast %swap3A_1135 : i32 to index
        %swap3A_1137 = arith.index_cast %scan3A_433 : i32 to index
        %swap3A_1138 = arith.constant 224 : index
        %swap3A_1139 = tpu.vector_load %arg7[%swap3A_1136, %swap3A_1137, %swap3A_1138] {strides = array<i32>} : memref<3x32x1024xf32, #tpu.memory_space<vmem>>, vector<16xf32>,
        tpu.vector_store %arg7[%swap3A_1136, %swap3A_1137, %swap3A_1138], %mul3A_1134 {strides = array<i32>} : memref<3x32x1024xf32, #tpu.memory_space<vmem>>, vector<16xf32>,
        %get3A_1140 = arith.constant 0 : i32
        %get3A_1141 = arith.index_cast %get3A_1140 : i32 to index
        %get3A_1142 = arith.index_cast %scan3A_433 : i32 to index
        %get3A_1143 = arith.constant 240 : index
        %get3A_1144 = tpu.vector_load %arg7[%get3A_1141, %get3A_1142, %get3A_1143] {strides = array<i32>} : memref<3x32x1024xf32, #tpu.memory_space<vmem>>, vector<16xf32>,
        %mul3A_1145 = arith.mulf %get3A_1144, %div3A_975 : vector<16xf32>
        %swap3A_1146 = arith.constant 0 : i32
        %swap3A_1147 = arith.index_cast %swap3A_1146 : i32 to index
        %swap3A_1148 = arith.index_cast %scan3A_433 : i32 to index
        %swap3A_1149 = arith.constant 240 : index
        %swap3A_1150 = tpu.vector_load %arg7[%swap3A_1147, %swap3A_1148, %swap3A_1149] {strides = array<i32>} : memref<3x32x1024xf32, #tpu.memory_space<vmem>>, vector<16xf32>,
        tpu.vector_store %arg7[%swap3A_1147, %swap3A_1148, %swap3A_1149], %mul3A_1145 {strides = array<i32>} : memref<3x32x1024xf32, #tpu.memory_space<vmem>>, vector<16xf32>,
        %get3A_1151 = arith.constant 0 : i32
        %get3A_1152 = arith.index_cast %get3A_1151 : i32 to index
        %get3A_1153 = arith.index_cast %scan3A_433 : i32 to index
        %get3A_1154 = arith.constant 256 : index
        %get3A_1155 = tpu.vector_load %arg7[%get3A_1152, %get3A_1153, %get3A_1154] {strides = array<i32>} : memref<3x32x1024xf32, #tpu.memory_space<vmem>>, vector<16xf32>,
        %mul3A_1156 = arith.mulf %get3A_1155, %div3A_975 : vector<16xf32>
        %swap3A_1157 = arith.constant 0 : i32
        %swap3A_1158 = arith.index_cast %swap3A_1157 : i32 to index
        %swap3A_1159 = arith.index_cast %scan3A_433 : i32 to index
        %swap3A_1160 = arith.constant 256 : index
        %swap3A_1161 = tpu.vector_load %arg7[%swap3A_1158, %swap3A_1159, %swap3A_1160] {strides = array<i32>} : memref<3x32x1024xf32, #tpu.memory_space<vmem>>, vector<16xf32>,
        tpu.vector_store %arg7[%swap3A_1158, %swap3A_1159, %swap3A_1160], %mul3A_1156 {strides = array<i32>} : memref<3x32x1024xf32, #tpu.memory_space<vmem>>, vector<16xf32>,
        %get3A_1162 = arith.constant 0 : i32
        %get3A_1163 = arith.index_cast %get3A_1162 : i32 to index
        %get3A_1164 = arith.index_cast %scan3A_433 : i32 to index
        %get3A_1165 = arith.constant 272 : index
        %get3A_1166 = tpu.vector_load %arg7[%get3A_1163, %get3A_1164, %get3A_1165] {strides = array<i32>} : memref<3x32x1024xf32, #tpu.memory_space<vmem>>, vector<16xf32>,
        %mul3A_1167 = arith.mulf %get3A_1166, %div3A_975 : vector<16xf32>
        %swap3A_1168 = arith.constant 0 : i32
        %swap3A_1169 = arith.index_cast %swap3A_1168 : i32 to index
        %swap3A_1170 = arith.index_cast %scan3A_433 : i32 to index
        %swap3A_1171 = arith.constant 272 : index
        %swap3A_1172 = tpu.vector_load %arg7[%swap3A_1169, %swap3A_1170, %swap3A_1171] {strides = array<i32>} : memref<3x32x1024xf32, #tpu.memory_space<vmem>>, vector<16xf32>,
        tpu.vector_store %arg7[%swap3A_1169, %swap3A_1170, %swap3A_1171], %mul3A_1167 {strides = array<i32>} : memref<3x32x1024xf32, #tpu.memory_space<vmem>>, vector<16xf32>,
        %get3A_1173 = arith.constant 0 : i32
        %get3A_1174 = arith.index_cast %get3A_1173 : i32 to index
        %get3A_1175 = arith.index_cast %scan3A_433 : i32 to index
        %get3A_1176 = arith.constant 288 : index
        %get3A_1177 = tpu.vector_load %arg7[%get3A_1174, %get3A_1175, %get3A_1176] {strides = array<i32>} : memref<3x32x1024xf32, #tpu.memory_space<vmem>>, vector<16xf32>,
        %mul3A_1178 = arith.mulf %get3A_1177, %div3A_975 : vector<16xf32>
        %swap3A_1179 = arith.constant 0 : i32
        %swap3A_1180 = arith.index_cast %swap3A_1179 : i32 to index
        %swap3A_1181 = arith.index_cast %scan3A_433 : i32 to index
        %swap3A_1182 = arith.constant 288 : index
        %swap3A_1183 = tpu.vector_load %arg7[%swap3A_1180, %swap3A_1181, %swap3A_1182] {strides = array<i32>} : memref<3x32x1024xf32, #tpu.memory_space<vmem>>, vector<16xf32>,
        tpu.vector_store %arg7[%swap3A_1180, %swap3A_1181, %swap3A_1182], %mul3A_1178 {strides = array<i32>} : memref<3x32x1024xf32, #tpu.memory_space<vmem>>, vector<16xf32>,
        %get3A_1184 = arith.constant 0 : i32
        %get3A_1185 = arith.index_cast %get3A_1184 : i32 to index
        %get3A_1186 = arith.index_cast %scan3A_433 : i32 to index
        %get3A_1187 = arith.constant 304 : index
        %get3A_1188 = tpu.vector_load %arg7[%get3A_1185, %get3A_1186, %get3A_1187] {strides = array<i32>} : memref<3x32x1024xf32, #tpu.memory_space<vmem>>, vector<16xf32>,
        %mul3A_1189 = arith.mulf %get3A_1188, %div3A_975 : vector<16xf32>
        %swap3A_1190 = arith.constant 0 : i32
        %swap3A_1191 = arith.index_cast %swap3A_1190 : i32 to index
        %swap3A_1192 = arith.index_cast %scan3A_433 : i32 to index
        %swap3A_1193 = arith.constant 304 : index
        %swap3A_1194 = tpu.vector_load %arg7[%swap3A_1191, %swap3A_1192, %swap3A_1193] {strides = array<i32>} : memref<3x32x1024xf32, #tpu.memory_space<vmem>>, vector<16xf32>,
        tpu.vector_store %arg7[%swap3A_1191, %swap3A_1192, %swap3A_1193], %mul3A_1189 {strides = array<i32>} : memref<3x32x1024xf32, #tpu.memory_space<vmem>>, vector<16xf32>,
        %get3A_1195 = arith.constant 0 : i32
        %get3A_1196 = arith.index_cast %get3A_1195 : i32 to index
        %get3A_1197 = arith.index_cast %scan3A_433 : i32 to index
        %get3A_1198 = arith.constant 320 : index
        %get3A_1199 = tpu.vector_load %arg7[%get3A_1196, %get3A_1197, %get3A_1198] {strides = array<i32>} : memref<3x32x1024xf32, #tpu.memory_space<vmem>>, vector<16xf32>,
        %mul3A_1200 = arith.mulf %get3A_1199, %div3A_975 : vector<16xf32>
        %swap3A_1201 = arith.constant 0 : i32
        %swap3A_1202 = arith.index_cast %swap3A_1201 : i32 to index
        %swap3A_1203 = arith.index_cast %scan3A_433 : i32 to index
        %swap3A_1204 = arith.constant 320 : index
        %swap3A_1205 = tpu.vector_load %arg7[%swap3A_1202, %swap3A_1203, %swap3A_1204] {strides = array<i32>} : memref<3x32x1024xf32, #tpu.memory_space<vmem>>, vector<16xf32>,
        tpu.vector_store %arg7[%swap3A_1202, %swap3A_1203, %swap3A_1204], %mul3A_1200 {strides = array<i32>} : memref<3x32x1024xf32, #tpu.memory_space<vmem>>, vector<16xf32>,
        %get3A_1206 = arith.constant 0 : i32
        %get3A_1207 = arith.index_cast %get3A_1206 : i32 to index
        %get3A_1208 = arith.index_cast %scan3A_433 : i32 to index
        %get3A_1209 = arith.constant 336 : index
        %get3A_1210 = tpu.vector_load %arg7[%get3A_1207, %get3A_1208, %get3A_1209] {strides = array<i32>} : memref<3x32x1024xf32, #tpu.memory_space<vmem>>, vector<16xf32>,
        %mul3A_1211 = arith.mulf %get3A_1210, %div3A_975 : vector<16xf32>
        %swap3A_1212 = arith.constant 0 : i32
        %swap3A_1213 = arith.index_cast %swap3A_1212 : i32 to index
        %swap3A_1214 = arith.index_cast %scan3A_433 : i32 to index
        %swap3A_1215 = arith.constant 336 : index
        %swap3A_1216 = tpu.vector_load %arg7[%swap3A_1213, %swap3A_1214, %swap3A_1215] {strides = array<i32>} : memref<3x32x1024xf32, #tpu.memory_space<vmem>>, vector<16xf32>,
        tpu.vector_store %arg7[%swap3A_1213, %swap3A_1214, %swap3A_1215], %mul3A_1211 {strides = array<i32>} : memref<3x32x1024xf32, #tpu.memory_space<vmem>>, vector<16xf32>,
        %get3A_1217 = arith.constant 0 : i32
        %get3A_1218 = arith.index_cast %get3A_1217 : i32 to index
        %get3A_1219 = arith.index_cast %scan3A_433 : i32 to index
        %get3A_1220 = arith.constant 352 : index
        %get3A_1221 = tpu.vector_load %arg7[%get3A_1218, %get3A_1219, %get3A_1220] {strides = array<i32>} : memref<3x32x1024xf32, #tpu.memory_space<vmem>>, vector<16xf32>,
        %mul3A_1222 = arith.mulf %get3A_1221, %div3A_975 : vector<16xf32>
        %swap3A_1223 = arith.constant 0 : i32
        %swap3A_1224 = arith.index_cast %swap3A_1223 : i32 to index
        %swap3A_1225 = arith.index_cast %scan3A_433 : i32 to index
        %swap3A_1226 = arith.constant 352 : index
        %swap3A_1227 = tpu.vector_load %arg7[%swap3A_1224, %swap3A_1225, %swap3A_1226] {strides = array<i32>} : memref<3x32x1024xf32, #tpu.memory_space<vmem>>, vector<16xf32>,
        tpu.vector_store %arg7[%swap3A_1224, %swap3A_1225, %swap3A_1226], %mul3A_1222 {strides = array<i32>} : memref<3x32x1024xf32, #tpu.memory_space<vmem>>, vector<16xf32>,
        %get3A_1228 = arith.constant 0 : i32
        %get3A_1229 = arith.index_cast %get3A_1228 : i32 to index
        %get3A_1230 = arith.index_cast %scan3A_433 : i32 to index
        %get3A_1231 = arith.constant 368 : index
        %get3A_1232 = tpu.vector_load %arg7[%get3A_1229, %get3A_1230, %get3A_1231] {strides = array<i32>} : memref<3x32x1024xf32, #tpu.memory_space<vmem>>, vector<16xf32>,
        %mul3A_1233 = arith.mulf %get3A_1232, %div3A_975 : vector<16xf32>
        %swap3A_1234 = arith.constant 0 : i32
        %swap3A_1235 = arith.index_cast %swap3A_1234 : i32 to index
        %swap3A_1236 = arith.index_cast %scan3A_433 : i32 to index
        %swap3A_1237 = arith.constant 368 : index
        %swap3A_1238 = tpu.vector_load %arg7[%swap3A_1235, %swap3A_1236, %swap3A_1237] {strides = array<i32>} : memref<3x32x1024xf32, #tpu.memory_space<vmem>>, vector<16xf32>,
        tpu.vector_store %arg7[%swap3A_1235, %swap3A_1236, %swap3A_1237], %mul3A_1233 {strides = array<i32>} : memref<3x32x1024xf32, #tpu.memory_space<vmem>>, vector<16xf32>,
        %get3A_1239 = arith.constant 0 : i32
        %get3A_1240 = arith.index_cast %get3A_1239 : i32 to index
        %get3A_1241 = arith.index_cast %scan3A_433 : i32 to index
        %get3A_1242 = arith.constant 384 : index
        %get3A_1243 = tpu.vector_load %arg7[%get3A_1240, %get3A_1241, %get3A_1242] {strides = array<i32>} : memref<3x32x1024xf32, #tpu.memory_space<vmem>>, vector<16xf32>,
        %mul3A_1244 = arith.mulf %get3A_1243, %div3A_975 : vector<16xf32>
        %swap3A_1245 = arith.constant 0 : i32
        %swap3A_1246 = arith.index_cast %swap3A_1245 : i32 to index
        %swap3A_1247 = arith.index_cast %scan3A_433 : i32 to index
        %swap3A_1248 = arith.constant 384 : index
        %swap3A_1249 = tpu.vector_load %arg7[%swap3A_1246, %swap3A_1247, %swap3A_1248] {strides = array<i32>} : memref<3x32x1024xf32, #tpu.memory_space<vmem>>, vector<16xf32>,
        tpu.vector_store %arg7[%swap3A_1246, %swap3A_1247, %swap3A_1248], %mul3A_1244 {strides = array<i32>} : memref<3x32x1024xf32, #tpu.memory_space<vmem>>, vector<16xf32>,
        %get3A_1250 = arith.constant 0 : i32
        %get3A_1251 = arith.index_cast %get3A_1250 : i32 to index
        %get3A_1252 = arith.index_cast %scan3A_433 : i32 to index
        %get3A_1253 = arith.constant 400 : index
        %get3A_1254 = tpu.vector_load %arg7[%get3A_1251, %get3A_1252, %get3A_1253] {strides = array<i32>} : memref<3x32x1024xf32, #tpu.memory_space<vmem>>, vector<16xf32>,
        %mul3A_1255 = arith.mulf %get3A_1254, %div3A_975 : vector<16xf32>
        %swap3A_1256 = arith.constant 0 : i32
        %swap3A_1257 = arith.index_cast %swap3A_1256 : i32 to index
        %swap3A_1258 = arith.index_cast %scan3A_433 : i32 to index
        %swap3A_1259 = arith.constant 400 : index
        %swap3A_1260 = tpu.vector_load %arg7[%swap3A_1257, %swap3A_1258, %swap3A_1259] {strides = array<i32>} : memref<3x32x1024xf32, #tpu.memory_space<vmem>>, vector<16xf32>,
        tpu.vector_store %arg7[%swap3A_1257, %swap3A_1258, %swap3A_1259], %mul3A_1255 {strides = array<i32>} : memref<3x32x1024xf32, #tpu.memory_space<vmem>>, vector<16xf32>,
        %get3A_1261 = arith.constant 0 : i32
        %get3A_1262 = arith.index_cast %get3A_1261 : i32 to index
        %get3A_1263 = arith.index_cast %scan3A_433 : i32 to index
        %get3A_1264 = arith.constant 416 : index
        %get3A_1265 = tpu.vector_load %arg7[%get3A_1262, %get3A_1263, %get3A_1264] {strides = array<i32>} : memref<3x32x1024xf32, #tpu.memory_space<vmem>>, vector<16xf32>,
        %mul3A_1266 = arith.mulf %get3A_1265, %div3A_975 : vector<16xf32>
        %swap3A_1267 = arith.constant 0 : i32
        %swap3A_1268 = arith.index_cast %swap3A_1267 : i32 to index
        %swap3A_1269 = arith.index_cast %scan3A_433 : i32 to index
        %swap3A_1270 = arith.constant 416 : index
        %swap3A_1271 = tpu.vector_load %arg7[%swap3A_1268, %swap3A_1269, %swap3A_1270] {strides = array<i32>} : memref<3x32x1024xf32, #tpu.memory_space<vmem>>, vector<16xf32>,
        tpu.vector_store %arg7[%swap3A_1268, %swap3A_1269, %swap3A_1270], %mul3A_1266 {strides = array<i32>} : memref<3x32x1024xf32, #tpu.memory_space<vmem>>, vector<16xf32>,
        %get3A_1272 = arith.constant 0 : i32
        %get3A_1273 = arith.index_cast %get3A_1272 : i32 to index
        %get3A_1274 = arith.index_cast %scan3A_433 : i32 to index
        %get3A_1275 = arith.constant 432 : index
        %get3A_1276 = tpu.vector_load %arg7[%get3A_1273, %get3A_1274, %get3A_1275] {strides = array<i32>} : memref<3x32x1024xf32, #tpu.memory_space<vmem>>, vector<16xf32>,
        %mul3A_1277 = arith.mulf %get3A_1276, %div3A_975 : vector<16xf32>
        %swap3A_1278 = arith.constant 0 : i32
        %swap3A_1279 = arith.index_cast %swap3A_1278 : i32 to index
        %swap3A_1280 = arith.index_cast %scan3A_433 : i32 to index
        %swap3A_1281 = arith.constant 432 : index
        %swap3A_1282 = tpu.vector_load %arg7[%swap3A_1279, %swap3A_1280, %swap3A_1281] {strides = array<i32>} : memref<3x32x1024xf32, #tpu.memory_space<vmem>>, vector<16xf32>,
        tpu.vector_store %arg7[%swap3A_1279, %swap3A_1280, %swap3A_1281], %mul3A_1277 {strides = array<i32>} : memref<3x32x1024xf32, #tpu.memory_space<vmem>>, vector<16xf32>,
        %get3A_1283 = arith.constant 0 : i32
        %get3A_1284 = arith.index_cast %get3A_1283 : i32 to index
        %get3A_1285 = arith.index_cast %scan3A_433 : i32 to index
        %get3A_1286 = arith.constant 448 : index
        %get3A_1287 = tpu.vector_load %arg7[%get3A_1284, %get3A_1285, %get3A_1286] {strides = array<i32>} : memref<3x32x1024xf32, #tpu.memory_space<vmem>>, vector<16xf32>,
        %mul3A_1288 = arith.mulf %get3A_1287, %div3A_975 : vector<16xf32>
        %swap3A_1289 = arith.constant 0 : i32
        %swap3A_1290 = arith.index_cast %swap3A_1289 : i32 to index
        %swap3A_1291 = arith.index_cast %scan3A_433 : i32 to index
        %swap3A_1292 = arith.constant 448 : index
        %swap3A_1293 = tpu.vector_load %arg7[%swap3A_1290, %swap3A_1291, %swap3A_1292] {strides = array<i32>} : memref<3x32x1024xf32, #tpu.memory_space<vmem>>, vector<16xf32>,
        tpu.vector_store %arg7[%swap3A_1290, %swap3A_1291, %swap3A_1292], %mul3A_1288 {strides = array<i32>} : memref<3x32x1024xf32, #tpu.memory_space<vmem>>, vector<16xf32>,
        %get3A_1294 = arith.constant 0 : i32
        %get3A_1295 = arith.index_cast %get3A_1294 : i32 to index
        %get3A_1296 = arith.index_cast %scan3A_433 : i32 to index
        %get3A_1297 = arith.constant 464 : index
        %get3A_1298 = tpu.vector_load %arg7[%get3A_1295, %get3A_1296, %get3A_1297] {strides = array<i32>} : memref<3x32x1024xf32, #tpu.memory_space<vmem>>, vector<16xf32>,
        %mul3A_1299 = arith.mulf %get3A_1298, %div3A_975 : vector<16xf32>
        %swap3A_1300 = arith.constant 0 : i32
        %swap3A_1301 = arith.index_cast %swap3A_1300 : i32 to index
        %swap3A_1302 = arith.index_cast %scan3A_433 : i32 to index
        %swap3A_1303 = arith.constant 464 : index
        %swap3A_1304 = tpu.vector_load %arg7[%swap3A_1301, %swap3A_1302, %swap3A_1303] {strides = array<i32>} : memref<3x32x1024xf32, #tpu.memory_space<vmem>>, vector<16xf32>,
        tpu.vector_store %arg7[%swap3A_1301, %swap3A_1302, %swap3A_1303], %mul3A_1299 {strides = array<i32>} : memref<3x32x1024xf32, #tpu.memory_space<vmem>>, vector<16xf32>,
        %get3A_1305 = arith.constant 0 : i32
        %get3A_1306 = arith.index_cast %get3A_1305 : i32 to index
        %get3A_1307 = arith.index_cast %scan3A_433 : i32 to index
        %get3A_1308 = arith.constant 480 : index
        %get3A_1309 = tpu.vector_load %arg7[%get3A_1306, %get3A_1307, %get3A_1308] {strides = array<i32>} : memref<3x32x1024xf32, #tpu.memory_space<vmem>>, vector<16xf32>,
        %mul3A_1310 = arith.mulf %get3A_1309, %div3A_975 : vector<16xf32>
        %swap3A_1311 = arith.constant 0 : i32
        %swap3A_1312 = arith.index_cast %swap3A_1311 : i32 to index
        %swap3A_1313 = arith.index_cast %scan3A_433 : i32 to index
        %swap3A_1314 = arith.constant 480 : index
        %swap3A_1315 = tpu.vector_load %arg7[%swap3A_1312, %swap3A_1313, %swap3A_1314] {strides = array<i32>} : memref<3x32x1024xf32, #tpu.memory_space<vmem>>, vector<16xf32>,
        tpu.vector_store %arg7[%swap3A_1312, %swap3A_1313, %swap3A_1314], %mul3A_1310 {strides = array<i32>} : memref<3x32x1024xf32, #tpu.memory_space<vmem>>, vector<16xf32>,
        %get3A_1316 = arith.constant 0 : i32
        %get3A_1317 = arith.index_cast %get3A_1316 : i32 to index
        %get3A_1318 = arith.index_cast %scan3A_433 : i32 to index
        %get3A_1319 = arith.constant 496 : index
        %get3A_1320 = tpu.vector_load %arg7[%get3A_1317, %get3A_1318, %get3A_1319] {strides = array<i32>} : memref<3x32x1024xf32, #tpu.memory_space<vmem>>, vector<16xf32>,
        %mul3A_1321 = arith.mulf %get3A_1320, %div3A_975 : vector<16xf32>
        %swap3A_1322 = arith.constant 0 : i32
        %swap3A_1323 = arith.index_cast %swap3A_1322 : i32 to index
        %swap3A_1324 = arith.index_cast %scan3A_433 : i32 to index
        %swap3A_1325 = arith.constant 496 : index
        %swap3A_1326 = tpu.vector_load %arg7[%swap3A_1323, %swap3A_1324, %swap3A_1325] {strides = array<i32>} : memref<3x32x1024xf32, #tpu.memory_space<vmem>>, vector<16xf32>,
        tpu.vector_store %arg7[%swap3A_1323, %swap3A_1324, %swap3A_1325], %mul3A_1321 {strides = array<i32>} : memref<3x32x1024xf32, #tpu.memory_space<vmem>>, vector<16xf32>,
        %get3A_1327 = arith.constant 0 : i32
        %get3A_1328 = arith.index_cast %get3A_1327 : i32 to index
        %get3A_1329 = arith.index_cast %scan3A_433 : i32 to index
        %get3A_1330 = arith.constant 512 : index
        %get3A_1331 = tpu.vector_load %arg7[%get3A_1328, %get3A_1329, %get3A_1330] {strides = array<i32>} : memref<3x32x1024xf32, #tpu.memory_space<vmem>>, vector<16xf32>,
        %mul3A_1332 = arith.mulf %get3A_1331, %div3A_975 : vector<16xf32>
        %swap3A_1333 = arith.constant 0 : i32
        %swap3A_1334 = arith.index_cast %swap3A_1333 : i32 to index
        %swap3A_1335 = arith.index_cast %scan3A_433 : i32 to index
        %swap3A_1336 = arith.constant 512 : index
        %swap3A_1337 = tpu.vector_load %arg7[%swap3A_1334, %swap3A_1335, %swap3A_1336] {strides = array<i32>} : memref<3x32x1024xf32, #tpu.memory_space<vmem>>, vector<16xf32>,
        tpu.vector_store %arg7[%swap3A_1334, %swap3A_1335, %swap3A_1336], %mul3A_1332 {strides = array<i32>} : memref<3x32x1024xf32, #tpu.memory_space<vmem>>, vector<16xf32>,
        %get3A_1338 = arith.constant 0 : i32
        %get3A_1339 = arith.index_cast %get3A_1338 : i32 to index
        %get3A_1340 = arith.index_cast %scan3A_433 : i32 to index
        %get3A_1341 = arith.constant 528 : index
        %get3A_1342 = tpu.vector_load %arg7[%get3A_1339, %get3A_1340, %get3A_1341] {strides = array<i32>} : memref<3x32x1024xf32, #tpu.memory_space<vmem>>, vector<16xf32>,
        %mul3A_1343 = arith.mulf %get3A_1342, %div3A_975 : vector<16xf32>
        %swap3A_1344 = arith.constant 0 : i32
        %swap3A_1345 = arith.index_cast %swap3A_1344 : i32 to index
        %swap3A_1346 = arith.index_cast %scan3A_433 : i32 to index
        %swap3A_1347 = arith.constant 528 : index
        %swap3A_1348 = tpu.vector_load %arg7[%swap3A_1345, %swap3A_1346, %swap3A_1347] {strides = array<i32>} : memref<3x32x1024xf32, #tpu.memory_space<vmem>>, vector<16xf32>,
        tpu.vector_store %arg7[%swap3A_1345, %swap3A_1346, %swap3A_1347], %mul3A_1343 {strides = array<i32>} : memref<3x32x1024xf32, #tpu.memory_space<vmem>>, vector<16xf32>,
        %get3A_1349 = arith.constant 0 : i32
        %get3A_1350 = arith.index_cast %get3A_1349 : i32 to index
        %get3A_1351 = arith.index_cast %scan3A_433 : i32 to index
        %get3A_1352 = arith.constant 544 : index
        %get3A_1353 = tpu.vector_load %arg7[%get3A_1350, %get3A_1351, %get3A_1352] {strides = array<i32>} : memref<3x32x1024xf32, #tpu.memory_space<vmem>>, vector<16xf32>,
        %mul3A_1354 = arith.mulf %get3A_1353, %div3A_975 : vector<16xf32>
        %swap3A_1355 = arith.constant 0 : i32
        %swap3A_1356 = arith.index_cast %swap3A_1355 : i32 to index
        %swap3A_1357 = arith.index_cast %scan3A_433 : i32 to index
        %swap3A_1358 = arith.constant 544 : index
        %swap3A_1359 = tpu.vector_load %arg7[%swap3A_1356, %swap3A_1357, %swap3A_1358] {strides = array<i32>} : memref<3x32x1024xf32, #tpu.memory_space<vmem>>, vector<16xf32>,
        tpu.vector_store %arg7[%swap3A_1356, %swap3A_1357, %swap3A_1358], %mul3A_1354 {strides = array<i32>} : memref<3x32x1024xf32, #tpu.memory_space<vmem>>, vector<16xf32>,
        %get3A_1360 = arith.constant 0 : i32
        %get3A_1361 = arith.index_cast %get3A_1360 : i32 to index
        %get3A_1362 = arith.index_cast %scan3A_433 : i32 to index
        %get3A_1363 = arith.constant 560 : index
        %get3A_1364 = tpu.vector_load %arg7[%get3A_1361, %get3A_1362, %get3A_1363] {strides = array<i32>} : memref<3x32x1024xf32, #tpu.memory_space<vmem>>, vector<16xf32>,
        %mul3A_1365 = arith.mulf %get3A_1364, %div3A_975 : vector<16xf32>
        %swap3A_1366 = arith.constant 0 : i32
        %swap3A_1367 = arith.index_cast %swap3A_1366 : i32 to index
        %swap3A_1368 = arith.index_cast %scan3A_433 : i32 to index
        %swap3A_1369 = arith.constant 560 : index
        %swap3A_1370 = tpu.vector_load %arg7[%swap3A_1367, %swap3A_1368, %swap3A_1369] {strides = array<i32>} : memref<3x32x1024xf32, #tpu.memory_space<vmem>>, vector<16xf32>,
        tpu.vector_store %arg7[%swap3A_1367, %swap3A_1368, %swap3A_1369], %mul3A_1365 {strides = array<i32>} : memref<3x32x1024xf32, #tpu.memory_space<vmem>>, vector<16xf32>,
        %get3A_1371 = arith.constant 0 : i32
        %get3A_1372 = arith.index_cast %get3A_1371 : i32 to index
        %get3A_1373 = arith.index_cast %scan3A_433 : i32 to index
        %get3A_1374 = arith.constant 576 : index
        %get3A_1375 = tpu.vector_load %arg7[%get3A_1372, %get3A_1373, %get3A_1374] {strides = array<i32>} : memref<3x32x1024xf32, #tpu.memory_space<vmem>>, vector<16xf32>,
        %mul3A_1376 = arith.mulf %get3A_1375, %div3A_975 : vector<16xf32>
        %swap3A_1377 = arith.constant 0 : i32
        %swap3A_1378 = arith.index_cast %swap3A_1377 : i32 to index
        %swap3A_1379 = arith.index_cast %scan3A_433 : i32 to index
        %swap3A_1380 = arith.constant 576 : index
        %swap3A_1381 = tpu.vector_load %arg7[%swap3A_1378, %swap3A_1379, %swap3A_1380] {strides = array<i32>} : memref<3x32x1024xf32, #tpu.memory_space<vmem>>, vector<16xf32>,
        tpu.vector_store %arg7[%swap3A_1378, %swap3A_1379, %swap3A_1380], %mul3A_1376 {strides = array<i32>} : memref<3x32x1024xf32, #tpu.memory_space<vmem>>, vector<16xf32>,
        %get3A_1382 = arith.constant 0 : i32
        %get3A_1383 = arith.index_cast %get3A_1382 : i32 to index
        %get3A_1384 = arith.index_cast %scan3A_433 : i32 to index
        %get3A_1385 = arith.constant 592 : index
        %get3A_1386 = tpu.vector_load %arg7[%get3A_1383, %get3A_1384, %get3A_1385] {strides = array<i32>} : memref<3x32x1024xf32, #tpu.memory_space<vmem>>, vector<16xf32>,
        %mul3A_1387 = arith.mulf %get3A_1386, %div3A_975 : vector<16xf32>
        %swap3A_1388 = arith.constant 0 : i32
        %swap3A_1389 = arith.index_cast %swap3A_1388 : i32 to index
        %swap3A_1390 = arith.index_cast %scan3A_433 : i32 to index
        %swap3A_1391 = arith.constant 592 : index
        %swap3A_1392 = tpu.vector_load %arg7[%swap3A_1389, %swap3A_1390, %swap3A_1391] {strides = array<i32>} : memref<3x32x1024xf32, #tpu.memory_space<vmem>>, vector<16xf32>,
        tpu.vector_store %arg7[%swap3A_1389, %swap3A_1390, %swap3A_1391], %mul3A_1387 {strides = array<i32>} : memref<3x32x1024xf32, #tpu.memory_space<vmem>>, vector<16xf32>,
        %get3A_1393 = arith.constant 0 : i32
        %get3A_1394 = arith.index_cast %get3A_1393 : i32 to index
        %get3A_1395 = arith.index_cast %scan3A_433 : i32 to index
        %get3A_1396 = arith.constant 608 : index
        %get3A_1397 = tpu.vector_load %arg7[%get3A_1394, %get3A_1395, %get3A_1396] {strides = array<i32>} : memref<3x32x1024xf32, #tpu.memory_space<vmem>>, vector<16xf32>,
        %mul3A_1398 = arith.mulf %get3A_1397, %div3A_975 : vector<16xf32>
        %swap3A_1399 = arith.constant 0 : i32
        %swap3A_1400 = arith.index_cast %swap3A_1399 : i32 to index
        %swap3A_1401 = arith.index_cast %scan3A_433 : i32 to index
        %swap3A_1402 = arith.constant 608 : index
        %swap3A_1403 = tpu.vector_load %arg7[%swap3A_1400, %swap3A_1401, %swap3A_1402] {strides = array<i32>} : memref<3x32x1024xf32, #tpu.memory_space<vmem>>, vector<16xf32>,
        tpu.vector_store %arg7[%swap3A_1400, %swap3A_1401, %swap3A_1402], %mul3A_1398 {strides = array<i32>} : memref<3x32x1024xf32, #tpu.memory_space<vmem>>, vector<16xf32>,
        %get3A_1404 = arith.constant 0 : i32
        %get3A_1405 = arith.index_cast %get3A_1404 : i32 to index
        %get3A_1406 = arith.index_cast %scan3A_433 : i32 to index
        %get3A_1407 = arith.constant 624 : index
        %get3A_1408 = tpu.vector_load %arg7[%get3A_1405, %get3A_1406, %get3A_1407] {strides = array<i32>} : memref<3x32x1024xf32, #tpu.memory_space<vmem>>, vector<16xf32>,
        %mul3A_1409 = arith.mulf %get3A_1408, %div3A_975 : vector<16xf32>
        %swap3A_1410 = arith.constant 0 : i32
        %swap3A_1411 = arith.index_cast %swap3A_1410 : i32 to index
        %swap3A_1412 = arith.index_cast %scan3A_433 : i32 to index
        %swap3A_1413 = arith.constant 624 : index
        %swap3A_1414 = tpu.vector_load %arg7[%swap3A_1411, %swap3A_1412, %swap3A_1413] {strides = array<i32>} : memref<3x32x1024xf32, #tpu.memory_space<vmem>>, vector<16xf32>,
        tpu.vector_store %arg7[%swap3A_1411, %swap3A_1412, %swap3A_1413], %mul3A_1409 {strides = array<i32>} : memref<3x32x1024xf32, #tpu.memory_space<vmem>>, vector<16xf32>,
        %get3A_1415 = arith.constant 0 : i32
        %get3A_1416 = arith.index_cast %get3A_1415 : i32 to index
        %get3A_1417 = arith.index_cast %scan3A_433 : i32 to index
        %get3A_1418 = arith.constant 640 : index
        %get3A_1419 = tpu.vector_load %arg7[%get3A_1416, %get3A_1417, %get3A_1418] {strides = array<i32>} : memref<3x32x1024xf32, #tpu.memory_space<vmem>>, vector<16xf32>,
        %mul3A_1420 = arith.mulf %get3A_1419, %div3A_975 : vector<16xf32>
        %swap3A_1421 = arith.constant 0 : i32
        %swap3A_1422 = arith.index_cast %swap3A_1421 : i32 to index
        %swap3A_1423 = arith.index_cast %scan3A_433 : i32 to index
        %swap3A_1424 = arith.constant 640 : index
        %swap3A_1425 = tpu.vector_load %arg7[%swap3A_1422, %swap3A_1423, %swap3A_1424] {strides = array<i32>} : memref<3x32x1024xf32, #tpu.memory_space<vmem>>, vector<16xf32>,
        tpu.vector_store %arg7[%swap3A_1422, %swap3A_1423, %swap3A_1424], %mul3A_1420 {strides = array<i32>} : memref<3x32x1024xf32, #tpu.memory_space<vmem>>, vector<16xf32>,
        %get3A_1426 = arith.constant 0 : i32
        %get3A_1427 = arith.index_cast %get3A_1426 : i32 to index
        %get3A_1428 = arith.index_cast %scan3A_433 : i32 to index
        %get3A_1429 = arith.constant 656 : index
        %get3A_1430 = tpu.vector_load %arg7[%get3A_1427, %get3A_1428, %get3A_1429] {strides = array<i32>} : memref<3x32x1024xf32, #tpu.memory_space<vmem>>, vector<16xf32>,
        %mul3A_1431 = arith.mulf %get3A_1430, %div3A_975 : vector<16xf32>
        %swap3A_1432 = arith.constant 0 : i32
        %swap3A_1433 = arith.index_cast %swap3A_1432 : i32 to index
        %swap3A_1434 = arith.index_cast %scan3A_433 : i32 to index
        %swap3A_1435 = arith.constant 656 : index
        %swap3A_1436 = tpu.vector_load %arg7[%swap3A_1433, %swap3A_1434, %swap3A_1435] {strides = array<i32>} : memref<3x32x1024xf32, #tpu.memory_space<vmem>>, vector<16xf32>,
        tpu.vector_store %arg7[%swap3A_1433, %swap3A_1434, %swap3A_1435], %mul3A_1431 {strides = array<i32>} : memref<3x32x1024xf32, #tpu.memory_space<vmem>>, vector<16xf32>,
        %get3A_1437 = arith.constant 0 : i32
        %get3A_1438 = arith.index_cast %get3A_1437 : i32 to index
        %get3A_1439 = arith.index_cast %scan3A_433 : i32 to index
        %get3A_1440 = arith.constant 672 : index
        %get3A_1441 = tpu.vector_load %arg7[%get3A_1438, %get3A_1439, %get3A_1440] {strides = array<i32>} : memref<3x32x1024xf32, #tpu.memory_space<vmem>>, vector<16xf32>,
        %mul3A_1442 = arith.mulf %get3A_1441, %div3A_975 : vector<16xf32>
        %swap3A_1443 = arith.constant 0 : i32
        %swap3A_1444 = arith.index_cast %swap3A_1443 : i32 to index
        %swap3A_1445 = arith.index_cast %scan3A_433 : i32 to index
        %swap3A_1446 = arith.constant 672 : index
        %swap3A_1447 = tpu.vector_load %arg7[%swap3A_1444, %swap3A_1445, %swap3A_1446] {strides = array<i32>} : memref<3x32x1024xf32, #tpu.memory_space<vmem>>, vector<16xf32>,
        tpu.vector_store %arg7[%swap3A_1444, %swap3A_1445, %swap3A_1446], %mul3A_1442 {strides = array<i32>} : memref<3x32x1024xf32, #tpu.memory_space<vmem>>, vector<16xf32>,
        %get3A_1448 = arith.constant 0 : i32
        %get3A_1449 = arith.index_cast %get3A_1448 : i32 to index
        %get3A_1450 = arith.index_cast %scan3A_433 : i32 to index
        %get3A_1451 = arith.constant 688 : index
        %get3A_1452 = tpu.vector_load %arg7[%get3A_1449, %get3A_1450, %get3A_1451] {strides = array<i32>} : memref<3x32x1024xf32, #tpu.memory_space<vmem>>, vector<16xf32>,
        %mul3A_1453 = arith.mulf %get3A_1452, %div3A_975 : vector<16xf32>
        %swap3A_1454 = arith.constant 0 : i32
        %swap3A_1455 = arith.index_cast %swap3A_1454 : i32 to index
        %swap3A_1456 = arith.index_cast %scan3A_433 : i32 to index
        %swap3A_1457 = arith.constant 688 : index
        %swap3A_1458 = tpu.vector_load %arg7[%swap3A_1455, %swap3A_1456, %swap3A_1457] {strides = array<i32>} : memref<3x32x1024xf32, #tpu.memory_space<vmem>>, vector<16xf32>,
        tpu.vector_store %arg7[%swap3A_1455, %swap3A_1456, %swap3A_1457], %mul3A_1453 {strides = array<i32>} : memref<3x32x1024xf32, #tpu.memory_space<vmem>>, vector<16xf32>,
        %get3A_1459 = arith.constant 0 : i32
        %get3A_1460 = arith.index_cast %get3A_1459 : i32 to index
        %get3A_1461 = arith.index_cast %scan3A_433 : i32 to index
        %get3A_1462 = arith.constant 704 : index
        %get3A_1463 = tpu.vector_load %arg7[%get3A_1460, %get3A_1461, %get3A_1462] {strides = array<i32>} : memref<3x32x1024xf32, #tpu.memory_space<vmem>>, vector<16xf32>,
        %mul3A_1464 = arith.mulf %get3A_1463, %div3A_975 : vector<16xf32>
        %swap3A_1465 = arith.constant 0 : i32
        %swap3A_1466 = arith.index_cast %swap3A_1465 : i32 to index
        %swap3A_1467 = arith.index_cast %scan3A_433 : i32 to index
        %swap3A_1468 = arith.constant 704 : index
        %swap3A_1469 = tpu.vector_load %arg7[%swap3A_1466, %swap3A_1467, %swap3A_1468] {strides = array<i32>} : memref<3x32x1024xf32, #tpu.memory_space<vmem>>, vector<16xf32>,
        tpu.vector_store %arg7[%swap3A_1466, %swap3A_1467, %swap3A_1468], %mul3A_1464 {strides = array<i32>} : memref<3x32x1024xf32, #tpu.memory_space<vmem>>, vector<16xf32>,
        %get3A_1470 = arith.constant 0 : i32
        %get3A_1471 = arith.index_cast %get3A_1470 : i32 to index
        %get3A_1472 = arith.index_cast %scan3A_433 : i32 to index
        %get3A_1473 = arith.constant 720 : index
        %get3A_1474 = tpu.vector_load %arg7[%get3A_1471, %get3A_1472, %get3A_1473] {strides = array<i32>} : memref<3x32x1024xf32, #tpu.memory_space<vmem>>, vector<16xf32>,
        %mul3A_1475 = arith.mulf %get3A_1474, %div3A_975 : vector<16xf32>
        %swap3A_1476 = arith.constant 0 : i32
        %swap3A_1477 = arith.index_cast %swap3A_1476 : i32 to index
        %swap3A_1478 = arith.index_cast %scan3A_433 : i32 to index
        %swap3A_1479 = arith.constant 720 : index
        %swap3A_1480 = tpu.vector_load %arg7[%swap3A_1477, %swap3A_1478, %swap3A_1479] {strides = array<i32>} : memref<3x32x1024xf32, #tpu.memory_space<vmem>>, vector<16xf32>,
        tpu.vector_store %arg7[%swap3A_1477, %swap3A_1478, %swap3A_1479], %mul3A_1475 {strides = array<i32>} : memref<3x32x1024xf32, #tpu.memory_space<vmem>>, vector<16xf32>,
        %get3A_1481 = arith.constant 0 : i32
        %get3A_1482 = arith.index_cast %get3A_1481 : i32 to index
        %get3A_1483 = arith.index_cast %scan3A_433 : i32 to index
        %get3A_1484 = arith.constant 736 : index
        %get3A_1485 = tpu.vector_load %arg7[%get3A_1482, %get3A_1483, %get3A_1484] {strides = array<i32>} : memref<3x32x1024xf32, #tpu.memory_space<vmem>>, vector<16xf32>,
        %mul3A_1486 = arith.mulf %get3A_1485, %div3A_975 : vector<16xf32>
        %swap3A_1487 = arith.constant 0 : i32
        %swap3A_1488 = arith.index_cast %swap3A_1487 : i32 to index
        %swap3A_1489 = arith.index_cast %scan3A_433 : i32 to index
        %swap3A_1490 = arith.constant 736 : index
        %swap3A_1491 = tpu.vector_load %arg7[%swap3A_1488, %swap3A_1489, %swap3A_1490] {strides = array<i32>} : memref<3x32x1024xf32, #tpu.memory_space<vmem>>, vector<16xf32>,
        tpu.vector_store %arg7[%swap3A_1488, %swap3A_1489, %swap3A_1490], %mul3A_1486 {strides = array<i32>} : memref<3x32x1024xf32, #tpu.memory_space<vmem>>, vector<16xf32>,
        %get3A_1492 = arith.constant 0 : i32
        %get3A_1493 = arith.index_cast %get3A_1492 : i32 to index
        %get3A_1494 = arith.index_cast %scan3A_433 : i32 to index
        %get3A_1495 = arith.constant 752 : index
        %get3A_1496 = tpu.vector_load %arg7[%get3A_1493, %get3A_1494, %get3A_1495] {strides = array<i32>} : memref<3x32x1024xf32, #tpu.memory_space<vmem>>, vector<16xf32>,
        %mul3A_1497 = arith.mulf %get3A_1496, %div3A_975 : vector<16xf32>
        %swap3A_1498 = arith.constant 0 : i32
        %swap3A_1499 = arith.index_cast %swap3A_1498 : i32 to index
        %swap3A_1500 = arith.index_cast %scan3A_433 : i32 to index
        %swap3A_1501 = arith.constant 752 : index
        %swap3A_1502 = tpu.vector_load %arg7[%swap3A_1499, %swap3A_1500, %swap3A_1501] {strides = array<i32>} : memref<3x32x1024xf32, #tpu.memory_space<vmem>>, vector<16xf32>,
        tpu.vector_store %arg7[%swap3A_1499, %swap3A_1500, %swap3A_1501], %mul3A_1497 {strides = array<i32>} : memref<3x32x1024xf32, #tpu.memory_space<vmem>>, vector<16xf32>,
        %get3A_1503 = arith.constant 0 : i32
        %get3A_1504 = arith.index_cast %get3A_1503 : i32 to index
        %get3A_1505 = arith.index_cast %scan3A_433 : i32 to index
        %get3A_1506 = arith.constant 768 : index
        %get3A_1507 = tpu.vector_load %arg7[%get3A_1504, %get3A_1505, %get3A_1506] {strides = array<i32>} : memref<3x32x1024xf32, #tpu.memory_space<vmem>>, vector<16xf32>,
        %mul3A_1508 = arith.mulf %get3A_1507, %div3A_975 : vector<16xf32>
        %swap3A_1509 = arith.constant 0 : i32
        %swap3A_1510 = arith.index_cast %swap3A_1509 : i32 to index
        %swap3A_1511 = arith.index_cast %scan3A_433 : i32 to index
        %swap3A_1512 = arith.constant 768 : index
        %swap3A_1513 = tpu.vector_load %arg7[%swap3A_1510, %swap3A_1511, %swap3A_1512] {strides = array<i32>} : memref<3x32x1024xf32, #tpu.memory_space<vmem>>, vector<16xf32>,
        tpu.vector_store %arg7[%swap3A_1510, %swap3A_1511, %swap3A_1512], %mul3A_1508 {strides = array<i32>} : memref<3x32x1024xf32, #tpu.memory_space<vmem>>, vector<16xf32>,
        %get3A_1514 = arith.constant 0 : i32
        %get3A_1515 = arith.index_cast %get3A_1514 : i32 to index
        %get3A_1516 = arith.index_cast %scan3A_433 : i32 to index
        %get3A_1517 = arith.constant 784 : index
        %get3A_1518 = tpu.vector_load %arg7[%get3A_1515, %get3A_1516, %get3A_1517] {strides = array<i32>} : memref<3x32x1024xf32, #tpu.memory_space<vmem>>, vector<16xf32>,
        %mul3A_1519 = arith.mulf %get3A_1518, %div3A_975 : vector<16xf32>
        %swap3A_1520 = arith.constant 0 : i32
        %swap3A_1521 = arith.index_cast %swap3A_1520 : i32 to index
        %swap3A_1522 = arith.index_cast %scan3A_433 : i32 to index
        %swap3A_1523 = arith.constant 784 : index
        %swap3A_1524 = tpu.vector_load %arg7[%swap3A_1521, %swap3A_1522, %swap3A_1523] {strides = array<i32>} : memref<3x32x1024xf32, #tpu.memory_space<vmem>>, vector<16xf32>,
        tpu.vector_store %arg7[%swap3A_1521, %swap3A_1522, %swap3A_1523], %mul3A_1519 {strides = array<i32>} : memref<3x32x1024xf32, #tpu.memory_space<vmem>>, vector<16xf32>,
        %get3A_1525 = arith.constant 0 : i32
        %get3A_1526 = arith.index_cast %get3A_1525 : i32 to index
        %get3A_1527 = arith.index_cast %scan3A_433 : i32 to index
        %get3A_1528 = arith.constant 800 : index
        %get3A_1529 = tpu.vector_load %arg7[%get3A_1526, %get3A_1527, %get3A_1528] {strides = array<i32>} : memref<3x32x1024xf32, #tpu.memory_space<vmem>>, vector<16xf32>,
        %mul3A_1530 = arith.mulf %get3A_1529, %div3A_975 : vector<16xf32>
        %swap3A_1531 = arith.constant 0 : i32
        %swap3A_1532 = arith.index_cast %swap3A_1531 : i32 to index
        %swap3A_1533 = arith.index_cast %scan3A_433 : i32 to index
        %swap3A_1534 = arith.constant 800 : index
        %swap3A_1535 = tpu.vector_load %arg7[%swap3A_1532, %swap3A_1533, %swap3A_1534] {strides = array<i32>} : memref<3x32x1024xf32, #tpu.memory_space<vmem>>, vector<16xf32>,
        tpu.vector_store %arg7[%swap3A_1532, %swap3A_1533, %swap3A_1534], %mul3A_1530 {strides = array<i32>} : memref<3x32x1024xf32, #tpu.memory_space<vmem>>, vector<16xf32>,
        %get3A_1536 = arith.constant 0 : i32
        %get3A_1537 = arith.index_cast %get3A_1536 : i32 to index
        %get3A_1538 = arith.index_cast %scan3A_433 : i32 to index
        %get3A_1539 = arith.constant 816 : index
        %get3A_1540 = tpu.vector_load %arg7[%get3A_1537, %get3A_1538, %get3A_1539] {strides = array<i32>} : memref<3x32x1024xf32, #tpu.memory_space<vmem>>, vector<16xf32>,
        %mul3A_1541 = arith.mulf %get3A_1540, %div3A_975 : vector<16xf32>
        %swap3A_1542 = arith.constant 0 : i32
        %swap3A_1543 = arith.index_cast %swap3A_1542 : i32 to index
        %swap3A_1544 = arith.index_cast %scan3A_433 : i32 to index
        %swap3A_1545 = arith.constant 816 : index
        %swap3A_1546 = tpu.vector_load %arg7[%swap3A_1543, %swap3A_1544, %swap3A_1545] {strides = array<i32>} : memref<3x32x1024xf32, #tpu.memory_space<vmem>>, vector<16xf32>,
        tpu.vector_store %arg7[%swap3A_1543, %swap3A_1544, %swap3A_1545], %mul3A_1541 {strides = array<i32>} : memref<3x32x1024xf32, #tpu.memory_space<vmem>>, vector<16xf32>,
        %get3A_1547 = arith.constant 0 : i32
        %get3A_1548 = arith.index_cast %get3A_1547 : i32 to index
        %get3A_1549 = arith.index_cast %scan3A_433 : i32 to index
        %get3A_1550 = arith.constant 832 : index
        %get3A_1551 = tpu.vector_load %arg7[%get3A_1548, %get3A_1549, %get3A_1550] {strides = array<i32>} : memref<3x32x1024xf32, #tpu.memory_space<vmem>>, vector<16xf32>,
        %mul3A_1552 = arith.mulf %get3A_1551, %div3A_975 : vector<16xf32>
        %swap3A_1553 = arith.constant 0 : i32
        %swap3A_1554 = arith.index_cast %swap3A_1553 : i32 to index
        %swap3A_1555 = arith.index_cast %scan3A_433 : i32 to index
        %swap3A_1556 = arith.constant 832 : index
        %swap3A_1557 = tpu.vector_load %arg7[%swap3A_1554, %swap3A_1555, %swap3A_1556] {strides = array<i32>} : memref<3x32x1024xf32, #tpu.memory_space<vmem>>, vector<16xf32>,
        tpu.vector_store %arg7[%swap3A_1554, %swap3A_1555, %swap3A_1556], %mul3A_1552 {strides = array<i32>} : memref<3x32x1024xf32, #tpu.memory_space<vmem>>, vector<16xf32>,
        %get3A_1558 = arith.constant 0 : i32
        %get3A_1559 = arith.index_cast %get3A_1558 : i32 to index
        %get3A_1560 = arith.index_cast %scan3A_433 : i32 to index
        %get3A_1561 = arith.constant 848 : index
        %get3A_1562 = tpu.vector_load %arg7[%get3A_1559, %get3A_1560, %get3A_1561] {strides = array<i32>} : memref<3x32x1024xf32, #tpu.memory_space<vmem>>, vector<16xf32>,
        %mul3A_1563 = arith.mulf %get3A_1562, %div3A_975 : vector<16xf32>
        %swap3A_1564 = arith.constant 0 : i32
        %swap3A_1565 = arith.index_cast %swap3A_1564 : i32 to index
        %swap3A_1566 = arith.index_cast %scan3A_433 : i32 to index
        %swap3A_1567 = arith.constant 848 : index
        %swap3A_1568 = tpu.vector_load %arg7[%swap3A_1565, %swap3A_1566, %swap3A_1567] {strides = array<i32>} : memref<3x32x1024xf32, #tpu.memory_space<vmem>>, vector<16xf32>,
        tpu.vector_store %arg7[%swap3A_1565, %swap3A_1566, %swap3A_1567], %mul3A_1563 {strides = array<i32>} : memref<3x32x1024xf32, #tpu.memory_space<vmem>>, vector<16xf32>,
        %get3A_1569 = arith.constant 0 : i32
        %get3A_1570 = arith.index_cast %get3A_1569 : i32 to index
        %get3A_1571 = arith.index_cast %scan3A_433 : i32 to index
        %get3A_1572 = arith.constant 864 : index
        %get3A_1573 = tpu.vector_load %arg7[%get3A_1570, %get3A_1571, %get3A_1572] {strides = array<i32>} : memref<3x32x1024xf32, #tpu.memory_space<vmem>>, vector<16xf32>,
        %mul3A_1574 = arith.mulf %get3A_1573, %div3A_975 : vector<16xf32>
        %swap3A_1575 = arith.constant 0 : i32
        %swap3A_1576 = arith.index_cast %swap3A_1575 : i32 to index
        %swap3A_1577 = arith.index_cast %scan3A_433 : i32 to index
        %swap3A_1578 = arith.constant 864 : index
        %swap3A_1579 = tpu.vector_load %arg7[%swap3A_1576, %swap3A_1577, %swap3A_1578] {strides = array<i32>} : memref<3x32x1024xf32, #tpu.memory_space<vmem>>, vector<16xf32>,
        tpu.vector_store %arg7[%swap3A_1576, %swap3A_1577, %swap3A_1578], %mul3A_1574 {strides = array<i32>} : memref<3x32x1024xf32, #tpu.memory_space<vmem>>, vector<16xf32>,
        %get3A_1580 = arith.constant 0 : i32
        %get3A_1581 = arith.index_cast %get3A_1580 : i32 to index
        %get3A_1582 = arith.index_cast %scan3A_433 : i32 to index
        %get3A_1583 = arith.constant 880 : index
        %get3A_1584 = tpu.vector_load %arg7[%get3A_1581, %get3A_1582, %get3A_1583] {strides = array<i32>} : memref<3x32x1024xf32, #tpu.memory_space<vmem>>, vector<16xf32>,
        %mul3A_1585 = arith.mulf %get3A_1584, %div3A_975 : vector<16xf32>
        %swap3A_1586 = arith.constant 0 : i32
        %swap3A_1587 = arith.index_cast %swap3A_1586 : i32 to index
        %swap3A_1588 = arith.index_cast %scan3A_433 : i32 to index
        %swap3A_1589 = arith.constant 880 : index
        %swap3A_1590 = tpu.vector_load %arg7[%swap3A_1587, %swap3A_1588, %swap3A_1589] {strides = array<i32>} : memref<3x32x1024xf32, #tpu.memory_space<vmem>>, vector<16xf32>,
        tpu.vector_store %arg7[%swap3A_1587, %swap3A_1588, %swap3A_1589], %mul3A_1585 {strides = array<i32>} : memref<3x32x1024xf32, #tpu.memory_space<vmem>>, vector<16xf32>,
        %get3A_1591 = arith.constant 0 : i32
        %get3A_1592 = arith.index_cast %get3A_1591 : i32 to index
        %get3A_1593 = arith.index_cast %scan3A_433 : i32 to index
        %get3A_1594 = arith.constant 896 : index
        %get3A_1595 = tpu.vector_load %arg7[%get3A_1592, %get3A_1593, %get3A_1594] {strides = array<i32>} : memref<3x32x1024xf32, #tpu.memory_space<vmem>>, vector<16xf32>,
        %mul3A_1596 = arith.mulf %get3A_1595, %div3A_975 : vector<16xf32>
        %swap3A_1597 = arith.constant 0 : i32
        %swap3A_1598 = arith.index_cast %swap3A_1597 : i32 to index
        %swap3A_1599 = arith.index_cast %scan3A_433 : i32 to index
        %swap3A_1600 = arith.constant 896 : index
        %swap3A_1601 = tpu.vector_load %arg7[%swap3A_1598, %swap3A_1599, %swap3A_1600] {strides = array<i32>} : memref<3x32x1024xf32, #tpu.memory_space<vmem>>, vector<16xf32>,
        tpu.vector_store %arg7[%swap3A_1598, %swap3A_1599, %swap3A_1600], %mul3A_1596 {strides = array<i32>} : memref<3x32x1024xf32, #tpu.memory_space<vmem>>, vector<16xf32>,
        %get3A_1602 = arith.constant 0 : i32
        %get3A_1603 = arith.index_cast %get3A_1602 : i32 to index
        %get3A_1604 = arith.index_cast %scan3A_433 : i32 to index
        %get3A_1605 = arith.constant 912 : index
        %get3A_1606 = tpu.vector_load %arg7[%get3A_1603, %get3A_1604, %get3A_1605] {strides = array<i32>} : memref<3x32x1024xf32, #tpu.memory_space<vmem>>, vector<16xf32>,
        %mul3A_1607 = arith.mulf %get3A_1606, %div3A_975 : vector<16xf32>
        %swap3A_1608 = arith.constant 0 : i32
        %swap3A_1609 = arith.index_cast %swap3A_1608 : i32 to index
        %swap3A_1610 = arith.index_cast %scan3A_433 : i32 to index
        %swap3A_1611 = arith.constant 912 : index
        %swap3A_1612 = tpu.vector_load %arg7[%swap3A_1609, %swap3A_1610, %swap3A_1611] {strides = array<i32>} : memref<3x32x1024xf32, #tpu.memory_space<vmem>>, vector<16xf32>,
        tpu.vector_store %arg7[%swap3A_1609, %swap3A_1610, %swap3A_1611], %mul3A_1607 {strides = array<i32>} : memref<3x32x1024xf32, #tpu.memory_space<vmem>>, vector<16xf32>,
        %get3A_1613 = arith.constant 0 : i32
        %get3A_1614 = arith.index_cast %get3A_1613 : i32 to index
        %get3A_1615 = arith.index_cast %scan3A_433 : i32 to index
        %get3A_1616 = arith.constant 928 : index
        %get3A_1617 = tpu.vector_load %arg7[%get3A_1614, %get3A_1615, %get3A_1616] {strides = array<i32>} : memref<3x32x1024xf32, #tpu.memory_space<vmem>>, vector<16xf32>,
        %mul3A_1618 = arith.mulf %get3A_1617, %div3A_975 : vector<16xf32>
        %swap3A_1619 = arith.constant 0 : i32
        %swap3A_1620 = arith.index_cast %swap3A_1619 : i32 to index
        %swap3A_1621 = arith.index_cast %scan3A_433 : i32 to index
        %swap3A_1622 = arith.constant 928 : index
        %swap3A_1623 = tpu.vector_load %arg7[%swap3A_1620, %swap3A_1621, %swap3A_1622] {strides = array<i32>} : memref<3x32x1024xf32, #tpu.memory_space<vmem>>, vector<16xf32>,
        tpu.vector_store %arg7[%swap3A_1620, %swap3A_1621, %swap3A_1622], %mul3A_1618 {strides = array<i32>} : memref<3x32x1024xf32, #tpu.memory_space<vmem>>, vector<16xf32>,
        %get3A_1624 = arith.constant 0 : i32
        %get3A_1625 = arith.index_cast %get3A_1624 : i32 to index
        %get3A_1626 = arith.index_cast %scan3A_433 : i32 to index
        %get3A_1627 = arith.constant 944 : index
        %get3A_1628 = tpu.vector_load %arg7[%get3A_1625, %get3A_1626, %get3A_1627] {strides = array<i32>} : memref<3x32x1024xf32, #tpu.memory_space<vmem>>, vector<16xf32>,
        %mul3A_1629 = arith.mulf %get3A_1628, %div3A_975 : vector<16xf32>
        %swap3A_1630 = arith.constant 0 : i32
        %swap3A_1631 = arith.index_cast %swap3A_1630 : i32 to index
        %swap3A_1632 = arith.index_cast %scan3A_433 : i32 to index
        %swap3A_1633 = arith.constant 944 : index
        %swap3A_1634 = tpu.vector_load %arg7[%swap3A_1631, %swap3A_1632, %swap3A_1633] {strides = array<i32>} : memref<3x32x1024xf32, #tpu.memory_space<vmem>>, vector<16xf32>,
        tpu.vector_store %arg7[%swap3A_1631, %swap3A_1632, %swap3A_1633], %mul3A_1629 {strides = array<i32>} : memref<3x32x1024xf32, #tpu.memory_space<vmem>>, vector<16xf32>,
        %get3A_1635 = arith.constant 0 : i32
        %get3A_1636 = arith.index_cast %get3A_1635 : i32 to index
        %get3A_1637 = arith.index_cast %scan3A_433 : i32 to index
        %get3A_1638 = arith.constant 960 : index
        %get3A_1639 = tpu.vector_load %arg7[%get3A_1636, %get3A_1637, %get3A_1638] {strides = array<i32>} : memref<3x32x1024xf32, #tpu.memory_space<vmem>>, vector<16xf32>,
        %mul3A_1640 = arith.mulf %get3A_1639, %div3A_975 : vector<16xf32>
        %swap3A_1641 = arith.constant 0 : i32
        %swap3A_1642 = arith.index_cast %swap3A_1641 : i32 to index
        %swap3A_1643 = arith.index_cast %scan3A_433 : i32 to index
        %swap3A_1644 = arith.constant 960 : index
        %swap3A_1645 = tpu.vector_load %arg7[%swap3A_1642, %swap3A_1643, %swap3A_1644] {strides = array<i32>} : memref<3x32x1024xf32, #tpu.memory_space<vmem>>, vector<16xf32>,
        tpu.vector_store %arg7[%swap3A_1642, %swap3A_1643, %swap3A_1644], %mul3A_1640 {strides = array<i32>} : memref<3x32x1024xf32, #tpu.memory_space<vmem>>, vector<16xf32>,
        %get3A_1646 = arith.constant 0 : i32
        %get3A_1647 = arith.index_cast %get3A_1646 : i32 to index
        %get3A_1648 = arith.index_cast %scan3A_433 : i32 to index
        %get3A_1649 = arith.constant 976 : index
        %get3A_1650 = tpu.vector_load %arg7[%get3A_1647, %get3A_1648, %get3A_1649] {strides = array<i32>} : memref<3x32x1024xf32, #tpu.memory_space<vmem>>, vector<16xf32>,
        %mul3A_1651 = arith.mulf %get3A_1650, %div3A_975 : vector<16xf32>
        %swap3A_1652 = arith.constant 0 : i32
        %swap3A_1653 = arith.index_cast %swap3A_1652 : i32 to index
        %swap3A_1654 = arith.index_cast %scan3A_433 : i32 to index
        %swap3A_1655 = arith.constant 976 : index
        %swap3A_1656 = tpu.vector_load %arg7[%swap3A_1653, %swap3A_1654, %swap3A_1655] {strides = array<i32>} : memref<3x32x1024xf32, #tpu.memory_space<vmem>>, vector<16xf32>,
        tpu.vector_store %arg7[%swap3A_1653, %swap3A_1654, %swap3A_1655], %mul3A_1651 {strides = array<i32>} : memref<3x32x1024xf32, #tpu.memory_space<vmem>>, vector<16xf32>,
        %get3A_1657 = arith.constant 0 : i32
        %get3A_1658 = arith.index_cast %get3A_1657 : i32 to index
        %get3A_1659 = arith.index_cast %scan3A_433 : i32 to index
        %get3A_1660 = arith.constant 992 : index
        %get3A_1661 = tpu.vector_load %arg7[%get3A_1658, %get3A_1659, %get3A_1660] {strides = array<i32>} : memref<3x32x1024xf32, #tpu.memory_space<vmem>>, vector<16xf32>,
        %mul3A_1662 = arith.mulf %get3A_1661, %div3A_975 : vector<16xf32>
        %swap3A_1663 = arith.constant 0 : i32
        %swap3A_1664 = arith.index_cast %swap3A_1663 : i32 to index
        %swap3A_1665 = arith.index_cast %scan3A_433 : i32 to index
        %swap3A_1666 = arith.constant 992 : index
        %swap3A_1667 = tpu.vector_load %arg7[%swap3A_1664, %swap3A_1665, %swap3A_1666] {strides = array<i32>} : memref<3x32x1024xf32, #tpu.memory_space<vmem>>, vector<16xf32>,
        tpu.vector_store %arg7[%swap3A_1664, %swap3A_1665, %swap3A_1666], %mul3A_1662 {strides = array<i32>} : memref<3x32x1024xf32, #tpu.memory_space<vmem>>, vector<16xf32>,
        %get3A_1668 = arith.constant 0 : i32
        %get3A_1669 = arith.index_cast %get3A_1668 : i32 to index
        %get3A_1670 = arith.index_cast %scan3A_433 : i32 to index
        %get3A_1671 = arith.constant 1008 : index
        %get3A_1672 = tpu.vector_load %arg7[%get3A_1669, %get3A_1670, %get3A_1671] {strides = array<i32>} : memref<3x32x1024xf32, #tpu.memory_space<vmem>>, vector<16xf32>,
        %mul3A_1673 = arith.mulf %get3A_1672, %div3A_975 : vector<16xf32>
        %swap3A_1674 = arith.constant 0 : i32
        %swap3A_1675 = arith.index_cast %swap3A_1674 : i32 to index
        %swap3A_1676 = arith.index_cast %scan3A_433 : i32 to index
        %swap3A_1677 = arith.constant 1008 : index
        %swap3A_1678 = tpu.vector_load %arg7[%swap3A_1675, %swap3A_1676, %swap3A_1677] {strides = array<i32>} : memref<3x32x1024xf32, #tpu.memory_space<vmem>>, vector<16xf32>,
        tpu.vector_store %arg7[%swap3A_1675, %swap3A_1676, %swap3A_1677], %mul3A_1673 {strides = array<i32>} : memref<3x32x1024xf32, #tpu.memory_space<vmem>>, vector<16xf32>,
        %get3A_1679 = arith.constant 0 : i32
        %get3A_1680 = arith.index_cast %get3A_1679 : i32 to index
        %get3A_1681 = arith.index_cast %scan3A_433 : i32 to index
        %get3A_1682 = arith.index_cast %multiple_of3A_912 : i32 to index
        %get3A_1683 = tpu.vector_load %arg7[%get3A_1680, %get3A_1681, %get3A_1682] {strides = array<i32>} : memref<3x32x1024xf32, #tpu.memory_space<vmem>>, vector<16xf32>,
        %eq3A_1684 = vector.broadcast %sub3A_913 : i32 to vector<16xi32>
        %eq3A_1685 = arith.cmpi eq, %iota3A, %eq3A_1684 : vector<16xi32>
        %jit3A_1686 = arith.constant 0.000000e+00 : f32
        %broadcast_in_dim3A_1687 = vector.broadcast %jit3A_1686 : f32 to vector<16xf32>
        %select_n3A_1688 = arith.select %eq3A_1685, %broadcast_in_dim3A_1687, %get3A_1683 : vector<16xi1>, vector<16xf32>
        %swap3A_1689 = arith.constant 0 : i32
        %swap3A_1690 = arith.index_cast %swap3A_1689 : i32 to index
        %swap3A_1691 = arith.index_cast %scan3A_433 : i32 to index
        %swap3A_1692 = arith.index_cast %multiple_of3A_912 : i32 to index
        %swap3A_1693 = tpu.vector_load %arg7[%swap3A_1690, %swap3A_1691, %swap3A_1692] {strides = array<i32>} : memref<3x32x1024xf32, #tpu.memory_space<vmem>>, vector<16xf32>,
        tpu.vector_store %arg7[%swap3A_1690, %swap3A_1691, %swap3A_1692], %select_n3A_1688 {strides = array<i32>} : memref<3x32x1024xf32, #tpu.memory_space<vmem>>, vector<16xf32>,
        %scan3A_1694 = arith.constant 0 : i32
        scf.yield %scan3A_1694 : i32
      }
      %scan3A_176 = arith.constant 32 : i32
      %eq3A_177 = vector.broadcast %mul3A_101 : i32 to vector<16xi32>
      %eq3A_178 = arith.cmpi eq, %iota3A, %eq3A_177 : vector<16xi32>
      %jit3A_179 = arith.constant 0 : i32
      %broadcast_in_dim3A_180 = vector.broadcast %jit3A_179 : i32 to vector<16xi32>
      %select_n3A_181 = arith.select %eq3A_178, %get3A_3, %broadcast_in_dim3A_180 : vector<16xi1>, vector<16xi32>
      %reduce_sum3A_182 = arith.constant true
      %reduce_sum3A_183 = vector.broadcast %reduce_sum3A_182 : i1 to vector<16xi1>
      %reduce_sum3A_184 = tpu.scan <sum>, %select_n3A_181 masked %reduce_sum3A_183 : vector<16xi32>, vector<16xi1> -> vector<16xi32>
      %reduce_sum3A_185 = vector.extract %reduce_sum3A_184[15] : i32 from vector<16xi32>
      %add3A_186 = arith.constant 1 : i32
      %add3A_187 = arith.addi %mul3A_101, %add3A_186 : i32
      %eq3A_188 = vector.broadcast %add3A_187 : i32 to vector<16xi32>
      %eq3A_189 = arith.cmpi eq, %iota3A, %eq3A_188 : vector<16xi32>
      %jit3A_190 = arith.constant 0 : i32
      %broadcast_in_dim3A_191 = vector.broadcast %jit3A_190 : i32 to vector<16xi32>
      %select_n3A_192 = arith.select %eq3A_189, %get3A_3, %broadcast_in_dim3A_191 : vector<16xi1>, vector<16xi32>
      %reduce_sum3A_193 = arith.constant true
      %reduce_sum3A_194 = vector.broadcast %reduce_sum3A_193 : i1 to vector<16xi1>
      %reduce_sum3A_195 = tpu.scan <sum>, %select_n3A_192 masked %reduce_sum3A_194 : vector<16xi32>, vector<16xi1> -> vector<16xi32>
      %reduce_sum3A_196 = vector.extract %reduce_sum3A_195[15] : i32 from vector<16xi32>
      %while3A_197 = arith.constant 0 : i32
      %while3A_198 = arith.subi %reduce_sum3A_196, %reduce_sum3A_185 : i32
      %while3A_199 = arith.addi %reduce_sum3A_185, %while3A_198 : i32
      %while3A_200 = arith.constant 1 : i32
      %while3A_201 = arith.divsi %while3A_198, %while3A_200 : i32
      %while3A_202 = arith.muli %while3A_201, %while3A_200 : i32
      %while3A_203 = arith.addi %reduce_sum3A_185, %while3A_202 : i32
      %while3A_204 = arith.constant 1 : i32
      %while3A_205 = scf.for %while3A_433 = %reduce_sum3A_185 to %while3A_203 step %while3A_204 iter_args(%while3A_434 = %while3A_197) -> (i32)  : i32 {
        %jit3A_435 = arith.constant 16 : i32
        %div3A = arith.divsi %while3A_433, %jit3A_435 : i32
        %sign3A = arith.constant 0 : i32
        %sign3A_436 = arith.cmpi sgt, %while3A_433, %sign3A : i32
        %sign3A_437 = arith.extui %sign3A_436 : i1 to i32
        %sign3A_438 = arith.constant 0 : i32
        %sign3A_439 = arith.cmpi slt, %while3A_433, %sign3A_438 : i32
        %sign3A_440 = arith.extui %sign3A_439 : i1 to i32
        %sign3A_441 = arith.subi %sign3A_437, %sign3A_440 : i32
        %sign3A_442 = arith.constant 0 : i32
        %sign3A_443 = arith.cmpi sgt, %jit3A_435, %sign3A_442 : i32
        %sign3A_444 = arith.extui %sign3A_443 : i1 to i32
        %sign3A_445 = arith.constant 0 : i32
        %sign3A_446 = arith.cmpi slt, %jit3A_435, %sign3A_445 : i32
        %sign3A_447 = arith.extui %sign3A_446 : i1 to i32
        %sign3A_448 = arith.subi %sign3A_444, %sign3A_447 : i32
        %ne3A = arith.cmpi ne, %sign3A_441, %sign3A_448 : i32
        %rem3A = arith.remsi %while3A_433, %jit3A_435 : i32
        %ne3A_449 = arith.constant 0 : i32
        %ne3A_450 = arith.cmpi ne, %rem3A, %ne3A_449 : i32
        %and3A = arith.andi %ne3A, %ne3A_450 : i1
        %sub3A_451 = arith.constant 1 : i32
        %sub3A_452 = arith.subi %div3A, %sub3A_451 : i32
        %select_n3A_453 = arith.select %and3A, %sub3A_452, %div3A : i32
        %mul3A_454 = arith.constant 16 : i32
        %mul3A_455 = arith.muli %select_n3A_453, %mul3A_454 : i32
        %multiple_of3A_456 = tpu.assume_multiple %mul3A_455, 16 : i32
        %get3A_457 = arith.index_cast %multiple_of3A_456 : i32 to index
        %get3A_458 = tpu.vector_load %arg9[%get3A_457] {strides = array<i32>} : memref<64xi32, #tpu.memory_space<vmem>>, vector<16xi32>,
        %sub3A_459 = arith.subi %while3A_433, %multiple_of3A_456 : i32
        %eq3A_460 = vector.broadcast %sub3A_459 : i32 to vector<16xi32>
        %eq3A_461 = arith.cmpi eq, %iota3A, %eq3A_460 : vector<16xi32>
        %jit3A_462 = arith.constant 0 : i32
        %broadcast_in_dim3A_463 = vector.broadcast %jit3A_462 : i32 to vector<16xi32>
        %select_n3A_464 = arith.select %eq3A_461, %get3A_458, %broadcast_in_dim3A_463 : vector<16xi1>, vector<16xi32>
        %reduce_sum3A_465 = arith.constant true
        %reduce_sum3A_466 = vector.broadcast %reduce_sum3A_465 : i1 to vector<16xi1>
        %reduce_sum3A_467 = tpu.scan <sum>, %select_n3A_464 masked %reduce_sum3A_466 : vector<16xi32>, vector<16xi1> -> vector<16xi32>
        %reduce_sum3A_468 = vector.extract %reduce_sum3A_467[15] : i32 from vector<16xi32>
        %dma_start3A_469 = arith.constant 0 : i32
        %dma_start3A_470 = arith.constant 0 : i32
        %dma_start3A_471 = arith.constant 0 : i32
        %dma_start3A_472 = tpu.memref_slice %arg7[%dma_start3A_469, %dma_start3A_470, %dma_start3A_471] : memref<3x32x1024xf32, #tpu.memory_space<vmem>> -> memref<1x32x1024xf32, #tpu.memory_space<vmem>>
        %dma_start3A_473 = tpu.memref_squeeze %dma_start3A_472 : memref<1x32x1024xf32, #tpu.memory_space<vmem>> -> memref<32x1024xf32, #tpu.memory_space<vmem>>
        %dma_start3A_474 = arith.constant 0 : i32
        %dma_start3A_475 = tpu.memref_slice %arg6[%reduce_sum3A_468, %multiple_of3A, %dma_start3A_474] : memref<64x1024x1024xf32, #tpu.memory_space<hbm>> -> memref<1x32x1024xf32, #tpu.memory_space<hbm>>
        %dma_start3A_476 = tpu.memref_squeeze %dma_start3A_475 : memref<1x32x1024xf32, #tpu.memory_space<hbm>> -> memref<32x1024xf32, #tpu.memory_space<hbm>>
        %dma_start3A_477 = arith.constant 0 : i32
        %dma_start3A_478 = tpu.memref_slice %arg6[%reduce_sum3A_468, %multiple_of3A, %dma_start3A_477] : memref<64x1024x1024xf32, #tpu.memory_space<hbm>> -> memref<1x32x1024xf32, #tpu.memory_space<hbm>>
        %dma_start3A_479 = tpu.memref_squeeze %dma_start3A_478 : memref<1x32x1024xf32, #tpu.memory_space<hbm>> -> memref<32x1024xf32, #tpu.memory_space<hbm>>
        %dma_start3A_480 = arith.constant 0 : i32
        %dma_start3A_481 = arith.constant 0 : i32
        %dma_start3A_482 = tpu.memref_slice %arg7[%dma_start3A_469, %dma_start3A_480, %dma_start3A_481] : memref<3x32x1024xf32, #tpu.memory_space<vmem>> -> memref<1x32x1024xf32, #tpu.memory_space<vmem>>
        %dma_start3A_483 = tpu.memref_squeeze %dma_start3A_482 : memref<1x32x1024xf32, #tpu.memory_space<vmem>> -> memref<32x1024xf32, #tpu.memory_space<vmem>>
        tpu.enqueue_dma source(%dma_start3A_483 : memref<32x1024xf32, #tpu.memory_space<vmem>>) target(%dma_start3A_479 : memref<32x1024xf32, #tpu.memory_space<hbm>>) target_semaphore(%arg11 : memref<!tpu.dma_semaphore, #tpu.memory_space<semaphore_mem>>)
        %while3A_484 = arith.constant 0 : i32
        scf.yield %while3A_484 : i32
      }
      %while3A_206 = arith.constant 1 : i32
      %while3A_207 = scf.for %while3A_433 = %while3A_203 to %while3A_199 step %while3A_206 iter_args(%while3A_434 = %while3A_205) -> (i32)  : i32 {
        %jit3A_435 = arith.constant 16 : i32
        %div3A = arith.divsi %while3A_433, %jit3A_435 : i32
        %sign3A = arith.constant 0 : i32
        %sign3A_436 = arith.cmpi sgt, %while3A_433, %sign3A : i32
        %sign3A_437 = arith.extui %sign3A_436 : i1 to i32
        %sign3A_438 = arith.constant 0 : i32
        %sign3A_439 = arith.cmpi slt, %while3A_433, %sign3A_438 : i32
        %sign3A_440 = arith.extui %sign3A_439 : i1 to i32
        %sign3A_441 = arith.subi %sign3A_437, %sign3A_440 : i32
        %sign3A_442 = arith.constant 0 : i32
        %sign3A_443 = arith.cmpi sgt, %jit3A_435, %sign3A_442 : i32
        %sign3A_444 = arith.extui %sign3A_443 : i1 to i32
        %sign3A_445 = arith.constant 0 : i32
        %sign3A_446 = arith.cmpi slt, %jit3A_435, %sign3A_445 : i32
        %sign3A_447 = arith.extui %sign3A_446 : i1 to i32
        %sign3A_448 = arith.subi %sign3A_444, %sign3A_447 : i32
        %ne3A = arith.cmpi ne, %sign3A_441, %sign3A_448 : i32
        %rem3A = arith.remsi %while3A_433, %jit3A_435 : i32
        %ne3A_449 = arith.constant 0 : i32
        %ne3A_450 = arith.cmpi ne, %rem3A, %ne3A_449 : i32
        %and3A = arith.andi %ne3A, %ne3A_450 : i1
        %sub3A_451 = arith.constant 1 : i32
        %sub3A_452 = arith.subi %div3A, %sub3A_451 : i32
        %select_n3A_453 = arith.select %and3A, %sub3A_452, %div3A : i32
        %mul3A_454 = arith.constant 16 : i32
        %mul3A_455 = arith.muli %select_n3A_453, %mul3A_454 : i32
        %multiple_of3A_456 = tpu.assume_multiple %mul3A_455, 16 : i32
        %get3A_457 = arith.index_cast %multiple_of3A_456 : i32 to index
        %get3A_458 = tpu.vector_load %arg9[%get3A_457] {strides = array<i32>} : memref<64xi32, #tpu.memory_space<vmem>>, vector<16xi32>,
        %sub3A_459 = arith.subi %while3A_433, %multiple_of3A_456 : i32
        %eq3A_460 = vector.broadcast %sub3A_459 : i32 to vector<16xi32>
        %eq3A_461 = arith.cmpi eq, %iota3A, %eq3A_460 : vector<16xi32>
        %jit3A_462 = arith.constant 0 : i32
        %broadcast_in_dim3A_463 = vector.broadcast %jit3A_462 : i32 to vector<16xi32>
        %select_n3A_464 = arith.select %eq3A_461, %get3A_458, %broadcast_in_dim3A_463 : vector<16xi1>, vector<16xi32>
        %reduce_sum3A_465 = arith.constant true
        %reduce_sum3A_466 = vector.broadcast %reduce_sum3A_465 : i1 to vector<16xi1>
        %reduce_sum3A_467 = tpu.scan <sum>, %select_n3A_464 masked %reduce_sum3A_466 : vector<16xi32>, vector<16xi1> -> vector<16xi32>
        %reduce_sum3A_468 = vector.extract %reduce_sum3A_467[15] : i32 from vector<16xi32>
        %dma_start3A_469 = arith.constant 0 : i32
        %dma_start3A_470 = arith.constant 0 : i32
        %dma_start3A_471 = arith.constant 0 : i32
        %dma_start3A_472 = tpu.memref_slice %arg7[%dma_start3A_469, %dma_start3A_470, %dma_start3A_471] : memref<3x32x1024xf32, #tpu.memory_space<vmem>> -> memref<1x32x1024xf32, #tpu.memory_space<vmem>>
        %dma_start3A_473 = tpu.memref_squeeze %dma_start3A_472 : memref<1x32x1024xf32, #tpu.memory_space<vmem>> -> memref<32x1024xf32, #tpu.memory_space<vmem>>
        %dma_start3A_474 = arith.constant 0 : i32
        %dma_start3A_475 = tpu.memref_slice %arg6[%reduce_sum3A_468, %multiple_of3A, %dma_start3A_474] : memref<64x1024x1024xf32, #tpu.memory_space<hbm>> -> memref<1x32x1024xf32, #tpu.memory_space<hbm>>
        %dma_start3A_476 = tpu.memref_squeeze %dma_start3A_475 : memref<1x32x1024xf32, #tpu.memory_space<hbm>> -> memref<32x1024xf32, #tpu.memory_space<hbm>>
        %dma_start3A_477 = arith.constant 0 : i32
        %dma_start3A_478 = tpu.memref_slice %arg6[%reduce_sum3A_468, %multiple_of3A, %dma_start3A_477] : memref<64x1024x1024xf32, #tpu.memory_space<hbm>> -> memref<1x32x1024xf32, #tpu.memory_space<hbm>>
        %dma_start3A_479 = tpu.memref_squeeze %dma_start3A_478 : memref<1x32x1024xf32, #tpu.memory_space<hbm>> -> memref<32x1024xf32, #tpu.memory_space<hbm>>
        %dma_start3A_480 = arith.constant 0 : i32
        %dma_start3A_481 = arith.constant 0 : i32
        %dma_start3A_482 = tpu.memref_slice %arg7[%dma_start3A_469, %dma_start3A_480, %dma_start3A_481] : memref<3x32x1024xf32, #tpu.memory_space<vmem>> -> memref<1x32x1024xf32, #tpu.memory_space<vmem>>
        %dma_start3A_483 = tpu.memref_squeeze %dma_start3A_482 : memref<1x32x1024xf32, #tpu.memory_space<vmem>> -> memref<32x1024xf32, #tpu.memory_space<vmem>>
        tpu.enqueue_dma source(%dma_start3A_483 : memref<32x1024xf32, #tpu.memory_space<vmem>>) target(%dma_start3A_479 : memref<32x1024xf32, #tpu.memory_space<hbm>>) target_semaphore(%arg11 : memref<!tpu.dma_semaphore, #tpu.memory_space<semaphore_mem>>)
        %while3A_484 = arith.constant 0 : i32
        scf.yield %while3A_484 : i32
      }
      %mul3A_208 = arith.constant 3 : i32
      %mul3A_209 = arith.muli %mul3A_208, %scan3A_98 : i32
      %add3A_210 = arith.constant 1 : i32
      %add3A_211 = arith.addi %mul3A_209, %add3A_210 : i32
      %sub3A_212 = arith.constant 2 : i32
      %sub3A_213 = arith.subi %add3A_211, %sub3A_212 : i32
      %eq3A_214 = vector.broadcast %sub3A_213 : i32 to vector<16xi32>
      %eq3A_215 = arith.cmpi eq, %iota3A, %eq3A_214 : vector<16xi32>
      %jit3A_216 = arith.constant 0 : i32
      %broadcast_in_dim3A_217 = vector.broadcast %jit3A_216 : i32 to vector<16xi32>
      %select_n3A_218 = arith.select %eq3A_215, %get3A_3, %broadcast_in_dim3A_217 : vector<16xi1>, vector<16xi32>
      %reduce_sum3A_219 = arith.constant true
      %reduce_sum3A_220 = vector.broadcast %reduce_sum3A_219 : i1 to vector<16xi1>
      %reduce_sum3A_221 = tpu.scan <sum>, %select_n3A_218 masked %reduce_sum3A_220 : vector<16xi32>, vector<16xi1> -> vector<16xi32>
      %reduce_sum3A_222 = vector.extract %reduce_sum3A_221[15] : i32 from vector<16xi32>
      %sub3A_223 = arith.constant 1 : i32
      %sub3A_224 = arith.subi %add3A_211, %sub3A_223 : i32
      %eq3A_225 = vector.broadcast %sub3A_224 : i32 to vector<16xi32>
      %eq3A_226 = arith.cmpi eq, %iota3A, %eq3A_225 : vector<16xi32>
      %jit3A_227 = arith.constant 0 : i32
      %broadcast_in_dim3A_228 = vector.broadcast %jit3A_227 : i32 to vector<16xi32>
      %select_n3A_229 = arith.select %eq3A_226, %get3A_3, %broadcast_in_dim3A_228 : vector<16xi1>, vector<16xi32>
      %reduce_sum3A_230 = arith.constant true
      %reduce_sum3A_231 = vector.broadcast %reduce_sum3A_230 : i1 to vector<16xi1>
      %reduce_sum3A_232 = tpu.scan <sum>, %select_n3A_229 masked %reduce_sum3A_231 : vector<16xi32>, vector<16xi1> -> vector<16xi32>
      %reduce_sum3A_233 = vector.extract %reduce_sum3A_232[15] : i32 from vector<16xi32>
      %while3A_234 = arith.constant 0 : i32
      %while3A_235 = arith.subi %reduce_sum3A_233, %reduce_sum3A_222 : i32
      %while3A_236 = arith.addi %reduce_sum3A_222, %while3A_235 : i32
      %while3A_237 = arith.constant 1 : i32
      %while3A_238 = arith.divsi %while3A_235, %while3A_237 : i32
      %while3A_239 = arith.muli %while3A_238, %while3A_237 : i32
      %while3A_240 = arith.addi %reduce_sum3A_222, %while3A_239 : i32
      %while3A_241 = arith.constant 1 : i32
      %while3A_242 = scf.for %while3A_433 = %reduce_sum3A_222 to %while3A_240 step %while3A_241 iter_args(%while3A_434 = %while3A_234) -> (i32)  : i32 {
        %dma_wait3A_435 = arith.constant 0 : i32
        %dma_wait3A_436 = arith.constant 2 : i32
        %dma_wait3A_437 = arith.constant 0 : i32
        %dma_wait3A_438 = arith.constant 0 : i32
        %dma_wait3A_439 = tpu.memref_slice %arg7[%dma_wait3A_436, %dma_wait3A_437, %dma_wait3A_438] : memref<3x32x1024xf32, #tpu.memory_space<vmem>> -> memref<1x32x1024xf32, #tpu.memory_space<vmem>>
        %dma_wait3A_440 = tpu.memref_squeeze %dma_wait3A_439 : memref<1x32x1024xf32, #tpu.memory_space<vmem>> -> memref<32x1024xf32, #tpu.memory_space<vmem>>
        %dma_wait3A_441 = arith.constant 0 : i32
        %dma_wait3A_442 = arith.constant 0 : i32
        %dma_wait3A_443 = tpu.memref_slice %arg2[%dma_wait3A_435, %dma_wait3A_441, %dma_wait3A_442] : memref<12x1024x1024xf32, #tpu.memory_space<hbm>> -> memref<1x32x1024xf32, #tpu.memory_space<hbm>>
        %dma_wait3A_444 = tpu.memref_squeeze %dma_wait3A_443 : memref<1x32x1024xf32, #tpu.memory_space<hbm>> -> memref<32x1024xf32, #tpu.memory_space<hbm>>
        %dma_wait3A_445 = arith.constant 0 : i32
        %dma_wait3A_446 = arith.constant 0 : i32
        %dma_wait3A_447 = tpu.memref_slice %arg7[%dma_wait3A_436, %dma_wait3A_445, %dma_wait3A_446] : memref<3x32x1024xf32, #tpu.memory_space<vmem>> -> memref<1x32x1024xf32, #tpu.memory_space<vmem>>
        %dma_wait3A_448 = tpu.memref_squeeze %dma_wait3A_447 : memref<1x32x1024xf32, #tpu.memory_space<vmem>> -> memref<32x1024xf32, #tpu.memory_space<vmem>>
        %dma_wait3A_449 = arith.constant 0 : i32
        %dma_wait3A_450 = arith.constant 0 : i32
        %dma_wait3A_451 = tpu.memref_slice %arg2[%dma_wait3A_435, %dma_wait3A_449, %dma_wait3A_450] : memref<12x1024x1024xf32, #tpu.memory_space<hbm>> -> memref<1x32x1024xf32, #tpu.memory_space<hbm>>
        %dma_wait3A_452 = tpu.memref_squeeze %dma_wait3A_451 : memref<1x32x1024xf32, #tpu.memory_space<hbm>> -> memref<32x1024xf32, #tpu.memory_space<hbm>>
        tpu.wait_dma2 semaphore(%arg13 : memref<!tpu.dma_semaphore, #tpu.memory_space<semaphore_mem>>) src(%dma_wait3A_452 : memref<32x1024xf32, #tpu.memory_space<hbm>>) dst(%dma_wait3A_448 : memref<32x1024xf32, #tpu.memory_space<vmem>>)
        %while3A_453 = arith.constant 0 : i32
        scf.yield %while3A_453 : i32
      }
      %while3A_243 = arith.constant 1 : i32
      %while3A_244 = scf.for %while3A_433 = %while3A_240 to %while3A_236 step %while3A_243 iter_args(%while3A_434 = %while3A_242) -> (i32)  : i32 {
        %dma_wait3A_435 = arith.constant 0 : i32
        %dma_wait3A_436 = arith.constant 2 : i32
        %dma_wait3A_437 = arith.constant 0 : i32
        %dma_wait3A_438 = arith.constant 0 : i32
        %dma_wait3A_439 = tpu.memref_slice %arg7[%dma_wait3A_436, %dma_wait3A_437, %dma_wait3A_438] : memref<3x32x1024xf32, #tpu.memory_space<vmem>> -> memref<1x32x1024xf32, #tpu.memory_space<vmem>>
        %dma_wait3A_440 = tpu.memref_squeeze %dma_wait3A_439 : memref<1x32x1024xf32, #tpu.memory_space<vmem>> -> memref<32x1024xf32, #tpu.memory_space<vmem>>
        %dma_wait3A_441 = arith.constant 0 : i32
        %dma_wait3A_442 = arith.constant 0 : i32
        %dma_wait3A_443 = tpu.memref_slice %arg2[%dma_wait3A_435, %dma_wait3A_441, %dma_wait3A_442] : memref<12x1024x1024xf32, #tpu.memory_space<hbm>> -> memref<1x32x1024xf32, #tpu.memory_space<hbm>>
        %dma_wait3A_444 = tpu.memref_squeeze %dma_wait3A_443 : memref<1x32x1024xf32, #tpu.memory_space<hbm>> -> memref<32x1024xf32, #tpu.memory_space<hbm>>
        %dma_wait3A_445 = arith.constant 0 : i32
        %dma_wait3A_446 = arith.constant 0 : i32
        %dma_wait3A_447 = tpu.memref_slice %arg7[%dma_wait3A_436, %dma_wait3A_445, %dma_wait3A_446] : memref<3x32x1024xf32, #tpu.memory_space<vmem>> -> memref<1x32x1024xf32, #tpu.memory_space<vmem>>
        %dma_wait3A_448 = tpu.memref_squeeze %dma_wait3A_447 : memref<1x32x1024xf32, #tpu.memory_space<vmem>> -> memref<32x1024xf32, #tpu.memory_space<vmem>>
        %dma_wait3A_449 = arith.constant 0 : i32
        %dma_wait3A_450 = arith.constant 0 : i32
        %dma_wait3A_451 = tpu.memref_slice %arg2[%dma_wait3A_435, %dma_wait3A_449, %dma_wait3A_450] : memref<12x1024x1024xf32, #tpu.memory_space<hbm>> -> memref<1x32x1024xf32, #tpu.memory_space<hbm>>
        %dma_wait3A_452 = tpu.memref_squeeze %dma_wait3A_451 : memref<1x32x1024xf32, #tpu.memory_space<hbm>> -> memref<32x1024xf32, #tpu.memory_space<hbm>>
        tpu.wait_dma2 semaphore(%arg13 : memref<!tpu.dma_semaphore, #tpu.memory_space<semaphore_mem>>) src(%dma_wait3A_452 : memref<32x1024xf32, #tpu.memory_space<hbm>>) dst(%dma_wait3A_448 : memref<32x1024xf32, #tpu.memory_space<vmem>>)
        %while3A_453 = arith.constant 0 : i32
        scf.yield %while3A_453 : i32
      }
      %dma_wait3A_245 = arith.constant 0 : i32
      %dma_wait3A_246 = arith.constant 1 : i32
      %dma_wait3A_247 = arith.constant 0 : i32
      %dma_wait3A_248 = arith.constant 0 : i32
      %dma_wait3A_249 = tpu.memref_slice %arg7[%dma_wait3A_246, %dma_wait3A_247, %dma_wait3A_248] : memref<3x32x1024xf32, #tpu.memory_space<vmem>> -> memref<1x32x1024xf32, #tpu.memory_space<vmem>>
      %dma_wait3A_250 = tpu.memref_squeeze %dma_wait3A_249 : memref<1x32x1024xf32, #tpu.memory_space<vmem>> -> memref<32x1024xf32, #tpu.memory_space<vmem>>
      %dma_wait3A_251 = arith.constant 0 : i32
      %dma_wait3A_252 = arith.constant 0 : i32
      %dma_wait3A_253 = tpu.memref_slice %arg2[%dma_wait3A_245, %dma_wait3A_251, %dma_wait3A_252] : memref<12x1024x1024xf32, #tpu.memory_space<hbm>> -> memref<1x32x1024xf32, #tpu.memory_space<hbm>>
      %dma_wait3A_254 = tpu.memref_squeeze %dma_wait3A_253 : memref<1x32x1024xf32, #tpu.memory_space<hbm>> -> memref<32x1024xf32, #tpu.memory_space<hbm>>
      %dma_wait3A_255 = arith.constant 0 : i32
      %dma_wait3A_256 = arith.constant 0 : i32
      %dma_wait3A_257 = tpu.memref_slice %arg7[%dma_wait3A_246, %dma_wait3A_255, %dma_wait3A_256] : memref<3x32x1024xf32, #tpu.memory_space<vmem>> -> memref<1x32x1024xf32, #tpu.memory_space<vmem>>
      %dma_wait3A_258 = tpu.memref_squeeze %dma_wait3A_257 : memref<1x32x1024xf32, #tpu.memory_space<vmem>> -> memref<32x1024xf32, #tpu.memory_space<vmem>>
      %dma_wait3A_259 = arith.constant 0 : i32
      %dma_wait3A_260 = arith.constant 0 : i32
      %dma_wait3A_261 = tpu.memref_slice %arg2[%dma_wait3A_245, %dma_wait3A_259, %dma_wait3A_260] : memref<12x1024x1024xf32, #tpu.memory_space<hbm>> -> memref<1x32x1024xf32, #tpu.memory_space<hbm>>
      %dma_wait3A_262 = tpu.memref_squeeze %dma_wait3A_261 : memref<1x32x1024xf32, #tpu.memory_space<hbm>> -> memref<32x1024xf32, #tpu.memory_space<hbm>>
      tpu.wait_dma2 semaphore(%arg14 : memref<!tpu.dma_semaphore, #tpu.memory_space<semaphore_mem>>) src(%dma_wait3A_262 : memref<32x1024xf32, #tpu.memory_space<hbm>>) dst(%dma_wait3A_258 : memref<32x1024xf32, #tpu.memory_space<vmem>>)
      %add3A_263 = arith.constant 1 : i32
      %add3A_264 = arith.addi %add3A_211, %add3A_263 : i32
      %min3A_265 = arith.constant 11 : i32
      %min3A_266 = arith.minsi %add3A_264, %min3A_265 : i32
      %dma_start3A_267 = arith.constant 2 : i32
      %dma_start3A_268 = arith.constant 0 : i32
      %dma_start3A_269 = arith.constant 0 : i32
      %dma_start3A_270 = tpu.memref_slice %arg7[%dma_start3A_267, %dma_start3A_268, %dma_start3A_269] : memref<3x32x1024xf32, #tpu.memory_space<vmem>> -> memref<1x32x1024xf32, #tpu.memory_space<vmem>>
      %dma_start3A_271 = tpu.memref_squeeze %dma_start3A_270 : memref<1x32x1024xf32, #tpu.memory_space<vmem>> -> memref<32x1024xf32, #tpu.memory_space<vmem>>
      %dma_start3A_272 = arith.constant 0 : i32
      %dma_start3A_273 = tpu.memref_slice %arg2[%min3A_266, %multiple_of3A, %dma_start3A_272] : memref<12x1024x1024xf32, #tpu.memory_space<hbm>> -> memref<1x32x1024xf32, #tpu.memory_space<hbm>>
      %dma_start3A_274 = tpu.memref_squeeze %dma_start3A_273 : memref<1x32x1024xf32, #tpu.memory_space<hbm>> -> memref<32x1024xf32, #tpu.memory_space<hbm>>
      %dma_start3A_275 = arith.constant 0 : i32
      %dma_start3A_276 = arith.constant 0 : i32
      %dma_start3A_277 = tpu.memref_slice %arg7[%dma_start3A_267, %dma_start3A_275, %dma_start3A_276] : memref<3x32x1024xf32, #tpu.memory_space<vmem>> -> memref<1x32x1024xf32, #tpu.memory_space<vmem>>
      %dma_start3A_278 = tpu.memref_squeeze %dma_start3A_277 : memref<1x32x1024xf32, #tpu.memory_space<vmem>> -> memref<32x1024xf32, #tpu.memory_space<vmem>>
      %dma_start3A_279 = arith.constant 0 : i32
      %dma_start3A_280 = tpu.memref_slice %arg2[%min3A_266, %multiple_of3A, %dma_start3A_279] : memref<12x1024x1024xf32, #tpu.memory_space<hbm>> -> memref<1x32x1024xf32, #tpu.memory_space<hbm>>
      %dma_start3A_281 = tpu.memref_squeeze %dma_start3A_280 : memref<1x32x1024xf32, #tpu.memory_space<hbm>> -> memref<32x1024xf32, #tpu.memory_space<hbm>>
      tpu.enqueue_dma source(%dma_start3A_281 : memref<32x1024xf32, #tpu.memory_space<hbm>>) target(%dma_start3A_278 : memref<32x1024xf32, #tpu.memory_space<vmem>>) target_semaphore(%arg14 : memref<!tpu.dma_semaphore, #tpu.memory_space<semaphore_mem>>)
      "tpu.region"() ({
        %run_scoped3A = tpu.sem_alloc : memref<!tpu.dma_semaphore, #tpu.memory_space<semaphore_mem>>
        %dma_start3A_433 = tpu.memref_slice %arg3[%add3A_211, %multiple_of3A] : memref<12x1024xf32, #tpu.memory_space<hbm>> -> memref<1x32xf32, #tpu.memory_space<hbm>>
        %dma_start3A_434 = tpu.memref_squeeze %dma_start3A_433 : memref<1x32xf32, #tpu.memory_space<hbm>> -> memref<32xf32, #tpu.memory_space<hbm>>
        %dma_start3A_435 = tpu.memref_slice %arg3[%add3A_211, %multiple_of3A] : memref<12x1024xf32, #tpu.memory_space<hbm>> -> memref<1x32xf32, #tpu.memory_space<hbm>>
        %dma_start3A_436 = tpu.memref_squeeze %dma_start3A_435 : memref<1x32xf32, #tpu.memory_space<hbm>> -> memref<32xf32, #tpu.memory_space<hbm>>
        tpu.enqueue_dma source(%dma_start3A_436 : memref<32xf32, #tpu.memory_space<hbm>>) target(%arg8 : memref<32xf32, #tpu.memory_space<vmem>>) target_semaphore(%run_scoped3A : memref<!tpu.dma_semaphore, #tpu.memory_space<semaphore_mem>>)
        %dma_wait3A_437 = tpu.memref_slice %arg3[%add3A_211, %multiple_of3A] : memref<12x1024xf32, #tpu.memory_space<hbm>> -> memref<1x32xf32, #tpu.memory_space<hbm>>
        %dma_wait3A_438 = tpu.memref_squeeze %dma_wait3A_437 : memref<1x32xf32, #tpu.memory_space<hbm>> -> memref<32xf32, #tpu.memory_space<hbm>>
        %dma_wait3A_439 = tpu.memref_slice %arg3[%add3A_211, %multiple_of3A] : memref<12x1024xf32, #tpu.memory_space<hbm>> -> memref<1x32xf32, #tpu.memory_space<hbm>>
        %dma_wait3A_440 = tpu.memref_squeeze %dma_wait3A_439 : memref<1x32xf32, #tpu.memory_space<hbm>> -> memref<32xf32, #tpu.memory_space<hbm>>
        tpu.wait_dma2 semaphore(%run_scoped3A : memref<!tpu.dma_semaphore, #tpu.memory_space<semaphore_mem>>) src(%dma_wait3A_440 : memref<32xf32, #tpu.memory_space<hbm>>) dst(%arg8 : memref<32xf32, #tpu.memory_space<vmem>>)
        tpu.yield
      }) : () -> ()
      %scan3A_282 = arith.constant 0 : i32
      %scan3A_283 = arith.constant 0 : i32
      %scan3A_284 = arith.constant 32 : i32
      %scan3A_285 = arith.addi %scan3A_283, %scan3A_284 : i32
      %scan3A_286 = arith.constant 1 : i32
      %scan3A_287 = scf.for %scan3A_433 = %scan3A_283 to %scan3A_285 step %scan3A_286 iter_args(%scan3A_434 = %scan3A_282) -> (i32)  : i32 {
        %add3A_435 = arith.addi %multiple_of3A, %scan3A_433 : i32
        %broadcast_in_dim3A_436 = arith.constant 0.000000e+00 : f32
        %broadcast_in_dim3A_437 = vector.broadcast %broadcast_in_dim3A_436 : f32 to vector<16xf32>
        %broadcast_in_dim3A_438 = arith.constant 0.000000e+00 : f32
        %broadcast_in_dim3A_439 = vector.broadcast %broadcast_in_dim3A_438 : f32 to vector<16xf32>
        %broadcast_in_dim3A_440 = arith.constant 0.000000e+00 : f32
        %broadcast_in_dim3A_441 = vector.broadcast %broadcast_in_dim3A_440 : f32 to vector<16xf32>
        %broadcast_in_dim3A_442 = arith.constant 0.000000e+00 : f32
        %broadcast_in_dim3A_443 = vector.broadcast %broadcast_in_dim3A_442 : f32 to vector<16xf32>
        %get3A_444 = arith.constant 1 : i32
        %get3A_445 = arith.index_cast %get3A_444 : i32 to index
        %get3A_446 = arith.index_cast %scan3A_433 : i32 to index
        %get3A_447 = arith.constant 0 : index
        %get3A_448 = tpu.vector_load %arg7[%get3A_445, %get3A_446, %get3A_447] {strides = array<i32>} : memref<3x32x1024xf32, #tpu.memory_space<vmem>>, vector<16xf32>,
        %abs3A = math.absf %get3A_448 : vector<16xf32>
        %add3A_449 = arith.addf %broadcast_in_dim3A_437, %abs3A : vector<16xf32>
        %get3A_450 = arith.constant 1 : i32
        %get3A_451 = arith.index_cast %get3A_450 : i32 to index
        %get3A_452 = arith.index_cast %scan3A_433 : i32 to index
        %get3A_453 = arith.constant 16 : index
        %get3A_454 = tpu.vector_load %arg7[%get3A_451, %get3A_452, %get3A_453] {strides = array<i32>} : memref<3x32x1024xf32, #tpu.memory_space<vmem>>, vector<16xf32>,
        %abs3A_455 = math.absf %get3A_454 : vector<16xf32>
        %add3A_456 = arith.addf %broadcast_in_dim3A_439, %abs3A_455 : vector<16xf32>
        %get3A_457 = arith.constant 1 : i32
        %get3A_458 = arith.index_cast %get3A_457 : i32 to index
        %get3A_459 = arith.index_cast %scan3A_433 : i32 to index
        %get3A_460 = arith.constant 32 : index
        %get3A_461 = tpu.vector_load %arg7[%get3A_458, %get3A_459, %get3A_460] {strides = array<i32>} : memref<3x32x1024xf32, #tpu.memory_space<vmem>>, vector<16xf32>,
        %abs3A_462 = math.absf %get3A_461 : vector<16xf32>
        %add3A_463 = arith.addf %broadcast_in_dim3A_441, %abs3A_462 : vector<16xf32>
        %get3A_464 = arith.constant 1 : i32
        %get3A_465 = arith.index_cast %get3A_464 : i32 to index
        %get3A_466 = arith.index_cast %scan3A_433 : i32 to index
        %get3A_467 = arith.constant 48 : index
        %get3A_468 = tpu.vector_load %arg7[%get3A_465, %get3A_466, %get3A_467] {strides = array<i32>} : memref<3x32x1024xf32, #tpu.memory_space<vmem>>, vector<16xf32>,
        %abs3A_469 = math.absf %get3A_468 : vector<16xf32>
        %add3A_470 = arith.addf %broadcast_in_dim3A_443, %abs3A_469 : vector<16xf32>
        %get3A_471 = arith.constant 1 : i32
        %get3A_472 = arith.index_cast %get3A_471 : i32 to index
        %get3A_473 = arith.index_cast %scan3A_433 : i32 to index
        %get3A_474 = arith.constant 64 : index
        %get3A_475 = tpu.vector_load %arg7[%get3A_472, %get3A_473, %get3A_474] {strides = array<i32>} : memref<3x32x1024xf32, #tpu.memory_space<vmem>>, vector<16xf32>,
        %abs3A_476 = math.absf %get3A_475 : vector<16xf32>
        %add3A_477 = arith.addf %add3A_449, %abs3A_476 : vector<16xf32>
        %get3A_478 = arith.constant 1 : i32
        %get3A_479 = arith.index_cast %get3A_478 : i32 to index
        %get3A_480 = arith.index_cast %scan3A_433 : i32 to index
        %get3A_481 = arith.constant 80 : index
        %get3A_482 = tpu.vector_load %arg7[%get3A_479, %get3A_480, %get3A_481] {strides = array<i32>} : memref<3x32x1024xf32, #tpu.memory_space<vmem>>, vector<16xf32>,
        %abs3A_483 = math.absf %get3A_482 : vector<16xf32>
        %add3A_484 = arith.addf %add3A_456, %abs3A_483 : vector<16xf32>
        %get3A_485 = arith.constant 1 : i32
        %get3A_486 = arith.index_cast %get3A_485 : i32 to index
        %get3A_487 = arith.index_cast %scan3A_433 : i32 to index
        %get3A_488 = arith.constant 96 : index
        %get3A_489 = tpu.vector_load %arg7[%get3A_486, %get3A_487, %get3A_488] {strides = array<i32>} : memref<3x32x1024xf32, #tpu.memory_space<vmem>>, vector<16xf32>,
        %abs3A_490 = math.absf %get3A_489 : vector<16xf32>
        %add3A_491 = arith.addf %add3A_463, %abs3A_490 : vector<16xf32>
        %get3A_492 = arith.constant 1 : i32
        %get3A_493 = arith.index_cast %get3A_492 : i32 to index
        %get3A_494 = arith.index_cast %scan3A_433 : i32 to index
        %get3A_495 = arith.constant 112 : index
        %get3A_496 = tpu.vector_load %arg7[%get3A_493, %get3A_494, %get3A_495] {strides = array<i32>} : memref<3x32x1024xf32, #tpu.memory_space<vmem>>, vector<16xf32>,
        %abs3A_497 = math.absf %get3A_496 : vector<16xf32>
        %add3A_498 = arith.addf %add3A_470, %abs3A_497 : vector<16xf32>
        %get3A_499 = arith.constant 1 : i32
        %get3A_500 = arith.index_cast %get3A_499 : i32 to index
        %get3A_501 = arith.index_cast %scan3A_433 : i32 to index
        %get3A_502 = arith.constant 128 : index
        %get3A_503 = tpu.vector_load %arg7[%get3A_500, %get3A_501, %get3A_502] {strides = array<i32>} : memref<3x32x1024xf32, #tpu.memory_space<vmem>>, vector<16xf32>,
        %abs3A_504 = math.absf %get3A_503 : vector<16xf32>
        %add3A_505 = arith.addf %add3A_477, %abs3A_504 : vector<16xf32>
        %get3A_506 = arith.constant 1 : i32
        %get3A_507 = arith.index_cast %get3A_506 : i32 to index
        %get3A_508 = arith.index_cast %scan3A_433 : i32 to index
        %get3A_509 = arith.constant 144 : index
        %get3A_510 = tpu.vector_load %arg7[%get3A_507, %get3A_508, %get3A_509] {strides = array<i32>} : memref<3x32x1024xf32, #tpu.memory_space<vmem>>, vector<16xf32>,
        %abs3A_511 = math.absf %get3A_510 : vector<16xf32>
        %add3A_512 = arith.addf %add3A_484, %abs3A_511 : vector<16xf32>
        %get3A_513 = arith.constant 1 : i32
        %get3A_514 = arith.index_cast %get3A_513 : i32 to index
        %get3A_515 = arith.index_cast %scan3A_433 : i32 to index
        %get3A_516 = arith.constant 160 : index
        %get3A_517 = tpu.vector_load %arg7[%get3A_514, %get3A_515, %get3A_516] {strides = array<i32>} : memref<3x32x1024xf32, #tpu.memory_space<vmem>>, vector<16xf32>,
        %abs3A_518 = math.absf %get3A_517 : vector<16xf32>
        %add3A_519 = arith.addf %add3A_491, %abs3A_518 : vector<16xf32>
        %get3A_520 = arith.constant 1 : i32
        %get3A_521 = arith.index_cast %get3A_520 : i32 to index
        %get3A_522 = arith.index_cast %scan3A_433 : i32 to index
        %get3A_523 = arith.constant 176 : index
        %get3A_524 = tpu.vector_load %arg7[%get3A_521, %get3A_522, %get3A_523] {strides = array<i32>} : memref<3x32x1024xf32, #tpu.memory_space<vmem>>, vector<16xf32>,
        %abs3A_525 = math.absf %get3A_524 : vector<16xf32>
        %add3A_526 = arith.addf %add3A_498, %abs3A_525 : vector<16xf32>
        %get3A_527 = arith.constant 1 : i32
        %get3A_528 = arith.index_cast %get3A_527 : i32 to index
        %get3A_529 = arith.index_cast %scan3A_433 : i32 to index
        %get3A_530 = arith.constant 192 : index
        %get3A_531 = tpu.vector_load %arg7[%get3A_528, %get3A_529, %get3A_530] {strides = array<i32>} : memref<3x32x1024xf32, #tpu.memory_space<vmem>>, vector<16xf32>,
        %abs3A_532 = math.absf %get3A_531 : vector<16xf32>
        %add3A_533 = arith.addf %add3A_505, %abs3A_532 : vector<16xf32>
        %get3A_534 = arith.constant 1 : i32
        %get3A_535 = arith.index_cast %get3A_534 : i32 to index
        %get3A_536 = arith.index_cast %scan3A_433 : i32 to index
        %get3A_537 = arith.constant 208 : index
        %get3A_538 = tpu.vector_load %arg7[%get3A_535, %get3A_536, %get3A_537] {strides = array<i32>} : memref<3x32x1024xf32, #tpu.memory_space<vmem>>, vector<16xf32>,
        %abs3A_539 = math.absf %get3A_538 : vector<16xf32>
        %add3A_540 = arith.addf %add3A_512, %abs3A_539 : vector<16xf32>
        %get3A_541 = arith.constant 1 : i32
        %get3A_542 = arith.index_cast %get3A_541 : i32 to index
        %get3A_543 = arith.index_cast %scan3A_433 : i32 to index
        %get3A_544 = arith.constant 224 : index
        %get3A_545 = tpu.vector_load %arg7[%get3A_542, %get3A_543, %get3A_544] {strides = array<i32>} : memref<3x32x1024xf32, #tpu.memory_space<vmem>>, vector<16xf32>,
        %abs3A_546 = math.absf %get3A_545 : vector<16xf32>
        %add3A_547 = arith.addf %add3A_519, %abs3A_546 : vector<16xf32>
        %get3A_548 = arith.constant 1 : i32
        %get3A_549 = arith.index_cast %get3A_548 : i32 to index
        %get3A_550 = arith.index_cast %scan3A_433 : i32 to index
        %get3A_551 = arith.constant 240 : index
        %get3A_552 = tpu.vector_load %arg7[%get3A_549, %get3A_550, %get3A_551] {strides = array<i32>} : memref<3x32x1024xf32, #tpu.memory_space<vmem>>, vector<16xf32>,
        %abs3A_553 = math.absf %get3A_552 : vector<16xf32>
        %add3A_554 = arith.addf %add3A_526, %abs3A_553 : vector<16xf32>
        %get3A_555 = arith.constant 1 : i32
        %get3A_556 = arith.index_cast %get3A_555 : i32 to index
        %get3A_557 = arith.index_cast %scan3A_433 : i32 to index
        %get3A_558 = arith.constant 256 : index
        %get3A_559 = tpu.vector_load %arg7[%get3A_556, %get3A_557, %get3A_558] {strides = array<i32>} : memref<3x32x1024xf32, #tpu.memory_space<vmem>>, vector<16xf32>,
        %abs3A_560 = math.absf %get3A_559 : vector<16xf32>
        %add3A_561 = arith.addf %add3A_533, %abs3A_560 : vector<16xf32>
        %get3A_562 = arith.constant 1 : i32
        %get3A_563 = arith.index_cast %get3A_562 : i32 to index
        %get3A_564 = arith.index_cast %scan3A_433 : i32 to index
        %get3A_565 = arith.constant 272 : index
        %get3A_566 = tpu.vector_load %arg7[%get3A_563, %get3A_564, %get3A_565] {strides = array<i32>} : memref<3x32x1024xf32, #tpu.memory_space<vmem>>, vector<16xf32>,
        %abs3A_567 = math.absf %get3A_566 : vector<16xf32>
        %add3A_568 = arith.addf %add3A_540, %abs3A_567 : vector<16xf32>
        %get3A_569 = arith.constant 1 : i32
        %get3A_570 = arith.index_cast %get3A_569 : i32 to index
        %get3A_571 = arith.index_cast %scan3A_433 : i32 to index
        %get3A_572 = arith.constant 288 : index
        %get3A_573 = tpu.vector_load %arg7[%get3A_570, %get3A_571, %get3A_572] {strides = array<i32>} : memref<3x32x1024xf32, #tpu.memory_space<vmem>>, vector<16xf32>,
        %abs3A_574 = math.absf %get3A_573 : vector<16xf32>
        %add3A_575 = arith.addf %add3A_547, %abs3A_574 : vector<16xf32>
        %get3A_576 = arith.constant 1 : i32
        %get3A_577 = arith.index_cast %get3A_576 : i32 to index
        %get3A_578 = arith.index_cast %scan3A_433 : i32 to index
        %get3A_579 = arith.constant 304 : index
        %get3A_580 = tpu.vector_load %arg7[%get3A_577, %get3A_578, %get3A_579] {strides = array<i32>} : memref<3x32x1024xf32, #tpu.memory_space<vmem>>, vector<16xf32>,
        %abs3A_581 = math.absf %get3A_580 : vector<16xf32>
        %add3A_582 = arith.addf %add3A_554, %abs3A_581 : vector<16xf32>
        %get3A_583 = arith.constant 1 : i32
        %get3A_584 = arith.index_cast %get3A_583 : i32 to index
        %get3A_585 = arith.index_cast %scan3A_433 : i32 to index
        %get3A_586 = arith.constant 320 : index
        %get3A_587 = tpu.vector_load %arg7[%get3A_584, %get3A_585, %get3A_586] {strides = array<i32>} : memref<3x32x1024xf32, #tpu.memory_space<vmem>>, vector<16xf32>,
        %abs3A_588 = math.absf %get3A_587 : vector<16xf32>
        %add3A_589 = arith.addf %add3A_561, %abs3A_588 : vector<16xf32>
        %get3A_590 = arith.constant 1 : i32
        %get3A_591 = arith.index_cast %get3A_590 : i32 to index
        %get3A_592 = arith.index_cast %scan3A_433 : i32 to index
        %get3A_593 = arith.constant 336 : index
        %get3A_594 = tpu.vector_load %arg7[%get3A_591, %get3A_592, %get3A_593] {strides = array<i32>} : memref<3x32x1024xf32, #tpu.memory_space<vmem>>, vector<16xf32>,
        %abs3A_595 = math.absf %get3A_594 : vector<16xf32>
        %add3A_596 = arith.addf %add3A_568, %abs3A_595 : vector<16xf32>
        %get3A_597 = arith.constant 1 : i32
        %get3A_598 = arith.index_cast %get3A_597 : i32 to index
        %get3A_599 = arith.index_cast %scan3A_433 : i32 to index
        %get3A_600 = arith.constant 352 : index
        %get3A_601 = tpu.vector_load %arg7[%get3A_598, %get3A_599, %get3A_600] {strides = array<i32>} : memref<3x32x1024xf32, #tpu.memory_space<vmem>>, vector<16xf32>,
        %abs3A_602 = math.absf %get3A_601 : vector<16xf32>
        %add3A_603 = arith.addf %add3A_575, %abs3A_602 : vector<16xf32>
        %get3A_604 = arith.constant 1 : i32
        %get3A_605 = arith.index_cast %get3A_604 : i32 to index
        %get3A_606 = arith.index_cast %scan3A_433 : i32 to index
        %get3A_607 = arith.constant 368 : index
        %get3A_608 = tpu.vector_load %arg7[%get3A_605, %get3A_606, %get3A_607] {strides = array<i32>} : memref<3x32x1024xf32, #tpu.memory_space<vmem>>, vector<16xf32>,
        %abs3A_609 = math.absf %get3A_608 : vector<16xf32>
        %add3A_610 = arith.addf %add3A_582, %abs3A_609 : vector<16xf32>
        %get3A_611 = arith.constant 1 : i32
        %get3A_612 = arith.index_cast %get3A_611 : i32 to index
        %get3A_613 = arith.index_cast %scan3A_433 : i32 to index
        %get3A_614 = arith.constant 384 : index
        %get3A_615 = tpu.vector_load %arg7[%get3A_612, %get3A_613, %get3A_614] {strides = array<i32>} : memref<3x32x1024xf32, #tpu.memory_space<vmem>>, vector<16xf32>,
        %abs3A_616 = math.absf %get3A_615 : vector<16xf32>
        %add3A_617 = arith.addf %add3A_589, %abs3A_616 : vector<16xf32>
        %get3A_618 = arith.constant 1 : i32
        %get3A_619 = arith.index_cast %get3A_618 : i32 to index
        %get3A_620 = arith.index_cast %scan3A_433 : i32 to index
        %get3A_621 = arith.constant 400 : index
        %get3A_622 = tpu.vector_load %arg7[%get3A_619, %get3A_620, %get3A_621] {strides = array<i32>} : memref<3x32x1024xf32, #tpu.memory_space<vmem>>, vector<16xf32>,
        %abs3A_623 = math.absf %get3A_622 : vector<16xf32>
        %add3A_624 = arith.addf %add3A_596, %abs3A_623 : vector<16xf32>
        %get3A_625 = arith.constant 1 : i32
        %get3A_626 = arith.index_cast %get3A_625 : i32 to index
        %get3A_627 = arith.index_cast %scan3A_433 : i32 to index
        %get3A_628 = arith.constant 416 : index
        %get3A_629 = tpu.vector_load %arg7[%get3A_626, %get3A_627, %get3A_628] {strides = array<i32>} : memref<3x32x1024xf32, #tpu.memory_space<vmem>>, vector<16xf32>,
        %abs3A_630 = math.absf %get3A_629 : vector<16xf32>
        %add3A_631 = arith.addf %add3A_603, %abs3A_630 : vector<16xf32>
        %get3A_632 = arith.constant 1 : i32
        %get3A_633 = arith.index_cast %get3A_632 : i32 to index
        %get3A_634 = arith.index_cast %scan3A_433 : i32 to index
        %get3A_635 = arith.constant 432 : index
        %get3A_636 = tpu.vector_load %arg7[%get3A_633, %get3A_634, %get3A_635] {strides = array<i32>} : memref<3x32x1024xf32, #tpu.memory_space<vmem>>, vector<16xf32>,
        %abs3A_637 = math.absf %get3A_636 : vector<16xf32>
        %add3A_638 = arith.addf %add3A_610, %abs3A_637 : vector<16xf32>
        %get3A_639 = arith.constant 1 : i32
        %get3A_640 = arith.index_cast %get3A_639 : i32 to index
        %get3A_641 = arith.index_cast %scan3A_433 : i32 to index
        %get3A_642 = arith.constant 448 : index
        %get3A_643 = tpu.vector_load %arg7[%get3A_640, %get3A_641, %get3A_642] {strides = array<i32>} : memref<3x32x1024xf32, #tpu.memory_space<vmem>>, vector<16xf32>,
        %abs3A_644 = math.absf %get3A_643 : vector<16xf32>
        %add3A_645 = arith.addf %add3A_617, %abs3A_644 : vector<16xf32>
        %get3A_646 = arith.constant 1 : i32
        %get3A_647 = arith.index_cast %get3A_646 : i32 to index
        %get3A_648 = arith.index_cast %scan3A_433 : i32 to index
        %get3A_649 = arith.constant 464 : index
        %get3A_650 = tpu.vector_load %arg7[%get3A_647, %get3A_648, %get3A_649] {strides = array<i32>} : memref<3x32x1024xf32, #tpu.memory_space<vmem>>, vector<16xf32>,
        %abs3A_651 = math.absf %get3A_650 : vector<16xf32>
        %add3A_652 = arith.addf %add3A_624, %abs3A_651 : vector<16xf32>
        %get3A_653 = arith.constant 1 : i32
        %get3A_654 = arith.index_cast %get3A_653 : i32 to index
        %get3A_655 = arith.index_cast %scan3A_433 : i32 to index
        %get3A_656 = arith.constant 480 : index
        %get3A_657 = tpu.vector_load %arg7[%get3A_654, %get3A_655, %get3A_656] {strides = array<i32>} : memref<3x32x1024xf32, #tpu.memory_space<vmem>>, vector<16xf32>,
        %abs3A_658 = math.absf %get3A_657 : vector<16xf32>
        %add3A_659 = arith.addf %add3A_631, %abs3A_658 : vector<16xf32>
        %get3A_660 = arith.constant 1 : i32
        %get3A_661 = arith.index_cast %get3A_660 : i32 to index
        %get3A_662 = arith.index_cast %scan3A_433 : i32 to index
        %get3A_663 = arith.constant 496 : index
        %get3A_664 = tpu.vector_load %arg7[%get3A_661, %get3A_662, %get3A_663] {strides = array<i32>} : memref<3x32x1024xf32, #tpu.memory_space<vmem>>, vector<16xf32>,
        %abs3A_665 = math.absf %get3A_664 : vector<16xf32>
        %add3A_666 = arith.addf %add3A_638, %abs3A_665 : vector<16xf32>
        %get3A_667 = arith.constant 1 : i32
        %get3A_668 = arith.index_cast %get3A_667 : i32 to index
        %get3A_669 = arith.index_cast %scan3A_433 : i32 to index
        %get3A_670 = arith.constant 512 : index
        %get3A_671 = tpu.vector_load %arg7[%get3A_668, %get3A_669, %get3A_670] {strides = array<i32>} : memref<3x32x1024xf32, #tpu.memory_space<vmem>>, vector<16xf32>,
        %abs3A_672 = math.absf %get3A_671 : vector<16xf32>
        %add3A_673 = arith.addf %add3A_645, %abs3A_672 : vector<16xf32>
        %get3A_674 = arith.constant 1 : i32
        %get3A_675 = arith.index_cast %get3A_674 : i32 to index
        %get3A_676 = arith.index_cast %scan3A_433 : i32 to index
        %get3A_677 = arith.constant 528 : index
        %get3A_678 = tpu.vector_load %arg7[%get3A_675, %get3A_676, %get3A_677] {strides = array<i32>} : memref<3x32x1024xf32, #tpu.memory_space<vmem>>, vector<16xf32>,
        %abs3A_679 = math.absf %get3A_678 : vector<16xf32>
        %add3A_680 = arith.addf %add3A_652, %abs3A_679 : vector<16xf32>
        %get3A_681 = arith.constant 1 : i32
        %get3A_682 = arith.index_cast %get3A_681 : i32 to index
        %get3A_683 = arith.index_cast %scan3A_433 : i32 to index
        %get3A_684 = arith.constant 544 : index
        %get3A_685 = tpu.vector_load %arg7[%get3A_682, %get3A_683, %get3A_684] {strides = array<i32>} : memref<3x32x1024xf32, #tpu.memory_space<vmem>>, vector<16xf32>,
        %abs3A_686 = math.absf %get3A_685 : vector<16xf32>
        %add3A_687 = arith.addf %add3A_659, %abs3A_686 : vector<16xf32>
        %get3A_688 = arith.constant 1 : i32
        %get3A_689 = arith.index_cast %get3A_688 : i32 to index
        %get3A_690 = arith.index_cast %scan3A_433 : i32 to index
        %get3A_691 = arith.constant 560 : index
        %get3A_692 = tpu.vector_load %arg7[%get3A_689, %get3A_690, %get3A_691] {strides = array<i32>} : memref<3x32x1024xf32, #tpu.memory_space<vmem>>, vector<16xf32>,
        %abs3A_693 = math.absf %get3A_692 : vector<16xf32>
        %add3A_694 = arith.addf %add3A_666, %abs3A_693 : vector<16xf32>
        %get3A_695 = arith.constant 1 : i32
        %get3A_696 = arith.index_cast %get3A_695 : i32 to index
        %get3A_697 = arith.index_cast %scan3A_433 : i32 to index
        %get3A_698 = arith.constant 576 : index
        %get3A_699 = tpu.vector_load %arg7[%get3A_696, %get3A_697, %get3A_698] {strides = array<i32>} : memref<3x32x1024xf32, #tpu.memory_space<vmem>>, vector<16xf32>,
        %abs3A_700 = math.absf %get3A_699 : vector<16xf32>
        %add3A_701 = arith.addf %add3A_673, %abs3A_700 : vector<16xf32>
        %get3A_702 = arith.constant 1 : i32
        %get3A_703 = arith.index_cast %get3A_702 : i32 to index
        %get3A_704 = arith.index_cast %scan3A_433 : i32 to index
        %get3A_705 = arith.constant 592 : index
        %get3A_706 = tpu.vector_load %arg7[%get3A_703, %get3A_704, %get3A_705] {strides = array<i32>} : memref<3x32x1024xf32, #tpu.memory_space<vmem>>, vector<16xf32>,
        %abs3A_707 = math.absf %get3A_706 : vector<16xf32>
        %add3A_708 = arith.addf %add3A_680, %abs3A_707 : vector<16xf32>
        %get3A_709 = arith.constant 1 : i32
        %get3A_710 = arith.index_cast %get3A_709 : i32 to index
        %get3A_711 = arith.index_cast %scan3A_433 : i32 to index
        %get3A_712 = arith.constant 608 : index
        %get3A_713 = tpu.vector_load %arg7[%get3A_710, %get3A_711, %get3A_712] {strides = array<i32>} : memref<3x32x1024xf32, #tpu.memory_space<vmem>>, vector<16xf32>,
        %abs3A_714 = math.absf %get3A_713 : vector<16xf32>
        %add3A_715 = arith.addf %add3A_687, %abs3A_714 : vector<16xf32>
        %get3A_716 = arith.constant 1 : i32
        %get3A_717 = arith.index_cast %get3A_716 : i32 to index
        %get3A_718 = arith.index_cast %scan3A_433 : i32 to index
        %get3A_719 = arith.constant 624 : index
        %get3A_720 = tpu.vector_load %arg7[%get3A_717, %get3A_718, %get3A_719] {strides = array<i32>} : memref<3x32x1024xf32, #tpu.memory_space<vmem>>, vector<16xf32>,
        %abs3A_721 = math.absf %get3A_720 : vector<16xf32>
        %add3A_722 = arith.addf %add3A_694, %abs3A_721 : vector<16xf32>
        %get3A_723 = arith.constant 1 : i32
        %get3A_724 = arith.index_cast %get3A_723 : i32 to index
        %get3A_725 = arith.index_cast %scan3A_433 : i32 to index
        %get3A_726 = arith.constant 640 : index
        %get3A_727 = tpu.vector_load %arg7[%get3A_724, %get3A_725, %get3A_726] {strides = array<i32>} : memref<3x32x1024xf32, #tpu.memory_space<vmem>>, vector<16xf32>,
        %abs3A_728 = math.absf %get3A_727 : vector<16xf32>
        %add3A_729 = arith.addf %add3A_701, %abs3A_728 : vector<16xf32>
        %get3A_730 = arith.constant 1 : i32
        %get3A_731 = arith.index_cast %get3A_730 : i32 to index
        %get3A_732 = arith.index_cast %scan3A_433 : i32 to index
        %get3A_733 = arith.constant 656 : index
        %get3A_734 = tpu.vector_load %arg7[%get3A_731, %get3A_732, %get3A_733] {strides = array<i32>} : memref<3x32x1024xf32, #tpu.memory_space<vmem>>, vector<16xf32>,
        %abs3A_735 = math.absf %get3A_734 : vector<16xf32>
        %add3A_736 = arith.addf %add3A_708, %abs3A_735 : vector<16xf32>
        %get3A_737 = arith.constant 1 : i32
        %get3A_738 = arith.index_cast %get3A_737 : i32 to index
        %get3A_739 = arith.index_cast %scan3A_433 : i32 to index
        %get3A_740 = arith.constant 672 : index
        %get3A_741 = tpu.vector_load %arg7[%get3A_738, %get3A_739, %get3A_740] {strides = array<i32>} : memref<3x32x1024xf32, #tpu.memory_space<vmem>>, vector<16xf32>,
        %abs3A_742 = math.absf %get3A_741 : vector<16xf32>
        %add3A_743 = arith.addf %add3A_715, %abs3A_742 : vector<16xf32>
        %get3A_744 = arith.constant 1 : i32
        %get3A_745 = arith.index_cast %get3A_744 : i32 to index
        %get3A_746 = arith.index_cast %scan3A_433 : i32 to index
        %get3A_747 = arith.constant 688 : index
        %get3A_748 = tpu.vector_load %arg7[%get3A_745, %get3A_746, %get3A_747] {strides = array<i32>} : memref<3x32x1024xf32, #tpu.memory_space<vmem>>, vector<16xf32>,
        %abs3A_749 = math.absf %get3A_748 : vector<16xf32>
        %add3A_750 = arith.addf %add3A_722, %abs3A_749 : vector<16xf32>
        %get3A_751 = arith.constant 1 : i32
        %get3A_752 = arith.index_cast %get3A_751 : i32 to index
        %get3A_753 = arith.index_cast %scan3A_433 : i32 to index
        %get3A_754 = arith.constant 704 : index
        %get3A_755 = tpu.vector_load %arg7[%get3A_752, %get3A_753, %get3A_754] {strides = array<i32>} : memref<3x32x1024xf32, #tpu.memory_space<vmem>>, vector<16xf32>,
        %abs3A_756 = math.absf %get3A_755 : vector<16xf32>
        %add3A_757 = arith.addf %add3A_729, %abs3A_756 : vector<16xf32>
        %get3A_758 = arith.constant 1 : i32
        %get3A_759 = arith.index_cast %get3A_758 : i32 to index
        %get3A_760 = arith.index_cast %scan3A_433 : i32 to index
        %get3A_761 = arith.constant 720 : index
        %get3A_762 = tpu.vector_load %arg7[%get3A_759, %get3A_760, %get3A_761] {strides = array<i32>} : memref<3x32x1024xf32, #tpu.memory_space<vmem>>, vector<16xf32>,
        %abs3A_763 = math.absf %get3A_762 : vector<16xf32>
        %add3A_764 = arith.addf %add3A_736, %abs3A_763 : vector<16xf32>
        %get3A_765 = arith.constant 1 : i32
        %get3A_766 = arith.index_cast %get3A_765 : i32 to index
        %get3A_767 = arith.index_cast %scan3A_433 : i32 to index
        %get3A_768 = arith.constant 736 : index
        %get3A_769 = tpu.vector_load %arg7[%get3A_766, %get3A_767, %get3A_768] {strides = array<i32>} : memref<3x32x1024xf32, #tpu.memory_space<vmem>>, vector<16xf32>,
        %abs3A_770 = math.absf %get3A_769 : vector<16xf32>
        %add3A_771 = arith.addf %add3A_743, %abs3A_770 : vector<16xf32>
        %get3A_772 = arith.constant 1 : i32
        %get3A_773 = arith.index_cast %get3A_772 : i32 to index
        %get3A_774 = arith.index_cast %scan3A_433 : i32 to index
        %get3A_775 = arith.constant 752 : index
        %get3A_776 = tpu.vector_load %arg7[%get3A_773, %get3A_774, %get3A_775] {strides = array<i32>} : memref<3x32x1024xf32, #tpu.memory_space<vmem>>, vector<16xf32>,
        %abs3A_777 = math.absf %get3A_776 : vector<16xf32>
        %add3A_778 = arith.addf %add3A_750, %abs3A_777 : vector<16xf32>
        %get3A_779 = arith.constant 1 : i32
        %get3A_780 = arith.index_cast %get3A_779 : i32 to index
        %get3A_781 = arith.index_cast %scan3A_433 : i32 to index
        %get3A_782 = arith.constant 768 : index
        %get3A_783 = tpu.vector_load %arg7[%get3A_780, %get3A_781, %get3A_782] {strides = array<i32>} : memref<3x32x1024xf32, #tpu.memory_space<vmem>>, vector<16xf32>,
        %abs3A_784 = math.absf %get3A_783 : vector<16xf32>
        %add3A_785 = arith.addf %add3A_757, %abs3A_784 : vector<16xf32>
        %get3A_786 = arith.constant 1 : i32
        %get3A_787 = arith.index_cast %get3A_786 : i32 to index
        %get3A_788 = arith.index_cast %scan3A_433 : i32 to index
        %get3A_789 = arith.constant 784 : index
        %get3A_790 = tpu.vector_load %arg7[%get3A_787, %get3A_788, %get3A_789] {strides = array<i32>} : memref<3x32x1024xf32, #tpu.memory_space<vmem>>, vector<16xf32>,
        %abs3A_791 = math.absf %get3A_790 : vector<16xf32>
        %add3A_792 = arith.addf %add3A_764, %abs3A_791 : vector<16xf32>
        %get3A_793 = arith.constant 1 : i32
        %get3A_794 = arith.index_cast %get3A_793 : i32 to index
        %get3A_795 = arith.index_cast %scan3A_433 : i32 to index
        %get3A_796 = arith.constant 800 : index
        %get3A_797 = tpu.vector_load %arg7[%get3A_794, %get3A_795, %get3A_796] {strides = array<i32>} : memref<3x32x1024xf32, #tpu.memory_space<vmem>>, vector<16xf32>,
        %abs3A_798 = math.absf %get3A_797 : vector<16xf32>
        %add3A_799 = arith.addf %add3A_771, %abs3A_798 : vector<16xf32>
        %get3A_800 = arith.constant 1 : i32
        %get3A_801 = arith.index_cast %get3A_800 : i32 to index
        %get3A_802 = arith.index_cast %scan3A_433 : i32 to index
        %get3A_803 = arith.constant 816 : index
        %get3A_804 = tpu.vector_load %arg7[%get3A_801, %get3A_802, %get3A_803] {strides = array<i32>} : memref<3x32x1024xf32, #tpu.memory_space<vmem>>, vector<16xf32>,
        %abs3A_805 = math.absf %get3A_804 : vector<16xf32>
        %add3A_806 = arith.addf %add3A_778, %abs3A_805 : vector<16xf32>
        %get3A_807 = arith.constant 1 : i32
        %get3A_808 = arith.index_cast %get3A_807 : i32 to index
        %get3A_809 = arith.index_cast %scan3A_433 : i32 to index
        %get3A_810 = arith.constant 832 : index
        %get3A_811 = tpu.vector_load %arg7[%get3A_808, %get3A_809, %get3A_810] {strides = array<i32>} : memref<3x32x1024xf32, #tpu.memory_space<vmem>>, vector<16xf32>,
        %abs3A_812 = math.absf %get3A_811 : vector<16xf32>
        %add3A_813 = arith.addf %add3A_785, %abs3A_812 : vector<16xf32>
        %get3A_814 = arith.constant 1 : i32
        %get3A_815 = arith.index_cast %get3A_814 : i32 to index
        %get3A_816 = arith.index_cast %scan3A_433 : i32 to index
        %get3A_817 = arith.constant 848 : index
        %get3A_818 = tpu.vector_load %arg7[%get3A_815, %get3A_816, %get3A_817] {strides = array<i32>} : memref<3x32x1024xf32, #tpu.memory_space<vmem>>, vector<16xf32>,
        %abs3A_819 = math.absf %get3A_818 : vector<16xf32>
        %add3A_820 = arith.addf %add3A_792, %abs3A_819 : vector<16xf32>
        %get3A_821 = arith.constant 1 : i32
        %get3A_822 = arith.index_cast %get3A_821 : i32 to index
        %get3A_823 = arith.index_cast %scan3A_433 : i32 to index
        %get3A_824 = arith.constant 864 : index
        %get3A_825 = tpu.vector_load %arg7[%get3A_822, %get3A_823, %get3A_824] {strides = array<i32>} : memref<3x32x1024xf32, #tpu.memory_space<vmem>>, vector<16xf32>,
        %abs3A_826 = math.absf %get3A_825 : vector<16xf32>
        %add3A_827 = arith.addf %add3A_799, %abs3A_826 : vector<16xf32>
        %get3A_828 = arith.constant 1 : i32
        %get3A_829 = arith.index_cast %get3A_828 : i32 to index
        %get3A_830 = arith.index_cast %scan3A_433 : i32 to index
        %get3A_831 = arith.constant 880 : index
        %get3A_832 = tpu.vector_load %arg7[%get3A_829, %get3A_830, %get3A_831] {strides = array<i32>} : memref<3x32x1024xf32, #tpu.memory_space<vmem>>, vector<16xf32>,
        %abs3A_833 = math.absf %get3A_832 : vector<16xf32>
        %add3A_834 = arith.addf %add3A_806, %abs3A_833 : vector<16xf32>
        %get3A_835 = arith.constant 1 : i32
        %get3A_836 = arith.index_cast %get3A_835 : i32 to index
        %get3A_837 = arith.index_cast %scan3A_433 : i32 to index
        %get3A_838 = arith.constant 896 : index
        %get3A_839 = tpu.vector_load %arg7[%get3A_836, %get3A_837, %get3A_838] {strides = array<i32>} : memref<3x32x1024xf32, #tpu.memory_space<vmem>>, vector<16xf32>,
        %abs3A_840 = math.absf %get3A_839 : vector<16xf32>
        %add3A_841 = arith.addf %add3A_813, %abs3A_840 : vector<16xf32>
        %get3A_842 = arith.constant 1 : i32
        %get3A_843 = arith.index_cast %get3A_842 : i32 to index
        %get3A_844 = arith.index_cast %scan3A_433 : i32 to index
        %get3A_845 = arith.constant 912 : index
        %get3A_846 = tpu.vector_load %arg7[%get3A_843, %get3A_844, %get3A_845] {strides = array<i32>} : memref<3x32x1024xf32, #tpu.memory_space<vmem>>, vector<16xf32>,
        %abs3A_847 = math.absf %get3A_846 : vector<16xf32>
        %add3A_848 = arith.addf %add3A_820, %abs3A_847 : vector<16xf32>
        %get3A_849 = arith.constant 1 : i32
        %get3A_850 = arith.index_cast %get3A_849 : i32 to index
        %get3A_851 = arith.index_cast %scan3A_433 : i32 to index
        %get3A_852 = arith.constant 928 : index
        %get3A_853 = tpu.vector_load %arg7[%get3A_850, %get3A_851, %get3A_852] {strides = array<i32>} : memref<3x32x1024xf32, #tpu.memory_space<vmem>>, vector<16xf32>,
        %abs3A_854 = math.absf %get3A_853 : vector<16xf32>
        %add3A_855 = arith.addf %add3A_827, %abs3A_854 : vector<16xf32>
        %get3A_856 = arith.constant 1 : i32
        %get3A_857 = arith.index_cast %get3A_856 : i32 to index
        %get3A_858 = arith.index_cast %scan3A_433 : i32 to index
        %get3A_859 = arith.constant 944 : index
        %get3A_860 = tpu.vector_load %arg7[%get3A_857, %get3A_858, %get3A_859] {strides = array<i32>} : memref<3x32x1024xf32, #tpu.memory_space<vmem>>, vector<16xf32>,
        %abs3A_861 = math.absf %get3A_860 : vector<16xf32>
        %add3A_862 = arith.addf %add3A_834, %abs3A_861 : vector<16xf32>
        %get3A_863 = arith.constant 1 : i32
        %get3A_864 = arith.index_cast %get3A_863 : i32 to index
        %get3A_865 = arith.index_cast %scan3A_433 : i32 to index
        %get3A_866 = arith.constant 960 : index
        %get3A_867 = tpu.vector_load %arg7[%get3A_864, %get3A_865, %get3A_866] {strides = array<i32>} : memref<3x32x1024xf32, #tpu.memory_space<vmem>>, vector<16xf32>,
        %abs3A_868 = math.absf %get3A_867 : vector<16xf32>
        %add3A_869 = arith.addf %add3A_841, %abs3A_868 : vector<16xf32>
        %get3A_870 = arith.constant 1 : i32
        %get3A_871 = arith.index_cast %get3A_870 : i32 to index
        %get3A_872 = arith.index_cast %scan3A_433 : i32 to index
        %get3A_873 = arith.constant 976 : index
        %get3A_874 = tpu.vector_load %arg7[%get3A_871, %get3A_872, %get3A_873] {strides = array<i32>} : memref<3x32x1024xf32, #tpu.memory_space<vmem>>, vector<16xf32>,
        %abs3A_875 = math.absf %get3A_874 : vector<16xf32>
        %add3A_876 = arith.addf %add3A_848, %abs3A_875 : vector<16xf32>
        %get3A_877 = arith.constant 1 : i32
        %get3A_878 = arith.index_cast %get3A_877 : i32 to index
        %get3A_879 = arith.index_cast %scan3A_433 : i32 to index
        %get3A_880 = arith.constant 992 : index
        %get3A_881 = tpu.vector_load %arg7[%get3A_878, %get3A_879, %get3A_880] {strides = array<i32>} : memref<3x32x1024xf32, #tpu.memory_space<vmem>>, vector<16xf32>,
        %abs3A_882 = math.absf %get3A_881 : vector<16xf32>
        %add3A_883 = arith.addf %add3A_855, %abs3A_882 : vector<16xf32>
        %get3A_884 = arith.constant 1 : i32
        %get3A_885 = arith.index_cast %get3A_884 : i32 to index
        %get3A_886 = arith.index_cast %scan3A_433 : i32 to index
        %get3A_887 = arith.constant 1008 : index
        %get3A_888 = tpu.vector_load %arg7[%get3A_885, %get3A_886, %get3A_887] {strides = array<i32>} : memref<3x32x1024xf32, #tpu.memory_space<vmem>>, vector<16xf32>,
        %abs3A_889 = math.absf %get3A_888 : vector<16xf32>
        %add3A_890 = arith.addf %add3A_862, %abs3A_889 : vector<16xf32>
        %jit3A_891 = arith.constant 16 : i32
        %div3A = arith.divsi %add3A_435, %jit3A_891 : i32
        %sign3A = arith.constant 0 : i32
        %sign3A_892 = arith.cmpi sgt, %add3A_435, %sign3A : i32
        %sign3A_893 = arith.extui %sign3A_892 : i1 to i32
        %sign3A_894 = arith.constant 0 : i32
        %sign3A_895 = arith.cmpi slt, %add3A_435, %sign3A_894 : i32
        %sign3A_896 = arith.extui %sign3A_895 : i1 to i32
        %sign3A_897 = arith.subi %sign3A_893, %sign3A_896 : i32
        %sign3A_898 = arith.constant 0 : i32
        %sign3A_899 = arith.cmpi sgt, %jit3A_891, %sign3A_898 : i32
        %sign3A_900 = arith.extui %sign3A_899 : i1 to i32
        %sign3A_901 = arith.constant 0 : i32
        %sign3A_902 = arith.cmpi slt, %jit3A_891, %sign3A_901 : i32
        %sign3A_903 = arith.extui %sign3A_902 : i1 to i32
        %sign3A_904 = arith.subi %sign3A_900, %sign3A_903 : i32
        %ne3A = arith.cmpi ne, %sign3A_897, %sign3A_904 : i32
        %rem3A = arith.remsi %add3A_435, %jit3A_891 : i32
        %ne3A_905 = arith.constant 0 : i32
        %ne3A_906 = arith.cmpi ne, %rem3A, %ne3A_905 : i32
        %and3A = arith.andi %ne3A, %ne3A_906 : i1
        %sub3A_907 = arith.constant 1 : i32
        %sub3A_908 = arith.subi %div3A, %sub3A_907 : i32
        %select_n3A_909 = arith.select %and3A, %sub3A_908, %div3A : i32
        %mul3A_910 = arith.constant 16 : i32
        %mul3A_911 = arith.muli %select_n3A_909, %mul3A_910 : i32
        %multiple_of3A_912 = tpu.assume_multiple %mul3A_911, 16 : i32
        %sub3A_913 = arith.subi %add3A_435, %multiple_of3A_912 : i32
        %get3A_914 = arith.constant 1 : i32
        %get3A_915 = arith.index_cast %get3A_914 : i32 to index
        %get3A_916 = arith.index_cast %scan3A_433 : i32 to index
        %get3A_917 = arith.index_cast %multiple_of3A_912 : i32 to index
        %get3A_918 = tpu.vector_load %arg7[%get3A_915, %get3A_916, %get3A_917] {strides = array<i32>} : memref<3x32x1024xf32, #tpu.memory_space<vmem>>, vector<16xf32>,
        %add3A_919 = arith.addf %add3A_869, %add3A_876 : vector<16xf32>
        %add3A_920 = arith.addf %add3A_883, %add3A_890 : vector<16xf32>
        %add3A_921 = arith.addf %add3A_919, %add3A_920 : vector<16xf32>
        %eq3A_922 = vector.broadcast %sub3A_913 : i32 to vector<16xi32>
        %eq3A_923 = arith.cmpi eq, %iota3A, %eq3A_922 : vector<16xi32>
        %abs3A_924 = math.absf %get3A_918 : vector<16xf32>
        %jit3A_925 = arith.constant 0.000000e+00 : f32
        %broadcast_in_dim3A_926 = vector.broadcast %jit3A_925 : f32 to vector<16xf32>
        %select_n3A_927 = arith.select %eq3A_923, %abs3A_924, %broadcast_in_dim3A_926 : vector<16xi1>, vector<16xf32>
        %sub3A_928 = arith.subf %add3A_921, %select_n3A_927 : vector<16xf32>
        %reduce_sum3A_929 = arith.constant true
        %reduce_sum3A_930 = vector.broadcast %reduce_sum3A_929 : i1 to vector<16xi1>
        %reduce_sum3A_931 = tpu.scan <sum>, %sub3A_928 masked %reduce_sum3A_930 : vector<16xf32>, vector<16xi1> -> vector<16xf32>
        %reduce_sum3A_932 = vector.extract %reduce_sum3A_931[15] : f32 from vector<16xf32>
        %max3A = arith.constant 9.99999997E-7 : f32
        %max3A_933 = arith.maximumf %reduce_sum3A_932, %max3A : f32
        %jit3A_934 = arith.constant 16 : i32
        %div3A_935 = arith.divsi %scan3A_433, %jit3A_934 : i32
        %sign3A_936 = arith.constant 0 : i32
        %sign3A_937 = arith.cmpi sgt, %scan3A_433, %sign3A_936 : i32
        %sign3A_938 = arith.extui %sign3A_937 : i1 to i32
        %sign3A_939 = arith.constant 0 : i32
        %sign3A_940 = arith.cmpi slt, %scan3A_433, %sign3A_939 : i32
        %sign3A_941 = arith.extui %sign3A_940 : i1 to i32
        %sign3A_942 = arith.subi %sign3A_938, %sign3A_941 : i32
        %sign3A_943 = arith.constant 0 : i32
        %sign3A_944 = arith.cmpi sgt, %jit3A_934, %sign3A_943 : i32
        %sign3A_945 = arith.extui %sign3A_944 : i1 to i32
        %sign3A_946 = arith.constant 0 : i32
        %sign3A_947 = arith.cmpi slt, %jit3A_934, %sign3A_946 : i32
        %sign3A_948 = arith.extui %sign3A_947 : i1 to i32
        %sign3A_949 = arith.subi %sign3A_945, %sign3A_948 : i32
        %ne3A_950 = arith.cmpi ne, %sign3A_942, %sign3A_949 : i32
        %rem3A_951 = arith.remsi %scan3A_433, %jit3A_934 : i32
        %ne3A_952 = arith.constant 0 : i32
        %ne3A_953 = arith.cmpi ne, %rem3A_951, %ne3A_952 : i32
        %and3A_954 = arith.andi %ne3A_950, %ne3A_953 : i1
        %sub3A_955 = arith.constant 1 : i32
        %sub3A_956 = arith.subi %div3A_935, %sub3A_955 : i32
        %select_n3A_957 = arith.select %and3A_954, %sub3A_956, %div3A_935 : i32
        %mul3A_958 = arith.constant 16 : i32
        %mul3A_959 = arith.muli %select_n3A_957, %mul3A_958 : i32
        %multiple_of3A_960 = tpu.assume_multiple %mul3A_959, 16 : i32
        %get3A_961 = arith.index_cast %multiple_of3A_960 : i32 to index
        %get3A_962 = tpu.vector_load %arg8[%get3A_961] {strides = array<i32>} : memref<32xf32, #tpu.memory_space<vmem>>, vector<16xf32>,
        %sub3A_963 = arith.subi %scan3A_433, %multiple_of3A_960 : i32
        %eq3A_964 = vector.broadcast %sub3A_963 : i32 to vector<16xi32>
        %eq3A_965 = arith.cmpi eq, %iota3A, %eq3A_964 : vector<16xi32>
        %jit3A_966 = arith.constant 0.000000e+00 : f32
        %broadcast_in_dim3A_967 = vector.broadcast %jit3A_966 : f32 to vector<16xf32>
        %select_n3A_968 = arith.select %eq3A_965, %get3A_962, %broadcast_in_dim3A_967 : vector<16xi1>, vector<16xf32>
        %reduce_sum3A_969 = arith.constant true
        %reduce_sum3A_970 = vector.broadcast %reduce_sum3A_969 : i1 to vector<16xi1>
        %reduce_sum3A_971 = tpu.scan <sum>, %select_n3A_968 masked %reduce_sum3A_970 : vector<16xf32>, vector<16xi1> -> vector<16xf32>
        %reduce_sum3A_972 = vector.extract %reduce_sum3A_971[15] : f32 from vector<16xf32>
        %broadcast_in_dim3A_973 = vector.broadcast %reduce_sum3A_972 : f32 to vector<16xf32>
        %broadcast_in_dim3A_974 = vector.broadcast %max3A_933 : f32 to vector<16xf32>
        %div3A_975 = arith.divf %broadcast_in_dim3A_973, %broadcast_in_dim3A_974 : vector<16xf32>
        %get3A_976 = arith.constant 1 : i32
        %get3A_977 = arith.index_cast %get3A_976 : i32 to index
        %get3A_978 = arith.index_cast %scan3A_433 : i32 to index
        %get3A_979 = arith.constant 0 : index
        %get3A_980 = tpu.vector_load %arg7[%get3A_977, %get3A_978, %get3A_979] {strides = array<i32>} : memref<3x32x1024xf32, #tpu.memory_space<vmem>>, vector<16xf32>,
        %mul3A_981 = arith.mulf %get3A_980, %div3A_975 : vector<16xf32>
        %swap3A = arith.constant 1 : i32
        %swap3A_982 = arith.index_cast %swap3A : i32 to index
        %swap3A_983 = arith.index_cast %scan3A_433 : i32 to index
        %swap3A_984 = arith.constant 0 : index
        %swap3A_985 = tpu.vector_load %arg7[%swap3A_982, %swap3A_983, %swap3A_984] {strides = array<i32>} : memref<3x32x1024xf32, #tpu.memory_space<vmem>>, vector<16xf32>,
        tpu.vector_store %arg7[%swap3A_982, %swap3A_983, %swap3A_984], %mul3A_981 {strides = array<i32>} : memref<3x32x1024xf32, #tpu.memory_space<vmem>>, vector<16xf32>,
        %get3A_986 = arith.constant 1 : i32
        %get3A_987 = arith.index_cast %get3A_986 : i32 to index
        %get3A_988 = arith.index_cast %scan3A_433 : i32 to index
        %get3A_989 = arith.constant 16 : index
        %get3A_990 = tpu.vector_load %arg7[%get3A_987, %get3A_988, %get3A_989] {strides = array<i32>} : memref<3x32x1024xf32, #tpu.memory_space<vmem>>, vector<16xf32>,
        %mul3A_991 = arith.mulf %get3A_990, %div3A_975 : vector<16xf32>
        %swap3A_992 = arith.constant 1 : i32
        %swap3A_993 = arith.index_cast %swap3A_992 : i32 to index
        %swap3A_994 = arith.index_cast %scan3A_433 : i32 to index
        %swap3A_995 = arith.constant 16 : index
        %swap3A_996 = tpu.vector_load %arg7[%swap3A_993, %swap3A_994, %swap3A_995] {strides = array<i32>} : memref<3x32x1024xf32, #tpu.memory_space<vmem>>, vector<16xf32>,
        tpu.vector_store %arg7[%swap3A_993, %swap3A_994, %swap3A_995], %mul3A_991 {strides = array<i32>} : memref<3x32x1024xf32, #tpu.memory_space<vmem>>, vector<16xf32>,
        %get3A_997 = arith.constant 1 : i32
        %get3A_998 = arith.index_cast %get3A_997 : i32 to index
        %get3A_999 = arith.index_cast %scan3A_433 : i32 to index
        %get3A_1000 = arith.constant 32 : index
        %get3A_1001 = tpu.vector_load %arg7[%get3A_998, %get3A_999, %get3A_1000] {strides = array<i32>} : memref<3x32x1024xf32, #tpu.memory_space<vmem>>, vector<16xf32>,
        %mul3A_1002 = arith.mulf %get3A_1001, %div3A_975 : vector<16xf32>
        %swap3A_1003 = arith.constant 1 : i32
        %swap3A_1004 = arith.index_cast %swap3A_1003 : i32 to index
        %swap3A_1005 = arith.index_cast %scan3A_433 : i32 to index
        %swap3A_1006 = arith.constant 32 : index
        %swap3A_1007 = tpu.vector_load %arg7[%swap3A_1004, %swap3A_1005, %swap3A_1006] {strides = array<i32>} : memref<3x32x1024xf32, #tpu.memory_space<vmem>>, vector<16xf32>,
        tpu.vector_store %arg7[%swap3A_1004, %swap3A_1005, %swap3A_1006], %mul3A_1002 {strides = array<i32>} : memref<3x32x1024xf32, #tpu.memory_space<vmem>>, vector<16xf32>,
        %get3A_1008 = arith.constant 1 : i32
        %get3A_1009 = arith.index_cast %get3A_1008 : i32 to index
        %get3A_1010 = arith.index_cast %scan3A_433 : i32 to index
        %get3A_1011 = arith.constant 48 : index
        %get3A_1012 = tpu.vector_load %arg7[%get3A_1009, %get3A_1010, %get3A_1011] {strides = array<i32>} : memref<3x32x1024xf32, #tpu.memory_space<vmem>>, vector<16xf32>,
        %mul3A_1013 = arith.mulf %get3A_1012, %div3A_975 : vector<16xf32>
        %swap3A_1014 = arith.constant 1 : i32
        %swap3A_1015 = arith.index_cast %swap3A_1014 : i32 to index
        %swap3A_1016 = arith.index_cast %scan3A_433 : i32 to index
        %swap3A_1017 = arith.constant 48 : index
        %swap3A_1018 = tpu.vector_load %arg7[%swap3A_1015, %swap3A_1016, %swap3A_1017] {strides = array<i32>} : memref<3x32x1024xf32, #tpu.memory_space<vmem>>, vector<16xf32>,
        tpu.vector_store %arg7[%swap3A_1015, %swap3A_1016, %swap3A_1017], %mul3A_1013 {strides = array<i32>} : memref<3x32x1024xf32, #tpu.memory_space<vmem>>, vector<16xf32>,
        %get3A_1019 = arith.constant 1 : i32
        %get3A_1020 = arith.index_cast %get3A_1019 : i32 to index
        %get3A_1021 = arith.index_cast %scan3A_433 : i32 to index
        %get3A_1022 = arith.constant 64 : index
        %get3A_1023 = tpu.vector_load %arg7[%get3A_1020, %get3A_1021, %get3A_1022] {strides = array<i32>} : memref<3x32x1024xf32, #tpu.memory_space<vmem>>, vector<16xf32>,
        %mul3A_1024 = arith.mulf %get3A_1023, %div3A_975 : vector<16xf32>
        %swap3A_1025 = arith.constant 1 : i32
        %swap3A_1026 = arith.index_cast %swap3A_1025 : i32 to index
        %swap3A_1027 = arith.index_cast %scan3A_433 : i32 to index
        %swap3A_1028 = arith.constant 64 : index
        %swap3A_1029 = tpu.vector_load %arg7[%swap3A_1026, %swap3A_1027, %swap3A_1028] {strides = array<i32>} : memref<3x32x1024xf32, #tpu.memory_space<vmem>>, vector<16xf32>,
        tpu.vector_store %arg7[%swap3A_1026, %swap3A_1027, %swap3A_1028], %mul3A_1024 {strides = array<i32>} : memref<3x32x1024xf32, #tpu.memory_space<vmem>>, vector<16xf32>,
        %get3A_1030 = arith.constant 1 : i32
        %get3A_1031 = arith.index_cast %get3A_1030 : i32 to index
        %get3A_1032 = arith.index_cast %scan3A_433 : i32 to index
        %get3A_1033 = arith.constant 80 : index
        %get3A_1034 = tpu.vector_load %arg7[%get3A_1031, %get3A_1032, %get3A_1033] {strides = array<i32>} : memref<3x32x1024xf32, #tpu.memory_space<vmem>>, vector<16xf32>,
        %mul3A_1035 = arith.mulf %get3A_1034, %div3A_975 : vector<16xf32>
        %swap3A_1036 = arith.constant 1 : i32
        %swap3A_1037 = arith.index_cast %swap3A_1036 : i32 to index
        %swap3A_1038 = arith.index_cast %scan3A_433 : i32 to index
        %swap3A_1039 = arith.constant 80 : index
        %swap3A_1040 = tpu.vector_load %arg7[%swap3A_1037, %swap3A_1038, %swap3A_1039] {strides = array<i32>} : memref<3x32x1024xf32, #tpu.memory_space<vmem>>, vector<16xf32>,
        tpu.vector_store %arg7[%swap3A_1037, %swap3A_1038, %swap3A_1039], %mul3A_1035 {strides = array<i32>} : memref<3x32x1024xf32, #tpu.memory_space<vmem>>, vector<16xf32>,
        %get3A_1041 = arith.constant 1 : i32
        %get3A_1042 = arith.index_cast %get3A_1041 : i32 to index
        %get3A_1043 = arith.index_cast %scan3A_433 : i32 to index
        %get3A_1044 = arith.constant 96 : index
        %get3A_1045 = tpu.vector_load %arg7[%get3A_1042, %get3A_1043, %get3A_1044] {strides = array<i32>} : memref<3x32x1024xf32, #tpu.memory_space<vmem>>, vector<16xf32>,
        %mul3A_1046 = arith.mulf %get3A_1045, %div3A_975 : vector<16xf32>
        %swap3A_1047 = arith.constant 1 : i32
        %swap3A_1048 = arith.index_cast %swap3A_1047 : i32 to index
        %swap3A_1049 = arith.index_cast %scan3A_433 : i32 to index
        %swap3A_1050 = arith.constant 96 : index
        %swap3A_1051 = tpu.vector_load %arg7[%swap3A_1048, %swap3A_1049, %swap3A_1050] {strides = array<i32>} : memref<3x32x1024xf32, #tpu.memory_space<vmem>>, vector<16xf32>,
        tpu.vector_store %arg7[%swap3A_1048, %swap3A_1049, %swap3A_1050], %mul3A_1046 {strides = array<i32>} : memref<3x32x1024xf32, #tpu.memory_space<vmem>>, vector<16xf32>,
        %get3A_1052 = arith.constant 1 : i32
        %get3A_1053 = arith.index_cast %get3A_1052 : i32 to index
        %get3A_1054 = arith.index_cast %scan3A_433 : i32 to index
        %get3A_1055 = arith.constant 112 : index
        %get3A_1056 = tpu.vector_load %arg7[%get3A_1053, %get3A_1054, %get3A_1055] {strides = array<i32>} : memref<3x32x1024xf32, #tpu.memory_space<vmem>>, vector<16xf32>,
        %mul3A_1057 = arith.mulf %get3A_1056, %div3A_975 : vector<16xf32>
        %swap3A_1058 = arith.constant 1 : i32
        %swap3A_1059 = arith.index_cast %swap3A_1058 : i32 to index
        %swap3A_1060 = arith.index_cast %scan3A_433 : i32 to index
        %swap3A_1061 = arith.constant 112 : index
        %swap3A_1062 = tpu.vector_load %arg7[%swap3A_1059, %swap3A_1060, %swap3A_1061] {strides = array<i32>} : memref<3x32x1024xf32, #tpu.memory_space<vmem>>, vector<16xf32>,
        tpu.vector_store %arg7[%swap3A_1059, %swap3A_1060, %swap3A_1061], %mul3A_1057 {strides = array<i32>} : memref<3x32x1024xf32, #tpu.memory_space<vmem>>, vector<16xf32>,
        %get3A_1063 = arith.constant 1 : i32
        %get3A_1064 = arith.index_cast %get3A_1063 : i32 to index
        %get3A_1065 = arith.index_cast %scan3A_433 : i32 to index
        %get3A_1066 = arith.constant 128 : index
        %get3A_1067 = tpu.vector_load %arg7[%get3A_1064, %get3A_1065, %get3A_1066] {strides = array<i32>} : memref<3x32x1024xf32, #tpu.memory_space<vmem>>, vector<16xf32>,
        %mul3A_1068 = arith.mulf %get3A_1067, %div3A_975 : vector<16xf32>
        %swap3A_1069 = arith.constant 1 : i32
        %swap3A_1070 = arith.index_cast %swap3A_1069 : i32 to index
        %swap3A_1071 = arith.index_cast %scan3A_433 : i32 to index
        %swap3A_1072 = arith.constant 128 : index
        %swap3A_1073 = tpu.vector_load %arg7[%swap3A_1070, %swap3A_1071, %swap3A_1072] {strides = array<i32>} : memref<3x32x1024xf32, #tpu.memory_space<vmem>>, vector<16xf32>,
        tpu.vector_store %arg7[%swap3A_1070, %swap3A_1071, %swap3A_1072], %mul3A_1068 {strides = array<i32>} : memref<3x32x1024xf32, #tpu.memory_space<vmem>>, vector<16xf32>,
        %get3A_1074 = arith.constant 1 : i32
        %get3A_1075 = arith.index_cast %get3A_1074 : i32 to index
        %get3A_1076 = arith.index_cast %scan3A_433 : i32 to index
        %get3A_1077 = arith.constant 144 : index
        %get3A_1078 = tpu.vector_load %arg7[%get3A_1075, %get3A_1076, %get3A_1077] {strides = array<i32>} : memref<3x32x1024xf32, #tpu.memory_space<vmem>>, vector<16xf32>,
        %mul3A_1079 = arith.mulf %get3A_1078, %div3A_975 : vector<16xf32>
        %swap3A_1080 = arith.constant 1 : i32
        %swap3A_1081 = arith.index_cast %swap3A_1080 : i32 to index
        %swap3A_1082 = arith.index_cast %scan3A_433 : i32 to index
        %swap3A_1083 = arith.constant 144 : index
        %swap3A_1084 = tpu.vector_load %arg7[%swap3A_1081, %swap3A_1082, %swap3A_1083] {strides = array<i32>} : memref<3x32x1024xf32, #tpu.memory_space<vmem>>, vector<16xf32>,
        tpu.vector_store %arg7[%swap3A_1081, %swap3A_1082, %swap3A_1083], %mul3A_1079 {strides = array<i32>} : memref<3x32x1024xf32, #tpu.memory_space<vmem>>, vector<16xf32>,
        %get3A_1085 = arith.constant 1 : i32
        %get3A_1086 = arith.index_cast %get3A_1085 : i32 to index
        %get3A_1087 = arith.index_cast %scan3A_433 : i32 to index
        %get3A_1088 = arith.constant 160 : index
        %get3A_1089 = tpu.vector_load %arg7[%get3A_1086, %get3A_1087, %get3A_1088] {strides = array<i32>} : memref<3x32x1024xf32, #tpu.memory_space<vmem>>, vector<16xf32>,
        %mul3A_1090 = arith.mulf %get3A_1089, %div3A_975 : vector<16xf32>
        %swap3A_1091 = arith.constant 1 : i32
        %swap3A_1092 = arith.index_cast %swap3A_1091 : i32 to index
        %swap3A_1093 = arith.index_cast %scan3A_433 : i32 to index
        %swap3A_1094 = arith.constant 160 : index
        %swap3A_1095 = tpu.vector_load %arg7[%swap3A_1092, %swap3A_1093, %swap3A_1094] {strides = array<i32>} : memref<3x32x1024xf32, #tpu.memory_space<vmem>>, vector<16xf32>,
        tpu.vector_store %arg7[%swap3A_1092, %swap3A_1093, %swap3A_1094], %mul3A_1090 {strides = array<i32>} : memref<3x32x1024xf32, #tpu.memory_space<vmem>>, vector<16xf32>,
        %get3A_1096 = arith.constant 1 : i32
        %get3A_1097 = arith.index_cast %get3A_1096 : i32 to index
        %get3A_1098 = arith.index_cast %scan3A_433 : i32 to index
        %get3A_1099 = arith.constant 176 : index
        %get3A_1100 = tpu.vector_load %arg7[%get3A_1097, %get3A_1098, %get3A_1099] {strides = array<i32>} : memref<3x32x1024xf32, #tpu.memory_space<vmem>>, vector<16xf32>,
        %mul3A_1101 = arith.mulf %get3A_1100, %div3A_975 : vector<16xf32>
        %swap3A_1102 = arith.constant 1 : i32
        %swap3A_1103 = arith.index_cast %swap3A_1102 : i32 to index
        %swap3A_1104 = arith.index_cast %scan3A_433 : i32 to index
        %swap3A_1105 = arith.constant 176 : index
        %swap3A_1106 = tpu.vector_load %arg7[%swap3A_1103, %swap3A_1104, %swap3A_1105] {strides = array<i32>} : memref<3x32x1024xf32, #tpu.memory_space<vmem>>, vector<16xf32>,
        tpu.vector_store %arg7[%swap3A_1103, %swap3A_1104, %swap3A_1105], %mul3A_1101 {strides = array<i32>} : memref<3x32x1024xf32, #tpu.memory_space<vmem>>, vector<16xf32>,
        %get3A_1107 = arith.constant 1 : i32
        %get3A_1108 = arith.index_cast %get3A_1107 : i32 to index
        %get3A_1109 = arith.index_cast %scan3A_433 : i32 to index
        %get3A_1110 = arith.constant 192 : index
        %get3A_1111 = tpu.vector_load %arg7[%get3A_1108, %get3A_1109, %get3A_1110] {strides = array<i32>} : memref<3x32x1024xf32, #tpu.memory_space<vmem>>, vector<16xf32>,
        %mul3A_1112 = arith.mulf %get3A_1111, %div3A_975 : vector<16xf32>
        %swap3A_1113 = arith.constant 1 : i32
        %swap3A_1114 = arith.index_cast %swap3A_1113 : i32 to index
        %swap3A_1115 = arith.index_cast %scan3A_433 : i32 to index
        %swap3A_1116 = arith.constant 192 : index
        %swap3A_1117 = tpu.vector_load %arg7[%swap3A_1114, %swap3A_1115, %swap3A_1116] {strides = array<i32>} : memref<3x32x1024xf32, #tpu.memory_space<vmem>>, vector<16xf32>,
        tpu.vector_store %arg7[%swap3A_1114, %swap3A_1115, %swap3A_1116], %mul3A_1112 {strides = array<i32>} : memref<3x32x1024xf32, #tpu.memory_space<vmem>>, vector<16xf32>,
        %get3A_1118 = arith.constant 1 : i32
        %get3A_1119 = arith.index_cast %get3A_1118 : i32 to index
        %get3A_1120 = arith.index_cast %scan3A_433 : i32 to index
        %get3A_1121 = arith.constant 208 : index
        %get3A_1122 = tpu.vector_load %arg7[%get3A_1119, %get3A_1120, %get3A_1121] {strides = array<i32>} : memref<3x32x1024xf32, #tpu.memory_space<vmem>>, vector<16xf32>,
        %mul3A_1123 = arith.mulf %get3A_1122, %div3A_975 : vector<16xf32>
        %swap3A_1124 = arith.constant 1 : i32
        %swap3A_1125 = arith.index_cast %swap3A_1124 : i32 to index
        %swap3A_1126 = arith.index_cast %scan3A_433 : i32 to index
        %swap3A_1127 = arith.constant 208 : index
        %swap3A_1128 = tpu.vector_load %arg7[%swap3A_1125, %swap3A_1126, %swap3A_1127] {strides = array<i32>} : memref<3x32x1024xf32, #tpu.memory_space<vmem>>, vector<16xf32>,
        tpu.vector_store %arg7[%swap3A_1125, %swap3A_1126, %swap3A_1127], %mul3A_1123 {strides = array<i32>} : memref<3x32x1024xf32, #tpu.memory_space<vmem>>, vector<16xf32>,
        %get3A_1129 = arith.constant 1 : i32
        %get3A_1130 = arith.index_cast %get3A_1129 : i32 to index
        %get3A_1131 = arith.index_cast %scan3A_433 : i32 to index
        %get3A_1132 = arith.constant 224 : index
        %get3A_1133 = tpu.vector_load %arg7[%get3A_1130, %get3A_1131, %get3A_1132] {strides = array<i32>} : memref<3x32x1024xf32, #tpu.memory_space<vmem>>, vector<16xf32>,
        %mul3A_1134 = arith.mulf %get3A_1133, %div3A_975 : vector<16xf32>
        %swap3A_1135 = arith.constant 1 : i32
        %swap3A_1136 = arith.index_cast %swap3A_1135 : i32 to index
        %swap3A_1137 = arith.index_cast %scan3A_433 : i32 to index
        %swap3A_1138 = arith.constant 224 : index
        %swap3A_1139 = tpu.vector_load %arg7[%swap3A_1136, %swap3A_1137, %swap3A_1138] {strides = array<i32>} : memref<3x32x1024xf32, #tpu.memory_space<vmem>>, vector<16xf32>,
        tpu.vector_store %arg7[%swap3A_1136, %swap3A_1137, %swap3A_1138], %mul3A_1134 {strides = array<i32>} : memref<3x32x1024xf32, #tpu.memory_space<vmem>>, vector<16xf32>,
        %get3A_1140 = arith.constant 1 : i32
        %get3A_1141 = arith.index_cast %get3A_1140 : i32 to index
        %get3A_1142 = arith.index_cast %scan3A_433 : i32 to index
        %get3A_1143 = arith.constant 240 : index
        %get3A_1144 = tpu.vector_load %arg7[%get3A_1141, %get3A_1142, %get3A_1143] {strides = array<i32>} : memref<3x32x1024xf32, #tpu.memory_space<vmem>>, vector<16xf32>,
        %mul3A_1145 = arith.mulf %get3A_1144, %div3A_975 : vector<16xf32>
        %swap3A_1146 = arith.constant 1 : i32
        %swap3A_1147 = arith.index_cast %swap3A_1146 : i32 to index
        %swap3A_1148 = arith.index_cast %scan3A_433 : i32 to index
        %swap3A_1149 = arith.constant 240 : index
        %swap3A_1150 = tpu.vector_load %arg7[%swap3A_1147, %swap3A_1148, %swap3A_1149] {strides = array<i32>} : memref<3x32x1024xf32, #tpu.memory_space<vmem>>, vector<16xf32>,
        tpu.vector_store %arg7[%swap3A_1147, %swap3A_1148, %swap3A_1149], %mul3A_1145 {strides = array<i32>} : memref<3x32x1024xf32, #tpu.memory_space<vmem>>, vector<16xf32>,
        %get3A_1151 = arith.constant 1 : i32
        %get3A_1152 = arith.index_cast %get3A_1151 : i32 to index
        %get3A_1153 = arith.index_cast %scan3A_433 : i32 to index
        %get3A_1154 = arith.constant 256 : index
        %get3A_1155 = tpu.vector_load %arg7[%get3A_1152, %get3A_1153, %get3A_1154] {strides = array<i32>} : memref<3x32x1024xf32, #tpu.memory_space<vmem>>, vector<16xf32>,
        %mul3A_1156 = arith.mulf %get3A_1155, %div3A_975 : vector<16xf32>
        %swap3A_1157 = arith.constant 1 : i32
        %swap3A_1158 = arith.index_cast %swap3A_1157 : i32 to index
        %swap3A_1159 = arith.index_cast %scan3A_433 : i32 to index
        %swap3A_1160 = arith.constant 256 : index
        %swap3A_1161 = tpu.vector_load %arg7[%swap3A_1158, %swap3A_1159, %swap3A_1160] {strides = array<i32>} : memref<3x32x1024xf32, #tpu.memory_space<vmem>>, vector<16xf32>,
        tpu.vector_store %arg7[%swap3A_1158, %swap3A_1159, %swap3A_1160], %mul3A_1156 {strides = array<i32>} : memref<3x32x1024xf32, #tpu.memory_space<vmem>>, vector<16xf32>,
        %get3A_1162 = arith.constant 1 : i32
        %get3A_1163 = arith.index_cast %get3A_1162 : i32 to index
        %get3A_1164 = arith.index_cast %scan3A_433 : i32 to index
        %get3A_1165 = arith.constant 272 : index
        %get3A_1166 = tpu.vector_load %arg7[%get3A_1163, %get3A_1164, %get3A_1165] {strides = array<i32>} : memref<3x32x1024xf32, #tpu.memory_space<vmem>>, vector<16xf32>,
        %mul3A_1167 = arith.mulf %get3A_1166, %div3A_975 : vector<16xf32>
        %swap3A_1168 = arith.constant 1 : i32
        %swap3A_1169 = arith.index_cast %swap3A_1168 : i32 to index
        %swap3A_1170 = arith.index_cast %scan3A_433 : i32 to index
        %swap3A_1171 = arith.constant 272 : index
        %swap3A_1172 = tpu.vector_load %arg7[%swap3A_1169, %swap3A_1170, %swap3A_1171] {strides = array<i32>} : memref<3x32x1024xf32, #tpu.memory_space<vmem>>, vector<16xf32>,
        tpu.vector_store %arg7[%swap3A_1169, %swap3A_1170, %swap3A_1171], %mul3A_1167 {strides = array<i32>} : memref<3x32x1024xf32, #tpu.memory_space<vmem>>, vector<16xf32>,
        %get3A_1173 = arith.constant 1 : i32
        %get3A_1174 = arith.index_cast %get3A_1173 : i32 to index
        %get3A_1175 = arith.index_cast %scan3A_433 : i32 to index
        %get3A_1176 = arith.constant 288 : index
        %get3A_1177 = tpu.vector_load %arg7[%get3A_1174, %get3A_1175, %get3A_1176] {strides = array<i32>} : memref<3x32x1024xf32, #tpu.memory_space<vmem>>, vector<16xf32>,
        %mul3A_1178 = arith.mulf %get3A_1177, %div3A_975 : vector<16xf32>
        %swap3A_1179 = arith.constant 1 : i32
        %swap3A_1180 = arith.index_cast %swap3A_1179 : i32 to index
        %swap3A_1181 = arith.index_cast %scan3A_433 : i32 to index
        %swap3A_1182 = arith.constant 288 : index
        %swap3A_1183 = tpu.vector_load %arg7[%swap3A_1180, %swap3A_1181, %swap3A_1182] {strides = array<i32>} : memref<3x32x1024xf32, #tpu.memory_space<vmem>>, vector<16xf32>,
        tpu.vector_store %arg7[%swap3A_1180, %swap3A_1181, %swap3A_1182], %mul3A_1178 {strides = array<i32>} : memref<3x32x1024xf32, #tpu.memory_space<vmem>>, vector<16xf32>,
        %get3A_1184 = arith.constant 1 : i32
        %get3A_1185 = arith.index_cast %get3A_1184 : i32 to index
        %get3A_1186 = arith.index_cast %scan3A_433 : i32 to index
        %get3A_1187 = arith.constant 304 : index
        %get3A_1188 = tpu.vector_load %arg7[%get3A_1185, %get3A_1186, %get3A_1187] {strides = array<i32>} : memref<3x32x1024xf32, #tpu.memory_space<vmem>>, vector<16xf32>,
        %mul3A_1189 = arith.mulf %get3A_1188, %div3A_975 : vector<16xf32>
        %swap3A_1190 = arith.constant 1 : i32
        %swap3A_1191 = arith.index_cast %swap3A_1190 : i32 to index
        %swap3A_1192 = arith.index_cast %scan3A_433 : i32 to index
        %swap3A_1193 = arith.constant 304 : index
        %swap3A_1194 = tpu.vector_load %arg7[%swap3A_1191, %swap3A_1192, %swap3A_1193] {strides = array<i32>} : memref<3x32x1024xf32, #tpu.memory_space<vmem>>, vector<16xf32>,
        tpu.vector_store %arg7[%swap3A_1191, %swap3A_1192, %swap3A_1193], %mul3A_1189 {strides = array<i32>} : memref<3x32x1024xf32, #tpu.memory_space<vmem>>, vector<16xf32>,
        %get3A_1195 = arith.constant 1 : i32
        %get3A_1196 = arith.index_cast %get3A_1195 : i32 to index
        %get3A_1197 = arith.index_cast %scan3A_433 : i32 to index
        %get3A_1198 = arith.constant 320 : index
        %get3A_1199 = tpu.vector_load %arg7[%get3A_1196, %get3A_1197, %get3A_1198] {strides = array<i32>} : memref<3x32x1024xf32, #tpu.memory_space<vmem>>, vector<16xf32>,
        %mul3A_1200 = arith.mulf %get3A_1199, %div3A_975 : vector<16xf32>
        %swap3A_1201 = arith.constant 1 : i32
        %swap3A_1202 = arith.index_cast %swap3A_1201 : i32 to index
        %swap3A_1203 = arith.index_cast %scan3A_433 : i32 to index
        %swap3A_1204 = arith.constant 320 : index
        %swap3A_1205 = tpu.vector_load %arg7[%swap3A_1202, %swap3A_1203, %swap3A_1204] {strides = array<i32>} : memref<3x32x1024xf32, #tpu.memory_space<vmem>>, vector<16xf32>,
        tpu.vector_store %arg7[%swap3A_1202, %swap3A_1203, %swap3A_1204], %mul3A_1200 {strides = array<i32>} : memref<3x32x1024xf32, #tpu.memory_space<vmem>>, vector<16xf32>,
        %get3A_1206 = arith.constant 1 : i32
        %get3A_1207 = arith.index_cast %get3A_1206 : i32 to index
        %get3A_1208 = arith.index_cast %scan3A_433 : i32 to index
        %get3A_1209 = arith.constant 336 : index
        %get3A_1210 = tpu.vector_load %arg7[%get3A_1207, %get3A_1208, %get3A_1209] {strides = array<i32>} : memref<3x32x1024xf32, #tpu.memory_space<vmem>>, vector<16xf32>,
        %mul3A_1211 = arith.mulf %get3A_1210, %div3A_975 : vector<16xf32>
        %swap3A_1212 = arith.constant 1 : i32
        %swap3A_1213 = arith.index_cast %swap3A_1212 : i32 to index
        %swap3A_1214 = arith.index_cast %scan3A_433 : i32 to index
        %swap3A_1215 = arith.constant 336 : index
        %swap3A_1216 = tpu.vector_load %arg7[%swap3A_1213, %swap3A_1214, %swap3A_1215] {strides = array<i32>} : memref<3x32x1024xf32, #tpu.memory_space<vmem>>, vector<16xf32>,
        tpu.vector_store %arg7[%swap3A_1213, %swap3A_1214, %swap3A_1215], %mul3A_1211 {strides = array<i32>} : memref<3x32x1024xf32, #tpu.memory_space<vmem>>, vector<16xf32>,
        %get3A_1217 = arith.constant 1 : i32
        %get3A_1218 = arith.index_cast %get3A_1217 : i32 to index
        %get3A_1219 = arith.index_cast %scan3A_433 : i32 to index
        %get3A_1220 = arith.constant 352 : index
        %get3A_1221 = tpu.vector_load %arg7[%get3A_1218, %get3A_1219, %get3A_1220] {strides = array<i32>} : memref<3x32x1024xf32, #tpu.memory_space<vmem>>, vector<16xf32>,
        %mul3A_1222 = arith.mulf %get3A_1221, %div3A_975 : vector<16xf32>
        %swap3A_1223 = arith.constant 1 : i32
        %swap3A_1224 = arith.index_cast %swap3A_1223 : i32 to index
        %swap3A_1225 = arith.index_cast %scan3A_433 : i32 to index
        %swap3A_1226 = arith.constant 352 : index
        %swap3A_1227 = tpu.vector_load %arg7[%swap3A_1224, %swap3A_1225, %swap3A_1226] {strides = array<i32>} : memref<3x32x1024xf32, #tpu.memory_space<vmem>>, vector<16xf32>,
        tpu.vector_store %arg7[%swap3A_1224, %swap3A_1225, %swap3A_1226], %mul3A_1222 {strides = array<i32>} : memref<3x32x1024xf32, #tpu.memory_space<vmem>>, vector<16xf32>,
        %get3A_1228 = arith.constant 1 : i32
        %get3A_1229 = arith.index_cast %get3A_1228 : i32 to index
        %get3A_1230 = arith.index_cast %scan3A_433 : i32 to index
        %get3A_1231 = arith.constant 368 : index
        %get3A_1232 = tpu.vector_load %arg7[%get3A_1229, %get3A_1230, %get3A_1231] {strides = array<i32>} : memref<3x32x1024xf32, #tpu.memory_space<vmem>>, vector<16xf32>,
        %mul3A_1233 = arith.mulf %get3A_1232, %div3A_975 : vector<16xf32>
        %swap3A_1234 = arith.constant 1 : i32
        %swap3A_1235 = arith.index_cast %swap3A_1234 : i32 to index
        %swap3A_1236 = arith.index_cast %scan3A_433 : i32 to index
        %swap3A_1237 = arith.constant 368 : index
        %swap3A_1238 = tpu.vector_load %arg7[%swap3A_1235, %swap3A_1236, %swap3A_1237] {strides = array<i32>} : memref<3x32x1024xf32, #tpu.memory_space<vmem>>, vector<16xf32>,
        tpu.vector_store %arg7[%swap3A_1235, %swap3A_1236, %swap3A_1237], %mul3A_1233 {strides = array<i32>} : memref<3x32x1024xf32, #tpu.memory_space<vmem>>, vector<16xf32>,
        %get3A_1239 = arith.constant 1 : i32
        %get3A_1240 = arith.index_cast %get3A_1239 : i32 to index
        %get3A_1241 = arith.index_cast %scan3A_433 : i32 to index
        %get3A_1242 = arith.constant 384 : index
        %get3A_1243 = tpu.vector_load %arg7[%get3A_1240, %get3A_1241, %get3A_1242] {strides = array<i32>} : memref<3x32x1024xf32, #tpu.memory_space<vmem>>, vector<16xf32>,
        %mul3A_1244 = arith.mulf %get3A_1243, %div3A_975 : vector<16xf32>
        %swap3A_1245 = arith.constant 1 : i32
        %swap3A_1246 = arith.index_cast %swap3A_1245 : i32 to index
        %swap3A_1247 = arith.index_cast %scan3A_433 : i32 to index
        %swap3A_1248 = arith.constant 384 : index
        %swap3A_1249 = tpu.vector_load %arg7[%swap3A_1246, %swap3A_1247, %swap3A_1248] {strides = array<i32>} : memref<3x32x1024xf32, #tpu.memory_space<vmem>>, vector<16xf32>,
        tpu.vector_store %arg7[%swap3A_1246, %swap3A_1247, %swap3A_1248], %mul3A_1244 {strides = array<i32>} : memref<3x32x1024xf32, #tpu.memory_space<vmem>>, vector<16xf32>,
        %get3A_1250 = arith.constant 1 : i32
        %get3A_1251 = arith.index_cast %get3A_1250 : i32 to index
        %get3A_1252 = arith.index_cast %scan3A_433 : i32 to index
        %get3A_1253 = arith.constant 400 : index
        %get3A_1254 = tpu.vector_load %arg7[%get3A_1251, %get3A_1252, %get3A_1253] {strides = array<i32>} : memref<3x32x1024xf32, #tpu.memory_space<vmem>>, vector<16xf32>,
        %mul3A_1255 = arith.mulf %get3A_1254, %div3A_975 : vector<16xf32>
        %swap3A_1256 = arith.constant 1 : i32
        %swap3A_1257 = arith.index_cast %swap3A_1256 : i32 to index
        %swap3A_1258 = arith.index_cast %scan3A_433 : i32 to index
        %swap3A_1259 = arith.constant 400 : index
        %swap3A_1260 = tpu.vector_load %arg7[%swap3A_1257, %swap3A_1258, %swap3A_1259] {strides = array<i32>} : memref<3x32x1024xf32, #tpu.memory_space<vmem>>, vector<16xf32>,
        tpu.vector_store %arg7[%swap3A_1257, %swap3A_1258, %swap3A_1259], %mul3A_1255 {strides = array<i32>} : memref<3x32x1024xf32, #tpu.memory_space<vmem>>, vector<16xf32>,
        %get3A_1261 = arith.constant 1 : i32
        %get3A_1262 = arith.index_cast %get3A_1261 : i32 to index
        %get3A_1263 = arith.index_cast %scan3A_433 : i32 to index
        %get3A_1264 = arith.constant 416 : index
        %get3A_1265 = tpu.vector_load %arg7[%get3A_1262, %get3A_1263, %get3A_1264] {strides = array<i32>} : memref<3x32x1024xf32, #tpu.memory_space<vmem>>, vector<16xf32>,
        %mul3A_1266 = arith.mulf %get3A_1265, %div3A_975 : vector<16xf32>
        %swap3A_1267 = arith.constant 1 : i32
        %swap3A_1268 = arith.index_cast %swap3A_1267 : i32 to index
        %swap3A_1269 = arith.index_cast %scan3A_433 : i32 to index
        %swap3A_1270 = arith.constant 416 : index
        %swap3A_1271 = tpu.vector_load %arg7[%swap3A_1268, %swap3A_1269, %swap3A_1270] {strides = array<i32>} : memref<3x32x1024xf32, #tpu.memory_space<vmem>>, vector<16xf32>,
        tpu.vector_store %arg7[%swap3A_1268, %swap3A_1269, %swap3A_1270], %mul3A_1266 {strides = array<i32>} : memref<3x32x1024xf32, #tpu.memory_space<vmem>>, vector<16xf32>,
        %get3A_1272 = arith.constant 1 : i32
        %get3A_1273 = arith.index_cast %get3A_1272 : i32 to index
        %get3A_1274 = arith.index_cast %scan3A_433 : i32 to index
        %get3A_1275 = arith.constant 432 : index
        %get3A_1276 = tpu.vector_load %arg7[%get3A_1273, %get3A_1274, %get3A_1275] {strides = array<i32>} : memref<3x32x1024xf32, #tpu.memory_space<vmem>>, vector<16xf32>,
        %mul3A_1277 = arith.mulf %get3A_1276, %div3A_975 : vector<16xf32>
        %swap3A_1278 = arith.constant 1 : i32
        %swap3A_1279 = arith.index_cast %swap3A_1278 : i32 to index
        %swap3A_1280 = arith.index_cast %scan3A_433 : i32 to index
        %swap3A_1281 = arith.constant 432 : index
        %swap3A_1282 = tpu.vector_load %arg7[%swap3A_1279, %swap3A_1280, %swap3A_1281] {strides = array<i32>} : memref<3x32x1024xf32, #tpu.memory_space<vmem>>, vector<16xf32>,
        tpu.vector_store %arg7[%swap3A_1279, %swap3A_1280, %swap3A_1281], %mul3A_1277 {strides = array<i32>} : memref<3x32x1024xf32, #tpu.memory_space<vmem>>, vector<16xf32>,
        %get3A_1283 = arith.constant 1 : i32
        %get3A_1284 = arith.index_cast %get3A_1283 : i32 to index
        %get3A_1285 = arith.index_cast %scan3A_433 : i32 to index
        %get3A_1286 = arith.constant 448 : index
        %get3A_1287 = tpu.vector_load %arg7[%get3A_1284, %get3A_1285, %get3A_1286] {strides = array<i32>} : memref<3x32x1024xf32, #tpu.memory_space<vmem>>, vector<16xf32>,
        %mul3A_1288 = arith.mulf %get3A_1287, %div3A_975 : vector<16xf32>
        %swap3A_1289 = arith.constant 1 : i32
        %swap3A_1290 = arith.index_cast %swap3A_1289 : i32 to index
        %swap3A_1291 = arith.index_cast %scan3A_433 : i32 to index
        %swap3A_1292 = arith.constant 448 : index
        %swap3A_1293 = tpu.vector_load %arg7[%swap3A_1290, %swap3A_1291, %swap3A_1292] {strides = array<i32>} : memref<3x32x1024xf32, #tpu.memory_space<vmem>>, vector<16xf32>,
        tpu.vector_store %arg7[%swap3A_1290, %swap3A_1291, %swap3A_1292], %mul3A_1288 {strides = array<i32>} : memref<3x32x1024xf32, #tpu.memory_space<vmem>>, vector<16xf32>,
        %get3A_1294 = arith.constant 1 : i32
        %get3A_1295 = arith.index_cast %get3A_1294 : i32 to index
        %get3A_1296 = arith.index_cast %scan3A_433 : i32 to index
        %get3A_1297 = arith.constant 464 : index
        %get3A_1298 = tpu.vector_load %arg7[%get3A_1295, %get3A_1296, %get3A_1297] {strides = array<i32>} : memref<3x32x1024xf32, #tpu.memory_space<vmem>>, vector<16xf32>,
        %mul3A_1299 = arith.mulf %get3A_1298, %div3A_975 : vector<16xf32>
        %swap3A_1300 = arith.constant 1 : i32
        %swap3A_1301 = arith.index_cast %swap3A_1300 : i32 to index
        %swap3A_1302 = arith.index_cast %scan3A_433 : i32 to index
        %swap3A_1303 = arith.constant 464 : index
        %swap3A_1304 = tpu.vector_load %arg7[%swap3A_1301, %swap3A_1302, %swap3A_1303] {strides = array<i32>} : memref<3x32x1024xf32, #tpu.memory_space<vmem>>, vector<16xf32>,
        tpu.vector_store %arg7[%swap3A_1301, %swap3A_1302, %swap3A_1303], %mul3A_1299 {strides = array<i32>} : memref<3x32x1024xf32, #tpu.memory_space<vmem>>, vector<16xf32>,
        %get3A_1305 = arith.constant 1 : i32
        %get3A_1306 = arith.index_cast %get3A_1305 : i32 to index
        %get3A_1307 = arith.index_cast %scan3A_433 : i32 to index
        %get3A_1308 = arith.constant 480 : index
        %get3A_1309 = tpu.vector_load %arg7[%get3A_1306, %get3A_1307, %get3A_1308] {strides = array<i32>} : memref<3x32x1024xf32, #tpu.memory_space<vmem>>, vector<16xf32>,
        %mul3A_1310 = arith.mulf %get3A_1309, %div3A_975 : vector<16xf32>
        %swap3A_1311 = arith.constant 1 : i32
        %swap3A_1312 = arith.index_cast %swap3A_1311 : i32 to index
        %swap3A_1313 = arith.index_cast %scan3A_433 : i32 to index
        %swap3A_1314 = arith.constant 480 : index
        %swap3A_1315 = tpu.vector_load %arg7[%swap3A_1312, %swap3A_1313, %swap3A_1314] {strides = array<i32>} : memref<3x32x1024xf32, #tpu.memory_space<vmem>>, vector<16xf32>,
        tpu.vector_store %arg7[%swap3A_1312, %swap3A_1313, %swap3A_1314], %mul3A_1310 {strides = array<i32>} : memref<3x32x1024xf32, #tpu.memory_space<vmem>>, vector<16xf32>,
        %get3A_1316 = arith.constant 1 : i32
        %get3A_1317 = arith.index_cast %get3A_1316 : i32 to index
        %get3A_1318 = arith.index_cast %scan3A_433 : i32 to index
        %get3A_1319 = arith.constant 496 : index
        %get3A_1320 = tpu.vector_load %arg7[%get3A_1317, %get3A_1318, %get3A_1319] {strides = array<i32>} : memref<3x32x1024xf32, #tpu.memory_space<vmem>>, vector<16xf32>,
        %mul3A_1321 = arith.mulf %get3A_1320, %div3A_975 : vector<16xf32>
        %swap3A_1322 = arith.constant 1 : i32
        %swap3A_1323 = arith.index_cast %swap3A_1322 : i32 to index
        %swap3A_1324 = arith.index_cast %scan3A_433 : i32 to index
        %swap3A_1325 = arith.constant 496 : index
        %swap3A_1326 = tpu.vector_load %arg7[%swap3A_1323, %swap3A_1324, %swap3A_1325] {strides = array<i32>} : memref<3x32x1024xf32, #tpu.memory_space<vmem>>, vector<16xf32>,
        tpu.vector_store %arg7[%swap3A_1323, %swap3A_1324, %swap3A_1325], %mul3A_1321 {strides = array<i32>} : memref<3x32x1024xf32, #tpu.memory_space<vmem>>, vector<16xf32>,
        %get3A_1327 = arith.constant 1 : i32
        %get3A_1328 = arith.index_cast %get3A_1327 : i32 to index
        %get3A_1329 = arith.index_cast %scan3A_433 : i32 to index
        %get3A_1330 = arith.constant 512 : index
        %get3A_1331 = tpu.vector_load %arg7[%get3A_1328, %get3A_1329, %get3A_1330] {strides = array<i32>} : memref<3x32x1024xf32, #tpu.memory_space<vmem>>, vector<16xf32>,
        %mul3A_1332 = arith.mulf %get3A_1331, %div3A_975 : vector<16xf32>
        %swap3A_1333 = arith.constant 1 : i32
        %swap3A_1334 = arith.index_cast %swap3A_1333 : i32 to index
        %swap3A_1335 = arith.index_cast %scan3A_433 : i32 to index
        %swap3A_1336 = arith.constant 512 : index
        %swap3A_1337 = tpu.vector_load %arg7[%swap3A_1334, %swap3A_1335, %swap3A_1336] {strides = array<i32>} : memref<3x32x1024xf32, #tpu.memory_space<vmem>>, vector<16xf32>,
        tpu.vector_store %arg7[%swap3A_1334, %swap3A_1335, %swap3A_1336], %mul3A_1332 {strides = array<i32>} : memref<3x32x1024xf32, #tpu.memory_space<vmem>>, vector<16xf32>,
        %get3A_1338 = arith.constant 1 : i32
        %get3A_1339 = arith.index_cast %get3A_1338 : i32 to index
        %get3A_1340 = arith.index_cast %scan3A_433 : i32 to index
        %get3A_1341 = arith.constant 528 : index
        %get3A_1342 = tpu.vector_load %arg7[%get3A_1339, %get3A_1340, %get3A_1341] {strides = array<i32>} : memref<3x32x1024xf32, #tpu.memory_space<vmem>>, vector<16xf32>,
        %mul3A_1343 = arith.mulf %get3A_1342, %div3A_975 : vector<16xf32>
        %swap3A_1344 = arith.constant 1 : i32
        %swap3A_1345 = arith.index_cast %swap3A_1344 : i32 to index
        %swap3A_1346 = arith.index_cast %scan3A_433 : i32 to index
        %swap3A_1347 = arith.constant 528 : index
        %swap3A_1348 = tpu.vector_load %arg7[%swap3A_1345, %swap3A_1346, %swap3A_1347] {strides = array<i32>} : memref<3x32x1024xf32, #tpu.memory_space<vmem>>, vector<16xf32>,
        tpu.vector_store %arg7[%swap3A_1345, %swap3A_1346, %swap3A_1347], %mul3A_1343 {strides = array<i32>} : memref<3x32x1024xf32, #tpu.memory_space<vmem>>, vector<16xf32>,
        %get3A_1349 = arith.constant 1 : i32
        %get3A_1350 = arith.index_cast %get3A_1349 : i32 to index
        %get3A_1351 = arith.index_cast %scan3A_433 : i32 to index
        %get3A_1352 = arith.constant 544 : index
        %get3A_1353 = tpu.vector_load %arg7[%get3A_1350, %get3A_1351, %get3A_1352] {strides = array<i32>} : memref<3x32x1024xf32, #tpu.memory_space<vmem>>, vector<16xf32>,
        %mul3A_1354 = arith.mulf %get3A_1353, %div3A_975 : vector<16xf32>
        %swap3A_1355 = arith.constant 1 : i32
        %swap3A_1356 = arith.index_cast %swap3A_1355 : i32 to index
        %swap3A_1357 = arith.index_cast %scan3A_433 : i32 to index
        %swap3A_1358 = arith.constant 544 : index
        %swap3A_1359 = tpu.vector_load %arg7[%swap3A_1356, %swap3A_1357, %swap3A_1358] {strides = array<i32>} : memref<3x32x1024xf32, #tpu.memory_space<vmem>>, vector<16xf32>,
        tpu.vector_store %arg7[%swap3A_1356, %swap3A_1357, %swap3A_1358], %mul3A_1354 {strides = array<i32>} : memref<3x32x1024xf32, #tpu.memory_space<vmem>>, vector<16xf32>,
        %get3A_1360 = arith.constant 1 : i32
        %get3A_1361 = arith.index_cast %get3A_1360 : i32 to index
        %get3A_1362 = arith.index_cast %scan3A_433 : i32 to index
        %get3A_1363 = arith.constant 560 : index
        %get3A_1364 = tpu.vector_load %arg7[%get3A_1361, %get3A_1362, %get3A_1363] {strides = array<i32>} : memref<3x32x1024xf32, #tpu.memory_space<vmem>>, vector<16xf32>,
        %mul3A_1365 = arith.mulf %get3A_1364, %div3A_975 : vector<16xf32>
        %swap3A_1366 = arith.constant 1 : i32
        %swap3A_1367 = arith.index_cast %swap3A_1366 : i32 to index
        %swap3A_1368 = arith.index_cast %scan3A_433 : i32 to index
        %swap3A_1369 = arith.constant 560 : index
        %swap3A_1370 = tpu.vector_load %arg7[%swap3A_1367, %swap3A_1368, %swap3A_1369] {strides = array<i32>} : memref<3x32x1024xf32, #tpu.memory_space<vmem>>, vector<16xf32>,
        tpu.vector_store %arg7[%swap3A_1367, %swap3A_1368, %swap3A_1369], %mul3A_1365 {strides = array<i32>} : memref<3x32x1024xf32, #tpu.memory_space<vmem>>, vector<16xf32>,
        %get3A_1371 = arith.constant 1 : i32
        %get3A_1372 = arith.index_cast %get3A_1371 : i32 to index
        %get3A_1373 = arith.index_cast %scan3A_433 : i32 to index
        %get3A_1374 = arith.constant 576 : index
        %get3A_1375 = tpu.vector_load %arg7[%get3A_1372, %get3A_1373, %get3A_1374] {strides = array<i32>} : memref<3x32x1024xf32, #tpu.memory_space<vmem>>, vector<16xf32>,
        %mul3A_1376 = arith.mulf %get3A_1375, %div3A_975 : vector<16xf32>
        %swap3A_1377 = arith.constant 1 : i32
        %swap3A_1378 = arith.index_cast %swap3A_1377 : i32 to index
        %swap3A_1379 = arith.index_cast %scan3A_433 : i32 to index
        %swap3A_1380 = arith.constant 576 : index
        %swap3A_1381 = tpu.vector_load %arg7[%swap3A_1378, %swap3A_1379, %swap3A_1380] {strides = array<i32>} : memref<3x32x1024xf32, #tpu.memory_space<vmem>>, vector<16xf32>,
        tpu.vector_store %arg7[%swap3A_1378, %swap3A_1379, %swap3A_1380], %mul3A_1376 {strides = array<i32>} : memref<3x32x1024xf32, #tpu.memory_space<vmem>>, vector<16xf32>,
        %get3A_1382 = arith.constant 1 : i32
        %get3A_1383 = arith.index_cast %get3A_1382 : i32 to index
        %get3A_1384 = arith.index_cast %scan3A_433 : i32 to index
        %get3A_1385 = arith.constant 592 : index
        %get3A_1386 = tpu.vector_load %arg7[%get3A_1383, %get3A_1384, %get3A_1385] {strides = array<i32>} : memref<3x32x1024xf32, #tpu.memory_space<vmem>>, vector<16xf32>,
        %mul3A_1387 = arith.mulf %get3A_1386, %div3A_975 : vector<16xf32>
        %swap3A_1388 = arith.constant 1 : i32
        %swap3A_1389 = arith.index_cast %swap3A_1388 : i32 to index
        %swap3A_1390 = arith.index_cast %scan3A_433 : i32 to index
        %swap3A_1391 = arith.constant 592 : index
        %swap3A_1392 = tpu.vector_load %arg7[%swap3A_1389, %swap3A_1390, %swap3A_1391] {strides = array<i32>} : memref<3x32x1024xf32, #tpu.memory_space<vmem>>, vector<16xf32>,
        tpu.vector_store %arg7[%swap3A_1389, %swap3A_1390, %swap3A_1391], %mul3A_1387 {strides = array<i32>} : memref<3x32x1024xf32, #tpu.memory_space<vmem>>, vector<16xf32>,
        %get3A_1393 = arith.constant 1 : i32
        %get3A_1394 = arith.index_cast %get3A_1393 : i32 to index
        %get3A_1395 = arith.index_cast %scan3A_433 : i32 to index
        %get3A_1396 = arith.constant 608 : index
        %get3A_1397 = tpu.vector_load %arg7[%get3A_1394, %get3A_1395, %get3A_1396] {strides = array<i32>} : memref<3x32x1024xf32, #tpu.memory_space<vmem>>, vector<16xf32>,
        %mul3A_1398 = arith.mulf %get3A_1397, %div3A_975 : vector<16xf32>
        %swap3A_1399 = arith.constant 1 : i32
        %swap3A_1400 = arith.index_cast %swap3A_1399 : i32 to index
        %swap3A_1401 = arith.index_cast %scan3A_433 : i32 to index
        %swap3A_1402 = arith.constant 608 : index
        %swap3A_1403 = tpu.vector_load %arg7[%swap3A_1400, %swap3A_1401, %swap3A_1402] {strides = array<i32>} : memref<3x32x1024xf32, #tpu.memory_space<vmem>>, vector<16xf32>,
        tpu.vector_store %arg7[%swap3A_1400, %swap3A_1401, %swap3A_1402], %mul3A_1398 {strides = array<i32>} : memref<3x32x1024xf32, #tpu.memory_space<vmem>>, vector<16xf32>,
        %get3A_1404 = arith.constant 1 : i32
        %get3A_1405 = arith.index_cast %get3A_1404 : i32 to index
        %get3A_1406 = arith.index_cast %scan3A_433 : i32 to index
        %get3A_1407 = arith.constant 624 : index
        %get3A_1408 = tpu.vector_load %arg7[%get3A_1405, %get3A_1406, %get3A_1407] {strides = array<i32>} : memref<3x32x1024xf32, #tpu.memory_space<vmem>>, vector<16xf32>,
        %mul3A_1409 = arith.mulf %get3A_1408, %div3A_975 : vector<16xf32>
        %swap3A_1410 = arith.constant 1 : i32
        %swap3A_1411 = arith.index_cast %swap3A_1410 : i32 to index
        %swap3A_1412 = arith.index_cast %scan3A_433 : i32 to index
        %swap3A_1413 = arith.constant 624 : index
        %swap3A_1414 = tpu.vector_load %arg7[%swap3A_1411, %swap3A_1412, %swap3A_1413] {strides = array<i32>} : memref<3x32x1024xf32, #tpu.memory_space<vmem>>, vector<16xf32>,
        tpu.vector_store %arg7[%swap3A_1411, %swap3A_1412, %swap3A_1413], %mul3A_1409 {strides = array<i32>} : memref<3x32x1024xf32, #tpu.memory_space<vmem>>, vector<16xf32>,
        %get3A_1415 = arith.constant 1 : i32
        %get3A_1416 = arith.index_cast %get3A_1415 : i32 to index
        %get3A_1417 = arith.index_cast %scan3A_433 : i32 to index
        %get3A_1418 = arith.constant 640 : index
        %get3A_1419 = tpu.vector_load %arg7[%get3A_1416, %get3A_1417, %get3A_1418] {strides = array<i32>} : memref<3x32x1024xf32, #tpu.memory_space<vmem>>, vector<16xf32>,
        %mul3A_1420 = arith.mulf %get3A_1419, %div3A_975 : vector<16xf32>
        %swap3A_1421 = arith.constant 1 : i32
        %swap3A_1422 = arith.index_cast %swap3A_1421 : i32 to index
        %swap3A_1423 = arith.index_cast %scan3A_433 : i32 to index
        %swap3A_1424 = arith.constant 640 : index
        %swap3A_1425 = tpu.vector_load %arg7[%swap3A_1422, %swap3A_1423, %swap3A_1424] {strides = array<i32>} : memref<3x32x1024xf32, #tpu.memory_space<vmem>>, vector<16xf32>,
        tpu.vector_store %arg7[%swap3A_1422, %swap3A_1423, %swap3A_1424], %mul3A_1420 {strides = array<i32>} : memref<3x32x1024xf32, #tpu.memory_space<vmem>>, vector<16xf32>,
        %get3A_1426 = arith.constant 1 : i32
        %get3A_1427 = arith.index_cast %get3A_1426 : i32 to index
        %get3A_1428 = arith.index_cast %scan3A_433 : i32 to index
        %get3A_1429 = arith.constant 656 : index
        %get3A_1430 = tpu.vector_load %arg7[%get3A_1427, %get3A_1428, %get3A_1429] {strides = array<i32>} : memref<3x32x1024xf32, #tpu.memory_space<vmem>>, vector<16xf32>,
        %mul3A_1431 = arith.mulf %get3A_1430, %div3A_975 : vector<16xf32>
        %swap3A_1432 = arith.constant 1 : i32
        %swap3A_1433 = arith.index_cast %swap3A_1432 : i32 to index
        %swap3A_1434 = arith.index_cast %scan3A_433 : i32 to index
        %swap3A_1435 = arith.constant 656 : index
        %swap3A_1436 = tpu.vector_load %arg7[%swap3A_1433, %swap3A_1434, %swap3A_1435] {strides = array<i32>} : memref<3x32x1024xf32, #tpu.memory_space<vmem>>, vector<16xf32>,
        tpu.vector_store %arg7[%swap3A_1433, %swap3A_1434, %swap3A_1435], %mul3A_1431 {strides = array<i32>} : memref<3x32x1024xf32, #tpu.memory_space<vmem>>, vector<16xf32>,
        %get3A_1437 = arith.constant 1 : i32
        %get3A_1438 = arith.index_cast %get3A_1437 : i32 to index
        %get3A_1439 = arith.index_cast %scan3A_433 : i32 to index
        %get3A_1440 = arith.constant 672 : index
        %get3A_1441 = tpu.vector_load %arg7[%get3A_1438, %get3A_1439, %get3A_1440] {strides = array<i32>} : memref<3x32x1024xf32, #tpu.memory_space<vmem>>, vector<16xf32>,
        %mul3A_1442 = arith.mulf %get3A_1441, %div3A_975 : vector<16xf32>
        %swap3A_1443 = arith.constant 1 : i32
        %swap3A_1444 = arith.index_cast %swap3A_1443 : i32 to index
        %swap3A_1445 = arith.index_cast %scan3A_433 : i32 to index
        %swap3A_1446 = arith.constant 672 : index
        %swap3A_1447 = tpu.vector_load %arg7[%swap3A_1444, %swap3A_1445, %swap3A_1446] {strides = array<i32>} : memref<3x32x1024xf32, #tpu.memory_space<vmem>>, vector<16xf32>,
        tpu.vector_store %arg7[%swap3A_1444, %swap3A_1445, %swap3A_1446], %mul3A_1442 {strides = array<i32>} : memref<3x32x1024xf32, #tpu.memory_space<vmem>>, vector<16xf32>,
        %get3A_1448 = arith.constant 1 : i32
        %get3A_1449 = arith.index_cast %get3A_1448 : i32 to index
        %get3A_1450 = arith.index_cast %scan3A_433 : i32 to index
        %get3A_1451 = arith.constant 688 : index
        %get3A_1452 = tpu.vector_load %arg7[%get3A_1449, %get3A_1450, %get3A_1451] {strides = array<i32>} : memref<3x32x1024xf32, #tpu.memory_space<vmem>>, vector<16xf32>,
        %mul3A_1453 = arith.mulf %get3A_1452, %div3A_975 : vector<16xf32>
        %swap3A_1454 = arith.constant 1 : i32
        %swap3A_1455 = arith.index_cast %swap3A_1454 : i32 to index
        %swap3A_1456 = arith.index_cast %scan3A_433 : i32 to index
        %swap3A_1457 = arith.constant 688 : index
        %swap3A_1458 = tpu.vector_load %arg7[%swap3A_1455, %swap3A_1456, %swap3A_1457] {strides = array<i32>} : memref<3x32x1024xf32, #tpu.memory_space<vmem>>, vector<16xf32>,
        tpu.vector_store %arg7[%swap3A_1455, %swap3A_1456, %swap3A_1457], %mul3A_1453 {strides = array<i32>} : memref<3x32x1024xf32, #tpu.memory_space<vmem>>, vector<16xf32>,
        %get3A_1459 = arith.constant 1 : i32
        %get3A_1460 = arith.index_cast %get3A_1459 : i32 to index
        %get3A_1461 = arith.index_cast %scan3A_433 : i32 to index
        %get3A_1462 = arith.constant 704 : index
        %get3A_1463 = tpu.vector_load %arg7[%get3A_1460, %get3A_1461, %get3A_1462] {strides = array<i32>} : memref<3x32x1024xf32, #tpu.memory_space<vmem>>, vector<16xf32>,
        %mul3A_1464 = arith.mulf %get3A_1463, %div3A_975 : vector<16xf32>
        %swap3A_1465 = arith.constant 1 : i32
        %swap3A_1466 = arith.index_cast %swap3A_1465 : i32 to index
        %swap3A_1467 = arith.index_cast %scan3A_433 : i32 to index
        %swap3A_1468 = arith.constant 704 : index
        %swap3A_1469 = tpu.vector_load %arg7[%swap3A_1466, %swap3A_1467, %swap3A_1468] {strides = array<i32>} : memref<3x32x1024xf32, #tpu.memory_space<vmem>>, vector<16xf32>,
        tpu.vector_store %arg7[%swap3A_1466, %swap3A_1467, %swap3A_1468], %mul3A_1464 {strides = array<i32>} : memref<3x32x1024xf32, #tpu.memory_space<vmem>>, vector<16xf32>,
        %get3A_1470 = arith.constant 1 : i32
        %get3A_1471 = arith.index_cast %get3A_1470 : i32 to index
        %get3A_1472 = arith.index_cast %scan3A_433 : i32 to index
        %get3A_1473 = arith.constant 720 : index
        %get3A_1474 = tpu.vector_load %arg7[%get3A_1471, %get3A_1472, %get3A_1473] {strides = array<i32>} : memref<3x32x1024xf32, #tpu.memory_space<vmem>>, vector<16xf32>,
        %mul3A_1475 = arith.mulf %get3A_1474, %div3A_975 : vector<16xf32>
        %swap3A_1476 = arith.constant 1 : i32
        %swap3A_1477 = arith.index_cast %swap3A_1476 : i32 to index
        %swap3A_1478 = arith.index_cast %scan3A_433 : i32 to index
        %swap3A_1479 = arith.constant 720 : index
        %swap3A_1480 = tpu.vector_load %arg7[%swap3A_1477, %swap3A_1478, %swap3A_1479] {strides = array<i32>} : memref<3x32x1024xf32, #tpu.memory_space<vmem>>, vector<16xf32>,
        tpu.vector_store %arg7[%swap3A_1477, %swap3A_1478, %swap3A_1479], %mul3A_1475 {strides = array<i32>} : memref<3x32x1024xf32, #tpu.memory_space<vmem>>, vector<16xf32>,
        %get3A_1481 = arith.constant 1 : i32
        %get3A_1482 = arith.index_cast %get3A_1481 : i32 to index
        %get3A_1483 = arith.index_cast %scan3A_433 : i32 to index
        %get3A_1484 = arith.constant 736 : index
        %get3A_1485 = tpu.vector_load %arg7[%get3A_1482, %get3A_1483, %get3A_1484] {strides = array<i32>} : memref<3x32x1024xf32, #tpu.memory_space<vmem>>, vector<16xf32>,
        %mul3A_1486 = arith.mulf %get3A_1485, %div3A_975 : vector<16xf32>
        %swap3A_1487 = arith.constant 1 : i32
        %swap3A_1488 = arith.index_cast %swap3A_1487 : i32 to index
        %swap3A_1489 = arith.index_cast %scan3A_433 : i32 to index
        %swap3A_1490 = arith.constant 736 : index
        %swap3A_1491 = tpu.vector_load %arg7[%swap3A_1488, %swap3A_1489, %swap3A_1490] {strides = array<i32>} : memref<3x32x1024xf32, #tpu.memory_space<vmem>>, vector<16xf32>,
        tpu.vector_store %arg7[%swap3A_1488, %swap3A_1489, %swap3A_1490], %mul3A_1486 {strides = array<i32>} : memref<3x32x1024xf32, #tpu.memory_space<vmem>>, vector<16xf32>,
        %get3A_1492 = arith.constant 1 : i32
        %get3A_1493 = arith.index_cast %get3A_1492 : i32 to index
        %get3A_1494 = arith.index_cast %scan3A_433 : i32 to index
        %get3A_1495 = arith.constant 752 : index
        %get3A_1496 = tpu.vector_load %arg7[%get3A_1493, %get3A_1494, %get3A_1495] {strides = array<i32>} : memref<3x32x1024xf32, #tpu.memory_space<vmem>>, vector<16xf32>,
        %mul3A_1497 = arith.mulf %get3A_1496, %div3A_975 : vector<16xf32>
        %swap3A_1498 = arith.constant 1 : i32
        %swap3A_1499 = arith.index_cast %swap3A_1498 : i32 to index
        %swap3A_1500 = arith.index_cast %scan3A_433 : i32 to index
        %swap3A_1501 = arith.constant 752 : index
        %swap3A_1502 = tpu.vector_load %arg7[%swap3A_1499, %swap3A_1500, %swap3A_1501] {strides = array<i32>} : memref<3x32x1024xf32, #tpu.memory_space<vmem>>, vector<16xf32>,
        tpu.vector_store %arg7[%swap3A_1499, %swap3A_1500, %swap3A_1501], %mul3A_1497 {strides = array<i32>} : memref<3x32x1024xf32, #tpu.memory_space<vmem>>, vector<16xf32>,
        %get3A_1503 = arith.constant 1 : i32
        %get3A_1504 = arith.index_cast %get3A_1503 : i32 to index
        %get3A_1505 = arith.index_cast %scan3A_433 : i32 to index
        %get3A_1506 = arith.constant 768 : index
        %get3A_1507 = tpu.vector_load %arg7[%get3A_1504, %get3A_1505, %get3A_1506] {strides = array<i32>} : memref<3x32x1024xf32, #tpu.memory_space<vmem>>, vector<16xf32>,
        %mul3A_1508 = arith.mulf %get3A_1507, %div3A_975 : vector<16xf32>
        %swap3A_1509 = arith.constant 1 : i32
        %swap3A_1510 = arith.index_cast %swap3A_1509 : i32 to index
        %swap3A_1511 = arith.index_cast %scan3A_433 : i32 to index
        %swap3A_1512 = arith.constant 768 : index
        %swap3A_1513 = tpu.vector_load %arg7[%swap3A_1510, %swap3A_1511, %swap3A_1512] {strides = array<i32>} : memref<3x32x1024xf32, #tpu.memory_space<vmem>>, vector<16xf32>,
        tpu.vector_store %arg7[%swap3A_1510, %swap3A_1511, %swap3A_1512], %mul3A_1508 {strides = array<i32>} : memref<3x32x1024xf32, #tpu.memory_space<vmem>>, vector<16xf32>,
        %get3A_1514 = arith.constant 1 : i32
        %get3A_1515 = arith.index_cast %get3A_1514 : i32 to index
        %get3A_1516 = arith.index_cast %scan3A_433 : i32 to index
        %get3A_1517 = arith.constant 784 : index
        %get3A_1518 = tpu.vector_load %arg7[%get3A_1515, %get3A_1516, %get3A_1517] {strides = array<i32>} : memref<3x32x1024xf32, #tpu.memory_space<vmem>>, vector<16xf32>,
        %mul3A_1519 = arith.mulf %get3A_1518, %div3A_975 : vector<16xf32>
        %swap3A_1520 = arith.constant 1 : i32
        %swap3A_1521 = arith.index_cast %swap3A_1520 : i32 to index
        %swap3A_1522 = arith.index_cast %scan3A_433 : i32 to index
        %swap3A_1523 = arith.constant 784 : index
        %swap3A_1524 = tpu.vector_load %arg7[%swap3A_1521, %swap3A_1522, %swap3A_1523] {strides = array<i32>} : memref<3x32x1024xf32, #tpu.memory_space<vmem>>, vector<16xf32>,
        tpu.vector_store %arg7[%swap3A_1521, %swap3A_1522, %swap3A_1523], %mul3A_1519 {strides = array<i32>} : memref<3x32x1024xf32, #tpu.memory_space<vmem>>, vector<16xf32>,
        %get3A_1525 = arith.constant 1 : i32
        %get3A_1526 = arith.index_cast %get3A_1525 : i32 to index
        %get3A_1527 = arith.index_cast %scan3A_433 : i32 to index
        %get3A_1528 = arith.constant 800 : index
        %get3A_1529 = tpu.vector_load %arg7[%get3A_1526, %get3A_1527, %get3A_1528] {strides = array<i32>} : memref<3x32x1024xf32, #tpu.memory_space<vmem>>, vector<16xf32>,
        %mul3A_1530 = arith.mulf %get3A_1529, %div3A_975 : vector<16xf32>
        %swap3A_1531 = arith.constant 1 : i32
        %swap3A_1532 = arith.index_cast %swap3A_1531 : i32 to index
        %swap3A_1533 = arith.index_cast %scan3A_433 : i32 to index
        %swap3A_1534 = arith.constant 800 : index
        %swap3A_1535 = tpu.vector_load %arg7[%swap3A_1532, %swap3A_1533, %swap3A_1534] {strides = array<i32>} : memref<3x32x1024xf32, #tpu.memory_space<vmem>>, vector<16xf32>,
        tpu.vector_store %arg7[%swap3A_1532, %swap3A_1533, %swap3A_1534], %mul3A_1530 {strides = array<i32>} : memref<3x32x1024xf32, #tpu.memory_space<vmem>>, vector<16xf32>,
        %get3A_1536 = arith.constant 1 : i32
        %get3A_1537 = arith.index_cast %get3A_1536 : i32 to index
        %get3A_1538 = arith.index_cast %scan3A_433 : i32 to index
        %get3A_1539 = arith.constant 816 : index
        %get3A_1540 = tpu.vector_load %arg7[%get3A_1537, %get3A_1538, %get3A_1539] {strides = array<i32>} : memref<3x32x1024xf32, #tpu.memory_space<vmem>>, vector<16xf32>,
        %mul3A_1541 = arith.mulf %get3A_1540, %div3A_975 : vector<16xf32>
        %swap3A_1542 = arith.constant 1 : i32
        %swap3A_1543 = arith.index_cast %swap3A_1542 : i32 to index
        %swap3A_1544 = arith.index_cast %scan3A_433 : i32 to index
        %swap3A_1545 = arith.constant 816 : index
        %swap3A_1546 = tpu.vector_load %arg7[%swap3A_1543, %swap3A_1544, %swap3A_1545] {strides = array<i32>} : memref<3x32x1024xf32, #tpu.memory_space<vmem>>, vector<16xf32>,
        tpu.vector_store %arg7[%swap3A_1543, %swap3A_1544, %swap3A_1545], %mul3A_1541 {strides = array<i32>} : memref<3x32x1024xf32, #tpu.memory_space<vmem>>, vector<16xf32>,
        %get3A_1547 = arith.constant 1 : i32
        %get3A_1548 = arith.index_cast %get3A_1547 : i32 to index
        %get3A_1549 = arith.index_cast %scan3A_433 : i32 to index
        %get3A_1550 = arith.constant 832 : index
        %get3A_1551 = tpu.vector_load %arg7[%get3A_1548, %get3A_1549, %get3A_1550] {strides = array<i32>} : memref<3x32x1024xf32, #tpu.memory_space<vmem>>, vector<16xf32>,
        %mul3A_1552 = arith.mulf %get3A_1551, %div3A_975 : vector<16xf32>
        %swap3A_1553 = arith.constant 1 : i32
        %swap3A_1554 = arith.index_cast %swap3A_1553 : i32 to index
        %swap3A_1555 = arith.index_cast %scan3A_433 : i32 to index
        %swap3A_1556 = arith.constant 832 : index
        %swap3A_1557 = tpu.vector_load %arg7[%swap3A_1554, %swap3A_1555, %swap3A_1556] {strides = array<i32>} : memref<3x32x1024xf32, #tpu.memory_space<vmem>>, vector<16xf32>,
        tpu.vector_store %arg7[%swap3A_1554, %swap3A_1555, %swap3A_1556], %mul3A_1552 {strides = array<i32>} : memref<3x32x1024xf32, #tpu.memory_space<vmem>>, vector<16xf32>,
        %get3A_1558 = arith.constant 1 : i32
        %get3A_1559 = arith.index_cast %get3A_1558 : i32 to index
        %get3A_1560 = arith.index_cast %scan3A_433 : i32 to index
        %get3A_1561 = arith.constant 848 : index
        %get3A_1562 = tpu.vector_load %arg7[%get3A_1559, %get3A_1560, %get3A_1561] {strides = array<i32>} : memref<3x32x1024xf32, #tpu.memory_space<vmem>>, vector<16xf32>,
        %mul3A_1563 = arith.mulf %get3A_1562, %div3A_975 : vector<16xf32>
        %swap3A_1564 = arith.constant 1 : i32
        %swap3A_1565 = arith.index_cast %swap3A_1564 : i32 to index
        %swap3A_1566 = arith.index_cast %scan3A_433 : i32 to index
        %swap3A_1567 = arith.constant 848 : index
        %swap3A_1568 = tpu.vector_load %arg7[%swap3A_1565, %swap3A_1566, %swap3A_1567] {strides = array<i32>} : memref<3x32x1024xf32, #tpu.memory_space<vmem>>, vector<16xf32>,
        tpu.vector_store %arg7[%swap3A_1565, %swap3A_1566, %swap3A_1567], %mul3A_1563 {strides = array<i32>} : memref<3x32x1024xf32, #tpu.memory_space<vmem>>, vector<16xf32>,
        %get3A_1569 = arith.constant 1 : i32
        %get3A_1570 = arith.index_cast %get3A_1569 : i32 to index
        %get3A_1571 = arith.index_cast %scan3A_433 : i32 to index
        %get3A_1572 = arith.constant 864 : index
        %get3A_1573 = tpu.vector_load %arg7[%get3A_1570, %get3A_1571, %get3A_1572] {strides = array<i32>} : memref<3x32x1024xf32, #tpu.memory_space<vmem>>, vector<16xf32>,
        %mul3A_1574 = arith.mulf %get3A_1573, %div3A_975 : vector<16xf32>
        %swap3A_1575 = arith.constant 1 : i32
        %swap3A_1576 = arith.index_cast %swap3A_1575 : i32 to index
        %swap3A_1577 = arith.index_cast %scan3A_433 : i32 to index
        %swap3A_1578 = arith.constant 864 : index
        %swap3A_1579 = tpu.vector_load %arg7[%swap3A_1576, %swap3A_1577, %swap3A_1578] {strides = array<i32>} : memref<3x32x1024xf32, #tpu.memory_space<vmem>>, vector<16xf32>,
        tpu.vector_store %arg7[%swap3A_1576, %swap3A_1577, %swap3A_1578], %mul3A_1574 {strides = array<i32>} : memref<3x32x1024xf32, #tpu.memory_space<vmem>>, vector<16xf32>,
        %get3A_1580 = arith.constant 1 : i32
        %get3A_1581 = arith.index_cast %get3A_1580 : i32 to index
        %get3A_1582 = arith.index_cast %scan3A_433 : i32 to index
        %get3A_1583 = arith.constant 880 : index
        %get3A_1584 = tpu.vector_load %arg7[%get3A_1581, %get3A_1582, %get3A_1583] {strides = array<i32>} : memref<3x32x1024xf32, #tpu.memory_space<vmem>>, vector<16xf32>,
        %mul3A_1585 = arith.mulf %get3A_1584, %div3A_975 : vector<16xf32>
        %swap3A_1586 = arith.constant 1 : i32
        %swap3A_1587 = arith.index_cast %swap3A_1586 : i32 to index
        %swap3A_1588 = arith.index_cast %scan3A_433 : i32 to index
        %swap3A_1589 = arith.constant 880 : index
        %swap3A_1590 = tpu.vector_load %arg7[%swap3A_1587, %swap3A_1588, %swap3A_1589] {strides = array<i32>} : memref<3x32x1024xf32, #tpu.memory_space<vmem>>, vector<16xf32>,
        tpu.vector_store %arg7[%swap3A_1587, %swap3A_1588, %swap3A_1589], %mul3A_1585 {strides = array<i32>} : memref<3x32x1024xf32, #tpu.memory_space<vmem>>, vector<16xf32>,
        %get3A_1591 = arith.constant 1 : i32
        %get3A_1592 = arith.index_cast %get3A_1591 : i32 to index
        %get3A_1593 = arith.index_cast %scan3A_433 : i32 to index
        %get3A_1594 = arith.constant 896 : index
        %get3A_1595 = tpu.vector_load %arg7[%get3A_1592, %get3A_1593, %get3A_1594] {strides = array<i32>} : memref<3x32x1024xf32, #tpu.memory_space<vmem>>, vector<16xf32>,
        %mul3A_1596 = arith.mulf %get3A_1595, %div3A_975 : vector<16xf32>
        %swap3A_1597 = arith.constant 1 : i32
        %swap3A_1598 = arith.index_cast %swap3A_1597 : i32 to index
        %swap3A_1599 = arith.index_cast %scan3A_433 : i32 to index
        %swap3A_1600 = arith.constant 896 : index
        %swap3A_1601 = tpu.vector_load %arg7[%swap3A_1598, %swap3A_1599, %swap3A_1600] {strides = array<i32>} : memref<3x32x1024xf32, #tpu.memory_space<vmem>>, vector<16xf32>,
        tpu.vector_store %arg7[%swap3A_1598, %swap3A_1599, %swap3A_1600], %mul3A_1596 {strides = array<i32>} : memref<3x32x1024xf32, #tpu.memory_space<vmem>>, vector<16xf32>,
        %get3A_1602 = arith.constant 1 : i32
        %get3A_1603 = arith.index_cast %get3A_1602 : i32 to index
        %get3A_1604 = arith.index_cast %scan3A_433 : i32 to index
        %get3A_1605 = arith.constant 912 : index
        %get3A_1606 = tpu.vector_load %arg7[%get3A_1603, %get3A_1604, %get3A_1605] {strides = array<i32>} : memref<3x32x1024xf32, #tpu.memory_space<vmem>>, vector<16xf32>,
        %mul3A_1607 = arith.mulf %get3A_1606, %div3A_975 : vector<16xf32>
        %swap3A_1608 = arith.constant 1 : i32
        %swap3A_1609 = arith.index_cast %swap3A_1608 : i32 to index
        %swap3A_1610 = arith.index_cast %scan3A_433 : i32 to index
        %swap3A_1611 = arith.constant 912 : index
        %swap3A_1612 = tpu.vector_load %arg7[%swap3A_1609, %swap3A_1610, %swap3A_1611] {strides = array<i32>} : memref<3x32x1024xf32, #tpu.memory_space<vmem>>, vector<16xf32>,
        tpu.vector_store %arg7[%swap3A_1609, %swap3A_1610, %swap3A_1611], %mul3A_1607 {strides = array<i32>} : memref<3x32x1024xf32, #tpu.memory_space<vmem>>, vector<16xf32>,
        %get3A_1613 = arith.constant 1 : i32
        %get3A_1614 = arith.index_cast %get3A_1613 : i32 to index
        %get3A_1615 = arith.index_cast %scan3A_433 : i32 to index
        %get3A_1616 = arith.constant 928 : index
        %get3A_1617 = tpu.vector_load %arg7[%get3A_1614, %get3A_1615, %get3A_1616] {strides = array<i32>} : memref<3x32x1024xf32, #tpu.memory_space<vmem>>, vector<16xf32>,
        %mul3A_1618 = arith.mulf %get3A_1617, %div3A_975 : vector<16xf32>
        %swap3A_1619 = arith.constant 1 : i32
        %swap3A_1620 = arith.index_cast %swap3A_1619 : i32 to index
        %swap3A_1621 = arith.index_cast %scan3A_433 : i32 to index
        %swap3A_1622 = arith.constant 928 : index
        %swap3A_1623 = tpu.vector_load %arg7[%swap3A_1620, %swap3A_1621, %swap3A_1622] {strides = array<i32>} : memref<3x32x1024xf32, #tpu.memory_space<vmem>>, vector<16xf32>,
        tpu.vector_store %arg7[%swap3A_1620, %swap3A_1621, %swap3A_1622], %mul3A_1618 {strides = array<i32>} : memref<3x32x1024xf32, #tpu.memory_space<vmem>>, vector<16xf32>,
        %get3A_1624 = arith.constant 1 : i32
        %get3A_1625 = arith.index_cast %get3A_1624 : i32 to index
        %get3A_1626 = arith.index_cast %scan3A_433 : i32 to index
        %get3A_1627 = arith.constant 944 : index
        %get3A_1628 = tpu.vector_load %arg7[%get3A_1625, %get3A_1626, %get3A_1627] {strides = array<i32>} : memref<3x32x1024xf32, #tpu.memory_space<vmem>>, vector<16xf32>,
        %mul3A_1629 = arith.mulf %get3A_1628, %div3A_975 : vector<16xf32>
        %swap3A_1630 = arith.constant 1 : i32
        %swap3A_1631 = arith.index_cast %swap3A_1630 : i32 to index
        %swap3A_1632 = arith.index_cast %scan3A_433 : i32 to index
        %swap3A_1633 = arith.constant 944 : index
        %swap3A_1634 = tpu.vector_load %arg7[%swap3A_1631, %swap3A_1632, %swap3A_1633] {strides = array<i32>} : memref<3x32x1024xf32, #tpu.memory_space<vmem>>, vector<16xf32>,
        tpu.vector_store %arg7[%swap3A_1631, %swap3A_1632, %swap3A_1633], %mul3A_1629 {strides = array<i32>} : memref<3x32x1024xf32, #tpu.memory_space<vmem>>, vector<16xf32>,
        %get3A_1635 = arith.constant 1 : i32
        %get3A_1636 = arith.index_cast %get3A_1635 : i32 to index
        %get3A_1637 = arith.index_cast %scan3A_433 : i32 to index
        %get3A_1638 = arith.constant 960 : index
        %get3A_1639 = tpu.vector_load %arg7[%get3A_1636, %get3A_1637, %get3A_1638] {strides = array<i32>} : memref<3x32x1024xf32, #tpu.memory_space<vmem>>, vector<16xf32>,
        %mul3A_1640 = arith.mulf %get3A_1639, %div3A_975 : vector<16xf32>
        %swap3A_1641 = arith.constant 1 : i32
        %swap3A_1642 = arith.index_cast %swap3A_1641 : i32 to index
        %swap3A_1643 = arith.index_cast %scan3A_433 : i32 to index
        %swap3A_1644 = arith.constant 960 : index
        %swap3A_1645 = tpu.vector_load %arg7[%swap3A_1642, %swap3A_1643, %swap3A_1644] {strides = array<i32>} : memref<3x32x1024xf32, #tpu.memory_space<vmem>>, vector<16xf32>,
        tpu.vector_store %arg7[%swap3A_1642, %swap3A_1643, %swap3A_1644], %mul3A_1640 {strides = array<i32>} : memref<3x32x1024xf32, #tpu.memory_space<vmem>>, vector<16xf32>,
        %get3A_1646 = arith.constant 1 : i32
        %get3A_1647 = arith.index_cast %get3A_1646 : i32 to index
        %get3A_1648 = arith.index_cast %scan3A_433 : i32 to index
        %get3A_1649 = arith.constant 976 : index
        %get3A_1650 = tpu.vector_load %arg7[%get3A_1647, %get3A_1648, %get3A_1649] {strides = array<i32>} : memref<3x32x1024xf32, #tpu.memory_space<vmem>>, vector<16xf32>,
        %mul3A_1651 = arith.mulf %get3A_1650, %div3A_975 : vector<16xf32>
        %swap3A_1652 = arith.constant 1 : i32
        %swap3A_1653 = arith.index_cast %swap3A_1652 : i32 to index
        %swap3A_1654 = arith.index_cast %scan3A_433 : i32 to index
        %swap3A_1655 = arith.constant 976 : index
        %swap3A_1656 = tpu.vector_load %arg7[%swap3A_1653, %swap3A_1654, %swap3A_1655] {strides = array<i32>} : memref<3x32x1024xf32, #tpu.memory_space<vmem>>, vector<16xf32>,
        tpu.vector_store %arg7[%swap3A_1653, %swap3A_1654, %swap3A_1655], %mul3A_1651 {strides = array<i32>} : memref<3x32x1024xf32, #tpu.memory_space<vmem>>, vector<16xf32>,
        %get3A_1657 = arith.constant 1 : i32
        %get3A_1658 = arith.index_cast %get3A_1657 : i32 to index
        %get3A_1659 = arith.index_cast %scan3A_433 : i32 to index
        %get3A_1660 = arith.constant 992 : index
        %get3A_1661 = tpu.vector_load %arg7[%get3A_1658, %get3A_1659, %get3A_1660] {strides = array<i32>} : memref<3x32x1024xf32, #tpu.memory_space<vmem>>, vector<16xf32>,
        %mul3A_1662 = arith.mulf %get3A_1661, %div3A_975 : vector<16xf32>
        %swap3A_1663 = arith.constant 1 : i32
        %swap3A_1664 = arith.index_cast %swap3A_1663 : i32 to index
        %swap3A_1665 = arith.index_cast %scan3A_433 : i32 to index
        %swap3A_1666 = arith.constant 992 : index
        %swap3A_1667 = tpu.vector_load %arg7[%swap3A_1664, %swap3A_1665, %swap3A_1666] {strides = array<i32>} : memref<3x32x1024xf32, #tpu.memory_space<vmem>>, vector<16xf32>,
        tpu.vector_store %arg7[%swap3A_1664, %swap3A_1665, %swap3A_1666], %mul3A_1662 {strides = array<i32>} : memref<3x32x1024xf32, #tpu.memory_space<vmem>>, vector<16xf32>,
        %get3A_1668 = arith.constant 1 : i32
        %get3A_1669 = arith.index_cast %get3A_1668 : i32 to index
        %get3A_1670 = arith.index_cast %scan3A_433 : i32 to index
        %get3A_1671 = arith.constant 1008 : index
        %get3A_1672 = tpu.vector_load %arg7[%get3A_1669, %get3A_1670, %get3A_1671] {strides = array<i32>} : memref<3x32x1024xf32, #tpu.memory_space<vmem>>, vector<16xf32>,
        %mul3A_1673 = arith.mulf %get3A_1672, %div3A_975 : vector<16xf32>
        %swap3A_1674 = arith.constant 1 : i32
        %swap3A_1675 = arith.index_cast %swap3A_1674 : i32 to index
        %swap3A_1676 = arith.index_cast %scan3A_433 : i32 to index
        %swap3A_1677 = arith.constant 1008 : index
        %swap3A_1678 = tpu.vector_load %arg7[%swap3A_1675, %swap3A_1676, %swap3A_1677] {strides = array<i32>} : memref<3x32x1024xf32, #tpu.memory_space<vmem>>, vector<16xf32>,
        tpu.vector_store %arg7[%swap3A_1675, %swap3A_1676, %swap3A_1677], %mul3A_1673 {strides = array<i32>} : memref<3x32x1024xf32, #tpu.memory_space<vmem>>, vector<16xf32>,
        %get3A_1679 = arith.constant 1 : i32
        %get3A_1680 = arith.index_cast %get3A_1679 : i32 to index
        %get3A_1681 = arith.index_cast %scan3A_433 : i32 to index
        %get3A_1682 = arith.index_cast %multiple_of3A_912 : i32 to index
        %get3A_1683 = tpu.vector_load %arg7[%get3A_1680, %get3A_1681, %get3A_1682] {strides = array<i32>} : memref<3x32x1024xf32, #tpu.memory_space<vmem>>, vector<16xf32>,
        %eq3A_1684 = vector.broadcast %sub3A_913 : i32 to vector<16xi32>
        %eq3A_1685 = arith.cmpi eq, %iota3A, %eq3A_1684 : vector<16xi32>
        %jit3A_1686 = arith.constant 0.000000e+00 : f32
        %broadcast_in_dim3A_1687 = vector.broadcast %jit3A_1686 : f32 to vector<16xf32>
        %select_n3A_1688 = arith.select %eq3A_1685, %broadcast_in_dim3A_1687, %get3A_1683 : vector<16xi1>, vector<16xf32>
        %swap3A_1689 = arith.constant 1 : i32
        %swap3A_1690 = arith.index_cast %swap3A_1689 : i32 to index
        %swap3A_1691 = arith.index_cast %scan3A_433 : i32 to index
        %swap3A_1692 = arith.index_cast %multiple_of3A_912 : i32 to index
        %swap3A_1693 = tpu.vector_load %arg7[%swap3A_1690, %swap3A_1691, %swap3A_1692] {strides = array<i32>} : memref<3x32x1024xf32, #tpu.memory_space<vmem>>, vector<16xf32>,
        tpu.vector_store %arg7[%swap3A_1690, %swap3A_1691, %swap3A_1692], %select_n3A_1688 {strides = array<i32>} : memref<3x32x1024xf32, #tpu.memory_space<vmem>>, vector<16xf32>,
        %scan3A_1694 = arith.constant 0 : i32
        scf.yield %scan3A_1694 : i32
      }
      %scan3A_288 = arith.constant 32 : i32
      %eq3A_289 = vector.broadcast %add3A_211 : i32 to vector<16xi32>
      %eq3A_290 = arith.cmpi eq, %iota3A, %eq3A_289 : vector<16xi32>
      %jit3A_291 = arith.constant 0 : i32
      %broadcast_in_dim3A_292 = vector.broadcast %jit3A_291 : i32 to vector<16xi32>
      %select_n3A_293 = arith.select %eq3A_290, %get3A_3, %broadcast_in_dim3A_292 : vector<16xi1>, vector<16xi32>
      %reduce_sum3A_294 = arith.constant true
      %reduce_sum3A_295 = vector.broadcast %reduce_sum3A_294 : i1 to vector<16xi1>
      %reduce_sum3A_296 = tpu.scan <sum>, %select_n3A_293 masked %reduce_sum3A_295 : vector<16xi32>, vector<16xi1> -> vector<16xi32>
      %reduce_sum3A_297 = vector.extract %reduce_sum3A_296[15] : i32 from vector<16xi32>
      %add3A_298 = arith.constant 1 : i32
      %add3A_299 = arith.addi %add3A_211, %add3A_298 : i32
      %eq3A_300 = vector.broadcast %add3A_299 : i32 to vector<16xi32>
      %eq3A_301 = arith.cmpi eq, %iota3A, %eq3A_300 : vector<16xi32>
      %jit3A_302 = arith.constant 0 : i32
      %broadcast_in_dim3A_303 = vector.broadcast %jit3A_302 : i32 to vector<16xi32>
      %select_n3A_304 = arith.select %eq3A_301, %get3A_3, %broadcast_in_dim3A_303 : vector<16xi1>, vector<16xi32>
      %reduce_sum3A_305 = arith.constant true
      %reduce_sum3A_306 = vector.broadcast %reduce_sum3A_305 : i1 to vector<16xi1>
      %reduce_sum3A_307 = tpu.scan <sum>, %select_n3A_304 masked %reduce_sum3A_306 : vector<16xi32>, vector<16xi1> -> vector<16xi32>
      %reduce_sum3A_308 = vector.extract %reduce_sum3A_307[15] : i32 from vector<16xi32>
      %while3A_309 = arith.constant 0 : i32
      %while3A_310 = arith.subi %reduce_sum3A_308, %reduce_sum3A_297 : i32
      %while3A_311 = arith.addi %reduce_sum3A_297, %while3A_310 : i32
      %while3A_312 = arith.constant 1 : i32
      %while3A_313 = arith.divsi %while3A_310, %while3A_312 : i32
      %while3A_314 = arith.muli %while3A_313, %while3A_312 : i32
      %while3A_315 = arith.addi %reduce_sum3A_297, %while3A_314 : i32
      %while3A_316 = arith.constant 1 : i32
      %while3A_317 = scf.for %while3A_433 = %reduce_sum3A_297 to %while3A_315 step %while3A_316 iter_args(%while3A_434 = %while3A_309) -> (i32)  : i32 {
        %jit3A_435 = arith.constant 16 : i32
        %div3A = arith.divsi %while3A_433, %jit3A_435 : i32
        %sign3A = arith.constant 0 : i32
        %sign3A_436 = arith.cmpi sgt, %while3A_433, %sign3A : i32
        %sign3A_437 = arith.extui %sign3A_436 : i1 to i32
        %sign3A_438 = arith.constant 0 : i32
        %sign3A_439 = arith.cmpi slt, %while3A_433, %sign3A_438 : i32
        %sign3A_440 = arith.extui %sign3A_439 : i1 to i32
        %sign3A_441 = arith.subi %sign3A_437, %sign3A_440 : i32
        %sign3A_442 = arith.constant 0 : i32
        %sign3A_443 = arith.cmpi sgt, %jit3A_435, %sign3A_442 : i32
        %sign3A_444 = arith.extui %sign3A_443 : i1 to i32
        %sign3A_445 = arith.constant 0 : i32
        %sign3A_446 = arith.cmpi slt, %jit3A_435, %sign3A_445 : i32
        %sign3A_447 = arith.extui %sign3A_446 : i1 to i32
        %sign3A_448 = arith.subi %sign3A_444, %sign3A_447 : i32
        %ne3A = arith.cmpi ne, %sign3A_441, %sign3A_448 : i32
        %rem3A = arith.remsi %while3A_433, %jit3A_435 : i32
        %ne3A_449 = arith.constant 0 : i32
        %ne3A_450 = arith.cmpi ne, %rem3A, %ne3A_449 : i32
        %and3A = arith.andi %ne3A, %ne3A_450 : i1
        %sub3A_451 = arith.constant 1 : i32
        %sub3A_452 = arith.subi %div3A, %sub3A_451 : i32
        %select_n3A_453 = arith.select %and3A, %sub3A_452, %div3A : i32
        %mul3A_454 = arith.constant 16 : i32
        %mul3A_455 = arith.muli %select_n3A_453, %mul3A_454 : i32
        %multiple_of3A_456 = tpu.assume_multiple %mul3A_455, 16 : i32
        %get3A_457 = arith.index_cast %multiple_of3A_456 : i32 to index
        %get3A_458 = tpu.vector_load %arg9[%get3A_457] {strides = array<i32>} : memref<64xi32, #tpu.memory_space<vmem>>, vector<16xi32>,
        %sub3A_459 = arith.subi %while3A_433, %multiple_of3A_456 : i32
        %eq3A_460 = vector.broadcast %sub3A_459 : i32 to vector<16xi32>
        %eq3A_461 = arith.cmpi eq, %iota3A, %eq3A_460 : vector<16xi32>
        %jit3A_462 = arith.constant 0 : i32
        %broadcast_in_dim3A_463 = vector.broadcast %jit3A_462 : i32 to vector<16xi32>
        %select_n3A_464 = arith.select %eq3A_461, %get3A_458, %broadcast_in_dim3A_463 : vector<16xi1>, vector<16xi32>
        %reduce_sum3A_465 = arith.constant true
        %reduce_sum3A_466 = vector.broadcast %reduce_sum3A_465 : i1 to vector<16xi1>
        %reduce_sum3A_467 = tpu.scan <sum>, %select_n3A_464 masked %reduce_sum3A_466 : vector<16xi32>, vector<16xi1> -> vector<16xi32>
        %reduce_sum3A_468 = vector.extract %reduce_sum3A_467[15] : i32 from vector<16xi32>
        %dma_start3A_469 = arith.constant 1 : i32
        %dma_start3A_470 = arith.constant 0 : i32
        %dma_start3A_471 = arith.constant 0 : i32
        %dma_start3A_472 = tpu.memref_slice %arg7[%dma_start3A_469, %dma_start3A_470, %dma_start3A_471] : memref<3x32x1024xf32, #tpu.memory_space<vmem>> -> memref<1x32x1024xf32, #tpu.memory_space<vmem>>
        %dma_start3A_473 = tpu.memref_squeeze %dma_start3A_472 : memref<1x32x1024xf32, #tpu.memory_space<vmem>> -> memref<32x1024xf32, #tpu.memory_space<vmem>>
        %dma_start3A_474 = arith.constant 0 : i32
        %dma_start3A_475 = tpu.memref_slice %arg6[%reduce_sum3A_468, %multiple_of3A, %dma_start3A_474] : memref<64x1024x1024xf32, #tpu.memory_space<hbm>> -> memref<1x32x1024xf32, #tpu.memory_space<hbm>>
        %dma_start3A_476 = tpu.memref_squeeze %dma_start3A_475 : memref<1x32x1024xf32, #tpu.memory_space<hbm>> -> memref<32x1024xf32, #tpu.memory_space<hbm>>
        %dma_start3A_477 = arith.constant 0 : i32
        %dma_start3A_478 = tpu.memref_slice %arg6[%reduce_sum3A_468, %multiple_of3A, %dma_start3A_477] : memref<64x1024x1024xf32, #tpu.memory_space<hbm>> -> memref<1x32x1024xf32, #tpu.memory_space<hbm>>
        %dma_start3A_479 = tpu.memref_squeeze %dma_start3A_478 : memref<1x32x1024xf32, #tpu.memory_space<hbm>> -> memref<32x1024xf32, #tpu.memory_space<hbm>>
        %dma_start3A_480 = arith.constant 0 : i32
        %dma_start3A_481 = arith.constant 0 : i32
        %dma_start3A_482 = tpu.memref_slice %arg7[%dma_start3A_469, %dma_start3A_480, %dma_start3A_481] : memref<3x32x1024xf32, #tpu.memory_space<vmem>> -> memref<1x32x1024xf32, #tpu.memory_space<vmem>>
        %dma_start3A_483 = tpu.memref_squeeze %dma_start3A_482 : memref<1x32x1024xf32, #tpu.memory_space<vmem>> -> memref<32x1024xf32, #tpu.memory_space<vmem>>
        tpu.enqueue_dma source(%dma_start3A_483 : memref<32x1024xf32, #tpu.memory_space<vmem>>) target(%dma_start3A_479 : memref<32x1024xf32, #tpu.memory_space<hbm>>) target_semaphore(%arg12 : memref<!tpu.dma_semaphore, #tpu.memory_space<semaphore_mem>>)
        %while3A_484 = arith.constant 0 : i32
        scf.yield %while3A_484 : i32
      }
      %while3A_318 = arith.constant 1 : i32
      %while3A_319 = scf.for %while3A_433 = %while3A_315 to %while3A_311 step %while3A_318 iter_args(%while3A_434 = %while3A_317) -> (i32)  : i32 {
        %jit3A_435 = arith.constant 16 : i32
        %div3A = arith.divsi %while3A_433, %jit3A_435 : i32
        %sign3A = arith.constant 0 : i32
        %sign3A_436 = arith.cmpi sgt, %while3A_433, %sign3A : i32
        %sign3A_437 = arith.extui %sign3A_436 : i1 to i32
        %sign3A_438 = arith.constant 0 : i32
        %sign3A_439 = arith.cmpi slt, %while3A_433, %sign3A_438 : i32
        %sign3A_440 = arith.extui %sign3A_439 : i1 to i32
        %sign3A_441 = arith.subi %sign3A_437, %sign3A_440 : i32
        %sign3A_442 = arith.constant 0 : i32
        %sign3A_443 = arith.cmpi sgt, %jit3A_435, %sign3A_442 : i32
        %sign3A_444 = arith.extui %sign3A_443 : i1 to i32
        %sign3A_445 = arith.constant 0 : i32
        %sign3A_446 = arith.cmpi slt, %jit3A_435, %sign3A_445 : i32
        %sign3A_447 = arith.extui %sign3A_446 : i1 to i32
        %sign3A_448 = arith.subi %sign3A_444, %sign3A_447 : i32
        %ne3A = arith.cmpi ne, %sign3A_441, %sign3A_448 : i32
        %rem3A = arith.remsi %while3A_433, %jit3A_435 : i32
        %ne3A_449 = arith.constant 0 : i32
        %ne3A_450 = arith.cmpi ne, %rem3A, %ne3A_449 : i32
        %and3A = arith.andi %ne3A, %ne3A_450 : i1
        %sub3A_451 = arith.constant 1 : i32
        %sub3A_452 = arith.subi %div3A, %sub3A_451 : i32
        %select_n3A_453 = arith.select %and3A, %sub3A_452, %div3A : i32
        %mul3A_454 = arith.constant 16 : i32
        %mul3A_455 = arith.muli %select_n3A_453, %mul3A_454 : i32
        %multiple_of3A_456 = tpu.assume_multiple %mul3A_455, 16 : i32
        %get3A_457 = arith.index_cast %multiple_of3A_456 : i32 to index
        %get3A_458 = tpu.vector_load %arg9[%get3A_457] {strides = array<i32>} : memref<64xi32, #tpu.memory_space<vmem>>, vector<16xi32>,
        %sub3A_459 = arith.subi %while3A_433, %multiple_of3A_456 : i32
        %eq3A_460 = vector.broadcast %sub3A_459 : i32 to vector<16xi32>
        %eq3A_461 = arith.cmpi eq, %iota3A, %eq3A_460 : vector<16xi32>
        %jit3A_462 = arith.constant 0 : i32
        %broadcast_in_dim3A_463 = vector.broadcast %jit3A_462 : i32 to vector<16xi32>
        %select_n3A_464 = arith.select %eq3A_461, %get3A_458, %broadcast_in_dim3A_463 : vector<16xi1>, vector<16xi32>
        %reduce_sum3A_465 = arith.constant true
        %reduce_sum3A_466 = vector.broadcast %reduce_sum3A_465 : i1 to vector<16xi1>
        %reduce_sum3A_467 = tpu.scan <sum>, %select_n3A_464 masked %reduce_sum3A_466 : vector<16xi32>, vector<16xi1> -> vector<16xi32>
        %reduce_sum3A_468 = vector.extract %reduce_sum3A_467[15] : i32 from vector<16xi32>
        %dma_start3A_469 = arith.constant 1 : i32
        %dma_start3A_470 = arith.constant 0 : i32
        %dma_start3A_471 = arith.constant 0 : i32
        %dma_start3A_472 = tpu.memref_slice %arg7[%dma_start3A_469, %dma_start3A_470, %dma_start3A_471] : memref<3x32x1024xf32, #tpu.memory_space<vmem>> -> memref<1x32x1024xf32, #tpu.memory_space<vmem>>
        %dma_start3A_473 = tpu.memref_squeeze %dma_start3A_472 : memref<1x32x1024xf32, #tpu.memory_space<vmem>> -> memref<32x1024xf32, #tpu.memory_space<vmem>>
        %dma_start3A_474 = arith.constant 0 : i32
        %dma_start3A_475 = tpu.memref_slice %arg6[%reduce_sum3A_468, %multiple_of3A, %dma_start3A_474] : memref<64x1024x1024xf32, #tpu.memory_space<hbm>> -> memref<1x32x1024xf32, #tpu.memory_space<hbm>>
        %dma_start3A_476 = tpu.memref_squeeze %dma_start3A_475 : memref<1x32x1024xf32, #tpu.memory_space<hbm>> -> memref<32x1024xf32, #tpu.memory_space<hbm>>
        %dma_start3A_477 = arith.constant 0 : i32
        %dma_start3A_478 = tpu.memref_slice %arg6[%reduce_sum3A_468, %multiple_of3A, %dma_start3A_477] : memref<64x1024x1024xf32, #tpu.memory_space<hbm>> -> memref<1x32x1024xf32, #tpu.memory_space<hbm>>
        %dma_start3A_479 = tpu.memref_squeeze %dma_start3A_478 : memref<1x32x1024xf32, #tpu.memory_space<hbm>> -> memref<32x1024xf32, #tpu.memory_space<hbm>>
        %dma_start3A_480 = arith.constant 0 : i32
        %dma_start3A_481 = arith.constant 0 : i32
        %dma_start3A_482 = tpu.memref_slice %arg7[%dma_start3A_469, %dma_start3A_480, %dma_start3A_481] : memref<3x32x1024xf32, #tpu.memory_space<vmem>> -> memref<1x32x1024xf32, #tpu.memory_space<vmem>>
        %dma_start3A_483 = tpu.memref_squeeze %dma_start3A_482 : memref<1x32x1024xf32, #tpu.memory_space<vmem>> -> memref<32x1024xf32, #tpu.memory_space<vmem>>
        tpu.enqueue_dma source(%dma_start3A_483 : memref<32x1024xf32, #tpu.memory_space<vmem>>) target(%dma_start3A_479 : memref<32x1024xf32, #tpu.memory_space<hbm>>) target_semaphore(%arg12 : memref<!tpu.dma_semaphore, #tpu.memory_space<semaphore_mem>>)
        %while3A_484 = arith.constant 0 : i32
        scf.yield %while3A_484 : i32
      }
      %mul3A_320 = arith.constant 3 : i32
      %mul3A_321 = arith.muli %mul3A_320, %scan3A_98 : i32
      %add3A_322 = arith.constant 2 : i32
      %add3A_323 = arith.addi %mul3A_321, %add3A_322 : i32
      %sub3A_324 = arith.constant 2 : i32
      %sub3A_325 = arith.subi %add3A_323, %sub3A_324 : i32
      %eq3A_326 = vector.broadcast %sub3A_325 : i32 to vector<16xi32>
      %eq3A_327 = arith.cmpi eq, %iota3A, %eq3A_326 : vector<16xi32>
      %jit3A_328 = arith.constant 0 : i32
      %broadcast_in_dim3A_329 = vector.broadcast %jit3A_328 : i32 to vector<16xi32>
      %select_n3A_330 = arith.select %eq3A_327, %get3A_3, %broadcast_in_dim3A_329 : vector<16xi1>, vector<16xi32>
      %reduce_sum3A_331 = arith.constant true
      %reduce_sum3A_332 = vector.broadcast %reduce_sum3A_331 : i1 to vector<16xi1>
      %reduce_sum3A_333 = tpu.scan <sum>, %select_n3A_330 masked %reduce_sum3A_332 : vector<16xi32>, vector<16xi1> -> vector<16xi32>
      %reduce_sum3A_334 = vector.extract %reduce_sum3A_333[15] : i32 from vector<16xi32>
      %sub3A_335 = arith.constant 1 : i32
      %sub3A_336 = arith.subi %add3A_323, %sub3A_335 : i32
      %eq3A_337 = vector.broadcast %sub3A_336 : i32 to vector<16xi32>
      %eq3A_338 = arith.cmpi eq, %iota3A, %eq3A_337 : vector<16xi32>
      %jit3A_339 = arith.constant 0 : i32
      %broadcast_in_dim3A_340 = vector.broadcast %jit3A_339 : i32 to vector<16xi32>
      %select_n3A_341 = arith.select %eq3A_338, %get3A_3, %broadcast_in_dim3A_340 : vector<16xi1>, vector<16xi32>
      %reduce_sum3A_342 = arith.constant true
      %reduce_sum3A_343 = vector.broadcast %reduce_sum3A_342 : i1 to vector<16xi1>
      %reduce_sum3A_344 = tpu.scan <sum>, %select_n3A_341 masked %reduce_sum3A_343 : vector<16xi32>, vector<16xi1> -> vector<16xi32>
      %reduce_sum3A_345 = vector.extract %reduce_sum3A_344[15] : i32 from vector<16xi32>
      %while3A_346 = arith.constant 0 : i32
      %while3A_347 = arith.subi %reduce_sum3A_345, %reduce_sum3A_334 : i32
      %while3A_348 = arith.addi %reduce_sum3A_334, %while3A_347 : i32
      %while3A_349 = arith.constant 1 : i32
      %while3A_350 = arith.divsi %while3A_347, %while3A_349 : i32
      %while3A_351 = arith.muli %while3A_350, %while3A_349 : i32
      %while3A_352 = arith.addi %reduce_sum3A_334, %while3A_351 : i32
      %while3A_353 = arith.constant 1 : i32
      %while3A_354 = scf.for %while3A_433 = %reduce_sum3A_334 to %while3A_352 step %while3A_353 iter_args(%while3A_434 = %while3A_346) -> (i32)  : i32 {
        %dma_wait3A_435 = arith.constant 0 : i32
        %dma_wait3A_436 = arith.constant 0 : i32
        %dma_wait3A_437 = arith.constant 0 : i32
        %dma_wait3A_438 = arith.constant 0 : i32
        %dma_wait3A_439 = tpu.memref_slice %arg7[%dma_wait3A_436, %dma_wait3A_437, %dma_wait3A_438] : memref<3x32x1024xf32, #tpu.memory_space<vmem>> -> memref<1x32x1024xf32, #tpu.memory_space<vmem>>
        %dma_wait3A_440 = tpu.memref_squeeze %dma_wait3A_439 : memref<1x32x1024xf32, #tpu.memory_space<vmem>> -> memref<32x1024xf32, #tpu.memory_space<vmem>>
        %dma_wait3A_441 = arith.constant 0 : i32
        %dma_wait3A_442 = arith.constant 0 : i32
        %dma_wait3A_443 = tpu.memref_slice %arg2[%dma_wait3A_435, %dma_wait3A_441, %dma_wait3A_442] : memref<12x1024x1024xf32, #tpu.memory_space<hbm>> -> memref<1x32x1024xf32, #tpu.memory_space<hbm>>
        %dma_wait3A_444 = tpu.memref_squeeze %dma_wait3A_443 : memref<1x32x1024xf32, #tpu.memory_space<hbm>> -> memref<32x1024xf32, #tpu.memory_space<hbm>>
        %dma_wait3A_445 = arith.constant 0 : i32
        %dma_wait3A_446 = arith.constant 0 : i32
        %dma_wait3A_447 = tpu.memref_slice %arg7[%dma_wait3A_436, %dma_wait3A_445, %dma_wait3A_446] : memref<3x32x1024xf32, #tpu.memory_space<vmem>> -> memref<1x32x1024xf32, #tpu.memory_space<vmem>>
        %dma_wait3A_448 = tpu.memref_squeeze %dma_wait3A_447 : memref<1x32x1024xf32, #tpu.memory_space<vmem>> -> memref<32x1024xf32, #tpu.memory_space<vmem>>
        %dma_wait3A_449 = arith.constant 0 : i32
        %dma_wait3A_450 = arith.constant 0 : i32
        %dma_wait3A_451 = tpu.memref_slice %arg2[%dma_wait3A_435, %dma_wait3A_449, %dma_wait3A_450] : memref<12x1024x1024xf32, #tpu.memory_space<hbm>> -> memref<1x32x1024xf32, #tpu.memory_space<hbm>>
        %dma_wait3A_452 = tpu.memref_squeeze %dma_wait3A_451 : memref<1x32x1024xf32, #tpu.memory_space<hbm>> -> memref<32x1024xf32, #tpu.memory_space<hbm>>
        tpu.wait_dma2 semaphore(%arg11 : memref<!tpu.dma_semaphore, #tpu.memory_space<semaphore_mem>>) src(%dma_wait3A_452 : memref<32x1024xf32, #tpu.memory_space<hbm>>) dst(%dma_wait3A_448 : memref<32x1024xf32, #tpu.memory_space<vmem>>)
        %while3A_453 = arith.constant 0 : i32
        scf.yield %while3A_453 : i32
      }
      %while3A_355 = arith.constant 1 : i32
      %while3A_356 = scf.for %while3A_433 = %while3A_352 to %while3A_348 step %while3A_355 iter_args(%while3A_434 = %while3A_354) -> (i32)  : i32 {
        %dma_wait3A_435 = arith.constant 0 : i32
        %dma_wait3A_436 = arith.constant 0 : i32
        %dma_wait3A_437 = arith.constant 0 : i32
        %dma_wait3A_438 = arith.constant 0 : i32
        %dma_wait3A_439 = tpu.memref_slice %arg7[%dma_wait3A_436, %dma_wait3A_437, %dma_wait3A_438] : memref<3x32x1024xf32, #tpu.memory_space<vmem>> -> memref<1x32x1024xf32, #tpu.memory_space<vmem>>
        %dma_wait3A_440 = tpu.memref_squeeze %dma_wait3A_439 : memref<1x32x1024xf32, #tpu.memory_space<vmem>> -> memref<32x1024xf32, #tpu.memory_space<vmem>>
        %dma_wait3A_441 = arith.constant 0 : i32
        %dma_wait3A_442 = arith.constant 0 : i32
        %dma_wait3A_443 = tpu.memref_slice %arg2[%dma_wait3A_435, %dma_wait3A_441, %dma_wait3A_442] : memref<12x1024x1024xf32, #tpu.memory_space<hbm>> -> memref<1x32x1024xf32, #tpu.memory_space<hbm>>
        %dma_wait3A_444 = tpu.memref_squeeze %dma_wait3A_443 : memref<1x32x1024xf32, #tpu.memory_space<hbm>> -> memref<32x1024xf32, #tpu.memory_space<hbm>>
        %dma_wait3A_445 = arith.constant 0 : i32
        %dma_wait3A_446 = arith.constant 0 : i32
        %dma_wait3A_447 = tpu.memref_slice %arg7[%dma_wait3A_436, %dma_wait3A_445, %dma_wait3A_446] : memref<3x32x1024xf32, #tpu.memory_space<vmem>> -> memref<1x32x1024xf32, #tpu.memory_space<vmem>>
        %dma_wait3A_448 = tpu.memref_squeeze %dma_wait3A_447 : memref<1x32x1024xf32, #tpu.memory_space<vmem>> -> memref<32x1024xf32, #tpu.memory_space<vmem>>
        %dma_wait3A_449 = arith.constant 0 : i32
        %dma_wait3A_450 = arith.constant 0 : i32
        %dma_wait3A_451 = tpu.memref_slice %arg2[%dma_wait3A_435, %dma_wait3A_449, %dma_wait3A_450] : memref<12x1024x1024xf32, #tpu.memory_space<hbm>> -> memref<1x32x1024xf32, #tpu.memory_space<hbm>>
        %dma_wait3A_452 = tpu.memref_squeeze %dma_wait3A_451 : memref<1x32x1024xf32, #tpu.memory_space<hbm>> -> memref<32x1024xf32, #tpu.memory_space<hbm>>
        tpu.wait_dma2 semaphore(%arg11 : memref<!tpu.dma_semaphore, #tpu.memory_space<semaphore_mem>>) src(%dma_wait3A_452 : memref<32x1024xf32, #tpu.memory_space<hbm>>) dst(%dma_wait3A_448 : memref<32x1024xf32, #tpu.memory_space<vmem>>)
        %while3A_453 = arith.constant 0 : i32
        scf.yield %while3A_453 : i32
      }
      %dma_wait3A_357 = arith.constant 0 : i32
      %dma_wait3A_358 = arith.constant 2 : i32
      %dma_wait3A_359 = arith.constant 0 : i32
      %dma_wait3A_360 = arith.constant 0 : i32
      %dma_wait3A_361 = tpu.memref_slice %arg7[%dma_wait3A_358, %dma_wait3A_359, %dma_wait3A_360] : memref<3x32x1024xf32, #tpu.memory_space<vmem>> -> memref<1x32x1024xf32, #tpu.memory_space<vmem>>
      %dma_wait3A_362 = tpu.memref_squeeze %dma_wait3A_361 : memref<1x32x1024xf32, #tpu.memory_space<vmem>> -> memref<32x1024xf32, #tpu.memory_space<vmem>>
      %dma_wait3A_363 = arith.constant 0 : i32
      %dma_wait3A_364 = arith.constant 0 : i32
      %dma_wait3A_365 = tpu.memref_slice %arg2[%dma_wait3A_357, %dma_wait3A_363, %dma_wait3A_364] : memref<12x1024x1024xf32, #tpu.memory_space<hbm>> -> memref<1x32x1024xf32, #tpu.memory_space<hbm>>
      %dma_wait3A_366 = tpu.memref_squeeze %dma_wait3A_365 : memref<1x32x1024xf32, #tpu.memory_space<hbm>> -> memref<32x1024xf32, #tpu.memory_space<hbm>>
      %dma_wait3A_367 = arith.constant 0 : i32
      %dma_wait3A_368 = arith.constant 0 : i32
      %dma_wait3A_369 = tpu.memref_slice %arg7[%dma_wait3A_358, %dma_wait3A_367, %dma_wait3A_368] : memref<3x32x1024xf32, #tpu.memory_space<vmem>> -> memref<1x32x1024xf32, #tpu.memory_space<vmem>>
      %dma_wait3A_370 = tpu.memref_squeeze %dma_wait3A_369 : memref<1x32x1024xf32, #tpu.memory_space<vmem>> -> memref<32x1024xf32, #tpu.memory_space<vmem>>
      %dma_wait3A_371 = arith.constant 0 : i32
      %dma_wait3A_372 = arith.constant 0 : i32
      %dma_wait3A_373 = tpu.memref_slice %arg2[%dma_wait3A_357, %dma_wait3A_371, %dma_wait3A_372] : memref<12x1024x1024xf32, #tpu.memory_space<hbm>> -> memref<1x32x1024xf32, #tpu.memory_space<hbm>>
      %dma_wait3A_374 = tpu.memref_squeeze %dma_wait3A_373 : memref<1x32x1024xf32, #tpu.memory_space<hbm>> -> memref<32x1024xf32, #tpu.memory_space<hbm>>
      tpu.wait_dma2 semaphore(%arg14 : memref<!tpu.dma_semaphore, #tpu.memory_space<semaphore_mem>>) src(%dma_wait3A_374 : memref<32x1024xf32, #tpu.memory_space<hbm>>) dst(%dma_wait3A_370 : memref<32x1024xf32, #tpu.memory_space<vmem>>)
      %add3A_375 = arith.constant 1 : i32
      %add3A_376 = arith.addi %add3A_323, %add3A_375 : i32
      %min3A_377 = arith.constant 11 : i32
      %min3A_378 = arith.minsi %add3A_376, %min3A_377 : i32
      %dma_start3A_379 = arith.constant 0 : i32
      %dma_start3A_380 = arith.constant 0 : i32
      %dma_start3A_381 = arith.constant 0 : i32
      %dma_start3A_382 = tpu.memref_slice %arg7[%dma_start3A_379, %dma_start3A_380, %dma_start3A_381] : memref<3x32x1024xf32, #tpu.memory_space<vmem>> -> memref<1x32x1024xf32, #tpu.memory_space<vmem>>
      %dma_start3A_383 = tpu.memref_squeeze %dma_start3A_382 : memref<1x32x1024xf32, #tpu.memory_space<vmem>> -> memref<32x1024xf32, #tpu.memory_space<vmem>>
      %dma_start3A_384 = arith.constant 0 : i32
      %dma_start3A_385 = tpu.memref_slice %arg2[%min3A_378, %multiple_of3A, %dma_start3A_384] : memref<12x1024x1024xf32, #tpu.memory_space<hbm>> -> memref<1x32x1024xf32, #tpu.memory_space<hbm>>
      %dma_start3A_386 = tpu.memref_squeeze %dma_start3A_385 : memref<1x32x1024xf32, #tpu.memory_space<hbm>> -> memref<32x1024xf32, #tpu.memory_space<hbm>>
      %dma_start3A_387 = arith.constant 0 : i32
      %dma_start3A_388 = arith.constant 0 : i32
      %dma_start3A_389 = tpu.memref_slice %arg7[%dma_start3A_379, %dma_start3A_387, %dma_start3A_388] : memref<3x32x1024xf32, #tpu.memory_space<vmem>> -> memref<1x32x1024xf32, #tpu.memory_space<vmem>>
      %dma_start3A_390 = tpu.memref_squeeze %dma_start3A_389 : memref<1x32x1024xf32, #tpu.memory_space<vmem>> -> memref<32x1024xf32, #tpu.memory_space<vmem>>
      %dma_start3A_391 = arith.constant 0 : i32
      %dma_start3A_392 = tpu.memref_slice %arg2[%min3A_378, %multiple_of3A, %dma_start3A_391] : memref<12x1024x1024xf32, #tpu.memory_space<hbm>> -> memref<1x32x1024xf32, #tpu.memory_space<hbm>>
      %dma_start3A_393 = tpu.memref_squeeze %dma_start3A_392 : memref<1x32x1024xf32, #tpu.memory_space<hbm>> -> memref<32x1024xf32, #tpu.memory_space<hbm>>
      tpu.enqueue_dma source(%dma_start3A_393 : memref<32x1024xf32, #tpu.memory_space<hbm>>) target(%dma_start3A_390 : memref<32x1024xf32, #tpu.memory_space<vmem>>) target_semaphore(%arg14 : memref<!tpu.dma_semaphore, #tpu.memory_space<semaphore_mem>>)
      "tpu.region"() ({
        %run_scoped3A = tpu.sem_alloc : memref<!tpu.dma_semaphore, #tpu.memory_space<semaphore_mem>>
        %dma_start3A_433 = tpu.memref_slice %arg3[%add3A_323, %multiple_of3A] : memref<12x1024xf32, #tpu.memory_space<hbm>> -> memref<1x32xf32, #tpu.memory_space<hbm>>
        %dma_start3A_434 = tpu.memref_squeeze %dma_start3A_433 : memref<1x32xf32, #tpu.memory_space<hbm>> -> memref<32xf32, #tpu.memory_space<hbm>>
        %dma_start3A_435 = tpu.memref_slice %arg3[%add3A_323, %multiple_of3A] : memref<12x1024xf32, #tpu.memory_space<hbm>> -> memref<1x32xf32, #tpu.memory_space<hbm>>
        %dma_start3A_436 = tpu.memref_squeeze %dma_start3A_435 : memref<1x32xf32, #tpu.memory_space<hbm>> -> memref<32xf32, #tpu.memory_space<hbm>>
        tpu.enqueue_dma source(%dma_start3A_436 : memref<32xf32, #tpu.memory_space<hbm>>) target(%arg8 : memref<32xf32, #tpu.memory_space<vmem>>) target_semaphore(%run_scoped3A : memref<!tpu.dma_semaphore, #tpu.memory_space<semaphore_mem>>)
        %dma_wait3A_437 = tpu.memref_slice %arg3[%add3A_323, %multiple_of3A] : memref<12x1024xf32, #tpu.memory_space<hbm>> -> memref<1x32xf32, #tpu.memory_space<hbm>>
        %dma_wait3A_438 = tpu.memref_squeeze %dma_wait3A_437 : memref<1x32xf32, #tpu.memory_space<hbm>> -> memref<32xf32, #tpu.memory_space<hbm>>
        %dma_wait3A_439 = tpu.memref_slice %arg3[%add3A_323, %multiple_of3A] : memref<12x1024xf32, #tpu.memory_space<hbm>> -> memref<1x32xf32, #tpu.memory_space<hbm>>
        %dma_wait3A_440 = tpu.memref_squeeze %dma_wait3A_439 : memref<1x32xf32, #tpu.memory_space<hbm>> -> memref<32xf32, #tpu.memory_space<hbm>>
        tpu.wait_dma2 semaphore(%run_scoped3A : memref<!tpu.dma_semaphore, #tpu.memory_space<semaphore_mem>>) src(%dma_wait3A_440 : memref<32xf32, #tpu.memory_space<hbm>>) dst(%arg8 : memref<32xf32, #tpu.memory_space<vmem>>)
        tpu.yield
      }) : () -> ()
      %scan3A_394 = arith.constant 0 : i32
      %scan3A_395 = arith.constant 0 : i32
      %scan3A_396 = arith.constant 32 : i32
      %scan3A_397 = arith.addi %scan3A_395, %scan3A_396 : i32
      %scan3A_398 = arith.constant 1 : i32
      %scan3A_399 = scf.for %scan3A_433 = %scan3A_395 to %scan3A_397 step %scan3A_398 iter_args(%scan3A_434 = %scan3A_394) -> (i32)  : i32 {
        %add3A_435 = arith.addi %multiple_of3A, %scan3A_433 : i32
        %broadcast_in_dim3A_436 = arith.constant 0.000000e+00 : f32
        %broadcast_in_dim3A_437 = vector.broadcast %broadcast_in_dim3A_436 : f32 to vector<16xf32>
        %broadcast_in_dim3A_438 = arith.constant 0.000000e+00 : f32
        %broadcast_in_dim3A_439 = vector.broadcast %broadcast_in_dim3A_438 : f32 to vector<16xf32>
        %broadcast_in_dim3A_440 = arith.constant 0.000000e+00 : f32
        %broadcast_in_dim3A_441 = vector.broadcast %broadcast_in_dim3A_440 : f32 to vector<16xf32>
        %broadcast_in_dim3A_442 = arith.constant 0.000000e+00 : f32
        %broadcast_in_dim3A_443 = vector.broadcast %broadcast_in_dim3A_442 : f32 to vector<16xf32>
        %get3A_444 = arith.constant 2 : i32
        %get3A_445 = arith.index_cast %get3A_444 : i32 to index
        %get3A_446 = arith.index_cast %scan3A_433 : i32 to index
        %get3A_447 = arith.constant 0 : index
        %get3A_448 = tpu.vector_load %arg7[%get3A_445, %get3A_446, %get3A_447] {strides = array<i32>} : memref<3x32x1024xf32, #tpu.memory_space<vmem>>, vector<16xf32>,
        %abs3A = math.absf %get3A_448 : vector<16xf32>
        %add3A_449 = arith.addf %broadcast_in_dim3A_437, %abs3A : vector<16xf32>
        %get3A_450 = arith.constant 2 : i32
        %get3A_451 = arith.index_cast %get3A_450 : i32 to index
        %get3A_452 = arith.index_cast %scan3A_433 : i32 to index
        %get3A_453 = arith.constant 16 : index
        %get3A_454 = tpu.vector_load %arg7[%get3A_451, %get3A_452, %get3A_453] {strides = array<i32>} : memref<3x32x1024xf32, #tpu.memory_space<vmem>>, vector<16xf32>,
        %abs3A_455 = math.absf %get3A_454 : vector<16xf32>
        %add3A_456 = arith.addf %broadcast_in_dim3A_439, %abs3A_455 : vector<16xf32>
        %get3A_457 = arith.constant 2 : i32
        %get3A_458 = arith.index_cast %get3A_457 : i32 to index
        %get3A_459 = arith.index_cast %scan3A_433 : i32 to index
        %get3A_460 = arith.constant 32 : index
        %get3A_461 = tpu.vector_load %arg7[%get3A_458, %get3A_459, %get3A_460] {strides = array<i32>} : memref<3x32x1024xf32, #tpu.memory_space<vmem>>, vector<16xf32>,
        %abs3A_462 = math.absf %get3A_461 : vector<16xf32>
        %add3A_463 = arith.addf %broadcast_in_dim3A_441, %abs3A_462 : vector<16xf32>
        %get3A_464 = arith.constant 2 : i32
        %get3A_465 = arith.index_cast %get3A_464 : i32 to index
        %get3A_466 = arith.index_cast %scan3A_433 : i32 to index
        %get3A_467 = arith.constant 48 : index
        %get3A_468 = tpu.vector_load %arg7[%get3A_465, %get3A_466, %get3A_467] {strides = array<i32>} : memref<3x32x1024xf32, #tpu.memory_space<vmem>>, vector<16xf32>,
        %abs3A_469 = math.absf %get3A_468 : vector<16xf32>
        %add3A_470 = arith.addf %broadcast_in_dim3A_443, %abs3A_469 : vector<16xf32>
        %get3A_471 = arith.constant 2 : i32
        %get3A_472 = arith.index_cast %get3A_471 : i32 to index
        %get3A_473 = arith.index_cast %scan3A_433 : i32 to index
        %get3A_474 = arith.constant 64 : index
        %get3A_475 = tpu.vector_load %arg7[%get3A_472, %get3A_473, %get3A_474] {strides = array<i32>} : memref<3x32x1024xf32, #tpu.memory_space<vmem>>, vector<16xf32>,
        %abs3A_476 = math.absf %get3A_475 : vector<16xf32>
        %add3A_477 = arith.addf %add3A_449, %abs3A_476 : vector<16xf32>
        %get3A_478 = arith.constant 2 : i32
        %get3A_479 = arith.index_cast %get3A_478 : i32 to index
        %get3A_480 = arith.index_cast %scan3A_433 : i32 to index
        %get3A_481 = arith.constant 80 : index
        %get3A_482 = tpu.vector_load %arg7[%get3A_479, %get3A_480, %get3A_481] {strides = array<i32>} : memref<3x32x1024xf32, #tpu.memory_space<vmem>>, vector<16xf32>,
        %abs3A_483 = math.absf %get3A_482 : vector<16xf32>
        %add3A_484 = arith.addf %add3A_456, %abs3A_483 : vector<16xf32>
        %get3A_485 = arith.constant 2 : i32
        %get3A_486 = arith.index_cast %get3A_485 : i32 to index
        %get3A_487 = arith.index_cast %scan3A_433 : i32 to index
        %get3A_488 = arith.constant 96 : index
        %get3A_489 = tpu.vector_load %arg7[%get3A_486, %get3A_487, %get3A_488] {strides = array<i32>} : memref<3x32x1024xf32, #tpu.memory_space<vmem>>, vector<16xf32>,
        %abs3A_490 = math.absf %get3A_489 : vector<16xf32>
        %add3A_491 = arith.addf %add3A_463, %abs3A_490 : vector<16xf32>
        %get3A_492 = arith.constant 2 : i32
        %get3A_493 = arith.index_cast %get3A_492 : i32 to index
        %get3A_494 = arith.index_cast %scan3A_433 : i32 to index
        %get3A_495 = arith.constant 112 : index
        %get3A_496 = tpu.vector_load %arg7[%get3A_493, %get3A_494, %get3A_495] {strides = array<i32>} : memref<3x32x1024xf32, #tpu.memory_space<vmem>>, vector<16xf32>,
        %abs3A_497 = math.absf %get3A_496 : vector<16xf32>
        %add3A_498 = arith.addf %add3A_470, %abs3A_497 : vector<16xf32>
        %get3A_499 = arith.constant 2 : i32
        %get3A_500 = arith.index_cast %get3A_499 : i32 to index
        %get3A_501 = arith.index_cast %scan3A_433 : i32 to index
        %get3A_502 = arith.constant 128 : index
        %get3A_503 = tpu.vector_load %arg7[%get3A_500, %get3A_501, %get3A_502] {strides = array<i32>} : memref<3x32x1024xf32, #tpu.memory_space<vmem>>, vector<16xf32>,
        %abs3A_504 = math.absf %get3A_503 : vector<16xf32>
        %add3A_505 = arith.addf %add3A_477, %abs3A_504 : vector<16xf32>
        %get3A_506 = arith.constant 2 : i32
        %get3A_507 = arith.index_cast %get3A_506 : i32 to index
        %get3A_508 = arith.index_cast %scan3A_433 : i32 to index
        %get3A_509 = arith.constant 144 : index
        %get3A_510 = tpu.vector_load %arg7[%get3A_507, %get3A_508, %get3A_509] {strides = array<i32>} : memref<3x32x1024xf32, #tpu.memory_space<vmem>>, vector<16xf32>,
        %abs3A_511 = math.absf %get3A_510 : vector<16xf32>
        %add3A_512 = arith.addf %add3A_484, %abs3A_511 : vector<16xf32>
        %get3A_513 = arith.constant 2 : i32
        %get3A_514 = arith.index_cast %get3A_513 : i32 to index
        %get3A_515 = arith.index_cast %scan3A_433 : i32 to index
        %get3A_516 = arith.constant 160 : index
        %get3A_517 = tpu.vector_load %arg7[%get3A_514, %get3A_515, %get3A_516] {strides = array<i32>} : memref<3x32x1024xf32, #tpu.memory_space<vmem>>, vector<16xf32>,
        %abs3A_518 = math.absf %get3A_517 : vector<16xf32>
        %add3A_519 = arith.addf %add3A_491, %abs3A_518 : vector<16xf32>
        %get3A_520 = arith.constant 2 : i32
        %get3A_521 = arith.index_cast %get3A_520 : i32 to index
        %get3A_522 = arith.index_cast %scan3A_433 : i32 to index
        %get3A_523 = arith.constant 176 : index
        %get3A_524 = tpu.vector_load %arg7[%get3A_521, %get3A_522, %get3A_523] {strides = array<i32>} : memref<3x32x1024xf32, #tpu.memory_space<vmem>>, vector<16xf32>,
        %abs3A_525 = math.absf %get3A_524 : vector<16xf32>
        %add3A_526 = arith.addf %add3A_498, %abs3A_525 : vector<16xf32>
        %get3A_527 = arith.constant 2 : i32
        %get3A_528 = arith.index_cast %get3A_527 : i32 to index
        %get3A_529 = arith.index_cast %scan3A_433 : i32 to index
        %get3A_530 = arith.constant 192 : index
        %get3A_531 = tpu.vector_load %arg7[%get3A_528, %get3A_529, %get3A_530] {strides = array<i32>} : memref<3x32x1024xf32, #tpu.memory_space<vmem>>, vector<16xf32>,
        %abs3A_532 = math.absf %get3A_531 : vector<16xf32>
        %add3A_533 = arith.addf %add3A_505, %abs3A_532 : vector<16xf32>
        %get3A_534 = arith.constant 2 : i32
        %get3A_535 = arith.index_cast %get3A_534 : i32 to index
        %get3A_536 = arith.index_cast %scan3A_433 : i32 to index
        %get3A_537 = arith.constant 208 : index
        %get3A_538 = tpu.vector_load %arg7[%get3A_535, %get3A_536, %get3A_537] {strides = array<i32>} : memref<3x32x1024xf32, #tpu.memory_space<vmem>>, vector<16xf32>,
        %abs3A_539 = math.absf %get3A_538 : vector<16xf32>
        %add3A_540 = arith.addf %add3A_512, %abs3A_539 : vector<16xf32>
        %get3A_541 = arith.constant 2 : i32
        %get3A_542 = arith.index_cast %get3A_541 : i32 to index
        %get3A_543 = arith.index_cast %scan3A_433 : i32 to index
        %get3A_544 = arith.constant 224 : index
        %get3A_545 = tpu.vector_load %arg7[%get3A_542, %get3A_543, %get3A_544] {strides = array<i32>} : memref<3x32x1024xf32, #tpu.memory_space<vmem>>, vector<16xf32>,
        %abs3A_546 = math.absf %get3A_545 : vector<16xf32>
        %add3A_547 = arith.addf %add3A_519, %abs3A_546 : vector<16xf32>
        %get3A_548 = arith.constant 2 : i32
        %get3A_549 = arith.index_cast %get3A_548 : i32 to index
        %get3A_550 = arith.index_cast %scan3A_433 : i32 to index
        %get3A_551 = arith.constant 240 : index
        %get3A_552 = tpu.vector_load %arg7[%get3A_549, %get3A_550, %get3A_551] {strides = array<i32>} : memref<3x32x1024xf32, #tpu.memory_space<vmem>>, vector<16xf32>,
        %abs3A_553 = math.absf %get3A_552 : vector<16xf32>
        %add3A_554 = arith.addf %add3A_526, %abs3A_553 : vector<16xf32>
        %get3A_555 = arith.constant 2 : i32
        %get3A_556 = arith.index_cast %get3A_555 : i32 to index
        %get3A_557 = arith.index_cast %scan3A_433 : i32 to index
        %get3A_558 = arith.constant 256 : index
        %get3A_559 = tpu.vector_load %arg7[%get3A_556, %get3A_557, %get3A_558] {strides = array<i32>} : memref<3x32x1024xf32, #tpu.memory_space<vmem>>, vector<16xf32>,
        %abs3A_560 = math.absf %get3A_559 : vector<16xf32>
        %add3A_561 = arith.addf %add3A_533, %abs3A_560 : vector<16xf32>
        %get3A_562 = arith.constant 2 : i32
        %get3A_563 = arith.index_cast %get3A_562 : i32 to index
        %get3A_564 = arith.index_cast %scan3A_433 : i32 to index
        %get3A_565 = arith.constant 272 : index
        %get3A_566 = tpu.vector_load %arg7[%get3A_563, %get3A_564, %get3A_565] {strides = array<i32>} : memref<3x32x1024xf32, #tpu.memory_space<vmem>>, vector<16xf32>,
        %abs3A_567 = math.absf %get3A_566 : vector<16xf32>
        %add3A_568 = arith.addf %add3A_540, %abs3A_567 : vector<16xf32>
        %get3A_569 = arith.constant 2 : i32
        %get3A_570 = arith.index_cast %get3A_569 : i32 to index
        %get3A_571 = arith.index_cast %scan3A_433 : i32 to index
        %get3A_572 = arith.constant 288 : index
        %get3A_573 = tpu.vector_load %arg7[%get3A_570, %get3A_571, %get3A_572] {strides = array<i32>} : memref<3x32x1024xf32, #tpu.memory_space<vmem>>, vector<16xf32>,
        %abs3A_574 = math.absf %get3A_573 : vector<16xf32>
        %add3A_575 = arith.addf %add3A_547, %abs3A_574 : vector<16xf32>
        %get3A_576 = arith.constant 2 : i32
        %get3A_577 = arith.index_cast %get3A_576 : i32 to index
        %get3A_578 = arith.index_cast %scan3A_433 : i32 to index
        %get3A_579 = arith.constant 304 : index
        %get3A_580 = tpu.vector_load %arg7[%get3A_577, %get3A_578, %get3A_579] {strides = array<i32>} : memref<3x32x1024xf32, #tpu.memory_space<vmem>>, vector<16xf32>,
        %abs3A_581 = math.absf %get3A_580 : vector<16xf32>
        %add3A_582 = arith.addf %add3A_554, %abs3A_581 : vector<16xf32>
        %get3A_583 = arith.constant 2 : i32
        %get3A_584 = arith.index_cast %get3A_583 : i32 to index
        %get3A_585 = arith.index_cast %scan3A_433 : i32 to index
        %get3A_586 = arith.constant 320 : index
        %get3A_587 = tpu.vector_load %arg7[%get3A_584, %get3A_585, %get3A_586] {strides = array<i32>} : memref<3x32x1024xf32, #tpu.memory_space<vmem>>, vector<16xf32>,
        %abs3A_588 = math.absf %get3A_587 : vector<16xf32>
        %add3A_589 = arith.addf %add3A_561, %abs3A_588 : vector<16xf32>
        %get3A_590 = arith.constant 2 : i32
        %get3A_591 = arith.index_cast %get3A_590 : i32 to index
        %get3A_592 = arith.index_cast %scan3A_433 : i32 to index
        %get3A_593 = arith.constant 336 : index
        %get3A_594 = tpu.vector_load %arg7[%get3A_591, %get3A_592, %get3A_593] {strides = array<i32>} : memref<3x32x1024xf32, #tpu.memory_space<vmem>>, vector<16xf32>,
        %abs3A_595 = math.absf %get3A_594 : vector<16xf32>
        %add3A_596 = arith.addf %add3A_568, %abs3A_595 : vector<16xf32>
        %get3A_597 = arith.constant 2 : i32
        %get3A_598 = arith.index_cast %get3A_597 : i32 to index
        %get3A_599 = arith.index_cast %scan3A_433 : i32 to index
        %get3A_600 = arith.constant 352 : index
        %get3A_601 = tpu.vector_load %arg7[%get3A_598, %get3A_599, %get3A_600] {strides = array<i32>} : memref<3x32x1024xf32, #tpu.memory_space<vmem>>, vector<16xf32>,
        %abs3A_602 = math.absf %get3A_601 : vector<16xf32>
        %add3A_603 = arith.addf %add3A_575, %abs3A_602 : vector<16xf32>
        %get3A_604 = arith.constant 2 : i32
        %get3A_605 = arith.index_cast %get3A_604 : i32 to index
        %get3A_606 = arith.index_cast %scan3A_433 : i32 to index
        %get3A_607 = arith.constant 368 : index
        %get3A_608 = tpu.vector_load %arg7[%get3A_605, %get3A_606, %get3A_607] {strides = array<i32>} : memref<3x32x1024xf32, #tpu.memory_space<vmem>>, vector<16xf32>,
        %abs3A_609 = math.absf %get3A_608 : vector<16xf32>
        %add3A_610 = arith.addf %add3A_582, %abs3A_609 : vector<16xf32>
        %get3A_611 = arith.constant 2 : i32
        %get3A_612 = arith.index_cast %get3A_611 : i32 to index
        %get3A_613 = arith.index_cast %scan3A_433 : i32 to index
        %get3A_614 = arith.constant 384 : index
        %get3A_615 = tpu.vector_load %arg7[%get3A_612, %get3A_613, %get3A_614] {strides = array<i32>} : memref<3x32x1024xf32, #tpu.memory_space<vmem>>, vector<16xf32>,
        %abs3A_616 = math.absf %get3A_615 : vector<16xf32>
        %add3A_617 = arith.addf %add3A_589, %abs3A_616 : vector<16xf32>
        %get3A_618 = arith.constant 2 : i32
        %get3A_619 = arith.index_cast %get3A_618 : i32 to index
        %get3A_620 = arith.index_cast %scan3A_433 : i32 to index
        %get3A_621 = arith.constant 400 : index
        %get3A_622 = tpu.vector_load %arg7[%get3A_619, %get3A_620, %get3A_621] {strides = array<i32>} : memref<3x32x1024xf32, #tpu.memory_space<vmem>>, vector<16xf32>,
        %abs3A_623 = math.absf %get3A_622 : vector<16xf32>
        %add3A_624 = arith.addf %add3A_596, %abs3A_623 : vector<16xf32>
        %get3A_625 = arith.constant 2 : i32
        %get3A_626 = arith.index_cast %get3A_625 : i32 to index
        %get3A_627 = arith.index_cast %scan3A_433 : i32 to index
        %get3A_628 = arith.constant 416 : index
        %get3A_629 = tpu.vector_load %arg7[%get3A_626, %get3A_627, %get3A_628] {strides = array<i32>} : memref<3x32x1024xf32, #tpu.memory_space<vmem>>, vector<16xf32>,
        %abs3A_630 = math.absf %get3A_629 : vector<16xf32>
        %add3A_631 = arith.addf %add3A_603, %abs3A_630 : vector<16xf32>
        %get3A_632 = arith.constant 2 : i32
        %get3A_633 = arith.index_cast %get3A_632 : i32 to index
        %get3A_634 = arith.index_cast %scan3A_433 : i32 to index
        %get3A_635 = arith.constant 432 : index
        %get3A_636 = tpu.vector_load %arg7[%get3A_633, %get3A_634, %get3A_635] {strides = array<i32>} : memref<3x32x1024xf32, #tpu.memory_space<vmem>>, vector<16xf32>,
        %abs3A_637 = math.absf %get3A_636 : vector<16xf32>
        %add3A_638 = arith.addf %add3A_610, %abs3A_637 : vector<16xf32>
        %get3A_639 = arith.constant 2 : i32
        %get3A_640 = arith.index_cast %get3A_639 : i32 to index
        %get3A_641 = arith.index_cast %scan3A_433 : i32 to index
        %get3A_642 = arith.constant 448 : index
        %get3A_643 = tpu.vector_load %arg7[%get3A_640, %get3A_641, %get3A_642] {strides = array<i32>} : memref<3x32x1024xf32, #tpu.memory_space<vmem>>, vector<16xf32>,
        %abs3A_644 = math.absf %get3A_643 : vector<16xf32>
        %add3A_645 = arith.addf %add3A_617, %abs3A_644 : vector<16xf32>
        %get3A_646 = arith.constant 2 : i32
        %get3A_647 = arith.index_cast %get3A_646 : i32 to index
        %get3A_648 = arith.index_cast %scan3A_433 : i32 to index
        %get3A_649 = arith.constant 464 : index
        %get3A_650 = tpu.vector_load %arg7[%get3A_647, %get3A_648, %get3A_649] {strides = array<i32>} : memref<3x32x1024xf32, #tpu.memory_space<vmem>>, vector<16xf32>,
        %abs3A_651 = math.absf %get3A_650 : vector<16xf32>
        %add3A_652 = arith.addf %add3A_624, %abs3A_651 : vector<16xf32>
        %get3A_653 = arith.constant 2 : i32
        %get3A_654 = arith.index_cast %get3A_653 : i32 to index
        %get3A_655 = arith.index_cast %scan3A_433 : i32 to index
        %get3A_656 = arith.constant 480 : index
        %get3A_657 = tpu.vector_load %arg7[%get3A_654, %get3A_655, %get3A_656] {strides = array<i32>} : memref<3x32x1024xf32, #tpu.memory_space<vmem>>, vector<16xf32>,
        %abs3A_658 = math.absf %get3A_657 : vector<16xf32>
        %add3A_659 = arith.addf %add3A_631, %abs3A_658 : vector<16xf32>
        %get3A_660 = arith.constant 2 : i32
        %get3A_661 = arith.index_cast %get3A_660 : i32 to index
        %get3A_662 = arith.index_cast %scan3A_433 : i32 to index
        %get3A_663 = arith.constant 496 : index
        %get3A_664 = tpu.vector_load %arg7[%get3A_661, %get3A_662, %get3A_663] {strides = array<i32>} : memref<3x32x1024xf32, #tpu.memory_space<vmem>>, vector<16xf32>,
        %abs3A_665 = math.absf %get3A_664 : vector<16xf32>
        %add3A_666 = arith.addf %add3A_638, %abs3A_665 : vector<16xf32>
        %get3A_667 = arith.constant 2 : i32
        %get3A_668 = arith.index_cast %get3A_667 : i32 to index
        %get3A_669 = arith.index_cast %scan3A_433 : i32 to index
        %get3A_670 = arith.constant 512 : index
        %get3A_671 = tpu.vector_load %arg7[%get3A_668, %get3A_669, %get3A_670] {strides = array<i32>} : memref<3x32x1024xf32, #tpu.memory_space<vmem>>, vector<16xf32>,
        %abs3A_672 = math.absf %get3A_671 : vector<16xf32>
        %add3A_673 = arith.addf %add3A_645, %abs3A_672 : vector<16xf32>
        %get3A_674 = arith.constant 2 : i32
        %get3A_675 = arith.index_cast %get3A_674 : i32 to index
        %get3A_676 = arith.index_cast %scan3A_433 : i32 to index
        %get3A_677 = arith.constant 528 : index
        %get3A_678 = tpu.vector_load %arg7[%get3A_675, %get3A_676, %get3A_677] {strides = array<i32>} : memref<3x32x1024xf32, #tpu.memory_space<vmem>>, vector<16xf32>,
        %abs3A_679 = math.absf %get3A_678 : vector<16xf32>
        %add3A_680 = arith.addf %add3A_652, %abs3A_679 : vector<16xf32>
        %get3A_681 = arith.constant 2 : i32
        %get3A_682 = arith.index_cast %get3A_681 : i32 to index
        %get3A_683 = arith.index_cast %scan3A_433 : i32 to index
        %get3A_684 = arith.constant 544 : index
        %get3A_685 = tpu.vector_load %arg7[%get3A_682, %get3A_683, %get3A_684] {strides = array<i32>} : memref<3x32x1024xf32, #tpu.memory_space<vmem>>, vector<16xf32>,
        %abs3A_686 = math.absf %get3A_685 : vector<16xf32>
        %add3A_687 = arith.addf %add3A_659, %abs3A_686 : vector<16xf32>
        %get3A_688 = arith.constant 2 : i32
        %get3A_689 = arith.index_cast %get3A_688 : i32 to index
        %get3A_690 = arith.index_cast %scan3A_433 : i32 to index
        %get3A_691 = arith.constant 560 : index
        %get3A_692 = tpu.vector_load %arg7[%get3A_689, %get3A_690, %get3A_691] {strides = array<i32>} : memref<3x32x1024xf32, #tpu.memory_space<vmem>>, vector<16xf32>,
        %abs3A_693 = math.absf %get3A_692 : vector<16xf32>
        %add3A_694 = arith.addf %add3A_666, %abs3A_693 : vector<16xf32>
        %get3A_695 = arith.constant 2 : i32
        %get3A_696 = arith.index_cast %get3A_695 : i32 to index
        %get3A_697 = arith.index_cast %scan3A_433 : i32 to index
        %get3A_698 = arith.constant 576 : index
        %get3A_699 = tpu.vector_load %arg7[%get3A_696, %get3A_697, %get3A_698] {strides = array<i32>} : memref<3x32x1024xf32, #tpu.memory_space<vmem>>, vector<16xf32>,
        %abs3A_700 = math.absf %get3A_699 : vector<16xf32>
        %add3A_701 = arith.addf %add3A_673, %abs3A_700 : vector<16xf32>
        %get3A_702 = arith.constant 2 : i32
        %get3A_703 = arith.index_cast %get3A_702 : i32 to index
        %get3A_704 = arith.index_cast %scan3A_433 : i32 to index
        %get3A_705 = arith.constant 592 : index
        %get3A_706 = tpu.vector_load %arg7[%get3A_703, %get3A_704, %get3A_705] {strides = array<i32>} : memref<3x32x1024xf32, #tpu.memory_space<vmem>>, vector<16xf32>,
        %abs3A_707 = math.absf %get3A_706 : vector<16xf32>
        %add3A_708 = arith.addf %add3A_680, %abs3A_707 : vector<16xf32>
        %get3A_709 = arith.constant 2 : i32
        %get3A_710 = arith.index_cast %get3A_709 : i32 to index
        %get3A_711 = arith.index_cast %scan3A_433 : i32 to index
        %get3A_712 = arith.constant 608 : index
        %get3A_713 = tpu.vector_load %arg7[%get3A_710, %get3A_711, %get3A_712] {strides = array<i32>} : memref<3x32x1024xf32, #tpu.memory_space<vmem>>, vector<16xf32>,
        %abs3A_714 = math.absf %get3A_713 : vector<16xf32>
        %add3A_715 = arith.addf %add3A_687, %abs3A_714 : vector<16xf32>
        %get3A_716 = arith.constant 2 : i32
        %get3A_717 = arith.index_cast %get3A_716 : i32 to index
        %get3A_718 = arith.index_cast %scan3A_433 : i32 to index
        %get3A_719 = arith.constant 624 : index
        %get3A_720 = tpu.vector_load %arg7[%get3A_717, %get3A_718, %get3A_719] {strides = array<i32>} : memref<3x32x1024xf32, #tpu.memory_space<vmem>>, vector<16xf32>,
        %abs3A_721 = math.absf %get3A_720 : vector<16xf32>
        %add3A_722 = arith.addf %add3A_694, %abs3A_721 : vector<16xf32>
        %get3A_723 = arith.constant 2 : i32
        %get3A_724 = arith.index_cast %get3A_723 : i32 to index
        %get3A_725 = arith.index_cast %scan3A_433 : i32 to index
        %get3A_726 = arith.constant 640 : index
        %get3A_727 = tpu.vector_load %arg7[%get3A_724, %get3A_725, %get3A_726] {strides = array<i32>} : memref<3x32x1024xf32, #tpu.memory_space<vmem>>, vector<16xf32>,
        %abs3A_728 = math.absf %get3A_727 : vector<16xf32>
        %add3A_729 = arith.addf %add3A_701, %abs3A_728 : vector<16xf32>
        %get3A_730 = arith.constant 2 : i32
        %get3A_731 = arith.index_cast %get3A_730 : i32 to index
        %get3A_732 = arith.index_cast %scan3A_433 : i32 to index
        %get3A_733 = arith.constant 656 : index
        %get3A_734 = tpu.vector_load %arg7[%get3A_731, %get3A_732, %get3A_733] {strides = array<i32>} : memref<3x32x1024xf32, #tpu.memory_space<vmem>>, vector<16xf32>,
        %abs3A_735 = math.absf %get3A_734 : vector<16xf32>
        %add3A_736 = arith.addf %add3A_708, %abs3A_735 : vector<16xf32>
        %get3A_737 = arith.constant 2 : i32
        %get3A_738 = arith.index_cast %get3A_737 : i32 to index
        %get3A_739 = arith.index_cast %scan3A_433 : i32 to index
        %get3A_740 = arith.constant 672 : index
        %get3A_741 = tpu.vector_load %arg7[%get3A_738, %get3A_739, %get3A_740] {strides = array<i32>} : memref<3x32x1024xf32, #tpu.memory_space<vmem>>, vector<16xf32>,
        %abs3A_742 = math.absf %get3A_741 : vector<16xf32>
        %add3A_743 = arith.addf %add3A_715, %abs3A_742 : vector<16xf32>
        %get3A_744 = arith.constant 2 : i32
        %get3A_745 = arith.index_cast %get3A_744 : i32 to index
        %get3A_746 = arith.index_cast %scan3A_433 : i32 to index
        %get3A_747 = arith.constant 688 : index
        %get3A_748 = tpu.vector_load %arg7[%get3A_745, %get3A_746, %get3A_747] {strides = array<i32>} : memref<3x32x1024xf32, #tpu.memory_space<vmem>>, vector<16xf32>,
        %abs3A_749 = math.absf %get3A_748 : vector<16xf32>
        %add3A_750 = arith.addf %add3A_722, %abs3A_749 : vector<16xf32>
        %get3A_751 = arith.constant 2 : i32
        %get3A_752 = arith.index_cast %get3A_751 : i32 to index
        %get3A_753 = arith.index_cast %scan3A_433 : i32 to index
        %get3A_754 = arith.constant 704 : index
        %get3A_755 = tpu.vector_load %arg7[%get3A_752, %get3A_753, %get3A_754] {strides = array<i32>} : memref<3x32x1024xf32, #tpu.memory_space<vmem>>, vector<16xf32>,
        %abs3A_756 = math.absf %get3A_755 : vector<16xf32>
        %add3A_757 = arith.addf %add3A_729, %abs3A_756 : vector<16xf32>
        %get3A_758 = arith.constant 2 : i32
        %get3A_759 = arith.index_cast %get3A_758 : i32 to index
        %get3A_760 = arith.index_cast %scan3A_433 : i32 to index
        %get3A_761 = arith.constant 720 : index
        %get3A_762 = tpu.vector_load %arg7[%get3A_759, %get3A_760, %get3A_761] {strides = array<i32>} : memref<3x32x1024xf32, #tpu.memory_space<vmem>>, vector<16xf32>,
        %abs3A_763 = math.absf %get3A_762 : vector<16xf32>
        %add3A_764 = arith.addf %add3A_736, %abs3A_763 : vector<16xf32>
        %get3A_765 = arith.constant 2 : i32
        %get3A_766 = arith.index_cast %get3A_765 : i32 to index
        %get3A_767 = arith.index_cast %scan3A_433 : i32 to index
        %get3A_768 = arith.constant 736 : index
        %get3A_769 = tpu.vector_load %arg7[%get3A_766, %get3A_767, %get3A_768] {strides = array<i32>} : memref<3x32x1024xf32, #tpu.memory_space<vmem>>, vector<16xf32>,
        %abs3A_770 = math.absf %get3A_769 : vector<16xf32>
        %add3A_771 = arith.addf %add3A_743, %abs3A_770 : vector<16xf32>
        %get3A_772 = arith.constant 2 : i32
        %get3A_773 = arith.index_cast %get3A_772 : i32 to index
        %get3A_774 = arith.index_cast %scan3A_433 : i32 to index
        %get3A_775 = arith.constant 752 : index
        %get3A_776 = tpu.vector_load %arg7[%get3A_773, %get3A_774, %get3A_775] {strides = array<i32>} : memref<3x32x1024xf32, #tpu.memory_space<vmem>>, vector<16xf32>,
        %abs3A_777 = math.absf %get3A_776 : vector<16xf32>
        %add3A_778 = arith.addf %add3A_750, %abs3A_777 : vector<16xf32>
        %get3A_779 = arith.constant 2 : i32
        %get3A_780 = arith.index_cast %get3A_779 : i32 to index
        %get3A_781 = arith.index_cast %scan3A_433 : i32 to index
        %get3A_782 = arith.constant 768 : index
        %get3A_783 = tpu.vector_load %arg7[%get3A_780, %get3A_781, %get3A_782] {strides = array<i32>} : memref<3x32x1024xf32, #tpu.memory_space<vmem>>, vector<16xf32>,
        %abs3A_784 = math.absf %get3A_783 : vector<16xf32>
        %add3A_785 = arith.addf %add3A_757, %abs3A_784 : vector<16xf32>
        %get3A_786 = arith.constant 2 : i32
        %get3A_787 = arith.index_cast %get3A_786 : i32 to index
        %get3A_788 = arith.index_cast %scan3A_433 : i32 to index
        %get3A_789 = arith.constant 784 : index
        %get3A_790 = tpu.vector_load %arg7[%get3A_787, %get3A_788, %get3A_789] {strides = array<i32>} : memref<3x32x1024xf32, #tpu.memory_space<vmem>>, vector<16xf32>,
        %abs3A_791 = math.absf %get3A_790 : vector<16xf32>
        %add3A_792 = arith.addf %add3A_764, %abs3A_791 : vector<16xf32>
        %get3A_793 = arith.constant 2 : i32
        %get3A_794 = arith.index_cast %get3A_793 : i32 to index
        %get3A_795 = arith.index_cast %scan3A_433 : i32 to index
        %get3A_796 = arith.constant 800 : index
        %get3A_797 = tpu.vector_load %arg7[%get3A_794, %get3A_795, %get3A_796] {strides = array<i32>} : memref<3x32x1024xf32, #tpu.memory_space<vmem>>, vector<16xf32>,
        %abs3A_798 = math.absf %get3A_797 : vector<16xf32>
        %add3A_799 = arith.addf %add3A_771, %abs3A_798 : vector<16xf32>
        %get3A_800 = arith.constant 2 : i32
        %get3A_801 = arith.index_cast %get3A_800 : i32 to index
        %get3A_802 = arith.index_cast %scan3A_433 : i32 to index
        %get3A_803 = arith.constant 816 : index
        %get3A_804 = tpu.vector_load %arg7[%get3A_801, %get3A_802, %get3A_803] {strides = array<i32>} : memref<3x32x1024xf32, #tpu.memory_space<vmem>>, vector<16xf32>,
        %abs3A_805 = math.absf %get3A_804 : vector<16xf32>
        %add3A_806 = arith.addf %add3A_778, %abs3A_805 : vector<16xf32>
        %get3A_807 = arith.constant 2 : i32
        %get3A_808 = arith.index_cast %get3A_807 : i32 to index
        %get3A_809 = arith.index_cast %scan3A_433 : i32 to index
        %get3A_810 = arith.constant 832 : index
        %get3A_811 = tpu.vector_load %arg7[%get3A_808, %get3A_809, %get3A_810] {strides = array<i32>} : memref<3x32x1024xf32, #tpu.memory_space<vmem>>, vector<16xf32>,
        %abs3A_812 = math.absf %get3A_811 : vector<16xf32>
        %add3A_813 = arith.addf %add3A_785, %abs3A_812 : vector<16xf32>
        %get3A_814 = arith.constant 2 : i32
        %get3A_815 = arith.index_cast %get3A_814 : i32 to index
        %get3A_816 = arith.index_cast %scan3A_433 : i32 to index
        %get3A_817 = arith.constant 848 : index
        %get3A_818 = tpu.vector_load %arg7[%get3A_815, %get3A_816, %get3A_817] {strides = array<i32>} : memref<3x32x1024xf32, #tpu.memory_space<vmem>>, vector<16xf32>,
        %abs3A_819 = math.absf %get3A_818 : vector<16xf32>
        %add3A_820 = arith.addf %add3A_792, %abs3A_819 : vector<16xf32>
        %get3A_821 = arith.constant 2 : i32
        %get3A_822 = arith.index_cast %get3A_821 : i32 to index
        %get3A_823 = arith.index_cast %scan3A_433 : i32 to index
        %get3A_824 = arith.constant 864 : index
        %get3A_825 = tpu.vector_load %arg7[%get3A_822, %get3A_823, %get3A_824] {strides = array<i32>} : memref<3x32x1024xf32, #tpu.memory_space<vmem>>, vector<16xf32>,
        %abs3A_826 = math.absf %get3A_825 : vector<16xf32>
        %add3A_827 = arith.addf %add3A_799, %abs3A_826 : vector<16xf32>
        %get3A_828 = arith.constant 2 : i32
        %get3A_829 = arith.index_cast %get3A_828 : i32 to index
        %get3A_830 = arith.index_cast %scan3A_433 : i32 to index
        %get3A_831 = arith.constant 880 : index
        %get3A_832 = tpu.vector_load %arg7[%get3A_829, %get3A_830, %get3A_831] {strides = array<i32>} : memref<3x32x1024xf32, #tpu.memory_space<vmem>>, vector<16xf32>,
        %abs3A_833 = math.absf %get3A_832 : vector<16xf32>
        %add3A_834 = arith.addf %add3A_806, %abs3A_833 : vector<16xf32>
        %get3A_835 = arith.constant 2 : i32
        %get3A_836 = arith.index_cast %get3A_835 : i32 to index
        %get3A_837 = arith.index_cast %scan3A_433 : i32 to index
        %get3A_838 = arith.constant 896 : index
        %get3A_839 = tpu.vector_load %arg7[%get3A_836, %get3A_837, %get3A_838] {strides = array<i32>} : memref<3x32x1024xf32, #tpu.memory_space<vmem>>, vector<16xf32>,
        %abs3A_840 = math.absf %get3A_839 : vector<16xf32>
        %add3A_841 = arith.addf %add3A_813, %abs3A_840 : vector<16xf32>
        %get3A_842 = arith.constant 2 : i32
        %get3A_843 = arith.index_cast %get3A_842 : i32 to index
        %get3A_844 = arith.index_cast %scan3A_433 : i32 to index
        %get3A_845 = arith.constant 912 : index
        %get3A_846 = tpu.vector_load %arg7[%get3A_843, %get3A_844, %get3A_845] {strides = array<i32>} : memref<3x32x1024xf32, #tpu.memory_space<vmem>>, vector<16xf32>,
        %abs3A_847 = math.absf %get3A_846 : vector<16xf32>
        %add3A_848 = arith.addf %add3A_820, %abs3A_847 : vector<16xf32>
        %get3A_849 = arith.constant 2 : i32
        %get3A_850 = arith.index_cast %get3A_849 : i32 to index
        %get3A_851 = arith.index_cast %scan3A_433 : i32 to index
        %get3A_852 = arith.constant 928 : index
        %get3A_853 = tpu.vector_load %arg7[%get3A_850, %get3A_851, %get3A_852] {strides = array<i32>} : memref<3x32x1024xf32, #tpu.memory_space<vmem>>, vector<16xf32>,
        %abs3A_854 = math.absf %get3A_853 : vector<16xf32>
        %add3A_855 = arith.addf %add3A_827, %abs3A_854 : vector<16xf32>
        %get3A_856 = arith.constant 2 : i32
        %get3A_857 = arith.index_cast %get3A_856 : i32 to index
        %get3A_858 = arith.index_cast %scan3A_433 : i32 to index
        %get3A_859 = arith.constant 944 : index
        %get3A_860 = tpu.vector_load %arg7[%get3A_857, %get3A_858, %get3A_859] {strides = array<i32>} : memref<3x32x1024xf32, #tpu.memory_space<vmem>>, vector<16xf32>,
        %abs3A_861 = math.absf %get3A_860 : vector<16xf32>
        %add3A_862 = arith.addf %add3A_834, %abs3A_861 : vector<16xf32>
        %get3A_863 = arith.constant 2 : i32
        %get3A_864 = arith.index_cast %get3A_863 : i32 to index
        %get3A_865 = arith.index_cast %scan3A_433 : i32 to index
        %get3A_866 = arith.constant 960 : index
        %get3A_867 = tpu.vector_load %arg7[%get3A_864, %get3A_865, %get3A_866] {strides = array<i32>} : memref<3x32x1024xf32, #tpu.memory_space<vmem>>, vector<16xf32>,
        %abs3A_868 = math.absf %get3A_867 : vector<16xf32>
        %add3A_869 = arith.addf %add3A_841, %abs3A_868 : vector<16xf32>
        %get3A_870 = arith.constant 2 : i32
        %get3A_871 = arith.index_cast %get3A_870 : i32 to index
        %get3A_872 = arith.index_cast %scan3A_433 : i32 to index
        %get3A_873 = arith.constant 976 : index
        %get3A_874 = tpu.vector_load %arg7[%get3A_871, %get3A_872, %get3A_873] {strides = array<i32>} : memref<3x32x1024xf32, #tpu.memory_space<vmem>>, vector<16xf32>,
        %abs3A_875 = math.absf %get3A_874 : vector<16xf32>
        %add3A_876 = arith.addf %add3A_848, %abs3A_875 : vector<16xf32>
        %get3A_877 = arith.constant 2 : i32
        %get3A_878 = arith.index_cast %get3A_877 : i32 to index
        %get3A_879 = arith.index_cast %scan3A_433 : i32 to index
        %get3A_880 = arith.constant 992 : index
        %get3A_881 = tpu.vector_load %arg7[%get3A_878, %get3A_879, %get3A_880] {strides = array<i32>} : memref<3x32x1024xf32, #tpu.memory_space<vmem>>, vector<16xf32>,
        %abs3A_882 = math.absf %get3A_881 : vector<16xf32>
        %add3A_883 = arith.addf %add3A_855, %abs3A_882 : vector<16xf32>
        %get3A_884 = arith.constant 2 : i32
        %get3A_885 = arith.index_cast %get3A_884 : i32 to index
        %get3A_886 = arith.index_cast %scan3A_433 : i32 to index
        %get3A_887 = arith.constant 1008 : index
        %get3A_888 = tpu.vector_load %arg7[%get3A_885, %get3A_886, %get3A_887] {strides = array<i32>} : memref<3x32x1024xf32, #tpu.memory_space<vmem>>, vector<16xf32>,
        %abs3A_889 = math.absf %get3A_888 : vector<16xf32>
        %add3A_890 = arith.addf %add3A_862, %abs3A_889 : vector<16xf32>
        %jit3A_891 = arith.constant 16 : i32
        %div3A = arith.divsi %add3A_435, %jit3A_891 : i32
        %sign3A = arith.constant 0 : i32
        %sign3A_892 = arith.cmpi sgt, %add3A_435, %sign3A : i32
        %sign3A_893 = arith.extui %sign3A_892 : i1 to i32
        %sign3A_894 = arith.constant 0 : i32
        %sign3A_895 = arith.cmpi slt, %add3A_435, %sign3A_894 : i32
        %sign3A_896 = arith.extui %sign3A_895 : i1 to i32
        %sign3A_897 = arith.subi %sign3A_893, %sign3A_896 : i32
        %sign3A_898 = arith.constant 0 : i32
        %sign3A_899 = arith.cmpi sgt, %jit3A_891, %sign3A_898 : i32
        %sign3A_900 = arith.extui %sign3A_899 : i1 to i32
        %sign3A_901 = arith.constant 0 : i32
        %sign3A_902 = arith.cmpi slt, %jit3A_891, %sign3A_901 : i32
        %sign3A_903 = arith.extui %sign3A_902 : i1 to i32
        %sign3A_904 = arith.subi %sign3A_900, %sign3A_903 : i32
        %ne3A = arith.cmpi ne, %sign3A_897, %sign3A_904 : i32
        %rem3A = arith.remsi %add3A_435, %jit3A_891 : i32
        %ne3A_905 = arith.constant 0 : i32
        %ne3A_906 = arith.cmpi ne, %rem3A, %ne3A_905 : i32
        %and3A = arith.andi %ne3A, %ne3A_906 : i1
        %sub3A_907 = arith.constant 1 : i32
        %sub3A_908 = arith.subi %div3A, %sub3A_907 : i32
        %select_n3A_909 = arith.select %and3A, %sub3A_908, %div3A : i32
        %mul3A_910 = arith.constant 16 : i32
        %mul3A_911 = arith.muli %select_n3A_909, %mul3A_910 : i32
        %multiple_of3A_912 = tpu.assume_multiple %mul3A_911, 16 : i32
        %sub3A_913 = arith.subi %add3A_435, %multiple_of3A_912 : i32
        %get3A_914 = arith.constant 2 : i32
        %get3A_915 = arith.index_cast %get3A_914 : i32 to index
        %get3A_916 = arith.index_cast %scan3A_433 : i32 to index
        %get3A_917 = arith.index_cast %multiple_of3A_912 : i32 to index
        %get3A_918 = tpu.vector_load %arg7[%get3A_915, %get3A_916, %get3A_917] {strides = array<i32>} : memref<3x32x1024xf32, #tpu.memory_space<vmem>>, vector<16xf32>,
        %add3A_919 = arith.addf %add3A_869, %add3A_876 : vector<16xf32>
        %add3A_920 = arith.addf %add3A_883, %add3A_890 : vector<16xf32>
        %add3A_921 = arith.addf %add3A_919, %add3A_920 : vector<16xf32>
        %eq3A_922 = vector.broadcast %sub3A_913 : i32 to vector<16xi32>
        %eq3A_923 = arith.cmpi eq, %iota3A, %eq3A_922 : vector<16xi32>
        %abs3A_924 = math.absf %get3A_918 : vector<16xf32>
        %jit3A_925 = arith.constant 0.000000e+00 : f32
        %broadcast_in_dim3A_926 = vector.broadcast %jit3A_925 : f32 to vector<16xf32>
        %select_n3A_927 = arith.select %eq3A_923, %abs3A_924, %broadcast_in_dim3A_926 : vector<16xi1>, vector<16xf32>
        %sub3A_928 = arith.subf %add3A_921, %select_n3A_927 : vector<16xf32>
        %reduce_sum3A_929 = arith.constant true
        %reduce_sum3A_930 = vector.broadcast %reduce_sum3A_929 : i1 to vector<16xi1>
        %reduce_sum3A_931 = tpu.scan <sum>, %sub3A_928 masked %reduce_sum3A_930 : vector<16xf32>, vector<16xi1> -> vector<16xf32>
        %reduce_sum3A_932 = vector.extract %reduce_sum3A_931[15] : f32 from vector<16xf32>
        %max3A = arith.constant 9.99999997E-7 : f32
        %max3A_933 = arith.maximumf %reduce_sum3A_932, %max3A : f32
        %jit3A_934 = arith.constant 16 : i32
        %div3A_935 = arith.divsi %scan3A_433, %jit3A_934 : i32
        %sign3A_936 = arith.constant 0 : i32
        %sign3A_937 = arith.cmpi sgt, %scan3A_433, %sign3A_936 : i32
        %sign3A_938 = arith.extui %sign3A_937 : i1 to i32
        %sign3A_939 = arith.constant 0 : i32
        %sign3A_940 = arith.cmpi slt, %scan3A_433, %sign3A_939 : i32
        %sign3A_941 = arith.extui %sign3A_940 : i1 to i32
        %sign3A_942 = arith.subi %sign3A_938, %sign3A_941 : i32
        %sign3A_943 = arith.constant 0 : i32
        %sign3A_944 = arith.cmpi sgt, %jit3A_934, %sign3A_943 : i32
        %sign3A_945 = arith.extui %sign3A_944 : i1 to i32
        %sign3A_946 = arith.constant 0 : i32
        %sign3A_947 = arith.cmpi slt, %jit3A_934, %sign3A_946 : i32
        %sign3A_948 = arith.extui %sign3A_947 : i1 to i32
        %sign3A_949 = arith.subi %sign3A_945, %sign3A_948 : i32
        %ne3A_950 = arith.cmpi ne, %sign3A_942, %sign3A_949 : i32
        %rem3A_951 = arith.remsi %scan3A_433, %jit3A_934 : i32
        %ne3A_952 = arith.constant 0 : i32
        %ne3A_953 = arith.cmpi ne, %rem3A_951, %ne3A_952 : i32
        %and3A_954 = arith.andi %ne3A_950, %ne3A_953 : i1
        %sub3A_955 = arith.constant 1 : i32
        %sub3A_956 = arith.subi %div3A_935, %sub3A_955 : i32
        %select_n3A_957 = arith.select %and3A_954, %sub3A_956, %div3A_935 : i32
        %mul3A_958 = arith.constant 16 : i32
        %mul3A_959 = arith.muli %select_n3A_957, %mul3A_958 : i32
        %multiple_of3A_960 = tpu.assume_multiple %mul3A_959, 16 : i32
        %get3A_961 = arith.index_cast %multiple_of3A_960 : i32 to index
        %get3A_962 = tpu.vector_load %arg8[%get3A_961] {strides = array<i32>} : memref<32xf32, #tpu.memory_space<vmem>>, vector<16xf32>,
        %sub3A_963 = arith.subi %scan3A_433, %multiple_of3A_960 : i32
        %eq3A_964 = vector.broadcast %sub3A_963 : i32 to vector<16xi32>
        %eq3A_965 = arith.cmpi eq, %iota3A, %eq3A_964 : vector<16xi32>
        %jit3A_966 = arith.constant 0.000000e+00 : f32
        %broadcast_in_dim3A_967 = vector.broadcast %jit3A_966 : f32 to vector<16xf32>
        %select_n3A_968 = arith.select %eq3A_965, %get3A_962, %broadcast_in_dim3A_967 : vector<16xi1>, vector<16xf32>
        %reduce_sum3A_969 = arith.constant true
        %reduce_sum3A_970 = vector.broadcast %reduce_sum3A_969 : i1 to vector<16xi1>
        %reduce_sum3A_971 = tpu.scan <sum>, %select_n3A_968 masked %reduce_sum3A_970 : vector<16xf32>, vector<16xi1> -> vector<16xf32>
        %reduce_sum3A_972 = vector.extract %reduce_sum3A_971[15] : f32 from vector<16xf32>
        %broadcast_in_dim3A_973 = vector.broadcast %reduce_sum3A_972 : f32 to vector<16xf32>
        %broadcast_in_dim3A_974 = vector.broadcast %max3A_933 : f32 to vector<16xf32>
        %div3A_975 = arith.divf %broadcast_in_dim3A_973, %broadcast_in_dim3A_974 : vector<16xf32>
        %get3A_976 = arith.constant 2 : i32
        %get3A_977 = arith.index_cast %get3A_976 : i32 to index
        %get3A_978 = arith.index_cast %scan3A_433 : i32 to index
        %get3A_979 = arith.constant 0 : index
        %get3A_980 = tpu.vector_load %arg7[%get3A_977, %get3A_978, %get3A_979] {strides = array<i32>} : memref<3x32x1024xf32, #tpu.memory_space<vmem>>, vector<16xf32>,
        %mul3A_981 = arith.mulf %get3A_980, %div3A_975 : vector<16xf32>
        %swap3A = arith.constant 2 : i32
        %swap3A_982 = arith.index_cast %swap3A : i32 to index
        %swap3A_983 = arith.index_cast %scan3A_433 : i32 to index
        %swap3A_984 = arith.constant 0 : index
        %swap3A_985 = tpu.vector_load %arg7[%swap3A_982, %swap3A_983, %swap3A_984] {strides = array<i32>} : memref<3x32x1024xf32, #tpu.memory_space<vmem>>, vector<16xf32>,
        tpu.vector_store %arg7[%swap3A_982, %swap3A_983, %swap3A_984], %mul3A_981 {strides = array<i32>} : memref<3x32x1024xf32, #tpu.memory_space<vmem>>, vector<16xf32>,
        %get3A_986 = arith.constant 2 : i32
        %get3A_987 = arith.index_cast %get3A_986 : i32 to index
        %get3A_988 = arith.index_cast %scan3A_433 : i32 to index
        %get3A_989 = arith.constant 16 : index
        %get3A_990 = tpu.vector_load %arg7[%get3A_987, %get3A_988, %get3A_989] {strides = array<i32>} : memref<3x32x1024xf32, #tpu.memory_space<vmem>>, vector<16xf32>,
        %mul3A_991 = arith.mulf %get3A_990, %div3A_975 : vector<16xf32>
        %swap3A_992 = arith.constant 2 : i32
        %swap3A_993 = arith.index_cast %swap3A_992 : i32 to index
        %swap3A_994 = arith.index_cast %scan3A_433 : i32 to index
        %swap3A_995 = arith.constant 16 : index
        %swap3A_996 = tpu.vector_load %arg7[%swap3A_993, %swap3A_994, %swap3A_995] {strides = array<i32>} : memref<3x32x1024xf32, #tpu.memory_space<vmem>>, vector<16xf32>,
        tpu.vector_store %arg7[%swap3A_993, %swap3A_994, %swap3A_995], %mul3A_991 {strides = array<i32>} : memref<3x32x1024xf32, #tpu.memory_space<vmem>>, vector<16xf32>,
        %get3A_997 = arith.constant 2 : i32
        %get3A_998 = arith.index_cast %get3A_997 : i32 to index
        %get3A_999 = arith.index_cast %scan3A_433 : i32 to index
        %get3A_1000 = arith.constant 32 : index
        %get3A_1001 = tpu.vector_load %arg7[%get3A_998, %get3A_999, %get3A_1000] {strides = array<i32>} : memref<3x32x1024xf32, #tpu.memory_space<vmem>>, vector<16xf32>,
        %mul3A_1002 = arith.mulf %get3A_1001, %div3A_975 : vector<16xf32>
        %swap3A_1003 = arith.constant 2 : i32
        %swap3A_1004 = arith.index_cast %swap3A_1003 : i32 to index
        %swap3A_1005 = arith.index_cast %scan3A_433 : i32 to index
        %swap3A_1006 = arith.constant 32 : index
        %swap3A_1007 = tpu.vector_load %arg7[%swap3A_1004, %swap3A_1005, %swap3A_1006] {strides = array<i32>} : memref<3x32x1024xf32, #tpu.memory_space<vmem>>, vector<16xf32>,
        tpu.vector_store %arg7[%swap3A_1004, %swap3A_1005, %swap3A_1006], %mul3A_1002 {strides = array<i32>} : memref<3x32x1024xf32, #tpu.memory_space<vmem>>, vector<16xf32>,
        %get3A_1008 = arith.constant 2 : i32
        %get3A_1009 = arith.index_cast %get3A_1008 : i32 to index
        %get3A_1010 = arith.index_cast %scan3A_433 : i32 to index
        %get3A_1011 = arith.constant 48 : index
        %get3A_1012 = tpu.vector_load %arg7[%get3A_1009, %get3A_1010, %get3A_1011] {strides = array<i32>} : memref<3x32x1024xf32, #tpu.memory_space<vmem>>, vector<16xf32>,
        %mul3A_1013 = arith.mulf %get3A_1012, %div3A_975 : vector<16xf32>
        %swap3A_1014 = arith.constant 2 : i32
        %swap3A_1015 = arith.index_cast %swap3A_1014 : i32 to index
        %swap3A_1016 = arith.index_cast %scan3A_433 : i32 to index
        %swap3A_1017 = arith.constant 48 : index
        %swap3A_1018 = tpu.vector_load %arg7[%swap3A_1015, %swap3A_1016, %swap3A_1017] {strides = array<i32>} : memref<3x32x1024xf32, #tpu.memory_space<vmem>>, vector<16xf32>,
        tpu.vector_store %arg7[%swap3A_1015, %swap3A_1016, %swap3A_1017], %mul3A_1013 {strides = array<i32>} : memref<3x32x1024xf32, #tpu.memory_space<vmem>>, vector<16xf32>,
        %get3A_1019 = arith.constant 2 : i32
        %get3A_1020 = arith.index_cast %get3A_1019 : i32 to index
        %get3A_1021 = arith.index_cast %scan3A_433 : i32 to index
        %get3A_1022 = arith.constant 64 : index
        %get3A_1023 = tpu.vector_load %arg7[%get3A_1020, %get3A_1021, %get3A_1022] {strides = array<i32>} : memref<3x32x1024xf32, #tpu.memory_space<vmem>>, vector<16xf32>,
        %mul3A_1024 = arith.mulf %get3A_1023, %div3A_975 : vector<16xf32>
        %swap3A_1025 = arith.constant 2 : i32
        %swap3A_1026 = arith.index_cast %swap3A_1025 : i32 to index
        %swap3A_1027 = arith.index_cast %scan3A_433 : i32 to index
        %swap3A_1028 = arith.constant 64 : index
        %swap3A_1029 = tpu.vector_load %arg7[%swap3A_1026, %swap3A_1027, %swap3A_1028] {strides = array<i32>} : memref<3x32x1024xf32, #tpu.memory_space<vmem>>, vector<16xf32>,
        tpu.vector_store %arg7[%swap3A_1026, %swap3A_1027, %swap3A_1028], %mul3A_1024 {strides = array<i32>} : memref<3x32x1024xf32, #tpu.memory_space<vmem>>, vector<16xf32>,
        %get3A_1030 = arith.constant 2 : i32
        %get3A_1031 = arith.index_cast %get3A_1030 : i32 to index
        %get3A_1032 = arith.index_cast %scan3A_433 : i32 to index
        %get3A_1033 = arith.constant 80 : index
        %get3A_1034 = tpu.vector_load %arg7[%get3A_1031, %get3A_1032, %get3A_1033] {strides = array<i32>} : memref<3x32x1024xf32, #tpu.memory_space<vmem>>, vector<16xf32>,
        %mul3A_1035 = arith.mulf %get3A_1034, %div3A_975 : vector<16xf32>
        %swap3A_1036 = arith.constant 2 : i32
        %swap3A_1037 = arith.index_cast %swap3A_1036 : i32 to index
        %swap3A_1038 = arith.index_cast %scan3A_433 : i32 to index
        %swap3A_1039 = arith.constant 80 : index
        %swap3A_1040 = tpu.vector_load %arg7[%swap3A_1037, %swap3A_1038, %swap3A_1039] {strides = array<i32>} : memref<3x32x1024xf32, #tpu.memory_space<vmem>>, vector<16xf32>,
        tpu.vector_store %arg7[%swap3A_1037, %swap3A_1038, %swap3A_1039], %mul3A_1035 {strides = array<i32>} : memref<3x32x1024xf32, #tpu.memory_space<vmem>>, vector<16xf32>,
        %get3A_1041 = arith.constant 2 : i32
        %get3A_1042 = arith.index_cast %get3A_1041 : i32 to index
        %get3A_1043 = arith.index_cast %scan3A_433 : i32 to index
        %get3A_1044 = arith.constant 96 : index
        %get3A_1045 = tpu.vector_load %arg7[%get3A_1042, %get3A_1043, %get3A_1044] {strides = array<i32>} : memref<3x32x1024xf32, #tpu.memory_space<vmem>>, vector<16xf32>,
        %mul3A_1046 = arith.mulf %get3A_1045, %div3A_975 : vector<16xf32>
        %swap3A_1047 = arith.constant 2 : i32
        %swap3A_1048 = arith.index_cast %swap3A_1047 : i32 to index
        %swap3A_1049 = arith.index_cast %scan3A_433 : i32 to index
        %swap3A_1050 = arith.constant 96 : index
        %swap3A_1051 = tpu.vector_load %arg7[%swap3A_1048, %swap3A_1049, %swap3A_1050] {strides = array<i32>} : memref<3x32x1024xf32, #tpu.memory_space<vmem>>, vector<16xf32>,
        tpu.vector_store %arg7[%swap3A_1048, %swap3A_1049, %swap3A_1050], %mul3A_1046 {strides = array<i32>} : memref<3x32x1024xf32, #tpu.memory_space<vmem>>, vector<16xf32>,
        %get3A_1052 = arith.constant 2 : i32
        %get3A_1053 = arith.index_cast %get3A_1052 : i32 to index
        %get3A_1054 = arith.index_cast %scan3A_433 : i32 to index
        %get3A_1055 = arith.constant 112 : index
        %get3A_1056 = tpu.vector_load %arg7[%get3A_1053, %get3A_1054, %get3A_1055] {strides = array<i32>} : memref<3x32x1024xf32, #tpu.memory_space<vmem>>, vector<16xf32>,
        %mul3A_1057 = arith.mulf %get3A_1056, %div3A_975 : vector<16xf32>
        %swap3A_1058 = arith.constant 2 : i32
        %swap3A_1059 = arith.index_cast %swap3A_1058 : i32 to index
        %swap3A_1060 = arith.index_cast %scan3A_433 : i32 to index
        %swap3A_1061 = arith.constant 112 : index
        %swap3A_1062 = tpu.vector_load %arg7[%swap3A_1059, %swap3A_1060, %swap3A_1061] {strides = array<i32>} : memref<3x32x1024xf32, #tpu.memory_space<vmem>>, vector<16xf32>,
        tpu.vector_store %arg7[%swap3A_1059, %swap3A_1060, %swap3A_1061], %mul3A_1057 {strides = array<i32>} : memref<3x32x1024xf32, #tpu.memory_space<vmem>>, vector<16xf32>,
        %get3A_1063 = arith.constant 2 : i32
        %get3A_1064 = arith.index_cast %get3A_1063 : i32 to index
        %get3A_1065 = arith.index_cast %scan3A_433 : i32 to index
        %get3A_1066 = arith.constant 128 : index
        %get3A_1067 = tpu.vector_load %arg7[%get3A_1064, %get3A_1065, %get3A_1066] {strides = array<i32>} : memref<3x32x1024xf32, #tpu.memory_space<vmem>>, vector<16xf32>,
        %mul3A_1068 = arith.mulf %get3A_1067, %div3A_975 : vector<16xf32>
        %swap3A_1069 = arith.constant 2 : i32
        %swap3A_1070 = arith.index_cast %swap3A_1069 : i32 to index
        %swap3A_1071 = arith.index_cast %scan3A_433 : i32 to index
        %swap3A_1072 = arith.constant 128 : index
        %swap3A_1073 = tpu.vector_load %arg7[%swap3A_1070, %swap3A_1071, %swap3A_1072] {strides = array<i32>} : memref<3x32x1024xf32, #tpu.memory_space<vmem>>, vector<16xf32>,
        tpu.vector_store %arg7[%swap3A_1070, %swap3A_1071, %swap3A_1072], %mul3A_1068 {strides = array<i32>} : memref<3x32x1024xf32, #tpu.memory_space<vmem>>, vector<16xf32>,
        %get3A_1074 = arith.constant 2 : i32
        %get3A_1075 = arith.index_cast %get3A_1074 : i32 to index
        %get3A_1076 = arith.index_cast %scan3A_433 : i32 to index
        %get3A_1077 = arith.constant 144 : index
        %get3A_1078 = tpu.vector_load %arg7[%get3A_1075, %get3A_1076, %get3A_1077] {strides = array<i32>} : memref<3x32x1024xf32, #tpu.memory_space<vmem>>, vector<16xf32>,
        %mul3A_1079 = arith.mulf %get3A_1078, %div3A_975 : vector<16xf32>
        %swap3A_1080 = arith.constant 2 : i32
        %swap3A_1081 = arith.index_cast %swap3A_1080 : i32 to index
        %swap3A_1082 = arith.index_cast %scan3A_433 : i32 to index
        %swap3A_1083 = arith.constant 144 : index
        %swap3A_1084 = tpu.vector_load %arg7[%swap3A_1081, %swap3A_1082, %swap3A_1083] {strides = array<i32>} : memref<3x32x1024xf32, #tpu.memory_space<vmem>>, vector<16xf32>,
        tpu.vector_store %arg7[%swap3A_1081, %swap3A_1082, %swap3A_1083], %mul3A_1079 {strides = array<i32>} : memref<3x32x1024xf32, #tpu.memory_space<vmem>>, vector<16xf32>,
        %get3A_1085 = arith.constant 2 : i32
        %get3A_1086 = arith.index_cast %get3A_1085 : i32 to index
        %get3A_1087 = arith.index_cast %scan3A_433 : i32 to index
        %get3A_1088 = arith.constant 160 : index
        %get3A_1089 = tpu.vector_load %arg7[%get3A_1086, %get3A_1087, %get3A_1088] {strides = array<i32>} : memref<3x32x1024xf32, #tpu.memory_space<vmem>>, vector<16xf32>,
        %mul3A_1090 = arith.mulf %get3A_1089, %div3A_975 : vector<16xf32>
        %swap3A_1091 = arith.constant 2 : i32
        %swap3A_1092 = arith.index_cast %swap3A_1091 : i32 to index
        %swap3A_1093 = arith.index_cast %scan3A_433 : i32 to index
        %swap3A_1094 = arith.constant 160 : index
        %swap3A_1095 = tpu.vector_load %arg7[%swap3A_1092, %swap3A_1093, %swap3A_1094] {strides = array<i32>} : memref<3x32x1024xf32, #tpu.memory_space<vmem>>, vector<16xf32>,
        tpu.vector_store %arg7[%swap3A_1092, %swap3A_1093, %swap3A_1094], %mul3A_1090 {strides = array<i32>} : memref<3x32x1024xf32, #tpu.memory_space<vmem>>, vector<16xf32>,
        %get3A_1096 = arith.constant 2 : i32
        %get3A_1097 = arith.index_cast %get3A_1096 : i32 to index
        %get3A_1098 = arith.index_cast %scan3A_433 : i32 to index
        %get3A_1099 = arith.constant 176 : index
        %get3A_1100 = tpu.vector_load %arg7[%get3A_1097, %get3A_1098, %get3A_1099] {strides = array<i32>} : memref<3x32x1024xf32, #tpu.memory_space<vmem>>, vector<16xf32>,
        %mul3A_1101 = arith.mulf %get3A_1100, %div3A_975 : vector<16xf32>
        %swap3A_1102 = arith.constant 2 : i32
        %swap3A_1103 = arith.index_cast %swap3A_1102 : i32 to index
        %swap3A_1104 = arith.index_cast %scan3A_433 : i32 to index
        %swap3A_1105 = arith.constant 176 : index
        %swap3A_1106 = tpu.vector_load %arg7[%swap3A_1103, %swap3A_1104, %swap3A_1105] {strides = array<i32>} : memref<3x32x1024xf32, #tpu.memory_space<vmem>>, vector<16xf32>,
        tpu.vector_store %arg7[%swap3A_1103, %swap3A_1104, %swap3A_1105], %mul3A_1101 {strides = array<i32>} : memref<3x32x1024xf32, #tpu.memory_space<vmem>>, vector<16xf32>,
        %get3A_1107 = arith.constant 2 : i32
        %get3A_1108 = arith.index_cast %get3A_1107 : i32 to index
        %get3A_1109 = arith.index_cast %scan3A_433 : i32 to index
        %get3A_1110 = arith.constant 192 : index
        %get3A_1111 = tpu.vector_load %arg7[%get3A_1108, %get3A_1109, %get3A_1110] {strides = array<i32>} : memref<3x32x1024xf32, #tpu.memory_space<vmem>>, vector<16xf32>,
        %mul3A_1112 = arith.mulf %get3A_1111, %div3A_975 : vector<16xf32>
        %swap3A_1113 = arith.constant 2 : i32
        %swap3A_1114 = arith.index_cast %swap3A_1113 : i32 to index
        %swap3A_1115 = arith.index_cast %scan3A_433 : i32 to index
        %swap3A_1116 = arith.constant 192 : index
        %swap3A_1117 = tpu.vector_load %arg7[%swap3A_1114, %swap3A_1115, %swap3A_1116] {strides = array<i32>} : memref<3x32x1024xf32, #tpu.memory_space<vmem>>, vector<16xf32>,
        tpu.vector_store %arg7[%swap3A_1114, %swap3A_1115, %swap3A_1116], %mul3A_1112 {strides = array<i32>} : memref<3x32x1024xf32, #tpu.memory_space<vmem>>, vector<16xf32>,
        %get3A_1118 = arith.constant 2 : i32
        %get3A_1119 = arith.index_cast %get3A_1118 : i32 to index
        %get3A_1120 = arith.index_cast %scan3A_433 : i32 to index
        %get3A_1121 = arith.constant 208 : index
        %get3A_1122 = tpu.vector_load %arg7[%get3A_1119, %get3A_1120, %get3A_1121] {strides = array<i32>} : memref<3x32x1024xf32, #tpu.memory_space<vmem>>, vector<16xf32>,
        %mul3A_1123 = arith.mulf %get3A_1122, %div3A_975 : vector<16xf32>
        %swap3A_1124 = arith.constant 2 : i32
        %swap3A_1125 = arith.index_cast %swap3A_1124 : i32 to index
        %swap3A_1126 = arith.index_cast %scan3A_433 : i32 to index
        %swap3A_1127 = arith.constant 208 : index
        %swap3A_1128 = tpu.vector_load %arg7[%swap3A_1125, %swap3A_1126, %swap3A_1127] {strides = array<i32>} : memref<3x32x1024xf32, #tpu.memory_space<vmem>>, vector<16xf32>,
        tpu.vector_store %arg7[%swap3A_1125, %swap3A_1126, %swap3A_1127], %mul3A_1123 {strides = array<i32>} : memref<3x32x1024xf32, #tpu.memory_space<vmem>>, vector<16xf32>,
        %get3A_1129 = arith.constant 2 : i32
        %get3A_1130 = arith.index_cast %get3A_1129 : i32 to index
        %get3A_1131 = arith.index_cast %scan3A_433 : i32 to index
        %get3A_1132 = arith.constant 224 : index
        %get3A_1133 = tpu.vector_load %arg7[%get3A_1130, %get3A_1131, %get3A_1132] {strides = array<i32>} : memref<3x32x1024xf32, #tpu.memory_space<vmem>>, vector<16xf32>,
        %mul3A_1134 = arith.mulf %get3A_1133, %div3A_975 : vector<16xf32>
        %swap3A_1135 = arith.constant 2 : i32
        %swap3A_1136 = arith.index_cast %swap3A_1135 : i32 to index
        %swap3A_1137 = arith.index_cast %scan3A_433 : i32 to index
        %swap3A_1138 = arith.constant 224 : index
        %swap3A_1139 = tpu.vector_load %arg7[%swap3A_1136, %swap3A_1137, %swap3A_1138] {strides = array<i32>} : memref<3x32x1024xf32, #tpu.memory_space<vmem>>, vector<16xf32>,
        tpu.vector_store %arg7[%swap3A_1136, %swap3A_1137, %swap3A_1138], %mul3A_1134 {strides = array<i32>} : memref<3x32x1024xf32, #tpu.memory_space<vmem>>, vector<16xf32>,
        %get3A_1140 = arith.constant 2 : i32
        %get3A_1141 = arith.index_cast %get3A_1140 : i32 to index
        %get3A_1142 = arith.index_cast %scan3A_433 : i32 to index
        %get3A_1143 = arith.constant 240 : index
        %get3A_1144 = tpu.vector_load %arg7[%get3A_1141, %get3A_1142, %get3A_1143] {strides = array<i32>} : memref<3x32x1024xf32, #tpu.memory_space<vmem>>, vector<16xf32>,
        %mul3A_1145 = arith.mulf %get3A_1144, %div3A_975 : vector<16xf32>
        %swap3A_1146 = arith.constant 2 : i32
        %swap3A_1147 = arith.index_cast %swap3A_1146 : i32 to index
        %swap3A_1148 = arith.index_cast %scan3A_433 : i32 to index
        %swap3A_1149 = arith.constant 240 : index
        %swap3A_1150 = tpu.vector_load %arg7[%swap3A_1147, %swap3A_1148, %swap3A_1149] {strides = array<i32>} : memref<3x32x1024xf32, #tpu.memory_space<vmem>>, vector<16xf32>,
        tpu.vector_store %arg7[%swap3A_1147, %swap3A_1148, %swap3A_1149], %mul3A_1145 {strides = array<i32>} : memref<3x32x1024xf32, #tpu.memory_space<vmem>>, vector<16xf32>,
        %get3A_1151 = arith.constant 2 : i32
        %get3A_1152 = arith.index_cast %get3A_1151 : i32 to index
        %get3A_1153 = arith.index_cast %scan3A_433 : i32 to index
        %get3A_1154 = arith.constant 256 : index
        %get3A_1155 = tpu.vector_load %arg7[%get3A_1152, %get3A_1153, %get3A_1154] {strides = array<i32>} : memref<3x32x1024xf32, #tpu.memory_space<vmem>>, vector<16xf32>,
        %mul3A_1156 = arith.mulf %get3A_1155, %div3A_975 : vector<16xf32>
        %swap3A_1157 = arith.constant 2 : i32
        %swap3A_1158 = arith.index_cast %swap3A_1157 : i32 to index
        %swap3A_1159 = arith.index_cast %scan3A_433 : i32 to index
        %swap3A_1160 = arith.constant 256 : index
        %swap3A_1161 = tpu.vector_load %arg7[%swap3A_1158, %swap3A_1159, %swap3A_1160] {strides = array<i32>} : memref<3x32x1024xf32, #tpu.memory_space<vmem>>, vector<16xf32>,
        tpu.vector_store %arg7[%swap3A_1158, %swap3A_1159, %swap3A_1160], %mul3A_1156 {strides = array<i32>} : memref<3x32x1024xf32, #tpu.memory_space<vmem>>, vector<16xf32>,
        %get3A_1162 = arith.constant 2 : i32
        %get3A_1163 = arith.index_cast %get3A_1162 : i32 to index
        %get3A_1164 = arith.index_cast %scan3A_433 : i32 to index
        %get3A_1165 = arith.constant 272 : index
        %get3A_1166 = tpu.vector_load %arg7[%get3A_1163, %get3A_1164, %get3A_1165] {strides = array<i32>} : memref<3x32x1024xf32, #tpu.memory_space<vmem>>, vector<16xf32>,
        %mul3A_1167 = arith.mulf %get3A_1166, %div3A_975 : vector<16xf32>
        %swap3A_1168 = arith.constant 2 : i32
        %swap3A_1169 = arith.index_cast %swap3A_1168 : i32 to index
        %swap3A_1170 = arith.index_cast %scan3A_433 : i32 to index
        %swap3A_1171 = arith.constant 272 : index
        %swap3A_1172 = tpu.vector_load %arg7[%swap3A_1169, %swap3A_1170, %swap3A_1171] {strides = array<i32>} : memref<3x32x1024xf32, #tpu.memory_space<vmem>>, vector<16xf32>,
        tpu.vector_store %arg7[%swap3A_1169, %swap3A_1170, %swap3A_1171], %mul3A_1167 {strides = array<i32>} : memref<3x32x1024xf32, #tpu.memory_space<vmem>>, vector<16xf32>,
        %get3A_1173 = arith.constant 2 : i32
        %get3A_1174 = arith.index_cast %get3A_1173 : i32 to index
        %get3A_1175 = arith.index_cast %scan3A_433 : i32 to index
        %get3A_1176 = arith.constant 288 : index
        %get3A_1177 = tpu.vector_load %arg7[%get3A_1174, %get3A_1175, %get3A_1176] {strides = array<i32>} : memref<3x32x1024xf32, #tpu.memory_space<vmem>>, vector<16xf32>,
        %mul3A_1178 = arith.mulf %get3A_1177, %div3A_975 : vector<16xf32>
        %swap3A_1179 = arith.constant 2 : i32
        %swap3A_1180 = arith.index_cast %swap3A_1179 : i32 to index
        %swap3A_1181 = arith.index_cast %scan3A_433 : i32 to index
        %swap3A_1182 = arith.constant 288 : index
        %swap3A_1183 = tpu.vector_load %arg7[%swap3A_1180, %swap3A_1181, %swap3A_1182] {strides = array<i32>} : memref<3x32x1024xf32, #tpu.memory_space<vmem>>, vector<16xf32>,
        tpu.vector_store %arg7[%swap3A_1180, %swap3A_1181, %swap3A_1182], %mul3A_1178 {strides = array<i32>} : memref<3x32x1024xf32, #tpu.memory_space<vmem>>, vector<16xf32>,
        %get3A_1184 = arith.constant 2 : i32
        %get3A_1185 = arith.index_cast %get3A_1184 : i32 to index
        %get3A_1186 = arith.index_cast %scan3A_433 : i32 to index
        %get3A_1187 = arith.constant 304 : index
        %get3A_1188 = tpu.vector_load %arg7[%get3A_1185, %get3A_1186, %get3A_1187] {strides = array<i32>} : memref<3x32x1024xf32, #tpu.memory_space<vmem>>, vector<16xf32>,
        %mul3A_1189 = arith.mulf %get3A_1188, %div3A_975 : vector<16xf32>
        %swap3A_1190 = arith.constant 2 : i32
        %swap3A_1191 = arith.index_cast %swap3A_1190 : i32 to index
        %swap3A_1192 = arith.index_cast %scan3A_433 : i32 to index
        %swap3A_1193 = arith.constant 304 : index
        %swap3A_1194 = tpu.vector_load %arg7[%swap3A_1191, %swap3A_1192, %swap3A_1193] {strides = array<i32>} : memref<3x32x1024xf32, #tpu.memory_space<vmem>>, vector<16xf32>,
        tpu.vector_store %arg7[%swap3A_1191, %swap3A_1192, %swap3A_1193], %mul3A_1189 {strides = array<i32>} : memref<3x32x1024xf32, #tpu.memory_space<vmem>>, vector<16xf32>,
        %get3A_1195 = arith.constant 2 : i32
        %get3A_1196 = arith.index_cast %get3A_1195 : i32 to index
        %get3A_1197 = arith.index_cast %scan3A_433 : i32 to index
        %get3A_1198 = arith.constant 320 : index
        %get3A_1199 = tpu.vector_load %arg7[%get3A_1196, %get3A_1197, %get3A_1198] {strides = array<i32>} : memref<3x32x1024xf32, #tpu.memory_space<vmem>>, vector<16xf32>,
        %mul3A_1200 = arith.mulf %get3A_1199, %div3A_975 : vector<16xf32>
        %swap3A_1201 = arith.constant 2 : i32
        %swap3A_1202 = arith.index_cast %swap3A_1201 : i32 to index
        %swap3A_1203 = arith.index_cast %scan3A_433 : i32 to index
        %swap3A_1204 = arith.constant 320 : index
        %swap3A_1205 = tpu.vector_load %arg7[%swap3A_1202, %swap3A_1203, %swap3A_1204] {strides = array<i32>} : memref<3x32x1024xf32, #tpu.memory_space<vmem>>, vector<16xf32>,
        tpu.vector_store %arg7[%swap3A_1202, %swap3A_1203, %swap3A_1204], %mul3A_1200 {strides = array<i32>} : memref<3x32x1024xf32, #tpu.memory_space<vmem>>, vector<16xf32>,
        %get3A_1206 = arith.constant 2 : i32
        %get3A_1207 = arith.index_cast %get3A_1206 : i32 to index
        %get3A_1208 = arith.index_cast %scan3A_433 : i32 to index
        %get3A_1209 = arith.constant 336 : index
        %get3A_1210 = tpu.vector_load %arg7[%get3A_1207, %get3A_1208, %get3A_1209] {strides = array<i32>} : memref<3x32x1024xf32, #tpu.memory_space<vmem>>, vector<16xf32>,
        %mul3A_1211 = arith.mulf %get3A_1210, %div3A_975 : vector<16xf32>
        %swap3A_1212 = arith.constant 2 : i32
        %swap3A_1213 = arith.index_cast %swap3A_1212 : i32 to index
        %swap3A_1214 = arith.index_cast %scan3A_433 : i32 to index
        %swap3A_1215 = arith.constant 336 : index
        %swap3A_1216 = tpu.vector_load %arg7[%swap3A_1213, %swap3A_1214, %swap3A_1215] {strides = array<i32>} : memref<3x32x1024xf32, #tpu.memory_space<vmem>>, vector<16xf32>,
        tpu.vector_store %arg7[%swap3A_1213, %swap3A_1214, %swap3A_1215], %mul3A_1211 {strides = array<i32>} : memref<3x32x1024xf32, #tpu.memory_space<vmem>>, vector<16xf32>,
        %get3A_1217 = arith.constant 2 : i32
        %get3A_1218 = arith.index_cast %get3A_1217 : i32 to index
        %get3A_1219 = arith.index_cast %scan3A_433 : i32 to index
        %get3A_1220 = arith.constant 352 : index
        %get3A_1221 = tpu.vector_load %arg7[%get3A_1218, %get3A_1219, %get3A_1220] {strides = array<i32>} : memref<3x32x1024xf32, #tpu.memory_space<vmem>>, vector<16xf32>,
        %mul3A_1222 = arith.mulf %get3A_1221, %div3A_975 : vector<16xf32>
        %swap3A_1223 = arith.constant 2 : i32
        %swap3A_1224 = arith.index_cast %swap3A_1223 : i32 to index
        %swap3A_1225 = arith.index_cast %scan3A_433 : i32 to index
        %swap3A_1226 = arith.constant 352 : index
        %swap3A_1227 = tpu.vector_load %arg7[%swap3A_1224, %swap3A_1225, %swap3A_1226] {strides = array<i32>} : memref<3x32x1024xf32, #tpu.memory_space<vmem>>, vector<16xf32>,
        tpu.vector_store %arg7[%swap3A_1224, %swap3A_1225, %swap3A_1226], %mul3A_1222 {strides = array<i32>} : memref<3x32x1024xf32, #tpu.memory_space<vmem>>, vector<16xf32>,
        %get3A_1228 = arith.constant 2 : i32
        %get3A_1229 = arith.index_cast %get3A_1228 : i32 to index
        %get3A_1230 = arith.index_cast %scan3A_433 : i32 to index
        %get3A_1231 = arith.constant 368 : index
        %get3A_1232 = tpu.vector_load %arg7[%get3A_1229, %get3A_1230, %get3A_1231] {strides = array<i32>} : memref<3x32x1024xf32, #tpu.memory_space<vmem>>, vector<16xf32>,
        %mul3A_1233 = arith.mulf %get3A_1232, %div3A_975 : vector<16xf32>
        %swap3A_1234 = arith.constant 2 : i32
        %swap3A_1235 = arith.index_cast %swap3A_1234 : i32 to index
        %swap3A_1236 = arith.index_cast %scan3A_433 : i32 to index
        %swap3A_1237 = arith.constant 368 : index
        %swap3A_1238 = tpu.vector_load %arg7[%swap3A_1235, %swap3A_1236, %swap3A_1237] {strides = array<i32>} : memref<3x32x1024xf32, #tpu.memory_space<vmem>>, vector<16xf32>,
        tpu.vector_store %arg7[%swap3A_1235, %swap3A_1236, %swap3A_1237], %mul3A_1233 {strides = array<i32>} : memref<3x32x1024xf32, #tpu.memory_space<vmem>>, vector<16xf32>,
        %get3A_1239 = arith.constant 2 : i32
        %get3A_1240 = arith.index_cast %get3A_1239 : i32 to index
        %get3A_1241 = arith.index_cast %scan3A_433 : i32 to index
        %get3A_1242 = arith.constant 384 : index
        %get3A_1243 = tpu.vector_load %arg7[%get3A_1240, %get3A_1241, %get3A_1242] {strides = array<i32>} : memref<3x32x1024xf32, #tpu.memory_space<vmem>>, vector<16xf32>,
        %mul3A_1244 = arith.mulf %get3A_1243, %div3A_975 : vector<16xf32>
        %swap3A_1245 = arith.constant 2 : i32
        %swap3A_1246 = arith.index_cast %swap3A_1245 : i32 to index
        %swap3A_1247 = arith.index_cast %scan3A_433 : i32 to index
        %swap3A_1248 = arith.constant 384 : index
        %swap3A_1249 = tpu.vector_load %arg7[%swap3A_1246, %swap3A_1247, %swap3A_1248] {strides = array<i32>} : memref<3x32x1024xf32, #tpu.memory_space<vmem>>, vector<16xf32>,
        tpu.vector_store %arg7[%swap3A_1246, %swap3A_1247, %swap3A_1248], %mul3A_1244 {strides = array<i32>} : memref<3x32x1024xf32, #tpu.memory_space<vmem>>, vector<16xf32>,
        %get3A_1250 = arith.constant 2 : i32
        %get3A_1251 = arith.index_cast %get3A_1250 : i32 to index
        %get3A_1252 = arith.index_cast %scan3A_433 : i32 to index
        %get3A_1253 = arith.constant 400 : index
        %get3A_1254 = tpu.vector_load %arg7[%get3A_1251, %get3A_1252, %get3A_1253] {strides = array<i32>} : memref<3x32x1024xf32, #tpu.memory_space<vmem>>, vector<16xf32>,
        %mul3A_1255 = arith.mulf %get3A_1254, %div3A_975 : vector<16xf32>
        %swap3A_1256 = arith.constant 2 : i32
        %swap3A_1257 = arith.index_cast %swap3A_1256 : i32 to index
        %swap3A_1258 = arith.index_cast %scan3A_433 : i32 to index
        %swap3A_1259 = arith.constant 400 : index
        %swap3A_1260 = tpu.vector_load %arg7[%swap3A_1257, %swap3A_1258, %swap3A_1259] {strides = array<i32>} : memref<3x32x1024xf32, #tpu.memory_space<vmem>>, vector<16xf32>,
        tpu.vector_store %arg7[%swap3A_1257, %swap3A_1258, %swap3A_1259], %mul3A_1255 {strides = array<i32>} : memref<3x32x1024xf32, #tpu.memory_space<vmem>>, vector<16xf32>,
        %get3A_1261 = arith.constant 2 : i32
        %get3A_1262 = arith.index_cast %get3A_1261 : i32 to index
        %get3A_1263 = arith.index_cast %scan3A_433 : i32 to index
        %get3A_1264 = arith.constant 416 : index
        %get3A_1265 = tpu.vector_load %arg7[%get3A_1262, %get3A_1263, %get3A_1264] {strides = array<i32>} : memref<3x32x1024xf32, #tpu.memory_space<vmem>>, vector<16xf32>,
        %mul3A_1266 = arith.mulf %get3A_1265, %div3A_975 : vector<16xf32>
        %swap3A_1267 = arith.constant 2 : i32
        %swap3A_1268 = arith.index_cast %swap3A_1267 : i32 to index
        %swap3A_1269 = arith.index_cast %scan3A_433 : i32 to index
        %swap3A_1270 = arith.constant 416 : index
        %swap3A_1271 = tpu.vector_load %arg7[%swap3A_1268, %swap3A_1269, %swap3A_1270] {strides = array<i32>} : memref<3x32x1024xf32, #tpu.memory_space<vmem>>, vector<16xf32>,
        tpu.vector_store %arg7[%swap3A_1268, %swap3A_1269, %swap3A_1270], %mul3A_1266 {strides = array<i32>} : memref<3x32x1024xf32, #tpu.memory_space<vmem>>, vector<16xf32>,
        %get3A_1272 = arith.constant 2 : i32
        %get3A_1273 = arith.index_cast %get3A_1272 : i32 to index
        %get3A_1274 = arith.index_cast %scan3A_433 : i32 to index
        %get3A_1275 = arith.constant 432 : index
        %get3A_1276 = tpu.vector_load %arg7[%get3A_1273, %get3A_1274, %get3A_1275] {strides = array<i32>} : memref<3x32x1024xf32, #tpu.memory_space<vmem>>, vector<16xf32>,
        %mul3A_1277 = arith.mulf %get3A_1276, %div3A_975 : vector<16xf32>
        %swap3A_1278 = arith.constant 2 : i32
        %swap3A_1279 = arith.index_cast %swap3A_1278 : i32 to index
        %swap3A_1280 = arith.index_cast %scan3A_433 : i32 to index
        %swap3A_1281 = arith.constant 432 : index
        %swap3A_1282 = tpu.vector_load %arg7[%swap3A_1279, %swap3A_1280, %swap3A_1281] {strides = array<i32>} : memref<3x32x1024xf32, #tpu.memory_space<vmem>>, vector<16xf32>,
        tpu.vector_store %arg7[%swap3A_1279, %swap3A_1280, %swap3A_1281], %mul3A_1277 {strides = array<i32>} : memref<3x32x1024xf32, #tpu.memory_space<vmem>>, vector<16xf32>,
        %get3A_1283 = arith.constant 2 : i32
        %get3A_1284 = arith.index_cast %get3A_1283 : i32 to index
        %get3A_1285 = arith.index_cast %scan3A_433 : i32 to index
        %get3A_1286 = arith.constant 448 : index
        %get3A_1287 = tpu.vector_load %arg7[%get3A_1284, %get3A_1285, %get3A_1286] {strides = array<i32>} : memref<3x32x1024xf32, #tpu.memory_space<vmem>>, vector<16xf32>,
        %mul3A_1288 = arith.mulf %get3A_1287, %div3A_975 : vector<16xf32>
        %swap3A_1289 = arith.constant 2 : i32
        %swap3A_1290 = arith.index_cast %swap3A_1289 : i32 to index
        %swap3A_1291 = arith.index_cast %scan3A_433 : i32 to index
        %swap3A_1292 = arith.constant 448 : index
        %swap3A_1293 = tpu.vector_load %arg7[%swap3A_1290, %swap3A_1291, %swap3A_1292] {strides = array<i32>} : memref<3x32x1024xf32, #tpu.memory_space<vmem>>, vector<16xf32>,
        tpu.vector_store %arg7[%swap3A_1290, %swap3A_1291, %swap3A_1292], %mul3A_1288 {strides = array<i32>} : memref<3x32x1024xf32, #tpu.memory_space<vmem>>, vector<16xf32>,
        %get3A_1294 = arith.constant 2 : i32
        %get3A_1295 = arith.index_cast %get3A_1294 : i32 to index
        %get3A_1296 = arith.index_cast %scan3A_433 : i32 to index
        %get3A_1297 = arith.constant 464 : index
        %get3A_1298 = tpu.vector_load %arg7[%get3A_1295, %get3A_1296, %get3A_1297] {strides = array<i32>} : memref<3x32x1024xf32, #tpu.memory_space<vmem>>, vector<16xf32>,
        %mul3A_1299 = arith.mulf %get3A_1298, %div3A_975 : vector<16xf32>
        %swap3A_1300 = arith.constant 2 : i32
        %swap3A_1301 = arith.index_cast %swap3A_1300 : i32 to index
        %swap3A_1302 = arith.index_cast %scan3A_433 : i32 to index
        %swap3A_1303 = arith.constant 464 : index
        %swap3A_1304 = tpu.vector_load %arg7[%swap3A_1301, %swap3A_1302, %swap3A_1303] {strides = array<i32>} : memref<3x32x1024xf32, #tpu.memory_space<vmem>>, vector<16xf32>,
        tpu.vector_store %arg7[%swap3A_1301, %swap3A_1302, %swap3A_1303], %mul3A_1299 {strides = array<i32>} : memref<3x32x1024xf32, #tpu.memory_space<vmem>>, vector<16xf32>,
        %get3A_1305 = arith.constant 2 : i32
        %get3A_1306 = arith.index_cast %get3A_1305 : i32 to index
        %get3A_1307 = arith.index_cast %scan3A_433 : i32 to index
        %get3A_1308 = arith.constant 480 : index
        %get3A_1309 = tpu.vector_load %arg7[%get3A_1306, %get3A_1307, %get3A_1308] {strides = array<i32>} : memref<3x32x1024xf32, #tpu.memory_space<vmem>>, vector<16xf32>,
        %mul3A_1310 = arith.mulf %get3A_1309, %div3A_975 : vector<16xf32>
        %swap3A_1311 = arith.constant 2 : i32
        %swap3A_1312 = arith.index_cast %swap3A_1311 : i32 to index
        %swap3A_1313 = arith.index_cast %scan3A_433 : i32 to index
        %swap3A_1314 = arith.constant 480 : index
        %swap3A_1315 = tpu.vector_load %arg7[%swap3A_1312, %swap3A_1313, %swap3A_1314] {strides = array<i32>} : memref<3x32x1024xf32, #tpu.memory_space<vmem>>, vector<16xf32>,
        tpu.vector_store %arg7[%swap3A_1312, %swap3A_1313, %swap3A_1314], %mul3A_1310 {strides = array<i32>} : memref<3x32x1024xf32, #tpu.memory_space<vmem>>, vector<16xf32>,
        %get3A_1316 = arith.constant 2 : i32
        %get3A_1317 = arith.index_cast %get3A_1316 : i32 to index
        %get3A_1318 = arith.index_cast %scan3A_433 : i32 to index
        %get3A_1319 = arith.constant 496 : index
        %get3A_1320 = tpu.vector_load %arg7[%get3A_1317, %get3A_1318, %get3A_1319] {strides = array<i32>} : memref<3x32x1024xf32, #tpu.memory_space<vmem>>, vector<16xf32>,
        %mul3A_1321 = arith.mulf %get3A_1320, %div3A_975 : vector<16xf32>
        %swap3A_1322 = arith.constant 2 : i32
        %swap3A_1323 = arith.index_cast %swap3A_1322 : i32 to index
        %swap3A_1324 = arith.index_cast %scan3A_433 : i32 to index
        %swap3A_1325 = arith.constant 496 : index
        %swap3A_1326 = tpu.vector_load %arg7[%swap3A_1323, %swap3A_1324, %swap3A_1325] {strides = array<i32>} : memref<3x32x1024xf32, #tpu.memory_space<vmem>>, vector<16xf32>,
        tpu.vector_store %arg7[%swap3A_1323, %swap3A_1324, %swap3A_1325], %mul3A_1321 {strides = array<i32>} : memref<3x32x1024xf32, #tpu.memory_space<vmem>>, vector<16xf32>,
        %get3A_1327 = arith.constant 2 : i32
        %get3A_1328 = arith.index_cast %get3A_1327 : i32 to index
        %get3A_1329 = arith.index_cast %scan3A_433 : i32 to index
        %get3A_1330 = arith.constant 512 : index
        %get3A_1331 = tpu.vector_load %arg7[%get3A_1328, %get3A_1329, %get3A_1330] {strides = array<i32>} : memref<3x32x1024xf32, #tpu.memory_space<vmem>>, vector<16xf32>,
        %mul3A_1332 = arith.mulf %get3A_1331, %div3A_975 : vector<16xf32>
        %swap3A_1333 = arith.constant 2 : i32
        %swap3A_1334 = arith.index_cast %swap3A_1333 : i32 to index
        %swap3A_1335 = arith.index_cast %scan3A_433 : i32 to index
        %swap3A_1336 = arith.constant 512 : index
        %swap3A_1337 = tpu.vector_load %arg7[%swap3A_1334, %swap3A_1335, %swap3A_1336] {strides = array<i32>} : memref<3x32x1024xf32, #tpu.memory_space<vmem>>, vector<16xf32>,
        tpu.vector_store %arg7[%swap3A_1334, %swap3A_1335, %swap3A_1336], %mul3A_1332 {strides = array<i32>} : memref<3x32x1024xf32, #tpu.memory_space<vmem>>, vector<16xf32>,
        %get3A_1338 = arith.constant 2 : i32
        %get3A_1339 = arith.index_cast %get3A_1338 : i32 to index
        %get3A_1340 = arith.index_cast %scan3A_433 : i32 to index
        %get3A_1341 = arith.constant 528 : index
        %get3A_1342 = tpu.vector_load %arg7[%get3A_1339, %get3A_1340, %get3A_1341] {strides = array<i32>} : memref<3x32x1024xf32, #tpu.memory_space<vmem>>, vector<16xf32>,
        %mul3A_1343 = arith.mulf %get3A_1342, %div3A_975 : vector<16xf32>
        %swap3A_1344 = arith.constant 2 : i32
        %swap3A_1345 = arith.index_cast %swap3A_1344 : i32 to index
        %swap3A_1346 = arith.index_cast %scan3A_433 : i32 to index
        %swap3A_1347 = arith.constant 528 : index
        %swap3A_1348 = tpu.vector_load %arg7[%swap3A_1345, %swap3A_1346, %swap3A_1347] {strides = array<i32>} : memref<3x32x1024xf32, #tpu.memory_space<vmem>>, vector<16xf32>,
        tpu.vector_store %arg7[%swap3A_1345, %swap3A_1346, %swap3A_1347], %mul3A_1343 {strides = array<i32>} : memref<3x32x1024xf32, #tpu.memory_space<vmem>>, vector<16xf32>,
        %get3A_1349 = arith.constant 2 : i32
        %get3A_1350 = arith.index_cast %get3A_1349 : i32 to index
        %get3A_1351 = arith.index_cast %scan3A_433 : i32 to index
        %get3A_1352 = arith.constant 544 : index
        %get3A_1353 = tpu.vector_load %arg7[%get3A_1350, %get3A_1351, %get3A_1352] {strides = array<i32>} : memref<3x32x1024xf32, #tpu.memory_space<vmem>>, vector<16xf32>,
        %mul3A_1354 = arith.mulf %get3A_1353, %div3A_975 : vector<16xf32>
        %swap3A_1355 = arith.constant 2 : i32
        %swap3A_1356 = arith.index_cast %swap3A_1355 : i32 to index
        %swap3A_1357 = arith.index_cast %scan3A_433 : i32 to index
        %swap3A_1358 = arith.constant 544 : index
        %swap3A_1359 = tpu.vector_load %arg7[%swap3A_1356, %swap3A_1357, %swap3A_1358] {strides = array<i32>} : memref<3x32x1024xf32, #tpu.memory_space<vmem>>, vector<16xf32>,
        tpu.vector_store %arg7[%swap3A_1356, %swap3A_1357, %swap3A_1358], %mul3A_1354 {strides = array<i32>} : memref<3x32x1024xf32, #tpu.memory_space<vmem>>, vector<16xf32>,
        %get3A_1360 = arith.constant 2 : i32
        %get3A_1361 = arith.index_cast %get3A_1360 : i32 to index
        %get3A_1362 = arith.index_cast %scan3A_433 : i32 to index
        %get3A_1363 = arith.constant 560 : index
        %get3A_1364 = tpu.vector_load %arg7[%get3A_1361, %get3A_1362, %get3A_1363] {strides = array<i32>} : memref<3x32x1024xf32, #tpu.memory_space<vmem>>, vector<16xf32>,
        %mul3A_1365 = arith.mulf %get3A_1364, %div3A_975 : vector<16xf32>
        %swap3A_1366 = arith.constant 2 : i32
        %swap3A_1367 = arith.index_cast %swap3A_1366 : i32 to index
        %swap3A_1368 = arith.index_cast %scan3A_433 : i32 to index
        %swap3A_1369 = arith.constant 560 : index
        %swap3A_1370 = tpu.vector_load %arg7[%swap3A_1367, %swap3A_1368, %swap3A_1369] {strides = array<i32>} : memref<3x32x1024xf32, #tpu.memory_space<vmem>>, vector<16xf32>,
        tpu.vector_store %arg7[%swap3A_1367, %swap3A_1368, %swap3A_1369], %mul3A_1365 {strides = array<i32>} : memref<3x32x1024xf32, #tpu.memory_space<vmem>>, vector<16xf32>,
        %get3A_1371 = arith.constant 2 : i32
        %get3A_1372 = arith.index_cast %get3A_1371 : i32 to index
        %get3A_1373 = arith.index_cast %scan3A_433 : i32 to index
        %get3A_1374 = arith.constant 576 : index
        %get3A_1375 = tpu.vector_load %arg7[%get3A_1372, %get3A_1373, %get3A_1374] {strides = array<i32>} : memref<3x32x1024xf32, #tpu.memory_space<vmem>>, vector<16xf32>,
        %mul3A_1376 = arith.mulf %get3A_1375, %div3A_975 : vector<16xf32>
        %swap3A_1377 = arith.constant 2 : i32
        %swap3A_1378 = arith.index_cast %swap3A_1377 : i32 to index
        %swap3A_1379 = arith.index_cast %scan3A_433 : i32 to index
        %swap3A_1380 = arith.constant 576 : index
        %swap3A_1381 = tpu.vector_load %arg7[%swap3A_1378, %swap3A_1379, %swap3A_1380] {strides = array<i32>} : memref<3x32x1024xf32, #tpu.memory_space<vmem>>, vector<16xf32>,
        tpu.vector_store %arg7[%swap3A_1378, %swap3A_1379, %swap3A_1380], %mul3A_1376 {strides = array<i32>} : memref<3x32x1024xf32, #tpu.memory_space<vmem>>, vector<16xf32>,
        %get3A_1382 = arith.constant 2 : i32
        %get3A_1383 = arith.index_cast %get3A_1382 : i32 to index
        %get3A_1384 = arith.index_cast %scan3A_433 : i32 to index
        %get3A_1385 = arith.constant 592 : index
        %get3A_1386 = tpu.vector_load %arg7[%get3A_1383, %get3A_1384, %get3A_1385] {strides = array<i32>} : memref<3x32x1024xf32, #tpu.memory_space<vmem>>, vector<16xf32>,
        %mul3A_1387 = arith.mulf %get3A_1386, %div3A_975 : vector<16xf32>
        %swap3A_1388 = arith.constant 2 : i32
        %swap3A_1389 = arith.index_cast %swap3A_1388 : i32 to index
        %swap3A_1390 = arith.index_cast %scan3A_433 : i32 to index
        %swap3A_1391 = arith.constant 592 : index
        %swap3A_1392 = tpu.vector_load %arg7[%swap3A_1389, %swap3A_1390, %swap3A_1391] {strides = array<i32>} : memref<3x32x1024xf32, #tpu.memory_space<vmem>>, vector<16xf32>,
        tpu.vector_store %arg7[%swap3A_1389, %swap3A_1390, %swap3A_1391], %mul3A_1387 {strides = array<i32>} : memref<3x32x1024xf32, #tpu.memory_space<vmem>>, vector<16xf32>,
        %get3A_1393 = arith.constant 2 : i32
        %get3A_1394 = arith.index_cast %get3A_1393 : i32 to index
        %get3A_1395 = arith.index_cast %scan3A_433 : i32 to index
        %get3A_1396 = arith.constant 608 : index
        %get3A_1397 = tpu.vector_load %arg7[%get3A_1394, %get3A_1395, %get3A_1396] {strides = array<i32>} : memref<3x32x1024xf32, #tpu.memory_space<vmem>>, vector<16xf32>,
        %mul3A_1398 = arith.mulf %get3A_1397, %div3A_975 : vector<16xf32>
        %swap3A_1399 = arith.constant 2 : i32
        %swap3A_1400 = arith.index_cast %swap3A_1399 : i32 to index
        %swap3A_1401 = arith.index_cast %scan3A_433 : i32 to index
        %swap3A_1402 = arith.constant 608 : index
        %swap3A_1403 = tpu.vector_load %arg7[%swap3A_1400, %swap3A_1401, %swap3A_1402] {strides = array<i32>} : memref<3x32x1024xf32, #tpu.memory_space<vmem>>, vector<16xf32>,
        tpu.vector_store %arg7[%swap3A_1400, %swap3A_1401, %swap3A_1402], %mul3A_1398 {strides = array<i32>} : memref<3x32x1024xf32, #tpu.memory_space<vmem>>, vector<16xf32>,
        %get3A_1404 = arith.constant 2 : i32
        %get3A_1405 = arith.index_cast %get3A_1404 : i32 to index
        %get3A_1406 = arith.index_cast %scan3A_433 : i32 to index
        %get3A_1407 = arith.constant 624 : index
        %get3A_1408 = tpu.vector_load %arg7[%get3A_1405, %get3A_1406, %get3A_1407] {strides = array<i32>} : memref<3x32x1024xf32, #tpu.memory_space<vmem>>, vector<16xf32>,
        %mul3A_1409 = arith.mulf %get3A_1408, %div3A_975 : vector<16xf32>
        %swap3A_1410 = arith.constant 2 : i32
        %swap3A_1411 = arith.index_cast %swap3A_1410 : i32 to index
        %swap3A_1412 = arith.index_cast %scan3A_433 : i32 to index
        %swap3A_1413 = arith.constant 624 : index
        %swap3A_1414 = tpu.vector_load %arg7[%swap3A_1411, %swap3A_1412, %swap3A_1413] {strides = array<i32>} : memref<3x32x1024xf32, #tpu.memory_space<vmem>>, vector<16xf32>,
        tpu.vector_store %arg7[%swap3A_1411, %swap3A_1412, %swap3A_1413], %mul3A_1409 {strides = array<i32>} : memref<3x32x1024xf32, #tpu.memory_space<vmem>>, vector<16xf32>,
        %get3A_1415 = arith.constant 2 : i32
        %get3A_1416 = arith.index_cast %get3A_1415 : i32 to index
        %get3A_1417 = arith.index_cast %scan3A_433 : i32 to index
        %get3A_1418 = arith.constant 640 : index
        %get3A_1419 = tpu.vector_load %arg7[%get3A_1416, %get3A_1417, %get3A_1418] {strides = array<i32>} : memref<3x32x1024xf32, #tpu.memory_space<vmem>>, vector<16xf32>,
        %mul3A_1420 = arith.mulf %get3A_1419, %div3A_975 : vector<16xf32>
        %swap3A_1421 = arith.constant 2 : i32
        %swap3A_1422 = arith.index_cast %swap3A_1421 : i32 to index
        %swap3A_1423 = arith.index_cast %scan3A_433 : i32 to index
        %swap3A_1424 = arith.constant 640 : index
        %swap3A_1425 = tpu.vector_load %arg7[%swap3A_1422, %swap3A_1423, %swap3A_1424] {strides = array<i32>} : memref<3x32x1024xf32, #tpu.memory_space<vmem>>, vector<16xf32>,
        tpu.vector_store %arg7[%swap3A_1422, %swap3A_1423, %swap3A_1424], %mul3A_1420 {strides = array<i32>} : memref<3x32x1024xf32, #tpu.memory_space<vmem>>, vector<16xf32>,
        %get3A_1426 = arith.constant 2 : i32
        %get3A_1427 = arith.index_cast %get3A_1426 : i32 to index
        %get3A_1428 = arith.index_cast %scan3A_433 : i32 to index
        %get3A_1429 = arith.constant 656 : index
        %get3A_1430 = tpu.vector_load %arg7[%get3A_1427, %get3A_1428, %get3A_1429] {strides = array<i32>} : memref<3x32x1024xf32, #tpu.memory_space<vmem>>, vector<16xf32>,
        %mul3A_1431 = arith.mulf %get3A_1430, %div3A_975 : vector<16xf32>
        %swap3A_1432 = arith.constant 2 : i32
        %swap3A_1433 = arith.index_cast %swap3A_1432 : i32 to index
        %swap3A_1434 = arith.index_cast %scan3A_433 : i32 to index
        %swap3A_1435 = arith.constant 656 : index
        %swap3A_1436 = tpu.vector_load %arg7[%swap3A_1433, %swap3A_1434, %swap3A_1435] {strides = array<i32>} : memref<3x32x1024xf32, #tpu.memory_space<vmem>>, vector<16xf32>,
        tpu.vector_store %arg7[%swap3A_1433, %swap3A_1434, %swap3A_1435], %mul3A_1431 {strides = array<i32>} : memref<3x32x1024xf32, #tpu.memory_space<vmem>>, vector<16xf32>,
        %get3A_1437 = arith.constant 2 : i32
        %get3A_1438 = arith.index_cast %get3A_1437 : i32 to index
        %get3A_1439 = arith.index_cast %scan3A_433 : i32 to index
        %get3A_1440 = arith.constant 672 : index
        %get3A_1441 = tpu.vector_load %arg7[%get3A_1438, %get3A_1439, %get3A_1440] {strides = array<i32>} : memref<3x32x1024xf32, #tpu.memory_space<vmem>>, vector<16xf32>,
        %mul3A_1442 = arith.mulf %get3A_1441, %div3A_975 : vector<16xf32>
        %swap3A_1443 = arith.constant 2 : i32
        %swap3A_1444 = arith.index_cast %swap3A_1443 : i32 to index
        %swap3A_1445 = arith.index_cast %scan3A_433 : i32 to index
        %swap3A_1446 = arith.constant 672 : index
        %swap3A_1447 = tpu.vector_load %arg7[%swap3A_1444, %swap3A_1445, %swap3A_1446] {strides = array<i32>} : memref<3x32x1024xf32, #tpu.memory_space<vmem>>, vector<16xf32>,
        tpu.vector_store %arg7[%swap3A_1444, %swap3A_1445, %swap3A_1446], %mul3A_1442 {strides = array<i32>} : memref<3x32x1024xf32, #tpu.memory_space<vmem>>, vector<16xf32>,
        %get3A_1448 = arith.constant 2 : i32
        %get3A_1449 = arith.index_cast %get3A_1448 : i32 to index
        %get3A_1450 = arith.index_cast %scan3A_433 : i32 to index
        %get3A_1451 = arith.constant 688 : index
        %get3A_1452 = tpu.vector_load %arg7[%get3A_1449, %get3A_1450, %get3A_1451] {strides = array<i32>} : memref<3x32x1024xf32, #tpu.memory_space<vmem>>, vector<16xf32>,
        %mul3A_1453 = arith.mulf %get3A_1452, %div3A_975 : vector<16xf32>
        %swap3A_1454 = arith.constant 2 : i32
        %swap3A_1455 = arith.index_cast %swap3A_1454 : i32 to index
        %swap3A_1456 = arith.index_cast %scan3A_433 : i32 to index
        %swap3A_1457 = arith.constant 688 : index
        %swap3A_1458 = tpu.vector_load %arg7[%swap3A_1455, %swap3A_1456, %swap3A_1457] {strides = array<i32>} : memref<3x32x1024xf32, #tpu.memory_space<vmem>>, vector<16xf32>,
        tpu.vector_store %arg7[%swap3A_1455, %swap3A_1456, %swap3A_1457], %mul3A_1453 {strides = array<i32>} : memref<3x32x1024xf32, #tpu.memory_space<vmem>>, vector<16xf32>,
        %get3A_1459 = arith.constant 2 : i32
        %get3A_1460 = arith.index_cast %get3A_1459 : i32 to index
        %get3A_1461 = arith.index_cast %scan3A_433 : i32 to index
        %get3A_1462 = arith.constant 704 : index
        %get3A_1463 = tpu.vector_load %arg7[%get3A_1460, %get3A_1461, %get3A_1462] {strides = array<i32>} : memref<3x32x1024xf32, #tpu.memory_space<vmem>>, vector<16xf32>,
        %mul3A_1464 = arith.mulf %get3A_1463, %div3A_975 : vector<16xf32>
        %swap3A_1465 = arith.constant 2 : i32
        %swap3A_1466 = arith.index_cast %swap3A_1465 : i32 to index
        %swap3A_1467 = arith.index_cast %scan3A_433 : i32 to index
        %swap3A_1468 = arith.constant 704 : index
        %swap3A_1469 = tpu.vector_load %arg7[%swap3A_1466, %swap3A_1467, %swap3A_1468] {strides = array<i32>} : memref<3x32x1024xf32, #tpu.memory_space<vmem>>, vector<16xf32>,
        tpu.vector_store %arg7[%swap3A_1466, %swap3A_1467, %swap3A_1468], %mul3A_1464 {strides = array<i32>} : memref<3x32x1024xf32, #tpu.memory_space<vmem>>, vector<16xf32>,
        %get3A_1470 = arith.constant 2 : i32
        %get3A_1471 = arith.index_cast %get3A_1470 : i32 to index
        %get3A_1472 = arith.index_cast %scan3A_433 : i32 to index
        %get3A_1473 = arith.constant 720 : index
        %get3A_1474 = tpu.vector_load %arg7[%get3A_1471, %get3A_1472, %get3A_1473] {strides = array<i32>} : memref<3x32x1024xf32, #tpu.memory_space<vmem>>, vector<16xf32>,
        %mul3A_1475 = arith.mulf %get3A_1474, %div3A_975 : vector<16xf32>
        %swap3A_1476 = arith.constant 2 : i32
        %swap3A_1477 = arith.index_cast %swap3A_1476 : i32 to index
        %swap3A_1478 = arith.index_cast %scan3A_433 : i32 to index
        %swap3A_1479 = arith.constant 720 : index
        %swap3A_1480 = tpu.vector_load %arg7[%swap3A_1477, %swap3A_1478, %swap3A_1479] {strides = array<i32>} : memref<3x32x1024xf32, #tpu.memory_space<vmem>>, vector<16xf32>,
        tpu.vector_store %arg7[%swap3A_1477, %swap3A_1478, %swap3A_1479], %mul3A_1475 {strides = array<i32>} : memref<3x32x1024xf32, #tpu.memory_space<vmem>>, vector<16xf32>,
        %get3A_1481 = arith.constant 2 : i32
        %get3A_1482 = arith.index_cast %get3A_1481 : i32 to index
        %get3A_1483 = arith.index_cast %scan3A_433 : i32 to index
        %get3A_1484 = arith.constant 736 : index
        %get3A_1485 = tpu.vector_load %arg7[%get3A_1482, %get3A_1483, %get3A_1484] {strides = array<i32>} : memref<3x32x1024xf32, #tpu.memory_space<vmem>>, vector<16xf32>,
        %mul3A_1486 = arith.mulf %get3A_1485, %div3A_975 : vector<16xf32>
        %swap3A_1487 = arith.constant 2 : i32
        %swap3A_1488 = arith.index_cast %swap3A_1487 : i32 to index
        %swap3A_1489 = arith.index_cast %scan3A_433 : i32 to index
        %swap3A_1490 = arith.constant 736 : index
        %swap3A_1491 = tpu.vector_load %arg7[%swap3A_1488, %swap3A_1489, %swap3A_1490] {strides = array<i32>} : memref<3x32x1024xf32, #tpu.memory_space<vmem>>, vector<16xf32>,
        tpu.vector_store %arg7[%swap3A_1488, %swap3A_1489, %swap3A_1490], %mul3A_1486 {strides = array<i32>} : memref<3x32x1024xf32, #tpu.memory_space<vmem>>, vector<16xf32>,
        %get3A_1492 = arith.constant 2 : i32
        %get3A_1493 = arith.index_cast %get3A_1492 : i32 to index
        %get3A_1494 = arith.index_cast %scan3A_433 : i32 to index
        %get3A_1495 = arith.constant 752 : index
        %get3A_1496 = tpu.vector_load %arg7[%get3A_1493, %get3A_1494, %get3A_1495] {strides = array<i32>} : memref<3x32x1024xf32, #tpu.memory_space<vmem>>, vector<16xf32>,
        %mul3A_1497 = arith.mulf %get3A_1496, %div3A_975 : vector<16xf32>
        %swap3A_1498 = arith.constant 2 : i32
        %swap3A_1499 = arith.index_cast %swap3A_1498 : i32 to index
        %swap3A_1500 = arith.index_cast %scan3A_433 : i32 to index
        %swap3A_1501 = arith.constant 752 : index
        %swap3A_1502 = tpu.vector_load %arg7[%swap3A_1499, %swap3A_1500, %swap3A_1501] {strides = array<i32>} : memref<3x32x1024xf32, #tpu.memory_space<vmem>>, vector<16xf32>,
        tpu.vector_store %arg7[%swap3A_1499, %swap3A_1500, %swap3A_1501], %mul3A_1497 {strides = array<i32>} : memref<3x32x1024xf32, #tpu.memory_space<vmem>>, vector<16xf32>,
        %get3A_1503 = arith.constant 2 : i32
        %get3A_1504 = arith.index_cast %get3A_1503 : i32 to index
        %get3A_1505 = arith.index_cast %scan3A_433 : i32 to index
        %get3A_1506 = arith.constant 768 : index
        %get3A_1507 = tpu.vector_load %arg7[%get3A_1504, %get3A_1505, %get3A_1506] {strides = array<i32>} : memref<3x32x1024xf32, #tpu.memory_space<vmem>>, vector<16xf32>,
        %mul3A_1508 = arith.mulf %get3A_1507, %div3A_975 : vector<16xf32>
        %swap3A_1509 = arith.constant 2 : i32
        %swap3A_1510 = arith.index_cast %swap3A_1509 : i32 to index
        %swap3A_1511 = arith.index_cast %scan3A_433 : i32 to index
        %swap3A_1512 = arith.constant 768 : index
        %swap3A_1513 = tpu.vector_load %arg7[%swap3A_1510, %swap3A_1511, %swap3A_1512] {strides = array<i32>} : memref<3x32x1024xf32, #tpu.memory_space<vmem>>, vector<16xf32>,
        tpu.vector_store %arg7[%swap3A_1510, %swap3A_1511, %swap3A_1512], %mul3A_1508 {strides = array<i32>} : memref<3x32x1024xf32, #tpu.memory_space<vmem>>, vector<16xf32>,
        %get3A_1514 = arith.constant 2 : i32
        %get3A_1515 = arith.index_cast %get3A_1514 : i32 to index
        %get3A_1516 = arith.index_cast %scan3A_433 : i32 to index
        %get3A_1517 = arith.constant 784 : index
        %get3A_1518 = tpu.vector_load %arg7[%get3A_1515, %get3A_1516, %get3A_1517] {strides = array<i32>} : memref<3x32x1024xf32, #tpu.memory_space<vmem>>, vector<16xf32>,
        %mul3A_1519 = arith.mulf %get3A_1518, %div3A_975 : vector<16xf32>
        %swap3A_1520 = arith.constant 2 : i32
        %swap3A_1521 = arith.index_cast %swap3A_1520 : i32 to index
        %swap3A_1522 = arith.index_cast %scan3A_433 : i32 to index
        %swap3A_1523 = arith.constant 784 : index
        %swap3A_1524 = tpu.vector_load %arg7[%swap3A_1521, %swap3A_1522, %swap3A_1523] {strides = array<i32>} : memref<3x32x1024xf32, #tpu.memory_space<vmem>>, vector<16xf32>,
        tpu.vector_store %arg7[%swap3A_1521, %swap3A_1522, %swap3A_1523], %mul3A_1519 {strides = array<i32>} : memref<3x32x1024xf32, #tpu.memory_space<vmem>>, vector<16xf32>,
        %get3A_1525 = arith.constant 2 : i32
        %get3A_1526 = arith.index_cast %get3A_1525 : i32 to index
        %get3A_1527 = arith.index_cast %scan3A_433 : i32 to index
        %get3A_1528 = arith.constant 800 : index
        %get3A_1529 = tpu.vector_load %arg7[%get3A_1526, %get3A_1527, %get3A_1528] {strides = array<i32>} : memref<3x32x1024xf32, #tpu.memory_space<vmem>>, vector<16xf32>,
        %mul3A_1530 = arith.mulf %get3A_1529, %div3A_975 : vector<16xf32>
        %swap3A_1531 = arith.constant 2 : i32
        %swap3A_1532 = arith.index_cast %swap3A_1531 : i32 to index
        %swap3A_1533 = arith.index_cast %scan3A_433 : i32 to index
        %swap3A_1534 = arith.constant 800 : index
        %swap3A_1535 = tpu.vector_load %arg7[%swap3A_1532, %swap3A_1533, %swap3A_1534] {strides = array<i32>} : memref<3x32x1024xf32, #tpu.memory_space<vmem>>, vector<16xf32>,
        tpu.vector_store %arg7[%swap3A_1532, %swap3A_1533, %swap3A_1534], %mul3A_1530 {strides = array<i32>} : memref<3x32x1024xf32, #tpu.memory_space<vmem>>, vector<16xf32>,
        %get3A_1536 = arith.constant 2 : i32
        %get3A_1537 = arith.index_cast %get3A_1536 : i32 to index
        %get3A_1538 = arith.index_cast %scan3A_433 : i32 to index
        %get3A_1539 = arith.constant 816 : index
        %get3A_1540 = tpu.vector_load %arg7[%get3A_1537, %get3A_1538, %get3A_1539] {strides = array<i32>} : memref<3x32x1024xf32, #tpu.memory_space<vmem>>, vector<16xf32>,
        %mul3A_1541 = arith.mulf %get3A_1540, %div3A_975 : vector<16xf32>
        %swap3A_1542 = arith.constant 2 : i32
        %swap3A_1543 = arith.index_cast %swap3A_1542 : i32 to index
        %swap3A_1544 = arith.index_cast %scan3A_433 : i32 to index
        %swap3A_1545 = arith.constant 816 : index
        %swap3A_1546 = tpu.vector_load %arg7[%swap3A_1543, %swap3A_1544, %swap3A_1545] {strides = array<i32>} : memref<3x32x1024xf32, #tpu.memory_space<vmem>>, vector<16xf32>,
        tpu.vector_store %arg7[%swap3A_1543, %swap3A_1544, %swap3A_1545], %mul3A_1541 {strides = array<i32>} : memref<3x32x1024xf32, #tpu.memory_space<vmem>>, vector<16xf32>,
        %get3A_1547 = arith.constant 2 : i32
        %get3A_1548 = arith.index_cast %get3A_1547 : i32 to index
        %get3A_1549 = arith.index_cast %scan3A_433 : i32 to index
        %get3A_1550 = arith.constant 832 : index
        %get3A_1551 = tpu.vector_load %arg7[%get3A_1548, %get3A_1549, %get3A_1550] {strides = array<i32>} : memref<3x32x1024xf32, #tpu.memory_space<vmem>>, vector<16xf32>,
        %mul3A_1552 = arith.mulf %get3A_1551, %div3A_975 : vector<16xf32>
        %swap3A_1553 = arith.constant 2 : i32
        %swap3A_1554 = arith.index_cast %swap3A_1553 : i32 to index
        %swap3A_1555 = arith.index_cast %scan3A_433 : i32 to index
        %swap3A_1556 = arith.constant 832 : index
        %swap3A_1557 = tpu.vector_load %arg7[%swap3A_1554, %swap3A_1555, %swap3A_1556] {strides = array<i32>} : memref<3x32x1024xf32, #tpu.memory_space<vmem>>, vector<16xf32>,
        tpu.vector_store %arg7[%swap3A_1554, %swap3A_1555, %swap3A_1556], %mul3A_1552 {strides = array<i32>} : memref<3x32x1024xf32, #tpu.memory_space<vmem>>, vector<16xf32>,
        %get3A_1558 = arith.constant 2 : i32
        %get3A_1559 = arith.index_cast %get3A_1558 : i32 to index
        %get3A_1560 = arith.index_cast %scan3A_433 : i32 to index
        %get3A_1561 = arith.constant 848 : index
        %get3A_1562 = tpu.vector_load %arg7[%get3A_1559, %get3A_1560, %get3A_1561] {strides = array<i32>} : memref<3x32x1024xf32, #tpu.memory_space<vmem>>, vector<16xf32>,
        %mul3A_1563 = arith.mulf %get3A_1562, %div3A_975 : vector<16xf32>
        %swap3A_1564 = arith.constant 2 : i32
        %swap3A_1565 = arith.index_cast %swap3A_1564 : i32 to index
        %swap3A_1566 = arith.index_cast %scan3A_433 : i32 to index
        %swap3A_1567 = arith.constant 848 : index
        %swap3A_1568 = tpu.vector_load %arg7[%swap3A_1565, %swap3A_1566, %swap3A_1567] {strides = array<i32>} : memref<3x32x1024xf32, #tpu.memory_space<vmem>>, vector<16xf32>,
        tpu.vector_store %arg7[%swap3A_1565, %swap3A_1566, %swap3A_1567], %mul3A_1563 {strides = array<i32>} : memref<3x32x1024xf32, #tpu.memory_space<vmem>>, vector<16xf32>,
        %get3A_1569 = arith.constant 2 : i32
        %get3A_1570 = arith.index_cast %get3A_1569 : i32 to index
        %get3A_1571 = arith.index_cast %scan3A_433 : i32 to index
        %get3A_1572 = arith.constant 864 : index
        %get3A_1573 = tpu.vector_load %arg7[%get3A_1570, %get3A_1571, %get3A_1572] {strides = array<i32>} : memref<3x32x1024xf32, #tpu.memory_space<vmem>>, vector<16xf32>,
        %mul3A_1574 = arith.mulf %get3A_1573, %div3A_975 : vector<16xf32>
        %swap3A_1575 = arith.constant 2 : i32
        %swap3A_1576 = arith.index_cast %swap3A_1575 : i32 to index
        %swap3A_1577 = arith.index_cast %scan3A_433 : i32 to index
        %swap3A_1578 = arith.constant 864 : index
        %swap3A_1579 = tpu.vector_load %arg7[%swap3A_1576, %swap3A_1577, %swap3A_1578] {strides = array<i32>} : memref<3x32x1024xf32, #tpu.memory_space<vmem>>, vector<16xf32>,
        tpu.vector_store %arg7[%swap3A_1576, %swap3A_1577, %swap3A_1578], %mul3A_1574 {strides = array<i32>} : memref<3x32x1024xf32, #tpu.memory_space<vmem>>, vector<16xf32>,
        %get3A_1580 = arith.constant 2 : i32
        %get3A_1581 = arith.index_cast %get3A_1580 : i32 to index
        %get3A_1582 = arith.index_cast %scan3A_433 : i32 to index
        %get3A_1583 = arith.constant 880 : index
        %get3A_1584 = tpu.vector_load %arg7[%get3A_1581, %get3A_1582, %get3A_1583] {strides = array<i32>} : memref<3x32x1024xf32, #tpu.memory_space<vmem>>, vector<16xf32>,
        %mul3A_1585 = arith.mulf %get3A_1584, %div3A_975 : vector<16xf32>
        %swap3A_1586 = arith.constant 2 : i32
        %swap3A_1587 = arith.index_cast %swap3A_1586 : i32 to index
        %swap3A_1588 = arith.index_cast %scan3A_433 : i32 to index
        %swap3A_1589 = arith.constant 880 : index
        %swap3A_1590 = tpu.vector_load %arg7[%swap3A_1587, %swap3A_1588, %swap3A_1589] {strides = array<i32>} : memref<3x32x1024xf32, #tpu.memory_space<vmem>>, vector<16xf32>,
        tpu.vector_store %arg7[%swap3A_1587, %swap3A_1588, %swap3A_1589], %mul3A_1585 {strides = array<i32>} : memref<3x32x1024xf32, #tpu.memory_space<vmem>>, vector<16xf32>,
        %get3A_1591 = arith.constant 2 : i32
        %get3A_1592 = arith.index_cast %get3A_1591 : i32 to index
        %get3A_1593 = arith.index_cast %scan3A_433 : i32 to index
        %get3A_1594 = arith.constant 896 : index
        %get3A_1595 = tpu.vector_load %arg7[%get3A_1592, %get3A_1593, %get3A_1594] {strides = array<i32>} : memref<3x32x1024xf32, #tpu.memory_space<vmem>>, vector<16xf32>,
        %mul3A_1596 = arith.mulf %get3A_1595, %div3A_975 : vector<16xf32>
        %swap3A_1597 = arith.constant 2 : i32
        %swap3A_1598 = arith.index_cast %swap3A_1597 : i32 to index
        %swap3A_1599 = arith.index_cast %scan3A_433 : i32 to index
        %swap3A_1600 = arith.constant 896 : index
        %swap3A_1601 = tpu.vector_load %arg7[%swap3A_1598, %swap3A_1599, %swap3A_1600] {strides = array<i32>} : memref<3x32x1024xf32, #tpu.memory_space<vmem>>, vector<16xf32>,
        tpu.vector_store %arg7[%swap3A_1598, %swap3A_1599, %swap3A_1600], %mul3A_1596 {strides = array<i32>} : memref<3x32x1024xf32, #tpu.memory_space<vmem>>, vector<16xf32>,
        %get3A_1602 = arith.constant 2 : i32
        %get3A_1603 = arith.index_cast %get3A_1602 : i32 to index
        %get3A_1604 = arith.index_cast %scan3A_433 : i32 to index
        %get3A_1605 = arith.constant 912 : index
        %get3A_1606 = tpu.vector_load %arg7[%get3A_1603, %get3A_1604, %get3A_1605] {strides = array<i32>} : memref<3x32x1024xf32, #tpu.memory_space<vmem>>, vector<16xf32>,
        %mul3A_1607 = arith.mulf %get3A_1606, %div3A_975 : vector<16xf32>
        %swap3A_1608 = arith.constant 2 : i32
        %swap3A_1609 = arith.index_cast %swap3A_1608 : i32 to index
        %swap3A_1610 = arith.index_cast %scan3A_433 : i32 to index
        %swap3A_1611 = arith.constant 912 : index
        %swap3A_1612 = tpu.vector_load %arg7[%swap3A_1609, %swap3A_1610, %swap3A_1611] {strides = array<i32>} : memref<3x32x1024xf32, #tpu.memory_space<vmem>>, vector<16xf32>,
        tpu.vector_store %arg7[%swap3A_1609, %swap3A_1610, %swap3A_1611], %mul3A_1607 {strides = array<i32>} : memref<3x32x1024xf32, #tpu.memory_space<vmem>>, vector<16xf32>,
        %get3A_1613 = arith.constant 2 : i32
        %get3A_1614 = arith.index_cast %get3A_1613 : i32 to index
        %get3A_1615 = arith.index_cast %scan3A_433 : i32 to index
        %get3A_1616 = arith.constant 928 : index
        %get3A_1617 = tpu.vector_load %arg7[%get3A_1614, %get3A_1615, %get3A_1616] {strides = array<i32>} : memref<3x32x1024xf32, #tpu.memory_space<vmem>>, vector<16xf32>,
        %mul3A_1618 = arith.mulf %get3A_1617, %div3A_975 : vector<16xf32>
        %swap3A_1619 = arith.constant 2 : i32
        %swap3A_1620 = arith.index_cast %swap3A_1619 : i32 to index
        %swap3A_1621 = arith.index_cast %scan3A_433 : i32 to index
        %swap3A_1622 = arith.constant 928 : index
        %swap3A_1623 = tpu.vector_load %arg7[%swap3A_1620, %swap3A_1621, %swap3A_1622] {strides = array<i32>} : memref<3x32x1024xf32, #tpu.memory_space<vmem>>, vector<16xf32>,
        tpu.vector_store %arg7[%swap3A_1620, %swap3A_1621, %swap3A_1622], %mul3A_1618 {strides = array<i32>} : memref<3x32x1024xf32, #tpu.memory_space<vmem>>, vector<16xf32>,
        %get3A_1624 = arith.constant 2 : i32
        %get3A_1625 = arith.index_cast %get3A_1624 : i32 to index
        %get3A_1626 = arith.index_cast %scan3A_433 : i32 to index
        %get3A_1627 = arith.constant 944 : index
        %get3A_1628 = tpu.vector_load %arg7[%get3A_1625, %get3A_1626, %get3A_1627] {strides = array<i32>} : memref<3x32x1024xf32, #tpu.memory_space<vmem>>, vector<16xf32>,
        %mul3A_1629 = arith.mulf %get3A_1628, %div3A_975 : vector<16xf32>
        %swap3A_1630 = arith.constant 2 : i32
        %swap3A_1631 = arith.index_cast %swap3A_1630 : i32 to index
        %swap3A_1632 = arith.index_cast %scan3A_433 : i32 to index
        %swap3A_1633 = arith.constant 944 : index
        %swap3A_1634 = tpu.vector_load %arg7[%swap3A_1631, %swap3A_1632, %swap3A_1633] {strides = array<i32>} : memref<3x32x1024xf32, #tpu.memory_space<vmem>>, vector<16xf32>,
        tpu.vector_store %arg7[%swap3A_1631, %swap3A_1632, %swap3A_1633], %mul3A_1629 {strides = array<i32>} : memref<3x32x1024xf32, #tpu.memory_space<vmem>>, vector<16xf32>,
        %get3A_1635 = arith.constant 2 : i32
        %get3A_1636 = arith.index_cast %get3A_1635 : i32 to index
        %get3A_1637 = arith.index_cast %scan3A_433 : i32 to index
        %get3A_1638 = arith.constant 960 : index
        %get3A_1639 = tpu.vector_load %arg7[%get3A_1636, %get3A_1637, %get3A_1638] {strides = array<i32>} : memref<3x32x1024xf32, #tpu.memory_space<vmem>>, vector<16xf32>,
        %mul3A_1640 = arith.mulf %get3A_1639, %div3A_975 : vector<16xf32>
        %swap3A_1641 = arith.constant 2 : i32
        %swap3A_1642 = arith.index_cast %swap3A_1641 : i32 to index
        %swap3A_1643 = arith.index_cast %scan3A_433 : i32 to index
        %swap3A_1644 = arith.constant 960 : index
        %swap3A_1645 = tpu.vector_load %arg7[%swap3A_1642, %swap3A_1643, %swap3A_1644] {strides = array<i32>} : memref<3x32x1024xf32, #tpu.memory_space<vmem>>, vector<16xf32>,
        tpu.vector_store %arg7[%swap3A_1642, %swap3A_1643, %swap3A_1644], %mul3A_1640 {strides = array<i32>} : memref<3x32x1024xf32, #tpu.memory_space<vmem>>, vector<16xf32>,
        %get3A_1646 = arith.constant 2 : i32
        %get3A_1647 = arith.index_cast %get3A_1646 : i32 to index
        %get3A_1648 = arith.index_cast %scan3A_433 : i32 to index
        %get3A_1649 = arith.constant 976 : index
        %get3A_1650 = tpu.vector_load %arg7[%get3A_1647, %get3A_1648, %get3A_1649] {strides = array<i32>} : memref<3x32x1024xf32, #tpu.memory_space<vmem>>, vector<16xf32>,
        %mul3A_1651 = arith.mulf %get3A_1650, %div3A_975 : vector<16xf32>
        %swap3A_1652 = arith.constant 2 : i32
        %swap3A_1653 = arith.index_cast %swap3A_1652 : i32 to index
        %swap3A_1654 = arith.index_cast %scan3A_433 : i32 to index
        %swap3A_1655 = arith.constant 976 : index
        %swap3A_1656 = tpu.vector_load %arg7[%swap3A_1653, %swap3A_1654, %swap3A_1655] {strides = array<i32>} : memref<3x32x1024xf32, #tpu.memory_space<vmem>>, vector<16xf32>,
        tpu.vector_store %arg7[%swap3A_1653, %swap3A_1654, %swap3A_1655], %mul3A_1651 {strides = array<i32>} : memref<3x32x1024xf32, #tpu.memory_space<vmem>>, vector<16xf32>,
        %get3A_1657 = arith.constant 2 : i32
        %get3A_1658 = arith.index_cast %get3A_1657 : i32 to index
        %get3A_1659 = arith.index_cast %scan3A_433 : i32 to index
        %get3A_1660 = arith.constant 992 : index
        %get3A_1661 = tpu.vector_load %arg7[%get3A_1658, %get3A_1659, %get3A_1660] {strides = array<i32>} : memref<3x32x1024xf32, #tpu.memory_space<vmem>>, vector<16xf32>,
        %mul3A_1662 = arith.mulf %get3A_1661, %div3A_975 : vector<16xf32>
        %swap3A_1663 = arith.constant 2 : i32
        %swap3A_1664 = arith.index_cast %swap3A_1663 : i32 to index
        %swap3A_1665 = arith.index_cast %scan3A_433 : i32 to index
        %swap3A_1666 = arith.constant 992 : index
        %swap3A_1667 = tpu.vector_load %arg7[%swap3A_1664, %swap3A_1665, %swap3A_1666] {strides = array<i32>} : memref<3x32x1024xf32, #tpu.memory_space<vmem>>, vector<16xf32>,
        tpu.vector_store %arg7[%swap3A_1664, %swap3A_1665, %swap3A_1666], %mul3A_1662 {strides = array<i32>} : memref<3x32x1024xf32, #tpu.memory_space<vmem>>, vector<16xf32>,
        %get3A_1668 = arith.constant 2 : i32
        %get3A_1669 = arith.index_cast %get3A_1668 : i32 to index
        %get3A_1670 = arith.index_cast %scan3A_433 : i32 to index
        %get3A_1671 = arith.constant 1008 : index
        %get3A_1672 = tpu.vector_load %arg7[%get3A_1669, %get3A_1670, %get3A_1671] {strides = array<i32>} : memref<3x32x1024xf32, #tpu.memory_space<vmem>>, vector<16xf32>,
        %mul3A_1673 = arith.mulf %get3A_1672, %div3A_975 : vector<16xf32>
        %swap3A_1674 = arith.constant 2 : i32
        %swap3A_1675 = arith.index_cast %swap3A_1674 : i32 to index
        %swap3A_1676 = arith.index_cast %scan3A_433 : i32 to index
        %swap3A_1677 = arith.constant 1008 : index
        %swap3A_1678 = tpu.vector_load %arg7[%swap3A_1675, %swap3A_1676, %swap3A_1677] {strides = array<i32>} : memref<3x32x1024xf32, #tpu.memory_space<vmem>>, vector<16xf32>,
        tpu.vector_store %arg7[%swap3A_1675, %swap3A_1676, %swap3A_1677], %mul3A_1673 {strides = array<i32>} : memref<3x32x1024xf32, #tpu.memory_space<vmem>>, vector<16xf32>,
        %get3A_1679 = arith.constant 2 : i32
        %get3A_1680 = arith.index_cast %get3A_1679 : i32 to index
        %get3A_1681 = arith.index_cast %scan3A_433 : i32 to index
        %get3A_1682 = arith.index_cast %multiple_of3A_912 : i32 to index
        %get3A_1683 = tpu.vector_load %arg7[%get3A_1680, %get3A_1681, %get3A_1682] {strides = array<i32>} : memref<3x32x1024xf32, #tpu.memory_space<vmem>>, vector<16xf32>,
        %eq3A_1684 = vector.broadcast %sub3A_913 : i32 to vector<16xi32>
        %eq3A_1685 = arith.cmpi eq, %iota3A, %eq3A_1684 : vector<16xi32>
        %jit3A_1686 = arith.constant 0.000000e+00 : f32
        %broadcast_in_dim3A_1687 = vector.broadcast %jit3A_1686 : f32 to vector<16xf32>
        %select_n3A_1688 = arith.select %eq3A_1685, %broadcast_in_dim3A_1687, %get3A_1683 : vector<16xi1>, vector<16xf32>
        %swap3A_1689 = arith.constant 2 : i32
        %swap3A_1690 = arith.index_cast %swap3A_1689 : i32 to index
        %swap3A_1691 = arith.index_cast %scan3A_433 : i32 to index
        %swap3A_1692 = arith.index_cast %multiple_of3A_912 : i32 to index
        %swap3A_1693 = tpu.vector_load %arg7[%swap3A_1690, %swap3A_1691, %swap3A_1692] {strides = array<i32>} : memref<3x32x1024xf32, #tpu.memory_space<vmem>>, vector<16xf32>,
        tpu.vector_store %arg7[%swap3A_1690, %swap3A_1691, %swap3A_1692], %select_n3A_1688 {strides = array<i32>} : memref<3x32x1024xf32, #tpu.memory_space<vmem>>, vector<16xf32>,
        %scan3A_1694 = arith.constant 0 : i32
        scf.yield %scan3A_1694 : i32
      }
      %scan3A_400 = arith.constant 32 : i32
      %eq3A_401 = vector.broadcast %add3A_323 : i32 to vector<16xi32>
      %eq3A_402 = arith.cmpi eq, %iota3A, %eq3A_401 : vector<16xi32>
      %jit3A_403 = arith.constant 0 : i32
      %broadcast_in_dim3A_404 = vector.broadcast %jit3A_403 : i32 to vector<16xi32>
      %select_n3A_405 = arith.select %eq3A_402, %get3A_3, %broadcast_in_dim3A_404 : vector<16xi1>, vector<16xi32>
      %reduce_sum3A_406 = arith.constant true
      %reduce_sum3A_407 = vector.broadcast %reduce_sum3A_406 : i1 to vector<16xi1>
      %reduce_sum3A_408 = tpu.scan <sum>, %select_n3A_405 masked %reduce_sum3A_407 : vector<16xi32>, vector<16xi1> -> vector<16xi32>
      %reduce_sum3A_409 = vector.extract %reduce_sum3A_408[15] : i32 from vector<16xi32>
      %add3A_410 = arith.constant 1 : i32
      %add3A_411 = arith.addi %add3A_323, %add3A_410 : i32
      %eq3A_412 = vector.broadcast %add3A_411 : i32 to vector<16xi32>
      %eq3A_413 = arith.cmpi eq, %iota3A, %eq3A_412 : vector<16xi32>
      %jit3A_414 = arith.constant 0 : i32
      %broadcast_in_dim3A_415 = vector.broadcast %jit3A_414 : i32 to vector<16xi32>
      %select_n3A_416 = arith.select %eq3A_413, %get3A_3, %broadcast_in_dim3A_415 : vector<16xi1>, vector<16xi32>
      %reduce_sum3A_417 = arith.constant true
      %reduce_sum3A_418 = vector.broadcast %reduce_sum3A_417 : i1 to vector<16xi1>
      %reduce_sum3A_419 = tpu.scan <sum>, %select_n3A_416 masked %reduce_sum3A_418 : vector<16xi32>, vector<16xi1> -> vector<16xi32>
      %reduce_sum3A_420 = vector.extract %reduce_sum3A_419[15] : i32 from vector<16xi32>
      %while3A_421 = arith.constant 0 : i32
      %while3A_422 = arith.subi %reduce_sum3A_420, %reduce_sum3A_409 : i32
      %while3A_423 = arith.addi %reduce_sum3A_409, %while3A_422 : i32
      %while3A_424 = arith.constant 1 : i32
      %while3A_425 = arith.divsi %while3A_422, %while3A_424 : i32
      %while3A_426 = arith.muli %while3A_425, %while3A_424 : i32
      %while3A_427 = arith.addi %reduce_sum3A_409, %while3A_426 : i32
      %while3A_428 = arith.constant 1 : i32
      %while3A_429 = scf.for %while3A_433 = %reduce_sum3A_409 to %while3A_427 step %while3A_428 iter_args(%while3A_434 = %while3A_421) -> (i32)  : i32 {
        %jit3A_435 = arith.constant 16 : i32
        %div3A = arith.divsi %while3A_433, %jit3A_435 : i32
        %sign3A = arith.constant 0 : i32
        %sign3A_436 = arith.cmpi sgt, %while3A_433, %sign3A : i32
        %sign3A_437 = arith.extui %sign3A_436 : i1 to i32
        %sign3A_438 = arith.constant 0 : i32
        %sign3A_439 = arith.cmpi slt, %while3A_433, %sign3A_438 : i32
        %sign3A_440 = arith.extui %sign3A_439 : i1 to i32
        %sign3A_441 = arith.subi %sign3A_437, %sign3A_440 : i32
        %sign3A_442 = arith.constant 0 : i32
        %sign3A_443 = arith.cmpi sgt, %jit3A_435, %sign3A_442 : i32
        %sign3A_444 = arith.extui %sign3A_443 : i1 to i32
        %sign3A_445 = arith.constant 0 : i32
        %sign3A_446 = arith.cmpi slt, %jit3A_435, %sign3A_445 : i32
        %sign3A_447 = arith.extui %sign3A_446 : i1 to i32
        %sign3A_448 = arith.subi %sign3A_444, %sign3A_447 : i32
        %ne3A = arith.cmpi ne, %sign3A_441, %sign3A_448 : i32
        %rem3A = arith.remsi %while3A_433, %jit3A_435 : i32
        %ne3A_449 = arith.constant 0 : i32
        %ne3A_450 = arith.cmpi ne, %rem3A, %ne3A_449 : i32
        %and3A = arith.andi %ne3A, %ne3A_450 : i1
        %sub3A_451 = arith.constant 1 : i32
        %sub3A_452 = arith.subi %div3A, %sub3A_451 : i32
        %select_n3A_453 = arith.select %and3A, %sub3A_452, %div3A : i32
        %mul3A_454 = arith.constant 16 : i32
        %mul3A_455 = arith.muli %select_n3A_453, %mul3A_454 : i32
        %multiple_of3A_456 = tpu.assume_multiple %mul3A_455, 16 : i32
        %get3A_457 = arith.index_cast %multiple_of3A_456 : i32 to index
        %get3A_458 = tpu.vector_load %arg9[%get3A_457] {strides = array<i32>} : memref<64xi32, #tpu.memory_space<vmem>>, vector<16xi32>,
        %sub3A_459 = arith.subi %while3A_433, %multiple_of3A_456 : i32
        %eq3A_460 = vector.broadcast %sub3A_459 : i32 to vector<16xi32>
        %eq3A_461 = arith.cmpi eq, %iota3A, %eq3A_460 : vector<16xi32>
        %jit3A_462 = arith.constant 0 : i32
        %broadcast_in_dim3A_463 = vector.broadcast %jit3A_462 : i32 to vector<16xi32>
        %select_n3A_464 = arith.select %eq3A_461, %get3A_458, %broadcast_in_dim3A_463 : vector<16xi1>, vector<16xi32>
        %reduce_sum3A_465 = arith.constant true
        %reduce_sum3A_466 = vector.broadcast %reduce_sum3A_465 : i1 to vector<16xi1>
        %reduce_sum3A_467 = tpu.scan <sum>, %select_n3A_464 masked %reduce_sum3A_466 : vector<16xi32>, vector<16xi1> -> vector<16xi32>
        %reduce_sum3A_468 = vector.extract %reduce_sum3A_467[15] : i32 from vector<16xi32>
        %dma_start3A_469 = arith.constant 2 : i32
        %dma_start3A_470 = arith.constant 0 : i32
        %dma_start3A_471 = arith.constant 0 : i32
        %dma_start3A_472 = tpu.memref_slice %arg7[%dma_start3A_469, %dma_start3A_470, %dma_start3A_471] : memref<3x32x1024xf32, #tpu.memory_space<vmem>> -> memref<1x32x1024xf32, #tpu.memory_space<vmem>>
        %dma_start3A_473 = tpu.memref_squeeze %dma_start3A_472 : memref<1x32x1024xf32, #tpu.memory_space<vmem>> -> memref<32x1024xf32, #tpu.memory_space<vmem>>
        %dma_start3A_474 = arith.constant 0 : i32
        %dma_start3A_475 = tpu.memref_slice %arg6[%reduce_sum3A_468, %multiple_of3A, %dma_start3A_474] : memref<64x1024x1024xf32, #tpu.memory_space<hbm>> -> memref<1x32x1024xf32, #tpu.memory_space<hbm>>
        %dma_start3A_476 = tpu.memref_squeeze %dma_start3A_475 : memref<1x32x1024xf32, #tpu.memory_space<hbm>> -> memref<32x1024xf32, #tpu.memory_space<hbm>>
        %dma_start3A_477 = arith.constant 0 : i32
        %dma_start3A_478 = tpu.memref_slice %arg6[%reduce_sum3A_468, %multiple_of3A, %dma_start3A_477] : memref<64x1024x1024xf32, #tpu.memory_space<hbm>> -> memref<1x32x1024xf32, #tpu.memory_space<hbm>>
        %dma_start3A_479 = tpu.memref_squeeze %dma_start3A_478 : memref<1x32x1024xf32, #tpu.memory_space<hbm>> -> memref<32x1024xf32, #tpu.memory_space<hbm>>
        %dma_start3A_480 = arith.constant 0 : i32
        %dma_start3A_481 = arith.constant 0 : i32
        %dma_start3A_482 = tpu.memref_slice %arg7[%dma_start3A_469, %dma_start3A_480, %dma_start3A_481] : memref<3x32x1024xf32, #tpu.memory_space<vmem>> -> memref<1x32x1024xf32, #tpu.memory_space<vmem>>
        %dma_start3A_483 = tpu.memref_squeeze %dma_start3A_482 : memref<1x32x1024xf32, #tpu.memory_space<vmem>> -> memref<32x1024xf32, #tpu.memory_space<vmem>>
        tpu.enqueue_dma source(%dma_start3A_483 : memref<32x1024xf32, #tpu.memory_space<vmem>>) target(%dma_start3A_479 : memref<32x1024xf32, #tpu.memory_space<hbm>>) target_semaphore(%arg13 : memref<!tpu.dma_semaphore, #tpu.memory_space<semaphore_mem>>)
        %while3A_484 = arith.constant 0 : i32
        scf.yield %while3A_484 : i32
      }
      %while3A_430 = arith.constant 1 : i32
      %while3A_431 = scf.for %while3A_433 = %while3A_427 to %while3A_423 step %while3A_430 iter_args(%while3A_434 = %while3A_429) -> (i32)  : i32 {
        %jit3A_435 = arith.constant 16 : i32
        %div3A = arith.divsi %while3A_433, %jit3A_435 : i32
        %sign3A = arith.constant 0 : i32
        %sign3A_436 = arith.cmpi sgt, %while3A_433, %sign3A : i32
        %sign3A_437 = arith.extui %sign3A_436 : i1 to i32
        %sign3A_438 = arith.constant 0 : i32
        %sign3A_439 = arith.cmpi slt, %while3A_433, %sign3A_438 : i32
        %sign3A_440 = arith.extui %sign3A_439 : i1 to i32
        %sign3A_441 = arith.subi %sign3A_437, %sign3A_440 : i32
        %sign3A_442 = arith.constant 0 : i32
        %sign3A_443 = arith.cmpi sgt, %jit3A_435, %sign3A_442 : i32
        %sign3A_444 = arith.extui %sign3A_443 : i1 to i32
        %sign3A_445 = arith.constant 0 : i32
        %sign3A_446 = arith.cmpi slt, %jit3A_435, %sign3A_445 : i32
        %sign3A_447 = arith.extui %sign3A_446 : i1 to i32
        %sign3A_448 = arith.subi %sign3A_444, %sign3A_447 : i32
        %ne3A = arith.cmpi ne, %sign3A_441, %sign3A_448 : i32
        %rem3A = arith.remsi %while3A_433, %jit3A_435 : i32
        %ne3A_449 = arith.constant 0 : i32
        %ne3A_450 = arith.cmpi ne, %rem3A, %ne3A_449 : i32
        %and3A = arith.andi %ne3A, %ne3A_450 : i1
        %sub3A_451 = arith.constant 1 : i32
        %sub3A_452 = arith.subi %div3A, %sub3A_451 : i32
        %select_n3A_453 = arith.select %and3A, %sub3A_452, %div3A : i32
        %mul3A_454 = arith.constant 16 : i32
        %mul3A_455 = arith.muli %select_n3A_453, %mul3A_454 : i32
        %multiple_of3A_456 = tpu.assume_multiple %mul3A_455, 16 : i32
        %get3A_457 = arith.index_cast %multiple_of3A_456 : i32 to index
        %get3A_458 = tpu.vector_load %arg9[%get3A_457] {strides = array<i32>} : memref<64xi32, #tpu.memory_space<vmem>>, vector<16xi32>,
        %sub3A_459 = arith.subi %while3A_433, %multiple_of3A_456 : i32
        %eq3A_460 = vector.broadcast %sub3A_459 : i32 to vector<16xi32>
        %eq3A_461 = arith.cmpi eq, %iota3A, %eq3A_460 : vector<16xi32>
        %jit3A_462 = arith.constant 0 : i32
        %broadcast_in_dim3A_463 = vector.broadcast %jit3A_462 : i32 to vector<16xi32>
        %select_n3A_464 = arith.select %eq3A_461, %get3A_458, %broadcast_in_dim3A_463 : vector<16xi1>, vector<16xi32>
        %reduce_sum3A_465 = arith.constant true
        %reduce_sum3A_466 = vector.broadcast %reduce_sum3A_465 : i1 to vector<16xi1>
        %reduce_sum3A_467 = tpu.scan <sum>, %select_n3A_464 masked %reduce_sum3A_466 : vector<16xi32>, vector<16xi1> -> vector<16xi32>
        %reduce_sum3A_468 = vector.extract %reduce_sum3A_467[15] : i32 from vector<16xi32>
        %dma_start3A_469 = arith.constant 2 : i32
        %dma_start3A_470 = arith.constant 0 : i32
        %dma_start3A_471 = arith.constant 0 : i32
        %dma_start3A_472 = tpu.memref_slice %arg7[%dma_start3A_469, %dma_start3A_470, %dma_start3A_471] : memref<3x32x1024xf32, #tpu.memory_space<vmem>> -> memref<1x32x1024xf32, #tpu.memory_space<vmem>>
        %dma_start3A_473 = tpu.memref_squeeze %dma_start3A_472 : memref<1x32x1024xf32, #tpu.memory_space<vmem>> -> memref<32x1024xf32, #tpu.memory_space<vmem>>
        %dma_start3A_474 = arith.constant 0 : i32
        %dma_start3A_475 = tpu.memref_slice %arg6[%reduce_sum3A_468, %multiple_of3A, %dma_start3A_474] : memref<64x1024x1024xf32, #tpu.memory_space<hbm>> -> memref<1x32x1024xf32, #tpu.memory_space<hbm>>
        %dma_start3A_476 = tpu.memref_squeeze %dma_start3A_475 : memref<1x32x1024xf32, #tpu.memory_space<hbm>> -> memref<32x1024xf32, #tpu.memory_space<hbm>>
        %dma_start3A_477 = arith.constant 0 : i32
        %dma_start3A_478 = tpu.memref_slice %arg6[%reduce_sum3A_468, %multiple_of3A, %dma_start3A_477] : memref<64x1024x1024xf32, #tpu.memory_space<hbm>> -> memref<1x32x1024xf32, #tpu.memory_space<hbm>>
        %dma_start3A_479 = tpu.memref_squeeze %dma_start3A_478 : memref<1x32x1024xf32, #tpu.memory_space<hbm>> -> memref<32x1024xf32, #tpu.memory_space<hbm>>
        %dma_start3A_480 = arith.constant 0 : i32
        %dma_start3A_481 = arith.constant 0 : i32
        %dma_start3A_482 = tpu.memref_slice %arg7[%dma_start3A_469, %dma_start3A_480, %dma_start3A_481] : memref<3x32x1024xf32, #tpu.memory_space<vmem>> -> memref<1x32x1024xf32, #tpu.memory_space<vmem>>
        %dma_start3A_483 = tpu.memref_squeeze %dma_start3A_482 : memref<1x32x1024xf32, #tpu.memory_space<vmem>> -> memref<32x1024xf32, #tpu.memory_space<vmem>>
        tpu.enqueue_dma source(%dma_start3A_483 : memref<32x1024xf32, #tpu.memory_space<vmem>>) target(%dma_start3A_479 : memref<32x1024xf32, #tpu.memory_space<hbm>>) target_semaphore(%arg13 : memref<!tpu.dma_semaphore, #tpu.memory_space<semaphore_mem>>)
        %while3A_484 = arith.constant 0 : i32
        scf.yield %while3A_484 : i32
      }
      %scan3A_432 = arith.constant 0 : i32
      scf.yield %scan3A_432 : i32
    }
    %scan3A_24 = arith.constant 4 : i32
    %dma_wait3A = arith.constant 0 : i32
    %dma_wait3A_25 = arith.constant 0 : i32
    %dma_wait3A_26 = arith.constant 0 : i32
    %dma_wait3A_27 = arith.constant 0 : i32
    %dma_wait3A_28 = tpu.memref_slice %arg7[%dma_wait3A_25, %dma_wait3A_26, %dma_wait3A_27] : memref<3x32x1024xf32, #tpu.memory_space<vmem>> -> memref<1x32x1024xf32, #tpu.memory_space<vmem>>
    %dma_wait3A_29 = tpu.memref_squeeze %dma_wait3A_28 : memref<1x32x1024xf32, #tpu.memory_space<vmem>> -> memref<32x1024xf32, #tpu.memory_space<vmem>>
    %dma_wait3A_30 = arith.constant 0 : i32
    %dma_wait3A_31 = arith.constant 0 : i32
    %dma_wait3A_32 = tpu.memref_slice %arg2[%dma_wait3A, %dma_wait3A_30, %dma_wait3A_31] : memref<12x1024x1024xf32, #tpu.memory_space<hbm>> -> memref<1x32x1024xf32, #tpu.memory_space<hbm>>
    %dma_wait3A_33 = tpu.memref_squeeze %dma_wait3A_32 : memref<1x32x1024xf32, #tpu.memory_space<hbm>> -> memref<32x1024xf32, #tpu.memory_space<hbm>>
    %dma_wait3A_34 = arith.constant 0 : i32
    %dma_wait3A_35 = arith.constant 0 : i32
    %dma_wait3A_36 = tpu.memref_slice %arg7[%dma_wait3A_25, %dma_wait3A_34, %dma_wait3A_35] : memref<3x32x1024xf32, #tpu.memory_space<vmem>> -> memref<1x32x1024xf32, #tpu.memory_space<vmem>>
    %dma_wait3A_37 = tpu.memref_squeeze %dma_wait3A_36 : memref<1x32x1024xf32, #tpu.memory_space<vmem>> -> memref<32x1024xf32, #tpu.memory_space<vmem>>
    %dma_wait3A_38 = arith.constant 0 : i32
    %dma_wait3A_39 = arith.constant 0 : i32
    %dma_wait3A_40 = tpu.memref_slice %arg2[%dma_wait3A, %dma_wait3A_38, %dma_wait3A_39] : memref<12x1024x1024xf32, #tpu.memory_space<hbm>> -> memref<1x32x1024xf32, #tpu.memory_space<hbm>>
    %dma_wait3A_41 = tpu.memref_squeeze %dma_wait3A_40 : memref<1x32x1024xf32, #tpu.memory_space<hbm>> -> memref<32x1024xf32, #tpu.memory_space<hbm>>
    tpu.wait_dma2 semaphore(%arg14 : memref<!tpu.dma_semaphore, #tpu.memory_space<semaphore_mem>>) src(%dma_wait3A_41 : memref<32x1024xf32, #tpu.memory_space<hbm>>) dst(%dma_wait3A_37 : memref<32x1024xf32, #tpu.memory_space<vmem>>)
    %eq3A = arith.constant 10 : i32
    %eq3A_42 = vector.broadcast %eq3A : i32 to vector<16xi32>
    %eq3A_43 = arith.cmpi eq, %iota3A, %eq3A_42 : vector<16xi32>
    %jit3A = arith.constant 0 : i32
    %broadcast_in_dim3A = vector.broadcast %jit3A : i32 to vector<16xi32>
    %select_n3A = arith.select %eq3A_43, %get3A_3, %broadcast_in_dim3A : vector<16xi1>, vector<16xi32>
    %reduce_sum3A = arith.constant true
    %reduce_sum3A_44 = vector.broadcast %reduce_sum3A : i1 to vector<16xi1>
    %reduce_sum3A_45 = tpu.scan <sum>, %select_n3A masked %reduce_sum3A_44 : vector<16xi32>, vector<16xi1> -> vector<16xi32>
    %reduce_sum3A_46 = vector.extract %reduce_sum3A_45[15] : i32 from vector<16xi32>
    %eq3A_47 = arith.constant 11 : i32
    %eq3A_48 = vector.broadcast %eq3A_47 : i32 to vector<16xi32>
    %eq3A_49 = arith.cmpi eq, %iota3A, %eq3A_48 : vector<16xi32>
    %jit3A_50 = arith.constant 0 : i32
    %broadcast_in_dim3A_51 = vector.broadcast %jit3A_50 : i32 to vector<16xi32>
    %select_n3A_52 = arith.select %eq3A_49, %get3A_3, %broadcast_in_dim3A_51 : vector<16xi1>, vector<16xi32>
    %reduce_sum3A_53 = arith.constant true
    %reduce_sum3A_54 = vector.broadcast %reduce_sum3A_53 : i1 to vector<16xi1>
    %reduce_sum3A_55 = tpu.scan <sum>, %select_n3A_52 masked %reduce_sum3A_54 : vector<16xi32>, vector<16xi1> -> vector<16xi32>
    %reduce_sum3A_56 = vector.extract %reduce_sum3A_55[15] : i32 from vector<16xi32>
    %while3A = arith.constant 0 : i32
    %while3A_57 = arith.subi %reduce_sum3A_56, %reduce_sum3A_46 : i32
    %while3A_58 = arith.addi %reduce_sum3A_46, %while3A_57 : i32
    %while3A_59 = arith.constant 1 : i32
    %while3A_60 = arith.divsi %while3A_57, %while3A_59 : i32
    %while3A_61 = arith.muli %while3A_60, %while3A_59 : i32
    %while3A_62 = arith.addi %reduce_sum3A_46, %while3A_61 : i32
    %while3A_63 = arith.constant 1 : i32
    %while3A_64 = scf.for %while3A_98 = %reduce_sum3A_46 to %while3A_62 step %while3A_63 iter_args(%while3A_99 = %while3A) -> (i32)  : i32 {
      %dma_wait3A_100 = arith.constant 0 : i32
      %dma_wait3A_101 = arith.constant 1 : i32
      %dma_wait3A_102 = arith.constant 0 : i32
      %dma_wait3A_103 = arith.constant 0 : i32
      %dma_wait3A_104 = tpu.memref_slice %arg7[%dma_wait3A_101, %dma_wait3A_102, %dma_wait3A_103] : memref<3x32x1024xf32, #tpu.memory_space<vmem>> -> memref<1x32x1024xf32, #tpu.memory_space<vmem>>
      %dma_wait3A_105 = tpu.memref_squeeze %dma_wait3A_104 : memref<1x32x1024xf32, #tpu.memory_space<vmem>> -> memref<32x1024xf32, #tpu.memory_space<vmem>>
      %dma_wait3A_106 = arith.constant 0 : i32
      %dma_wait3A_107 = arith.constant 0 : i32
      %dma_wait3A_108 = tpu.memref_slice %arg2[%dma_wait3A_100, %dma_wait3A_106, %dma_wait3A_107] : memref<12x1024x1024xf32, #tpu.memory_space<hbm>> -> memref<1x32x1024xf32, #tpu.memory_space<hbm>>
      %dma_wait3A_109 = tpu.memref_squeeze %dma_wait3A_108 : memref<1x32x1024xf32, #tpu.memory_space<hbm>> -> memref<32x1024xf32, #tpu.memory_space<hbm>>
      %dma_wait3A_110 = arith.constant 0 : i32
      %dma_wait3A_111 = arith.constant 0 : i32
      %dma_wait3A_112 = tpu.memref_slice %arg7[%dma_wait3A_101, %dma_wait3A_110, %dma_wait3A_111] : memref<3x32x1024xf32, #tpu.memory_space<vmem>> -> memref<1x32x1024xf32, #tpu.memory_space<vmem>>
      %dma_wait3A_113 = tpu.memref_squeeze %dma_wait3A_112 : memref<1x32x1024xf32, #tpu.memory_space<vmem>> -> memref<32x1024xf32, #tpu.memory_space<vmem>>
      %dma_wait3A_114 = arith.constant 0 : i32
      %dma_wait3A_115 = arith.constant 0 : i32
      %dma_wait3A_116 = tpu.memref_slice %arg2[%dma_wait3A_100, %dma_wait3A_114, %dma_wait3A_115] : memref<12x1024x1024xf32, #tpu.memory_space<hbm>> -> memref<1x32x1024xf32, #tpu.memory_space<hbm>>
      %dma_wait3A_117 = tpu.memref_squeeze %dma_wait3A_116 : memref<1x32x1024xf32, #tpu.memory_space<hbm>> -> memref<32x1024xf32, #tpu.memory_space<hbm>>
      tpu.wait_dma2 semaphore(%arg12 : memref<!tpu.dma_semaphore, #tpu.memory_space<semaphore_mem>>) src(%dma_wait3A_117 : memref<32x1024xf32, #tpu.memory_space<hbm>>) dst(%dma_wait3A_113 : memref<32x1024xf32, #tpu.memory_space<vmem>>)
      %while3A_118 = arith.constant 0 : i32
      scf.yield %while3A_118 : i32
    }
    %while3A_65 = arith.constant 1 : i32
    %while3A_66 = scf.for %while3A_98 = %while3A_62 to %while3A_58 step %while3A_65 iter_args(%while3A_99 = %while3A_64) -> (i32)  : i32 {
      %dma_wait3A_100 = arith.constant 0 : i32
      %dma_wait3A_101 = arith.constant 1 : i32
      %dma_wait3A_102 = arith.constant 0 : i32
      %dma_wait3A_103 = arith.constant 0 : i32
      %dma_wait3A_104 = tpu.memref_slice %arg7[%dma_wait3A_101, %dma_wait3A_102, %dma_wait3A_103] : memref<3x32x1024xf32, #tpu.memory_space<vmem>> -> memref<1x32x1024xf32, #tpu.memory_space<vmem>>
      %dma_wait3A_105 = tpu.memref_squeeze %dma_wait3A_104 : memref<1x32x1024xf32, #tpu.memory_space<vmem>> -> memref<32x1024xf32, #tpu.memory_space<vmem>>
      %dma_wait3A_106 = arith.constant 0 : i32
      %dma_wait3A_107 = arith.constant 0 : i32
      %dma_wait3A_108 = tpu.memref_slice %arg2[%dma_wait3A_100, %dma_wait3A_106, %dma_wait3A_107] : memref<12x1024x1024xf32, #tpu.memory_space<hbm>> -> memref<1x32x1024xf32, #tpu.memory_space<hbm>>
      %dma_wait3A_109 = tpu.memref_squeeze %dma_wait3A_108 : memref<1x32x1024xf32, #tpu.memory_space<hbm>> -> memref<32x1024xf32, #tpu.memory_space<hbm>>
      %dma_wait3A_110 = arith.constant 0 : i32
      %dma_wait3A_111 = arith.constant 0 : i32
      %dma_wait3A_112 = tpu.memref_slice %arg7[%dma_wait3A_101, %dma_wait3A_110, %dma_wait3A_111] : memref<3x32x1024xf32, #tpu.memory_space<vmem>> -> memref<1x32x1024xf32, #tpu.memory_space<vmem>>
      %dma_wait3A_113 = tpu.memref_squeeze %dma_wait3A_112 : memref<1x32x1024xf32, #tpu.memory_space<vmem>> -> memref<32x1024xf32, #tpu.memory_space<vmem>>
      %dma_wait3A_114 = arith.constant 0 : i32
      %dma_wait3A_115 = arith.constant 0 : i32
      %dma_wait3A_116 = tpu.memref_slice %arg2[%dma_wait3A_100, %dma_wait3A_114, %dma_wait3A_115] : memref<12x1024x1024xf32, #tpu.memory_space<hbm>> -> memref<1x32x1024xf32, #tpu.memory_space<hbm>>
      %dma_wait3A_117 = tpu.memref_squeeze %dma_wait3A_116 : memref<1x32x1024xf32, #tpu.memory_space<hbm>> -> memref<32x1024xf32, #tpu.memory_space<hbm>>
      tpu.wait_dma2 semaphore(%arg12 : memref<!tpu.dma_semaphore, #tpu.memory_space<semaphore_mem>>) src(%dma_wait3A_117 : memref<32x1024xf32, #tpu.memory_space<hbm>>) dst(%dma_wait3A_113 : memref<32x1024xf32, #tpu.memory_space<vmem>>)
      %while3A_118 = arith.constant 0 : i32
      scf.yield %while3A_118 : i32
    }
    %eq3A_67 = arith.constant 11 : i32
    %eq3A_68 = vector.broadcast %eq3A_67 : i32 to vector<16xi32>
    %eq3A_69 = arith.cmpi eq, %iota3A, %eq3A_68 : vector<16xi32>
    %jit3A_70 = arith.constant 0 : i32
    %broadcast_in_dim3A_71 = vector.broadcast %jit3A_70 : i32 to vector<16xi32>
    %select_n3A_72 = arith.select %eq3A_69, %get3A_3, %broadcast_in_dim3A_71 : vector<16xi1>, vector<16xi32>
    %reduce_sum3A_73 = arith.constant true
    %reduce_sum3A_74 = vector.broadcast %reduce_sum3A_73 : i1 to vector<16xi1>
    %reduce_sum3A_75 = tpu.scan <sum>, %select_n3A_72 masked %reduce_sum3A_74 : vector<16xi32>, vector<16xi1> -> vector<16xi32>
    %reduce_sum3A_76 = vector.extract %reduce_sum3A_75[15] : i32 from vector<16xi32>
    %eq3A_77 = arith.constant 12 : i32
    %eq3A_78 = vector.broadcast %eq3A_77 : i32 to vector<16xi32>
    %eq3A_79 = arith.cmpi eq, %iota3A, %eq3A_78 : vector<16xi32>
    %jit3A_80 = arith.constant 0 : i32
    %broadcast_in_dim3A_81 = vector.broadcast %jit3A_80 : i32 to vector<16xi32>
    %select_n3A_82 = arith.select %eq3A_79, %get3A_3, %broadcast_in_dim3A_81 : vector<16xi1>, vector<16xi32>
    %reduce_sum3A_83 = arith.constant true
    %reduce_sum3A_84 = vector.broadcast %reduce_sum3A_83 : i1 to vector<16xi1>
    %reduce_sum3A_85 = tpu.scan <sum>, %select_n3A_82 masked %reduce_sum3A_84 : vector<16xi32>, vector<16xi1> -> vector<16xi32>
    %reduce_sum3A_86 = vector.extract %reduce_sum3A_85[15] : i32 from vector<16xi32>
    %while3A_87 = arith.constant 0 : i32
    %while3A_88 = arith.subi %reduce_sum3A_86, %reduce_sum3A_76 : i32
    %while3A_89 = arith.addi %reduce_sum3A_76, %while3A_88 : i32
    %while3A_90 = arith.constant 1 : i32
    %while3A_91 = arith.divsi %while3A_88, %while3A_90 : i32
    %while3A_92 = arith.muli %while3A_91, %while3A_90 : i32
    %while3A_93 = arith.addi %reduce_sum3A_76, %while3A_92 : i32
    %while3A_94 = arith.constant 1 : i32
    %while3A_95 = scf.for %while3A_98 = %reduce_sum3A_76 to %while3A_93 step %while3A_94 iter_args(%while3A_99 = %while3A_87) -> (i32)  : i32 {
      %dma_wait3A_100 = arith.constant 0 : i32
      %dma_wait3A_101 = arith.constant 2 : i32
      %dma_wait3A_102 = arith.constant 0 : i32
      %dma_wait3A_103 = arith.constant 0 : i32
      %dma_wait3A_104 = tpu.memref_slice %arg7[%dma_wait3A_101, %dma_wait3A_102, %dma_wait3A_103] : memref<3x32x1024xf32, #tpu.memory_space<vmem>> -> memref<1x32x1024xf32, #tpu.memory_space<vmem>>
      %dma_wait3A_105 = tpu.memref_squeeze %dma_wait3A_104 : memref<1x32x1024xf32, #tpu.memory_space<vmem>> -> memref<32x1024xf32, #tpu.memory_space<vmem>>
      %dma_wait3A_106 = arith.constant 0 : i32
      %dma_wait3A_107 = arith.constant 0 : i32
      %dma_wait3A_108 = tpu.memref_slice %arg2[%dma_wait3A_100, %dma_wait3A_106, %dma_wait3A_107] : memref<12x1024x1024xf32, #tpu.memory_space<hbm>> -> memref<1x32x1024xf32, #tpu.memory_space<hbm>>
      %dma_wait3A_109 = tpu.memref_squeeze %dma_wait3A_108 : memref<1x32x1024xf32, #tpu.memory_space<hbm>> -> memref<32x1024xf32, #tpu.memory_space<hbm>>
      %dma_wait3A_110 = arith.constant 0 : i32
      %dma_wait3A_111 = arith.constant 0 : i32
      %dma_wait3A_112 = tpu.memref_slice %arg7[%dma_wait3A_101, %dma_wait3A_110, %dma_wait3A_111] : memref<3x32x1024xf32, #tpu.memory_space<vmem>> -> memref<1x32x1024xf32, #tpu.memory_space<vmem>>
      %dma_wait3A_113 = tpu.memref_squeeze %dma_wait3A_112 : memref<1x32x1024xf32, #tpu.memory_space<vmem>> -> memref<32x1024xf32, #tpu.memory_space<vmem>>
      %dma_wait3A_114 = arith.constant 0 : i32
      %dma_wait3A_115 = arith.constant 0 : i32
      %dma_wait3A_116 = tpu.memref_slice %arg2[%dma_wait3A_100, %dma_wait3A_114, %dma_wait3A_115] : memref<12x1024x1024xf32, #tpu.memory_space<hbm>> -> memref<1x32x1024xf32, #tpu.memory_space<hbm>>
      %dma_wait3A_117 = tpu.memref_squeeze %dma_wait3A_116 : memref<1x32x1024xf32, #tpu.memory_space<hbm>> -> memref<32x1024xf32, #tpu.memory_space<hbm>>
      tpu.wait_dma2 semaphore(%arg13 : memref<!tpu.dma_semaphore, #tpu.memory_space<semaphore_mem>>) src(%dma_wait3A_117 : memref<32x1024xf32, #tpu.memory_space<hbm>>) dst(%dma_wait3A_113 : memref<32x1024xf32, #tpu.memory_space<vmem>>)
      %while3A_118 = arith.constant 0 : i32
      scf.yield %while3A_118 : i32
    }
    %while3A_96 = arith.constant 1 : i32
    %while3A_97 = scf.for %while3A_98 = %while3A_93 to %while3A_89 step %while3A_96 iter_args(%while3A_99 = %while3A_95) -> (i32)  : i32 {
      %dma_wait3A_100 = arith.constant 0 : i32
      %dma_wait3A_101 = arith.constant 2 : i32
      %dma_wait3A_102 = arith.constant 0 : i32
      %dma_wait3A_103 = arith.constant 0 : i32
      %dma_wait3A_104 = tpu.memref_slice %arg7[%dma_wait3A_101, %dma_wait3A_102, %dma_wait3A_103] : memref<3x32x1024xf32, #tpu.memory_space<vmem>> -> memref<1x32x1024xf32, #tpu.memory_space<vmem>>
      %dma_wait3A_105 = tpu.memref_squeeze %dma_wait3A_104 : memref<1x32x1024xf32, #tpu.memory_space<vmem>> -> memref<32x1024xf32, #tpu.memory_space<vmem>>
      %dma_wait3A_106 = arith.constant 0 : i32
      %dma_wait3A_107 = arith.constant 0 : i32
      %dma_wait3A_108 = tpu.memref_slice %arg2[%dma_wait3A_100, %dma_wait3A_106, %dma_wait3A_107] : memref<12x1024x1024xf32, #tpu.memory_space<hbm>> -> memref<1x32x1024xf32, #tpu.memory_space<hbm>>
      %dma_wait3A_109 = tpu.memref_squeeze %dma_wait3A_108 : memref<1x32x1024xf32, #tpu.memory_space<hbm>> -> memref<32x1024xf32, #tpu.memory_space<hbm>>
      %dma_wait3A_110 = arith.constant 0 : i32
      %dma_wait3A_111 = arith.constant 0 : i32
      %dma_wait3A_112 = tpu.memref_slice %arg7[%dma_wait3A_101, %dma_wait3A_110, %dma_wait3A_111] : memref<3x32x1024xf32, #tpu.memory_space<vmem>> -> memref<1x32x1024xf32, #tpu.memory_space<vmem>>
      %dma_wait3A_113 = tpu.memref_squeeze %dma_wait3A_112 : memref<1x32x1024xf32, #tpu.memory_space<vmem>> -> memref<32x1024xf32, #tpu.memory_space<vmem>>
      %dma_wait3A_114 = arith.constant 0 : i32
      %dma_wait3A_115 = arith.constant 0 : i32
      %dma_wait3A_116 = tpu.memref_slice %arg2[%dma_wait3A_100, %dma_wait3A_114, %dma_wait3A_115] : memref<12x1024x1024xf32, #tpu.memory_space<hbm>> -> memref<1x32x1024xf32, #tpu.memory_space<hbm>>
      %dma_wait3A_117 = tpu.memref_squeeze %dma_wait3A_116 : memref<1x32x1024xf32, #tpu.memory_space<hbm>> -> memref<32x1024xf32, #tpu.memory_space<hbm>>
      tpu.wait_dma2 semaphore(%arg13 : memref<!tpu.dma_semaphore, #tpu.memory_space<semaphore_mem>>) src(%dma_wait3A_117 : memref<32x1024xf32, #tpu.memory_space<hbm>>) dst(%dma_wait3A_113 : memref<32x1024xf32, #tpu.memory_space<vmem>>)
      %while3A_118 = arith.constant 0 : i32
      scf.yield %while3A_118 : i32
    }
    return
  }
}

module attributes {stable_mosaic.version = 14 : i64} {
  func.func @_prep_body(%arg0: memref<1x64xi32, #tpu.memory_space<vmem>>, %arg1: memref<12x1024xf32, #tpu.memory_space<vmem>>, %arg2: memref<12x1024xf32, #tpu.memory_space<vmem>>, %arg3: memref<64x1xi32, #tpu.memory_space<vmem>>, %arg4: memref<16x1xi32, #tpu.memory_space<vmem>>) attributes {dimension_semantics = [], scalar_prefetch = 0 : i64, scratch_operands = 0 : i64, tpu.core_type = #tpu.core_type<tc>} {
    %get3A = arith.constant 0 : index
    %get3A_0 = arith.constant 0 : index
    %get3A_1 = vector.load %arg1[%get3A, %get3A_0] : memref<12x1024xf32, #tpu.memory_space<vmem>>, vector<12x1024xf32>
    %custom_jvp_call3A = arith.constant 0.000000e+00 : f32
    %max3A = vector.broadcast %custom_jvp_call3A : f32 to vector<12x1024xf32>
    %max3A_2 = arith.maximumf %get3A_1, %max3A : vector<12x1024xf32>
    %sub3A = vector.broadcast %custom_jvp_call3A : f32 to vector<12x1024xf32>
    %sub3A_3 = arith.subf %get3A_1, %sub3A : vector<12x1024xf32>
    %ne3A = arith.cmpf one, %sub3A_3, %sub3A_3 : vector<12x1024xf32>
    %add3A = vector.broadcast %custom_jvp_call3A : f32 to vector<12x1024xf32>
    %add3A_4 = arith.addf %get3A_1, %add3A : vector<12x1024xf32>
    %abs3A = math.absf %sub3A_3 : vector<12x1024xf32>
    %neg3A = arith.constant 0.000000e+00 : f32
    %neg3A_5 = vector.broadcast %neg3A : f32 to vector<12x1024xf32>
    %neg3A_6 = arith.subf %neg3A_5, %abs3A : vector<12x1024xf32>
    %exp3A = math.exp %neg3A_6 : vector<12x1024xf32>
    %log1p3A = math.log1p %exp3A : vector<12x1024xf32>
    %add3A_7 = arith.addf %max3A_2, %log1p3A : vector<12x1024xf32>
    %select_n3A = arith.select %ne3A, %add3A_4, %add3A_7 : vector<12x1024xi1>, vector<12x1024xf32>
    %add3A_8 = arith.constant 9.99999997E-7 : f32
    %add3A_9 = vector.broadcast %add3A_8 : f32 to vector<12x1024xf32>
    %add3A_10 = arith.addf %select_n3A, %add3A_9 : vector<12x1024xf32>
    %reduce_sum3A = arith.constant dense<0.000000e+00> : vector<12xf32>
    %reduce_sum3A_11 = vector.multi_reduction <add>, %add3A_10, %reduce_sum3A [1] : vector<12x1024xf32> to vector<12xf32>
    %broadcast_in_dim3A = vector.shape_cast %reduce_sum3A_11 : vector<12xf32> to vector<12x1xf32>
    %max3A_12 = arith.constant 9.99999997E-7 : f32
    %max3A_13 = vector.broadcast %max3A_12 : f32 to vector<12x1xf32>
    %max3A_14 = arith.maximumf %broadcast_in_dim3A, %max3A_13 : vector<12x1xf32>
    %div3A = arith.constant 1.024000e+03 : f32
    %div3A_15 = vector.broadcast %div3A : f32 to vector<12x1xf32>
    %div3A_16 = arith.divf %div3A_15, %max3A_14 : vector<12x1xf32>
    %mul3A = vector.broadcast %div3A_16 : vector<12x1xf32> to vector<12x1024xf32>
    %mul3A_17 = arith.mulf %add3A_10, %mul3A : vector<12x1024xf32>
    %swap3A = arith.constant 0 : index
    %swap3A_18 = arith.constant 0 : index
    %swap3A_19 = vector.load %arg2[%swap3A, %swap3A_18] : memref<12x1024xf32, #tpu.memory_space<vmem>>, vector<12x1024xf32>
    tpu.vector_store %arg2[%swap3A, %swap3A_18], %mul3A_17 {strides = array<i32>} : memref<12x1024xf32, #tpu.memory_space<vmem>>, vector<12x1024xf32>,
    %get3A_20 = arith.constant 0 : index
    %get3A_21 = arith.constant 0 : index
    %get3A_22 = vector.load %arg0[%get3A_20, %get3A_21] : memref<1x64xi32, #tpu.memory_space<vmem>>, vector<1x64xi32>
    %iota3A = tpu.iota {dimensions = array<i32: 0>} : vector<16x64xi32>
    %eq3A = vector.broadcast %get3A_22 : vector<1x64xi32> to vector<16x64xi32>
    %eq3A_23 = arith.cmpi eq, %eq3A, %iota3A : vector<16x64xi32>
    %convert_element_type3A = arith.extui %eq3A_23 : vector<16x64xi1> to vector<16x64xi32>
    %convert_element_type3A_24 = arith.sitofp %convert_element_type3A : vector<16x64xi32> to vector<16x64xf32>
    %reduce_sum3A_25 = arith.constant dense<0.000000e+00> : vector<16xf32>
    %reduce_sum3A_26 = vector.multi_reduction <add>, %convert_element_type3A_24, %reduce_sum3A_25 [1] : vector<16x64xf32> to vector<16xf32>
    %broadcast_in_dim3A_27 = vector.shape_cast %reduce_sum3A_26 : vector<16xf32> to vector<16x1xf32>
    %iota3A_28 = tpu.iota {dimensions = array<i32: 0>} : vector<16x16xi32>
    %iota3A_29 = tpu.iota {dimensions = array<i32: 1>} : vector<16x16xi32>
    %lt3A = arith.cmpi slt, %iota3A_29, %iota3A_28 : vector<16x16xi32>
    %convert_element_type3A_30 = arith.extui %lt3A : vector<16x16xi1> to vector<16x16xi32>
    %convert_element_type3A_31 = arith.sitofp %convert_element_type3A_30 : vector<16x16xi32> to vector<16x16xf32>
    %dot_general3A = arith.constant dense<0.000000e+00> : vector<16x1xf32>
    %dot_general3A_32 = tpu.matmul %convert_element_type3A_31, %broadcast_in_dim3A_27, %dot_general3A {dimension_numbers = #tpu.dot_dimension_numbers<[1], [0], [0], [1], [0, 0, 1, 1], [], []>, transpose_lhs_hint = false} : vector<16x16xf32>, vector<16x1xf32>, vector<16x1xf32> -> vector<16x1xf32>
    %iota3A_33 = tpu.iota {dimensions = array<i32: 0>} : vector<64x64xi32>
    %iota3A_34 = tpu.iota {dimensions = array<i32: 1>} : vector<64x64xi32>
    %lt3A_35 = arith.cmpi slt, %iota3A_33, %iota3A_34 : vector<64x64xi32>
    %convert_element_type3A_36 = arith.extui %lt3A_35 : vector<64x64xi1> to vector<64x64xi32>
    %convert_element_type3A_37 = arith.sitofp %convert_element_type3A_36 : vector<64x64xi32> to vector<64x64xf32>
    %dot_general3A_38 = arith.constant dense<0.000000e+00> : vector<16x64xf32>
    %dot_general3A_39 = tpu.matmul %convert_element_type3A_24, %convert_element_type3A_37, %dot_general3A_38 {dimension_numbers = #tpu.dot_dimension_numbers<[1], [0], [0], [1], [0, 0, 1, 1], [], []>, transpose_lhs_hint = false} : vector<16x64xf32>, vector<64x64xf32>, vector<16x64xf32> -> vector<16x64xf32>
    %mul3A_40 = arith.mulf %dot_general3A_39, %convert_element_type3A_24 : vector<16x64xf32>
    %reduce_sum3A_41 = arith.constant dense<0.000000e+00> : vector<64xf32>
    %reduce_sum3A_42 = vector.multi_reduction <add>, %mul3A_40, %reduce_sum3A_41 [0] : vector<16x64xf32> to vector<64xf32>
    %broadcast_in_dim3A_43 = vector.shape_cast %reduce_sum3A_42 : vector<64xf32> to vector<1x64xf32>
    %mul3A_44 = vector.broadcast %dot_general3A_32 : vector<16x1xf32> to vector<16x64xf32>
    %mul3A_45 = arith.mulf %mul3A_44, %convert_element_type3A_24 : vector<16x64xf32>
    %reduce_sum3A_46 = arith.constant dense<0.000000e+00> : vector<64xf32>
    %reduce_sum3A_47 = vector.multi_reduction <add>, %mul3A_45, %reduce_sum3A_46 [0] : vector<16x64xf32> to vector<64xf32>
    %broadcast_in_dim3A_48 = vector.shape_cast %reduce_sum3A_47 : vector<64xf32> to vector<1x64xf32>
    %add3A_49 = arith.addf %broadcast_in_dim3A_43, %broadcast_in_dim3A_48 : vector<1x64xf32>
    %convert_element_type3A_50 = arith.fptosi %add3A_49 : vector<1x64xf32> to vector<1x64xi32>
    %eq3A_51 = vector.broadcast %convert_element_type3A_50 : vector<1x64xi32> to vector<64x64xi32>
    %eq3A_52 = arith.cmpi eq, %iota3A_33, %eq3A_51 : vector<64x64xi32>
    %convert_element_type3A_53 = arith.extui %eq3A_52 : vector<64x64xi1> to vector<64x64xi32>
    %convert_element_type3A_54 = arith.sitofp %convert_element_type3A_53 : vector<64x64xi32> to vector<64x64xf32>
    %convert_element_type3A_55 = arith.sitofp %iota3A_34 : vector<64x64xi32> to vector<64x64xf32>
    %mul3A_56 = arith.mulf %convert_element_type3A_54, %convert_element_type3A_55 : vector<64x64xf32>
    %reduce_sum3A_57 = arith.constant dense<0.000000e+00> : vector<64xf32>
    %reduce_sum3A_58 = vector.multi_reduction <add>, %mul3A_56, %reduce_sum3A_57 [1] : vector<64x64xf32> to vector<64xf32>
    %broadcast_in_dim3A_59 = vector.shape_cast %reduce_sum3A_58 : vector<64xf32> to vector<64x1xf32>
    %convert_element_type3A_60 = arith.fptosi %broadcast_in_dim3A_59 : vector<64x1xf32> to vector<64x1xi32>
    %swap3A_61 = arith.constant 0 : index
    %swap3A_62 = arith.constant 0 : index
    %swap3A_63 = vector.load %arg3[%swap3A_61, %swap3A_62] : memref<64x1xi32, #tpu.memory_space<vmem>>, vector<64x1xi32>
    tpu.vector_store %arg3[%swap3A_61, %swap3A_62], %convert_element_type3A_60 {strides = array<i32>} : memref<64x1xi32, #tpu.memory_space<vmem>>, vector<64x1xi32>,
    %convert_element_type3A_64 = arith.fptosi %dot_general3A_32 : vector<16x1xf32> to vector<16x1xi32>
    %swap3A_65 = arith.constant 0 : index
    %swap3A_66 = arith.constant 0 : index
    %swap3A_67 = vector.load %arg4[%swap3A_65, %swap3A_66] : memref<16x1xi32, #tpu.memory_space<vmem>>, vector<16x1xi32>
    tpu.vector_store %arg4[%swap3A_65, %swap3A_66], %convert_element_type3A_64 {strides = array<i32>} : memref<16x1xi32, #tpu.memory_space<vmem>>, vector<16x1xi32>,
    return
  }
}

</mosaic_0001>

<sc_bundles>
// kernel: kernel.4.cloned.1.call-start
scs
__scs_entry_jumppad:
0x0: {  	(pc) =	sbr.rel $0x88, $3  }
0x1: {  	(tag) =	ssettag $0x0;
	lr =	simm.s32 $0x1  }
0x2: {  	[smem:$0x3F9E] =	sst lr;
	_ =	strace $0xD0000000  }
0x3: {  	_ = 	snop  }
0x4: {  	_ = 	snop  }
0x5: {  	_ = 	snop  }
0x6: {  	_ = 	snop  }
0x7: {  	_ = 	snop  }
__scs_overlays_trampoline_lowered:
0x8: {  	[smem:$0x3FAD] =	sst s0  }
0x9: {  	[smem:$0x3FAE] =	sst s1  }
0xa: {  	[smem:$0x3FAF] =	sst s2  }
0xb: {  	[smem:$0x3FB0] =	sst s3  }
0xc: {  	[smem:$0x3FB1] =	sst s4  }
0xd: {  	[smem:$0x3FB2] =	sst s5  }
0xe: {  	[smem:$0x3FB3] =	sst s6  }
0xf: {  	[smem:$0x3FB4] =	sst s7  }
0x10: {  	[smem:$0x3FB5] =	sst s8  }
0x11: {  	[smem:$0x3FB6] =	sst s9;
	s0 =	simm.s32 @!p0 $0x0  }
0x12: {  	s1 =	sld [smem:$0x3F9C];
	s0 =	simm.s32 @p0 $0x1  }
0x13: {  	[smem:$0x3FB7] =	sst s0;
	s0 =	simm.s32 @!p1 $0x0  }
0x14: {  	s2 =	sld [smem:$0x3F9B];
	s0 =	simm.s32 @p1 $0x1  }
0x15: {  	[smem:$0x3FB8] =	sst s0;
	s0 =	simm.s32 @!p2 $0x0  }
0x16: {  	s3 =	sld [smem:$0x3FDB];
	s0 =	simm.s32 @p2 $0x1  }
0x17: {  	s4 =	simm.s32 $0x1BF5;
	[smem:$0x3FBA] =	sst s0  }
0x18: {  	s0 =	sld [smem:$0x3F9D];
	_ =	swait.ge [sflag:s4], $0x0  }
0x19: {  	s7 =	sld [smem:$0x3F9E]  }
0x1a: {  	s8 =	sadd.s32 $0xFFFFE003, lr  }
0x1b: {  	s9 =	sadd.s32 $0xFFFFFEF7, lr;
	s5 =	simm.s32 $0xFFFFFFFF;
	p2 =	slt.u32 s8, $0xFFFFF086  }
0x1c: {  	p1 =	slt.u32 s9, $0xF7A;
	s5 =	simm.s32 @!p2 $0x0  }
0x1d: {  	s5 =	simm.s32 @p1 $0x1;
	p0 =	seq.s32 s7, s2  }
0x1e: {  	s7 =	smul.u32 @!p0 $0xF7A, s2;
	p2 =	seq.s32 @!p0 s5, $0x0  }
0x1f: {  	s9 =	smul.u32 $0xF7A, s1;
	s8 =	simm.s32 @!p0 $0x1BF5;
	p2 =	por !p2, p0  }
0x20: {  	[sflag:s8] =	ssyncset.s32 @!p0 $0xFFFFF086;
	s6 =	sadd.s32 @!p0 s3, s7;
	s7 =	simm.s32 @!p0 $0x108  }
0x21: {  	s3 =	sadd.s32 s3, s9;
	s6 =	sadd.s32 @!p0 $0x88, s6;
	s7 =	simm.s32 @p2 $0x1082  }
0x22: {  	[simem:s7], [sflag:s8] =	dma.local @!p0 [hbm:s6], $0xF7A  }
0x23: {  	s9 =	sor.u32 $0xD0000000, s2;
	s6 =	simm.s32 $0x108;
	_ =	swait.ge @!p0 [sflag:s8], $0x0  }
0x24: {  	s3 =	sadd.s32 $0x88, s3;
	s6 =	simm.s32 @!p1 $0x1082;
	[sflag:s4] =	ssyncset.s32 $0xFFFFF086  }
0x25: {  	[simem:s6], [sflag:s4] =	dma.local [hbm:s3], $0xF7A  }
0x26: {  	[smem:$0x3F9E] =	sst s1;
	(tag) =	ssettag s2;
	_ =	strace s9  }
0x27: {  	s1 =	sld [smem:$0x3FAE]  }
0x28: {  	s2 =	sld [smem:$0x3FAF]  }
0x29: {  	s4 =	sld [smem:$0x3FB1]  }
0x2a: {  	p0 =	seq.s32 s5, $0x0;
	s5 =	sld [smem:$0x3FB2]  }
0x2b: {  	s6 =	sld [smem:$0x3FB3]  }
0x2c: {  	s7 =	sld [smem:$0x3FB4]  }
0x2d: {  	s3 =	simm.s32 $0x108;
	s8 =	sld [smem:$0x3FB5]  }
0x2e: {  	s3 =	simm.s32 @!p0 $0x1082;
	s9 =	sld [smem:$0x3FB6]  }
0x2f: {  	lr =	sadd.s32 s0, s3;
	s0 =	sld [smem:$0x3FAD]  }
0x30: {  	s3 =	sld [smem:$0x3FB0]  }
0x31: {  	[smem:$0x3FB9] =	sst s10  }
0x32: {  	s10 =	sld [smem:$0x3FB7];
	_ =	sdelay $0x3  }
0x33: {  	p0 =	seq.s32 s10, $0x1;
	s10 =	sld [smem:$0x3FB9];
	_ =	sdelay $0x3  }
0x34: {  	[smem:$0x3FB9] =	sst s10  }
0x35: {  	s10 =	sld [smem:$0x3FB8];
	_ =	sdelay $0x3  }
0x36: {  	p1 =	seq.s32 s10, $0x1;
	s10 =	sld [smem:$0x3FB9];
	_ =	sdelay $0x3  }
0x37: {  	[smem:$0x3FB9] =	sst s10  }
0x38: {  	s10 =	sld [smem:$0x3FBA]  }
0x39: {  	_ = 	snop;
	(pc) =	sbr.ind lr, $3  }
0x3a: {  	_ = 	snop  }
0x3b: {  	_ = 	snop  }
0x3c: {  	p2 =	seq.s32 s10, $0x1;
	s10 =	sld [smem:$0x3FB9]  }
0x3d: {  	_ =	shalt  }
0x3e: {  	_ =	shalt  }
0x3f: {  	_ =	shalt  }
0x40: {  	_ =	shalt  }
0x41: {  	_ =	shalt  }
0x42: {  	_ =	shalt  }
0x43: {  	_ =	shalt  }
0x44: {  	_ =	shalt  }
0x45: {  	_ =	shalt  }
0x46: {  	_ =	shalt  }
0x47: {  	_ =	shalt  }
0x48: {  	_ =	shalt  }
0x49: {  	_ =	shalt  }
0x4a: {  	_ =	shalt  }
0x4b: {  	_ =	shalt  }
0x4c: {  	_ =	shalt  }
0x4d: {  	_ =	shalt  }
0x4e: {  	_ =	shalt  }
0x4f: {  	_ =	shalt  }
0x50: {  	_ =	shalt  }
0x51: {  	_ =	shalt  }
0x52: {  	_ =	shalt  }
0x53: {  	_ =	shalt  }
0x54: {  	_ =	shalt  }
0x55: {  	_ =	shalt  }
0x56: {  	_ =	shalt  }
0x57: {  	_ =	shalt  }
0x58: {  	_ =	shalt  }
0x59: {  	_ =	shalt  }
0x5a: {  	_ =	shalt  }
0x5b: {  	_ =	shalt  }
0x5c: {  	_ =	shalt  }
0x5d: {  	_ =	shalt  }
0x5e: {  	_ =	shalt  }
0x5f: {  	_ =	shalt  }
0x60: {  	_ =	shalt  }
0x61: {  	_ =	shalt  }
0x62: {  	_ =	shalt  }
0x63: {  	_ =	shalt  }
0x64: {  	_ =	shalt  }
0x65: {  	_ =	shalt  }
0x66: {  	_ =	shalt  }
0x67: {  	_ =	shalt  }
0x68: {  	_ =	shalt  }
0x69: {  	_ =	shalt  }
0x6a: {  	_ =	shalt  }
0x6b: {  	_ =	shalt  }
0x6c: {  	_ =	shalt  }
0x6d: {  	_ =	shalt  }
0x6e: {  	_ =	shalt  }
0x6f: {  	_ =	shalt  }
0x70: {  	_ =	shalt  }
0x71: {  	_ =	shalt  }
0x72: {  	_ =	shalt  }
0x73: {  	_ =	shalt  }
0x74: {  	_ =	shalt  }
0x75: {  	_ =	shalt  }
0x76: {  	_ =	shalt  }
0x77: {  	_ =	shalt  }
0x78: {  	_ =	shalt  }
0x79: {  	_ =	shalt  }
0x7a: {  	_ =	shalt  }
0x7b: {  	_ =	shalt  }
0x7c: {  	_ =	shalt  }
0x7d: {  	_ =	shalt  }
0x7e: {  	_ =	shalt  }
0x7f: {  	_ =	shalt  }
0x80: {  	_ =	shalt  }
0x81: {  	_ =	shalt  }
0x82: {  	_ =	shalt  }
0x83: {  	_ =	shalt  }
0x84: {  	_ =	shalt  }
0x85: {  	_ =	shalt  }
0x86: {  	_ =	shalt  }
0x87: {  	_ =	shalt  }
.Lfunc_end0:
.L_simem_size_0:
called_computation_lowered:
.L_overlay_start_0:
0x88: {  	s2 =	sld [smem:$0x3FD9]  }
0x89: {  	s3 =	sld [smem:$0x3FFE];
	_ =	sdelay $0x1  }
0x8a: {  	s1 =	srdreg.scid  }
0x8b: {  	s0 =	sand.u32 $0x1, s1  }
0x8c: {  	s17 =	sshll.u32 s0, $0xA;
	s2 =	sadd.s32 s3, s2  }
0x8d: {  	s2 =	sadd.s32 s2, s17  }
0x8e: {  	[smem:$0x3FC5] =	sst s2  }
0x8f: {  	_ = 	snop  }
0x90: {  	s2 =	sld [smem:$0x3FC8]  }
0x91: {  	s18 =	sld [smem:$0x3FD0];
	(tm) =	ssettm $0x1  }
0x92: {  	s4 =	sld [smem:$0x3FFB];
	_ =	sdelay $0x3  }
0x93: {  	_ =	strace s4  }
0x94: {  	s4 =	sld [smem:$0x3FFC];
	_ =	sdelay $0x3  }
0x95: {  	_ =	strace s4  }
0x96: {  	s4 =	sld [smem:$0x3FFD];
	_ =	sdelay $0x3  }
0x97: {  	_ =	strace s4  }
0x98: {  	_ =	strace $0x8FFFFFFF  }
0x99: {  	s19 =	sld [smem:$0x3FDB];
	_ =	sdelay $0x1  }
0x9a: {  	s5 =	simm.s32 $_scs_section_size  }
0x9b: {  	s6 =	simm.s32 $_size__tile_overlayer_lowered;
	s7 =	simm.s32 $_tile_overlayer_lowered  }
0x9c: {  	s22 =	simm.s32 $0x1BFF;
	s21 =	sshll.u32 s7, $0x1;
	s4 =	sadd.s32 s5, s19  }
0x9d: {  	s8 =	simm.s32 $0x0;
	s20 =	sshll.u32 s6, $0x1;
	s6 =	sadd.s32 s21, s4  }
0x9e: {  	[timem:s8], [sflag:s22] =	dma.local [hbm:s6], s20  }
0x9f: {  	_ =	swait.ge [sflag:s22], s20  }
0xa0: {  	s5 =	ssub.s32 $0x0, s20;
	[sflag:s22] =	ssyncset.done $0x0  }
0xa1: {  	[sflag:s22] =	ssyncadd.s32 s5;
	_ =	sdelay $0x1  }
0xa2: {  	s23 =	simm.s32 $0x1B8B  }
0xa3: {  	_ =	swait.ge [sflag:s23], $0x1  }
0xa4: {  	[sflag:s23] =	ssyncset.done $0x0  }
0xa5: {  	s25 =	simm.s32 $0x1B8E;
	s24 =	sld [smem:$0x3FFE];
	[sflag:s23] =	ssyncadd.s32 $0xFFFFFFFF  }
0xa6: {  	s26 =	simm.s32 $execute0_lowered;
	[smem:$0x3FD2] =	sst s25  }
0xa7: {  	s6 =	sshll.u32 s26, $0x1;
	_ =	strace $0x80000046;
	[dreg:$0x1] =	wrdreg $0xFFFFFFFF  }
0xa8: {  	s28 =	simm.s32 $_size_execute0_lowered;
	s4 =	sadd.s32 s4, s6;
	[dreg:$0x0] =	wrdreg $0x0  }
0xa9: {  	s6 =	sshll.u32 s28, $0x1;
	[dreg:$0x2] =	wrdreg s4  }
0xaa: {  	[dreg:$0x3] =	wrdreg s6  }
0xab: {  	[dreg:$0x4] =	wrdreg $0xC0  }
0xac: {  	_ =	task [dreg:s8], $0x5FFFF  }
0xad: {  	[dreg:$0x1] =	wrdreg $0xFFFFFFFF  }
0xae: {  	[dreg:$0x0] =	wrdreg $0x60  }
0xaf: {  	[dreg:$0x2] =	wrdreg s2  }
0xb0: {  	[dreg:$0x3] =	wrdreg s24  }
0xb1: {  	[dreg:$0x4] =	wrdreg s18  }
0xb2: {  	[dreg:$0x5] =	wrdreg $0x9  }
0xb3: {  	_ =	task.clear_ibuf [dreg:s8], $0x6FFFF;
	_ =	strace $0x90000046  }
0xb4: {  	s29 =	simm.s32 $0x9;
	_ =	strace $0x80000048  }
0xb5: {  	_ =	swait.ge [sflag:s29], $0x1  }
0xb6: {  	[sflag:s29] =	ssyncadd.s32 $0xFFFFFFFF  }
0xb7: {  	_ =	strace $0x90000048  }
0xb8: {  	_ =	sfence  }
0xb9: {  	s30 =	sld [smem:$0x0];
	_ =	sdelay $0x2  }
0xba: {  	s31 =	sshll.u32 s1, $0xD;
	s1 =	sshrl.u32 s1, $0x2  }
0xbb: {  	s3 =	sand.u32 $0x4000, s31;
	s1 =	sadd.s32 s1, s30  }
0xbc: {  	s0 =	sor.u32 s3, s0;
	s1 =	sshll.u32 s1, $0x11  }
0xbd: {  	s0 =	sor.u32 s1, s0  }
0xbe: {  	s0 =	sadd.s32 $0x8F2B, s0  }
0xbf: {  	[sflag:s0] =	ssyncadd.remote.s32 $0x1  }
0xc0: {  	_ =	sfence.sel $0xFFFF  }
0xc1: {  	[dreg:$0x0] =	wrdreg $0xFFFFFFFF;
	(pc) =	sbr.abs _section_cstart, $3  }
0xc2: {  	[dreg:$0x1] =	wrdreg $0xFFFFFFFF  }
0xc3: {  	_ =	task.clear_ibuf [dreg:s8], $0x2FFFF;
	_ =	strace $0x9FFFFFFF  }
0xc4: {  	(tm) =	ssettm $0x7FFFFFFF  }
0xc5: {  	_ =	shalt  }
tec
execute0_lowered:
.L_overlay_start_1:
0x0: {  	(tag) =	ssettag $0x1  }
0x1: {  	s3 =	rddreg [dreg:$0x0]  }
0x2: {  	s0 =	rddreg [dreg:$0x1]  }
0x3: {  	s18 =	rddreg [dreg:$0x2]  }
0x4: {  	s19 =	simm.s32 $0x0;
	s1 =	srdreg.scid;
	s26 =	stileid.u32  }
0x5: {  	s16 =	simm.s32 $0x2;
	s20 =	simm.s32 $0x1;
	s21 =	simm.s32 $0x3  }
0x6: {  	s23 =	simm.s32 $0x10000;
	[smem:$0x7FF] =	sst s19;
	s2 =	sadd.s32 $0x200, s0  }
0x7: {  	s1 =	sand.u32 $0x1, s1;
	s25 =	sadd.s32 $0xA00, s0;
	s6 =	sshll.u32 s26, $0x6  }
0x8: {  	s0 =	sadd.s32 $0xC00, s0;
	_ =	strace $0x80000047;
	[dreg:$0x4] =	wrdreg s2  }
0x9: {  	[dreg:$0x5] =	wrdreg s25;
	s4 =	ssub.s32 $0x2, s1;
	s1 =	sshll.u32 s1, $0x5  }
0xa: {  	s29 =	sshll.u32 s26, $0x9;
	[dreg:$0x6] =	wrdreg s0;
	s22 =	sor.u32 s1, s6  }
.Ltmp0:
0xb: {  	s5 =	sshrl.u32 s4, $0x1;
	s1 =	sshll.u32 s22, $0x7;
	(pc) =	sbr.rel .LBB2_1-.Ltmp0, $4  }
0xc: {  	s28 =	ssub.s32 s4, s5;
	[dreg:$0x7] =	wrdreg s22;
	s1 =	sadd.s32 s3, s1  }
0xd: {  	s30 =	sor.u32 s22, s29;
	s0 =	smax.u32 s28, $0x1;
	[dreg:$0x8] =	wrdreg s1  }
0xe: {  	v14 =	vlaneseq.u32;
	s2 =	simm.s32 $0x0;
	s31 =	sand.u32 $0x1C60, s30;
	[dreg:$0x9] =	wrdreg s0  }
0xf: {  	vm0 =	vcmask $0x272C;
	vm1 =	vcmask $0x2B30;
	vm2 =	vcmask $0x2F34;
	s6 =	simm.s32 $0x8000;
	s9 =	sshll.u32 s22, $0xA;
	[dreg:$0xa] =	wrdreg s31  }
.LBB2_34:
0x10: {  	[sflag:s21] =	ssyncadd.s32 $0xFFFF8000;
	s2 =	rddreg [dreg:$0xb]  }
.LBB2_35:
0x11: {  	s2 =	sadd.s32 $0x1, s2;
	s0 =	rddreg [dreg:$0x9]  }
0x12: {  	p0 =	sne.s32 s2, s0  }
.Ltmp1:
0x13: {  	_ = 	snop;
	(pc) =	sbr.rel @!p0 .LBB2_36-.Ltmp1, $1  }
0x14: {  	_ =	sdelay $0x3  }
.LBB2_1:
0x15: {  	[dreg:$0xb] =	wrdreg s2  }
0x16: {  	s0 =	rddreg [dreg:$0x5];
	s1 =	simm.s32 $0x18080;
	s28 =	simm.s32 $0x5  }
0x17: {  	[tilespmem:s1], [sflag:$0x5] =	stream.linear.gather [hbm4b:s0+s19], $0x80, $0x38;
	[tilespmem:$0x18180] =	vst v63  }
0x18: {  	_ =	swait.ge [sflag:s28], $0x80  }
0x19: {  	[sflag:s28] =	ssyncset.done $0x0  }
0x1a: {  	s30 =	simm.s32 $0x18100;
	s29 =	rddreg [dreg:$0x6];
	[sflag:s28] =	ssyncadd.s32 $0xFFFFFF80  }
0x1b: {  	[tilespmem:s30], [sflag:$0x5] =	stream.linear.gather [hbm4b:s29+s19], $0x80, $0x38;
	[tilespmem:$0x18180] =	vst v63  }
0x1c: {  	_ =	swait.ge [sflag:s28], $0x80  }
0x1d: {  	[sflag:s28] =	ssyncset.done $0x0  }
0x1e: {  	[sflag:s28] =	ssyncadd.s32 $0xFFFFFF80  }
0x1f: {  	v38 =	vld [tilespmem:$0x18100]  }
.Ltmp2:
0x20: {  	_ = 	snop;
	(pc) =	sbr.rel .LBB2_2-.Ltmp2, $4  }
0x21: {  	_ = 	snop  }
0x22: {  	s31 =	rddreg [dreg:$0x8]  }
0x23: {  	[tilespmem:s19], [sflag:$0x4] =	stream.linear.gather [hbm4b:s31+s19], $0x8000, $0x38;
	[tilespmem:$0x18180] =	vst v63  }
0x24: {  	s2 =	simm.s32 $0x0;
	[tilespmem:$0x1FFF0] =	vst v38  }
.LBB2_25:
0x25: {  	_ =	sdelay $0x8  }
0x26: {  	s0 =	spop (v2sf)  }
0x27: {  	s0 =	sshll.u32 s0, $0x14  }
0x28: {  	s0 =	sor.u32 s9, s0  }
0x29: {  	s0 =	sshrl.u32 s0, $0x3  }
0x2a: {  	s0 =	sadd.s32 s18, s0  }
0x2b: {  	[hbm4b:s0+s19] =	stream.linear.scatter [tilespmem:s23], [sflag:$0x3], $0x8000, $0x38;
	[tilespmem:$0x18180] =	vst v63  }
.LBB2_26:
0x2c: {  	s2 =	rddreg [dreg:$0xc]  }
0x2d: {  	s2 =	sadd.s32 $0x1, s2  }
0x2e: {  	p0 =	sne.s32 s2, $0x4  }
.Ltmp3:
0x2f: {  	_ = 	snop;
	(pc) =	sbr.rel @!p0 .LBB2_27-.Ltmp3, $2  }
0x30: {  	_ =	sdelay $0x2  }
0x31: {  	s3 =	rddreg [dreg:$0x0]  }
.LBB2_2:
0x32: {  	s24 =	smul.u32 $0x3, s2;
	_ =	sdelay $0x1  }
0x33: {  	s0 =	sadd.s32 $0xFFFFFFFE, s24  }
0x34: {  	s31 =	sadd.s32 $0xFFFFFFFF, s24;
	v2 =	vmov s0  }
0x35: {  	v61 =	vmov s31;
	vm3 =	veq.s32 v2, v14  }
0x36: {  	v0 =	vnsel vm3, $0x0, v38;
	vm3 =	veq.s32 v61, v14  }
0x37: {  	(xrf0) =	vadd.scan.msk.s32 $0xffff, v0;
	v2 =	vnsel vm3, $0x0, v38  }
0x38: {  	(xrf0) =	vadd.scan.msk.s32 $0xffff, v2;
	_ =	sdelay $0x4  }
0x39: {  	v62, _, _ =	vpop (xrf0)  }
0x3a: {  	(v2sf) =	vpush v62, $0xF;
	v63, _, _ =	vpop (xrf0)  }
0x3b: {  	(v2sf) =	vpush v63, $0xF;
	_ =	sdelay $0xd  }
0x3c: {  	s0 =	spop (v2sf)  }
0x3d: {  	s30 =	spop (v2sf)  }
0x3e: {  	p0 =	sle.s32 s30, s0  }
.Ltmp4:
0x3f: {  	_ = 	snop;
	(pc) =	sbr.rel @p0 .LBB2_6-.Ltmp4, $1  }
0x40: {  	_ =	sdelay $0x3  }
0x41: {  	s0 =	ssub.s32 s30, s0  }
0x42: {  	p0 =	sne.s32 s0, $0x1  }
.Ltmp5:
0x43: {  	_ = 	snop;
	(pc) =	sbr.rel @!p0 .LBB2_5-.Ltmp5, $3  }
0x44: {  	_ =	sdelay $0x1  }
0x45: {  	_ =	swait.ge [sflag:s16], $0x8000  }
0x46: {  	s0 =	sadd.s32 $0xFFFFFFFF, s0;
	[sflag:s16] =	ssyncset.done $0x0  }
.LBB2_4:
0x47: {  	p0 =	sne.s32 s0, $0x1;
	s0 =	sadd.s32 $0xFFFFFFFF, s0;
	[sflag:s16] =	ssyncadd.s32 $0xFFFF8000  }
.Ltmp6:
0x48: {  	(pc) =	sbr.rel @p0 .LBB2_4-.Ltmp6, $3  }
0x49: {  	_ =	sdelay $0x1  }
0x4a: {  	_ =	swait.ge [sflag:s16], $0x8000  }
0x4b: {  	[sflag:s16] =	ssyncset.done $0x0  }
.LBB2_5:
0x4c: {  	[sflag:s16] =	ssyncadd.s32 $0xFFFF8000  }
.LBB2_6:
0x4d: {  	s29 =	sadd.s32 $0x1, s24;
	s1 =	simm.s32 $0x4  }
0x4e: {  	s13 =	smul.u32 $0xC00, s2;
	s26 =	simm.s32 $0x0;
	s0 =	sshll.u32 s29, $0x14  }
0x4f: {  	s4 =	smul.u32 $0x180, s2;
	_ =	swait.ge [sflag:s1], $0x8000;
	s0 =	sor.u32 s9, s0  }
0x50: {  	[sflag:s1] =	ssyncset.done $0x0;
	s14 =	sand.u32 $0x2000, s13;
	s0 =	sshrl.u32 s0, $0x3  }
0x51: {  	s15 =	sand.u32 $0x380, s4;
	[sflag:s1] =	ssyncadd.s32 $0xFFFF8000;
	s0 =	sadd.s32 s3, s0  }
0x52: {  	[tilespmem:s6], [sflag:$0x4] =	stream.linear.gather [hbm4b:s0+s26], $0x8000, $0x38;
	[tilespmem:$0x18180] =	vst v63  }
0x53: {  	s17 =	rddreg [dreg:$0xa];
	s0 =	sor.u32 s14, s15  }
0x54: {  	s0 =	sor.u32 s17, s0  }
0x55: {  	s25 =	rddreg [dreg:$0x4];
	s0 =	sshrl.u32 s0, $0x3  }
0x56: {  	s28 =	simm.s32 $0x18000;
	s31 =	simm.s32 $0x5;
	s0 =	sadd.s32 s25, s0  }
0x57: {  	[tilespmem:s28], [sflag:$0x5] =	stream.linear.gather [hbm4b:s0+s26], $0x20, $0x38;
	[tilespmem:$0x18180] =	vst v63  }
0x58: {  	_ =	swait.ge [sflag:s31], $0x20  }
0x59: {  	[sflag:s31] =	ssyncset.done $0x0  }
0x5a: {  	[sflag:s31] =	ssyncadd.s32 $0xFFFFFFE0  }
.LBB2_7:
0x5b: {  	s0 =	sshll.u32 s26, $0xA;
	s1 =	sshll.u32 s26, $0x7  }
0x5c: {  	s11 =	sand.u32 $0x6000, s0;
	s4 =	sand.u32 $0x380, s1  }
0x5d: {  	s28 =	sor.u32 s4, s11  }
0x5e: {  	v38 =	vld [tilespmem:s28+$0x0]  }
0x5f: {  	v39 =	vld [tilespmem:s28+$0x10]  }
0x60: {  	v37 =	vld [tilespmem:s28+$0x20]  }
0x61: {  	v35 =	vld [tilespmem:s28+$0x30]  }
0x62: {  	v0 =	vld [tilespmem:s28+$0x40]  }
0x63: {  	v36 =	vld [tilespmem:s28+$0x50]  }
0x64: {  	v33 =	vld [tilespmem:s28+$0x60]  }
0x65: {  	v32 =	vld [tilespmem:s28+$0x70]  }
0x66: {  	v30 =	vld [tilespmem:s28+$0x400]  }
0x67: {  	v29 =	vld [tilespmem:s28+$0x410]  }
0x68: {  	v27 =	vld [tilespmem:s28+$0x420]  }
0x69: {  	v25 =	vld [tilespmem:s28+$0x430]  }
0x6a: {  	v1 =	vld [tilespmem:s28+$0x440]  }
0x6b: {  	v26 =	vld [tilespmem:s28+$0x450]  }
0x6c: {  	v23 =	vld [tilespmem:s28+$0x460]  }
0x6d: {  	v22 =	vld [tilespmem:s28+$0x470]  }
0x6e: {  	v20 =	vld [tilespmem:s28+$0x800]  }
0x6f: {  	v19 =	vld [tilespmem:s28+$0x810]  }
0x70: {  	v17 =	vld [tilespmem:s28+$0x820]  }
0x71: {  	v2 =	vld [tilespmem:s28+$0x830]  }
0x72: {  	v3 =	vld [tilespmem:s28+$0x840]  }
0x73: {  	v15 =	vld [tilespmem:s28+$0x850]  }
0x74: {  	v7 =	vld [tilespmem:s28+$0x860]  }
0x75: {  	v8 =	vld [tilespmem:s28+$0x870]  }
0x76: {  	v10 =	vld [tilespmem:s28+$0xC00]  }
0x77: {  	v9 =	vld [tilespmem:s28+$0xC10]  }
0x78: {  	v12 =	vld [tilespmem:s28+$0xC20]  }
0x79: {  	v11 =	vld [tilespmem:s28+$0xC30]  }
0x7a: {  	v4 =	vld [tilespmem:s28+$0xC40];
	v6 =	vand.u32 $0x7FFFFFFF, v38;
	v16 =	vand.u32 $0x7FFFFFFF, v39  }
0x7b: {  	v5 =	vld [tilespmem:s28+$0xC50];
	v21 =	vand.u32 $0x7FFFFFFF, v37;
	v24 =	vand.u32 $0x7FFFFFFF, v35;
	v18 =	vand.u32 $0x7FFFFFFF, v0  }
0x7c: {  	v28 =	vand.u32 $0x7FFFFFFF, v36;
	v31 =	vand.u32 $0x7FFFFFFF, v33;
	v6 =	vadd.f32 v18, v6;
	v18 =	vld [tilespmem:s28+$0xC60]  }
0x7d: {  	v47 =	vand.u32 $0x7FFFFFFF, v32;
	v48 =	vand.u32 $0x7FFFFFFF, v30;
	v31 =	vadd.f32 v31, v21;
	v21 =	vld [tilespmem:s28+$0xC70]  }
0x7e: {  	v40 =	vand.u32 $0x7FFFFFFF, v29;
	v16 =	vadd.f32 v28, v16;
	v34 =	vadd.f32 v47, v24;
	v24 =	vld [tilespmem:s28+$0x1000]  }
0x7f: {  	v49 =	vand.u32 $0x7FFFFFFF, v27;
	v41 =	vand.u32 $0x7FFFFFFF, v25;
	v28 =	vld [tilespmem:s28+$0x1010];
	v6 =	vadd.f32 v48, v6  }
0x80: {  	v42 =	vand.u32 $0x7FFFFFFF, v1;
	v16 =	vadd.f32 v40, v16;
	v40 =	vadd.f32 v49, v31;
	v31 =	vld [tilespmem:s28+$0x1020]  }
0x81: {  	v50 =	vand.u32 $0x7FFFFFFF, v26;
	v43 =	vand.u32 $0x7FFFFFFF, v23;
	v41 =	vadd.f32 v41, v34;
	v34 =	vld [tilespmem:s28+$0x1030]  }
0x82: {  	v44 =	vand.u32 $0x7FFFFFFF, v22;
	v51 =	vand.u32 $0x7FFFFFFF, v20;
	v42 =	vadd.f32 v42, v6;
	v6 =	vld [tilespmem:s28+$0x1040]  }
0x83: {  	v52 =	vand.u32 $0x7FFFFFFF, v19;
	v46 =	vand.u32 $0x7FFFFFFF, v17;
	v43 =	vadd.f32 v43, v40;
	v40 =	vld [tilespmem:s28+$0x1050]  }
0x84: {  	v53 =	vand.u32 $0x7FFFFFFF, v2;
	v54 =	vand.u32 $0x7FFFFFFF, v3;
	v44 =	vadd.f32 v44, v41;
	v41 =	vld [tilespmem:s28+$0x1060]  }
0x85: {  	v55 =	vand.u32 $0x7FFFFFFF, v7;
	v57 =	vand.u32 $0x7FFFFFFF, v8;
	v45 =	vadd.f32 v51, v42;
	v42 =	vld [tilespmem:s28+$0x1070]  }
0x86: {  	s13 =	sor.u32 s0, s4;
	v58 =	vand.u32 $0x7FFFFFFF, v9;
	v16 =	vadd.f32 v50, v16;
	v46 =	vadd.f32 v46, v43;
	v43 =	vld [tilespmem:s28+$0x1400]  }
0x87: {  	s7 =	sor.u32 $0x1C40, s13;
	v59 =	vand.u32 $0x7FFFFFFF, v4;
	v48 =	vand.u32 $0x7FFFFFFF, v15;
	v47 =	vadd.f32 v53, v44;
	v44 =	vld [tilespmem:s28+$0x1410]  }
0x88: {  	[tilespmem:$0x1FF90] =	vst v12;
	v50 =	vand.u32 $0x7FFFFFFF, v10;
	v16 =	vadd.f32 v52, v16;
	v51 =	vand.u32 $0x7FFFFFFF, v12;
	v12 =	vld [tilespmem:s7+$0x0]  }
0x89: {  	v60 =	vand.u32 $0x7FFFFFFF, v21;
	v52 =	vand.u32 $0x7FFFFFFF, v11;
	v49 =	vadd.f32 v54, v45;
	v45 =	vld [tilespmem:s28+$0x1420]  }
0x8a: {  	v53 =	vand.u32 $0x7FFFFFFF, v5;
	v16 =	vadd.f32 v48, v16;
	v56 =	vadd.f32 v55, v46;
	v46 =	vld [tilespmem:s28+$0x1430]  }
0x8b: {  	v61 =	vand.u32 $0x7FFFFFFF, v31;
	v47 =	vadd.f32 v57, v47;
	v48 =	vld [tilespmem:s28+$0x1450];
	v49 =	vadd.f32 v50, v49  }
0x8c: {  	v62 =	vand.u32 $0x7FFFFFFF, v34;
	v50 =	vadd.f32 v58, v16;
	v16 =	vld [tilespmem:s28+$0x1440];
	v51 =	vadd.f32 v51, v56  }
0x8d: {  	v54 =	vand.u32 $0x7FFFFFFF, v18;
	v47 =	vadd.f32 v52, v47;
	v52 =	vadd.f32 v59, v49;
	v49 =	vld [tilespmem:s28+$0x1460]  }
0x8e: {  	v55 =	vand.u32 $0x7FFFFFFF, v24;
	v63 =	vand.u32 $0x7FFFFFFF, v40;
	v53 =	vadd.f32 v53, v50;
	v50 =	vld [tilespmem:s28+$0x1470]  }
0x8f: {  	[tilespmem:$0x1FFB0] =	vst v0;
	v0 =	vand.u32 $0x7FFFFFFF, v41;
	v56 =	vand.u32 $0x7FFFFFFF, v28;
	v54 =	vadd.f32 v54, v51;
	v51 =	vld [tilespmem:s28+$0x1800]  }
0x90: {  	[tilespmem:$0x1FFC0] =	vst v1;
	v58 =	vand.u32 $0x7FFFFFFF, v6;
	v47 =	vadd.f32 v60, v47;
	v55 =	vadd.f32 v55, v52;
	v52 =	vld [tilespmem:s28+$0x1810]  }
0x91: {  	[tilespmem:$0x1FFD0] =	vst v3;
	v1 =	vand.u32 $0x7FFFFFFF, v42;
	v3 =	vand.u32 $0x7FFFFFFF, v43;
	v56 =	vadd.f32 v56, v53;
	v53 =	vld [tilespmem:s28+$0x1820]  }
0x92: {  	[tilespmem:$0x1FFE0] =	vst v4;
	v4 =	vand.u32 $0x7FFFFFFF, v46;
	v57 =	vadd.f32 v61, v54;
	v59 =	vadd.f32 v62, v47;
	v54 =	vld [tilespmem:s28+$0x1830]  }
0x93: {  	v47 =	vld [tilespmem:s28+$0x1840];
	v61 =	vand.u32 $0x7FFFFFFF, v44;
	v58 =	vadd.f32 v58, v55;
	v60 =	vadd.f32 v63, v56  }
0x94: {  	v62 =	vand.u32 $0x7FFFFFFF, v45;
	v57 =	vadd.f32 v0, v57;
	v59 =	vadd.f32 v1, v59;
	v56 =	vld [tilespmem:s28+$0x1860]  }
0x95: {  	s0 =	sor.u32 $0x1C00, s13;
	[tilespmem:$0x1FFA0] =	vst v11;
	v11 =	vand.u32 $0x7FFFFFFF, v16;
	v55 =	vld [tilespmem:s28+$0x1850];
	v58 =	vadd.f32 v3, v58;
	v60 =	vadd.f32 v61, v60  }
0x96: {  	v63 =	vand.u32 $0x7FFFFFFF, v48;
	v1 =	vld [tilespmem:s0+$0x0];
	v61 =	vadd.f32 v62, v57;
	v59 =	vadd.f32 v4, v59  }
0x97: {  	s8 =	sor.u32 s22, s26;
	s14 =	sand.u32 $0xF, s26;
	s1 =	sor.u32 $0x1C10, s13;
	v57 =	vld [tilespmem:s28+$0x1870];
	v3 =	vand.u32 $0x7FFFFFFF, v49;
	v62 =	vand.u32 $0x7FFFFFFF, v50;
	v58 =	vadd.f32 v11, v58  }
0x98: {  	p0 =	seq.s32 s8, $0x0;
	p1 =	sne.s32 s14, $0x0;
	s5 =	sor.u32 $0x1C20, s13;
	v4 =	vand.u32 $0x7FFFFFFF, v51;
	v60 =	vadd.f32 v63, v60;
	v63 =	vld [tilespmem:s1+$0x0];
	v61 =	vadd.f32 v3, v61  }
0x99: {  	p0 =	por !p0, !p1;
	s6 =	sor.u32 $0x1C30, s13;
	v11 =	vld [tilespmem:s5+$0x0];
	v59 =	vadd.f32 v62, v59;
	v3 =	vand.u32 $0x7FFFFFFF, v52;
	v13 =	vand.u32 $0x7FFFFFFF, v56  }
0x9a: {  	s15 =	simm.s32 $0x1;
	s10 =	sor.u32 $0x1C50, s13;
	p0 =	por !p0, !p0;
	v62 =	vld [tilespmem:s6+$0x0];
	v0 =	vadd.f32 v4, v58;
	v58 =	vadd.f32 v3, v60;
	v60 =	vand.u32 $0x7FFFFFFF, v53  }
0x9b: {  	s17 =	sshrl.u32 s8, $0x4;
	s12 =	sor.u32 $0x1C60, s13;
	s15 =	simm.s32 @!p0 $0x0;
	v3 =	vand.u32 $0x7FFFFFFF, v54;
	v4 =	vand.u32 $0x7FFFFFFF, v47;
	v60 =	vadd.f32 v60, v61;
	v61 =	vld [tilespmem:s10+$0x0]  }
0x9c: {  	s13 =	sor.u32 $0x1C70, s13;
	s15 =	ssub.s32 s17, s15;
	v3 =	vadd.f32 v3, v59;
	v59 =	vand.u32 $0x7FFFFFFF, v55;
	v0 =	vadd.f32 v4, v0;
	v4 =	vld [tilespmem:s12+$0x0]  }
0x9d: {  	s17 =	sshll.u32 s15, $0x7;
	v58 =	vadd.f32 v59, v58;
	v59 =	vand.u32 $0x7FFFFFFF, v57;
	v13 =	vadd.f32 v13, v60;
	v60 =	vld [tilespmem:s13+$0x0]  }
0x9e: {  	s15 =	sshll.u32 s15, $0x4;
	s17 =	sand.u32 $0xFFFFFC00, s17;
	v12 =	vand.u32 $0x7FFFFFFF, v12;
	v1 =	vand.u32 $0x7FFFFFFF, v1;
	v3 =	vadd.f32 v59, v3  }
0x9f: {  	s31 =	sand.u32 $0x70, s15;
	s11 =	sadd.s32 s17, s11;
	v63 =	vand.u32 $0x7FFFFFFF, v63;
	v11 =	vand.u32 $0x7FFFFFFF, v11;
	v0 =	vadd.f32 v1, v0  }
0xa0: {  	s11 =	sor.u32 s31, s11;
	v59 =	vadd.f32 v63, v58;
	v11 =	vadd.f32 v11, v13;
	v13 =	vand.u32 $0x7FFFFFFF, v62  }
0xa1: {  	s4 =	sor.u32 s4, s11;
	v3 =	vadd.f32 v13, v3;
	v0 =	vadd.f32 v12, v0;
	v12 =	vand.u32 $0x7FFFFFFF, v61  }
0xa2: {  	v13 =	vld [tilespmem:s4+$0x0];
	v1 =	vadd.f32 v12, v59;
	v4 =	vand.u32 $0x7FFFFFFF, v4;
	v12 =	vand.u32 $0x7FFFFFFF, v60  }
0xa3: {  	v4 =	vadd.f32 v4, v11;
	v3 =	vadd.f32 v12, v3;
	_ =	sdelay $0x1  }
0xa4: {  	s8 =	ssub.s32 s8, s15;
	v0 =	vadd.f32 v1, v0;
	v62 =	vadd.f32 v3, v4  }
0xa5: {  	v63 =	vmov s8  }
0xa6: {  	vm3 =	veq.s32 v63, v14;
	v4 =	vand.u32 $0x7FFFFFFF, v13;
	v0 =	vadd.f32 v62, v0  }
0xa7: {  	v1 =	vnsel vm3, $0x0, v4  }
0xa8: {  	v0 =	vsub.f32 v0, v1;
	_ =	sdelay $0x1  }
0xa9: {  	(xrf2) =	vadd.scan.msk.f32 $0xffff, v0;
	_ =	sdelay $0x9  }
0xaa: {  	v0, _, _ =	vpop (xrf2)  }
0xab: {  	(v2sf) =	vpush v0, $0xF;
	_ =	sdelay $0x7  }
0xac: {  	s25 =	sand.u32 $0x10, s26  }
0xad: {  	v11 =	vld [tilespmem:s25+$0x18000];
	_ =	sdelay $0x2  }
0xae: {  	v58 =	vmov s14  }
0xaf: {  	vm4 =	veq.s32 v58, v14  }
0xb0: {  	v0 =	vnsel vm4, $0x0, v11  }
0xb1: {  	(xrf2) =	vadd.scan.msk.f32 $0xffff, v0;
	s31 =	spop (v2sf)  }
0xb2: {  	s8 =	smax.f32 s31, $9.999999970e-07  }
0xb3: {  	v59 =	vmov s8  }
0xb4: {  	(erf) = vrcp.f32 v59;
	_ =	sdelay $0x6  }
0xb5: {  	v60, _, _ =	vpop (xrf2)  }
0xb6: {  	v0 =	vbroadcast v60, $0xF  }
0xb7: {  	v61 =	vpop (erf)  }
0xb8: {  	v58 =	vmul.f32 v61, v0;
	_ =	sdelay $0x1  }
0xb9: {  	v0 =	vmul.f32 v58, v38  }
0xba: {  	v1 =	vmul.f32 v58, v39  }
0xbb: {  	v62 =	vmul.f32 v58, v37;
	[tilespmem:s28+$0x0] =	vst v0  }
0xbc: {  	v63 =	vmul.f32 v58, v35;
	[tilespmem:s28+$0x10] =	vst v1  }
0xbd: {  	v4 =	vmul.f32 v58, v36;
	[tilespmem:s28+$0x20] =	vst v62  }
0xbe: {  	v11 =	vmul.f32 v58, v33;
	[tilespmem:s28+$0x30] =	vst v63  }
0xbf: {  	v33 =	vmul.f32 v58, v32;
	[tilespmem:s28+$0x50] =	vst v4  }
0xc0: {  	v35 =	vmul.f32 v58, v30;
	[tilespmem:s28+$0x60] =	vst v11  }
0xc1: {  	v36 =	vmul.f32 v58, v29;
	[tilespmem:s28+$0x70] =	vst v33  }
0xc2: {  	v37 =	vmul.f32 v58, v27;
	[tilespmem:s28+$0x400] =	vst v35  }
0xc3: {  	v38 =	vmul.f32 v58, v25;
	[tilespmem:s28+$0x410] =	vst v36  }
0xc4: {  	v39 =	vmul.f32 v58, v26;
	[tilespmem:s28+$0x420] =	vst v37  }
0xc5: {  	v59 =	vmul.f32 v58, v23;
	[tilespmem:s28+$0x430] =	vst v38  }
0xc6: {  	v60 =	vmul.f32 v58, v22;
	[tilespmem:s28+$0x450] =	vst v39  }
0xc7: {  	v61 =	vmul.f32 v58, v20;
	[tilespmem:s28+$0x460] =	vst v59  }
0xc8: {  	v20 =	vmul.f32 v58, v10;
	[tilespmem:s28+$0x470] =	vst v60  }
0xc9: {  	v22 =	vmul.f32 v58, v9;
	[tilespmem:s28+$0x800] =	vst v61  }
0xca: {  	v26 =	vmul.f32 v58, v5;
	[tilespmem:s28+$0xC00] =	vst v20  }
0xcb: {  	v27 =	vmul.f32 v58, v18;
	[tilespmem:s28+$0xC10] =	vst v22  }
0xcc: {  	v29 =	vmul.f32 v58, v21;
	[tilespmem:s28+$0xC50] =	vst v26  }
0xcd: {  	v30 =	vmul.f32 v58, v24;
	[tilespmem:s28+$0xC60] =	vst v27  }
0xce: {  	v32 =	vmul.f32 v58, v28;
	[tilespmem:s28+$0xC70] =	vst v29  }
0xcf: {  	v62 =	vmul.f32 v58, v19;
	[tilespmem:s28+$0x1000] =	vst v30  }
0xd0: {  	v63 =	vmul.f32 v58, v17;
	[tilespmem:s28+$0x1010] =	vst v32  }
0xd1: {  	v4 =	vmul.f32 v58, v2;
	[tilespmem:s28+$0x810] =	vst v62  }
0xd2: {  	v11 =	vmul.f32 v58, v15;
	[tilespmem:s28+$0x820] =	vst v63  }
0xd3: {  	v17 =	vmul.f32 v58, v7;
	[tilespmem:s28+$0x830] =	vst v4  }
0xd4: {  	v19 =	vmul.f32 v58, v8;
	[tilespmem:s28+$0x850] =	vst v11  }
0xd5: {  	v33 =	vmul.f32 v58, v31;
	[tilespmem:s28+$0x860] =	vst v17  }
0xd6: {  	v35 =	vmul.f32 v58, v34;
	[tilespmem:s28+$0x870] =	vst v19  }
0xd7: {  	v36 =	vmul.f32 v58, v40;
	[tilespmem:s28+$0x1020] =	vst v33  }
0xd8: {  	v37 =	vmul.f32 v58, v41;
	[tilespmem:s28+$0x1030] =	vst v35  }
0xd9: {  	v38 =	vmul.f32 v58, v42;
	[tilespmem:s28+$0x1050] =	vst v36  }
0xda: {  	v39 =	vmul.f32 v58, v43;
	[tilespmem:s28+$0x1060] =	vst v37  }
0xdb: {  	v40 =	vmul.f32 v58, v44;
	[tilespmem:s28+$0x1070] =	vst v38  }
0xdc: {  	v41 =	vmul.f32 v58, v45;
	[tilespmem:s28+$0x1400] =	vst v39  }
0xdd: {  	v42 =	vmul.f32 v58, v46;
	[tilespmem:s28+$0x1410] =	vst v40  }
0xde: {  	v43 =	vmul.f32 v58, v48;
	[tilespmem:s28+$0x1420] =	vst v41  }
0xdf: {  	v44 =	vmul.f32 v58, v49;
	[tilespmem:s28+$0x1430] =	vst v42  }
0xe0: {  	v45 =	vmul.f32 v58, v50;
	[tilespmem:s28+$0x1450] =	vst v43  }
0xe1: {  	v46 =	vmul.f32 v58, v51;
	[tilespmem:s28+$0x1460] =	vst v44  }
0xe2: {  	v48 =	vmul.f32 v58, v52;
	[tilespmem:s28+$0x1470] =	vst v45  }
0xe3: {  	v23 =	vld [tilespmem:$0x1FF90];
	v49 =	vmul.f32 v58, v53;
	[tilespmem:s28+$0x1800] =	vst v46  }
0xe4: {  	v25 =	vld [tilespmem:$0x1FFA0];
	v50 =	vmul.f32 v58, v54;
	[tilespmem:s28+$0x1810] =	vst v48  }
0xe5: {  	v51 =	vmul.f32 v58, v55;
	[tilespmem:s28+$0x1820] =	vst v49  }
0xe6: {  	v52 =	vmul.f32 v58, v56;
	[tilespmem:s28+$0x1830] =	vst v50  }
0xe7: {  	v53 =	vmul.f32 v58, v57;
	[tilespmem:s28+$0x1850] =	vst v51  }
0xe8: {  	v54 =	vld [tilespmem:$0x1FFB0];
	[tilespmem:s28+$0x1860] =	vst v52;
	v1 =	vmul.f32 v58, v23  }
0xe9: {  	v55 =	vld [tilespmem:$0x1FFC0];
	[tilespmem:s28+$0x1870] =	vst v53;
	v0 =	vmul.f32 v58, v25  }
0xea: {  	v56 =	vld [tilespmem:$0x1FFD0];
	v60 =	vmul.f32 v58, v6;
	[tilespmem:s28+$0xC20] =	vst v1  }
0xeb: {  	v59 =	vld [tilespmem:$0x1FFE0];
	v61 =	vmul.f32 v58, v16;
	[tilespmem:s28+$0xC30] =	vst v0  }
0xec: {  	[tilespmem:s28+$0x1040] =	vst v60;
	v62 =	vmul.f32 v58, v47;
	v57 =	vld [tilespmem:s0+$0x0]  }
0xed: {  	[tilespmem:s28+$0x1440] =	vst v61;
	v2 =	vmul.f32 v58, v54  }
0xee: {  	[tilespmem:s28+$0x1840] =	vst v62;
	v1 =	vmul.f32 v58, v55  }
0xef: {  	v0 =	vmul.f32 v58, v56;
	[tilespmem:s28+$0x40] =	vst v2  }
0xf0: {  	[tilespmem:s28+$0x440] =	vst v1;
	v1 =	vmul.f32 v58, v59  }
0xf1: {  	[tilespmem:s28+$0x840] =	vst v0;
	v63 =	vmul.f32 v57, v58  }
0xf2: {  	[tilespmem:s28+$0xC40] =	vst v1  }
0xf3: {  	[tilespmem:s0+$0x0] =	vst v63  }
0xf4: {  	v0 =	vld [tilespmem:s1+$0x0];
	_ =	sdelay $0x4  }
0xf5: {  	v0 =	vmul.f32 v0, v58;
	_ =	sdelay $0x1  }
0xf6: {  	[tilespmem:s1+$0x0] =	vst v0  }
0xf7: {  	v0 =	vld [tilespmem:s5+$0x0];
	_ =	sdelay $0x4  }
0xf8: {  	v0 =	vmul.f32 v0, v58;
	_ =	sdelay $0x1  }
0xf9: {  	[tilespmem:s5+$0x0] =	vst v0  }
0xfa: {  	v0 =	vld [tilespmem:s6+$0x0];
	_ =	sdelay $0x4  }
0xfb: {  	v0 =	vmul.f32 v0, v58;
	_ =	sdelay $0x1  }
0xfc: {  	[tilespmem:s6+$0x0] =	vst v0  }
0xfd: {  	v0 =	vld [tilespmem:s7+$0x0];
	_ =	sdelay $0x4  }
0xfe: {  	v0 =	vmul.f32 v0, v58;
	_ =	sdelay $0x1  }
0xff: {  	[tilespmem:s7+$0x0] =	vst v0  }
0x100: {  	v0 =	vld [tilespmem:s10+$0x0];
	_ =	sdelay $0x4  }
0x101: {  	v0 =	vmul.f32 v0, v58;
	_ =	sdelay $0x1  }
0x102: {  	[tilespmem:s10+$0x0] =	vst v0  }
0x103: {  	v0 =	vld [tilespmem:s12+$0x0];
	_ =	sdelay $0x4  }
0x104: {  	v0 =	vmul.f32 v0, v58;
	_ =	sdelay $0x1  }
0x105: {  	[tilespmem:s12+$0x0] =	vst v0  }
0x106: {  	v0 =	vld [tilespmem:s13+$0x0];
	_ =	sdelay $0x4  }
0x107: {  	v0 =	vmul.f32 v0, v58;
	_ =	sdelay $0x1  }
0x108: {  	[tilespmem:s13+$0x0] =	vst v0  }
0x109: {  	v0 =	vld [tilespmem:s4+$0x0]  }
0x10a: {  	p0 =	sne.s32 s26, $0x1F  }
.Ltmp7:
0x10b: {  	_ = 	snop;
	(pc) =	sbr.rel @p0 .LBB2_7-.Ltmp7, $3  }
0x10c: {  	_ =	sdelay $0x1  }
0x10d: {  	v0 =	vsel vm3, $0x0, v0  }
0x10e: {  	s26 =	sadd.s32 $0x1, s26;
	[tilespmem:s4+$0x0] =	vst v0  }
0x10f: {  	v38 =	vld [tilespmem:$0x1FFF0];
	_ =	sdelay $0x2  }
0x110: {  	v0 =	vmov s24  }
0x111: {  	v61 =	vmov s29;
	vm3 =	veq.s32 v0, v14  }
0x112: {  	v1 =	vnsel vm3, $0x0, v38;
	vm3 =	veq.s32 v61, v14  }
0x113: {  	(xrf0) =	vadd.scan.msk.s32 $0xffff, v1;
	v0 =	vnsel vm3, $0x0, v38  }
0x114: {  	(xrf0) =	vadd.scan.msk.s32 $0xffff, v0;
	_ =	sdelay $0x4  }
0x115: {  	v62, _, _ =	vpop (xrf0)  }
0x116: {  	(v2sf) =	vpush v62, $0xF;
	v63, _, _ =	vpop (xrf0)  }
0x117: {  	(v2sf) =	vpush v63, $0xF;
	_ =	sdelay $0xd  }
0x118: {  	s7 =	spop (v2sf)  }
0x119: {  	s28 =	spop (v2sf)  }
0x11a: {  	p0 =	sgt.s32 s28, s7  }
.Ltmp8:
0x11b: {  	_ = 	snop;
	(pc) =	sbr.rel @!p0 .LBB2_9-.Ltmp8, $1  }
0x11c: {  	_ =	sdelay $0x3  }
0x11d: {  	s0 =	sand.u32 $0xF, s7  }
0x11e: {  	s1 =	sshra.s32 s7, $0x1F;
	p0 =	slt.s32 s7, $0x1;
	p1 =	sne.s32 s0, $0x0  }
0x11f: {  	s31 =	sshrl.u32 s1, $0x1C;
	p0 =	por !p0, !p1  }
0x120: {  	s1 =	simm.s32 $0x1;
	s0 =	sadd.s32 s31, s7;
	p0 =	por !p0, !p0  }
0x121: {  	s0 =	sshrl.u32 s0, $0x4;
	s1 =	simm.s32 @!p0 $0x0  }
0x122: {  	s0 =	ssub.s32 s0, s1  }
0x123: {  	s0 =	sshll.u32 s0, $0x4  }
0x124: {  	v0 =	vld [tilespmem:s0+$0x18080];
	_ =	sdelay $0x1  }
0x125: {  	s0 =	ssub.s32 s7, s0  }
0x126: {  	v1 =	vmov s0  }
0x127: {  	vm3 =	veq.s32 v1, v14  }
0x128: {  	v0 =	vnsel vm3, $0x0, v0  }
0x129: {  	(xrf0) =	vadd.scan.msk.s32 $0xffff, v0  }
0x12a: {  	s0 =	sadd.s32 $0x1, s7  }
0x12b: {  	p0 =	seq.s32 s28, s0  }
.Ltmp9:
0x12c: {  	_ = 	snop;
	(pc) =	sbr.rel @p0 .LBB2_39-.Ltmp9, $3  }
0x12d: {  	_ =	sdelay $0x1  }
0x12e: {  	v0, _, _ =	vpop (xrf0)  }
0x12f: {  	(v2sf) =	vpush v0, $0xF  }
.LBB2_38:
0x130: {  	_ =	sdelay $0xa  }
0x131: {  	s1 =	sshra.s32 s0, $0x1F;
	p0 =	slt.s32 s0, $0x1  }
0x132: {  	s4 =	sand.u32 $0xF, s0;
	s5 =	smov.u32 s0;
	s0 =	sadd.s32 $0x1, s0  }
0x133: {  	s6 =	simm.s32 $0x1;
	s1 =	sshrl.u32 s1, $0x1C;
	p1 =	sne.s32 s4, $0x0  }
0x134: {  	p1 =	por !p0, !p1;
	p0 =	seq.s32 s28, s0;
	s4 =	spop (v2sf)  }
0x135: {  	s1 =	sadd.s32 s1, s5;
	p1 =	por !p1, !p1;
	s4 =	sshll.u32 s4, $0x14  }
0x136: {  	s1 =	sshrl.u32 s1, $0x4;
	s6 =	simm.s32 @!p1 $0x0;
	s4 =	sor.u32 s9, s4  }
0x137: {  	s1 =	ssub.s32 s1, s6;
	s4 =	sshrl.u32 s4, $0x3  }
0x138: {  	s1 =	sshll.u32 s1, $0x4;
	s4 =	sadd.s32 s18, s4  }
0x139: {  	[hbm4b:s4+s19] =	stream.linear.scatter [tilespmem:s19], [sflag:$0x1], $0x8000, $0x38;
	[tilespmem:$0x18180] =	vst v63  }
0x13a: {  	v0 =	vld [tilespmem:s1+$0x18080];
	_ =	sdelay $0x1  }
0x13b: {  	s1 =	ssub.s32 s5, s1  }
0x13c: {  	v1 =	vmov s1  }
0x13d: {  	vm3 =	veq.s32 v1, v14  }
0x13e: {  	v0 =	vnsel vm3, $0x0, v0  }
0x13f: {  	(xrf0) =	vadd.scan.msk.s32 $0xffff, v0;
	_ =	sdelay $0x2  }
.Ltmp10:
0x140: {  	(pc) =	sbr.rel @!p0 .LBB2_38-.Ltmp10, $3  }
0x141: {  	_ =	sdelay $0x1  }
0x142: {  	v0, _, _ =	vpop (xrf0)  }
0x143: {  	(v2sf) =	vpush v0, $0xF  }
.LBB2_39:
0x144: {  	_ =	sdelay $0xd  }
0x145: {  	s0 =	spop (v2sf)  }
0x146: {  	s0 =	sshll.u32 s0, $0x14  }
0x147: {  	s0 =	sor.u32 s9, s0  }
0x148: {  	s0 =	sshrl.u32 s0, $0x3  }
0x149: {  	s0 =	sadd.s32 s18, s0  }
0x14a: {  	[hbm4b:s0+s19] =	stream.linear.scatter [tilespmem:s19], [sflag:$0x1], $0x8000, $0x38;
	[tilespmem:$0x18180] =	vst v63  }
.LBB2_9:
0x14b: {  	p0 =	sle.s32 s7, s30  }
.Ltmp11:
0x14c: {  	_ = 	snop;
	(pc) =	sbr.rel @p0 .LBB2_13-.Ltmp11, $1  }
0x14d: {  	_ =	sdelay $0x3  }
0x14e: {  	s0 =	ssub.s32 s7, s30  }
0x14f: {  	p0 =	sne.s32 s0, $0x1  }
.Ltmp12:
0x150: {  	_ = 	snop;
	(pc) =	sbr.rel @!p0 .LBB2_12-.Ltmp12, $3  }
0x151: {  	_ =	sdelay $0x1  }
0x152: {  	_ =	swait.ge [sflag:s21], $0x8000  }
0x153: {  	s0 =	sadd.s32 $0xFFFFFFFF, s0;
	[sflag:s21] =	ssyncset.done $0x0  }
.LBB2_11:
0x154: {  	p0 =	sne.s32 s0, $0x1;
	s0 =	sadd.s32 $0xFFFFFFFF, s0;
	[sflag:s21] =	ssyncadd.s32 $0xFFFF8000  }
.Ltmp13:
0x155: {  	(pc) =	sbr.rel @p0 .LBB2_11-.Ltmp13, $3  }
0x156: {  	_ =	sdelay $0x1  }
0x157: {  	_ =	swait.ge [sflag:s21], $0x8000  }
0x158: {  	[sflag:s21] =	ssyncset.done $0x0  }
.LBB2_12:
0x159: {  	[sflag:s21] =	ssyncadd.s32 $0xFFFF8000  }
.LBB2_13:
0x15a: {  	[dreg:$0xe] =	wrdreg s7  }
0x15b: {  	[dreg:$0xc] =	wrdreg s2  }
0x15c: {  	[dreg:$0xd] =	wrdreg s24;
	s0 =	sadd.s32 $0x2, s24  }
0x15d: {  	s1 =	simm.s32 $0x4;
	[dreg:$0xf] =	wrdreg s0;
	s0 =	sshll.u32 s0, $0x14  }
0x15e: {  	_ =	swait.ge [sflag:s1], $0x8000;
	s0 =	sor.u32 s9, s0  }
0x15f: {  	[sflag:s1] =	ssyncset.done $0x0;
	s0 =	sshrl.u32 s0, $0x3  }
0x160: {  	s31 =	simm.s32 $0x0;
	[sflag:s1] =	ssyncadd.s32 $0xFFFF8000;
	s0 =	sadd.s32 s3, s0  }
0x161: {  	[tilespmem:s23], [sflag:$0x4] =	stream.linear.gather [hbm4b:s0+s31], $0x8000, $0x38;
	[tilespmem:$0x18180] =	vst v63  }
0x162: {  	s24 =	sshll.u32 s29, $0x7;
	s23 =	sshll.u32 s29, $0xA  }
0x163: {  	s1 =	sand.u32 $0x380, s24;
	s0 =	sand.u32 $0x6000, s23  }
0x164: {  	s25 =	rddreg [dreg:$0xa];
	s0 =	sor.u32 s0, s1  }
0x165: {  	s0 =	sor.u32 s25, s0  }
0x166: {  	s26 =	rddreg [dreg:$0x4];
	s0 =	sshrl.u32 s0, $0x3  }
0x167: {  	s30 =	simm.s32 $0x5;
	s29 =	simm.s32 $0x18000;
	s0 =	sadd.s32 s26, s0  }
0x168: {  	[tilespmem:s29], [sflag:$0x5] =	stream.linear.gather [hbm4b:s0+s31], $0x20, $0x38;
	[tilespmem:$0x18180] =	vst v63  }
0x169: {  	_ =	swait.ge [sflag:s30], $0x20  }
0x16a: {  	[sflag:s30] =	ssyncset.done $0x0  }
0x16b: {  	[sflag:s30] =	ssyncadd.s32 $0xFFFFFFE0  }
.LBB2_14:
0x16c: {  	s1 =	sshll.u32 s31, $0xA;
	s5 =	sshll.u32 s31, $0x7  }
0x16d: {  	s0 =	sand.u32 $0x6000, s1;
	s30 =	sand.u32 $0x380, s5  }
0x16e: {  	s29 =	sor.u32 s30, s0  }
0x16f: {  	v3 =	vld [tilespmem:s29+$0x8400]  }
0x170: {  	v4 =	vld [tilespmem:s29+$0x8410]  }
0x171: {  	v10 =	vld [tilespmem:s29+$0x8420]  }
0x172: {  	v11 =	vld [tilespmem:s29+$0x8430]  }
0x173: {  	v12 =	vld [tilespmem:s29+$0x8440]  }
0x174: {  	v13 =	vld [tilespmem:s29+$0x8450]  }
0x175: {  	v15 =	vld [tilespmem:s29+$0x8460]  }
0x176: {  	v16 =	vld [tilespmem:s29+$0x8470]  }
0x177: {  	v17 =	vld [tilespmem:s29+$0x8800]  }
0x178: {  	v18 =	vld [tilespmem:s29+$0x8810]  }
0x179: {  	v19 =	vld [tilespmem:s29+$0x8820]  }
0x17a: {  	v20 =	vld [tilespmem:s29+$0x8830]  }
0x17b: {  	v21 =	vld [tilespmem:s29+$0x8840]  }
0x17c: {  	v22 =	vld [tilespmem:s29+$0x8850]  }
0x17d: {  	v23 =	vld [tilespmem:s29+$0x8860]  }
0x17e: {  	v24 =	vld [tilespmem:s29+$0x8870]  }
0x17f: {  	v62 =	vld [tilespmem:s29+$0x9000]  }
0x180: {  	v63 =	vld [tilespmem:s29+$0x9010]  }
0x181: {  	v39 =	vld [tilespmem:s29+$0x9020]  }
0x182: {  	s26 =	sor.u32 $0x8000, s0;
	v40 =	vld [tilespmem:s29+$0x9040]  }
0x183: {  	s23 =	sor.u32 s30, s26;
	v42 =	vld [tilespmem:s29+$0x9060]  }
0x184: {  	v8 =	vld [tilespmem:s23+$0x0]  }
0x185: {  	v9 =	vld [tilespmem:s23+$0x10]  }
0x186: {  	v7 =	vld [tilespmem:s23+$0x20]  }
0x187: {  	v6 =	vld [tilespmem:s23+$0x30]  }
0x188: {  	v5 =	vld [tilespmem:s23+$0x40]  }
0x189: {  	v1 =	vld [tilespmem:s23+$0x50]  }
0x18a: {  	v0 =	vld [tilespmem:s23+$0x60]  }
0x18b: {  	v2 =	vld [tilespmem:s23+$0x70];
	v3 =	vand.u32 $0x7FFFFFFF, v3;
	v4 =	vand.u32 $0x7FFFFFFF, v4  }
0x18c: {  	v43 =	vld [tilespmem:s29+$0x9070];
	v10 =	vand.u32 $0x7FFFFFFF, v10;
	v11 =	vand.u32 $0x7FFFFFFF, v11;
	v12 =	vand.u32 $0x7FFFFFFF, v12  }
0x18d: {  	v45 =	vld [tilespmem:s29+$0x9400];
	v29 =	vand.u32 $0x7FFFFFFF, v8;
	v30 =	vand.u32 $0x7FFFFFFF, v9;
	v34 =	vand.u32 $0x7FFFFFFF, v5  }
0x18e: {  	v46 =	vld [tilespmem:s29+$0x9410];
	v32 =	vand.u32 $0x7FFFFFFF, v7;
	v59 =	vand.u32 $0x7FFFFFFF, v1;
	v29 =	vadd.f32 v34, v29  }
0x18f: {  	v48 =	vld [tilespmem:s29+$0x9420];
	v33 =	vand.u32 $0x7FFFFFFF, v6;
	v36 =	vand.u32 $0x7FFFFFFF, v0;
	v30 =	vadd.f32 v59, v30  }
0x190: {  	s8 =	sor.u32 s0, s5;
	v49 =	vld [tilespmem:s29+$0x9430];
	v60 =	vand.u32 $0x7FFFFFFF, v2;
	v32 =	vadd.f32 v36, v32;
	v3 =	vadd.f32 v3, v29  }
0x191: {  	s10 =	sor.u32 $0x8C00, s8;
	v51 =	vld [tilespmem:s29+$0x9440];
	v41 =	vand.u32 $0x7FFFFFFF, v19;
	v33 =	vadd.f32 v60, v33;
	v4 =	vadd.f32 v4, v30  }
0x192: {  	s6 =	sor.u32 $0x8C10, s8;
	v25 =	vld [tilespmem:s10+$0x0];
	v10 =	vadd.f32 v10, v32;
	v3 =	vadd.f32 v12, v3;
	v12 =	vand.u32 $0x7FFFFFFF, v13  }
0x193: {  	s15 =	sor.u32 $0x8C20, s8;
	v26 =	vld [tilespmem:s6+$0x0];
	v11 =	vadd.f32 v11, v33;
	v4 =	vadd.f32 v12, v4;
	v12 =	vand.u32 $0x7FFFFFFF, v15  }
0x194: {  	s4 =	sor.u32 $0x8C30, s8;
	v27 =	vld [tilespmem:s15+$0x0];
	v15 =	vand.u32 $0x7FFFFFFF, v16;
	v10 =	vadd.f32 v12, v10;
	v12 =	vand.u32 $0x7FFFFFFF, v17  }
0x195: {  	s0 =	sor.u32 $0x8C40, s8;
	v28 =	vld [tilespmem:s4+$0x0];
	v11 =	vadd.f32 v15, v11;
	v3 =	vadd.f32 v12, v3;
	v12 =	vand.u32 $0x7FFFFFFF, v18  }
0x196: {  	s13 =	sor.u32 $0x8C50, s8;
	v31 =	vld [tilespmem:s0+$0x0];
	v44 =	vand.u32 $0x7FFFFFFF, v22;
	v4 =	vadd.f32 v12, v4;
	v12 =	vand.u32 $0x7FFFFFFF, v20  }
0x197: {  	s7 =	sor.u32 $0x8C60, s8;
	v35 =	vld [tilespmem:s13+$0x0];
	v10 =	vadd.f32 v41, v10;
	v11 =	vadd.f32 v12, v11;
	v12 =	vand.u32 $0x7FFFFFFF, v21  }
0x198: {  	s11 =	sor.u32 $0x8C70, s8;
	v37 =	vld [tilespmem:s7+$0x0];
	v56 =	vand.u32 $0x7FFFFFFF, v63;
	v3 =	vadd.f32 v12, v3;
	v12 =	vand.u32 $0x7FFFFFFF, v23  }
0x199: {  	v61 =	vld [tilespmem:s11+$0x0];
	v4 =	vadd.f32 v44, v4;
	v10 =	vadd.f32 v12, v10;
	v12 =	vand.u32 $0x7FFFFFFF, v24  }
0x19a: {  	v52 =	vld [tilespmem:s29+$0x9450];
	v47 =	vand.u32 $0x7FFFFFFF, v25;
	v11 =	vadd.f32 v12, v11;
	v12 =	vand.u32 $0x7FFFFFFF, v26  }
0x19b: {  	v54 =	vld [tilespmem:s29+$0x9460];
	v3 =	vadd.f32 v47, v3;
	v4 =	vadd.f32 v12, v4;
	v12 =	vand.u32 $0x7FFFFFFF, v27  }
0x19c: {  	v50 =	vand.u32 $0x7FFFFFFF, v28;
	v13 =	vld [tilespmem:s29+$0x9030];
	v10 =	vadd.f32 v12, v10;
	v12 =	vand.u32 $0x7FFFFFFF, v31  }
0x19d: {  	v15 =	vld [tilespmem:s29+$0x9050];
	v11 =	vadd.f32 v50, v11;
	v3 =	vadd.f32 v12, v3;
	v12 =	vand.u32 $0x7FFFFFFF, v35  }
0x19e: {  	v55 =	vld [tilespmem:s29+$0x9470];
	v53 =	vand.u32 $0x7FFFFFFF, v37;
	v4 =	vadd.f32 v12, v4;
	v12 =	vand.u32 $0x7FFFFFFF, v61  }
0x19f: {  	v57 =	vld [tilespmem:s29+$0x9800];
	v10 =	vadd.f32 v53, v10;
	v11 =	vadd.f32 v12, v11;
	v12 =	vand.u32 $0x7FFFFFFF, v62  }
0x1a0: {  	v58 =	vld [tilespmem:s29+$0x9810];
	v24 =	vand.u32 $0x7FFFFFFF, v52;
	v3 =	vadd.f32 v12, v3;
	v12 =	vand.u32 $0x7FFFFFFF, v39  }
0x1a1: {  	v63 =	vld [tilespmem:s29+$0x9870];
	v4 =	vadd.f32 v56, v4;
	v10 =	vadd.f32 v12, v10;
	v12 =	vand.u32 $0x7FFFFFFF, v13  }
0x1a2: {  	s25 =	sor.u32 s1, s5;
	v59 =	vld [tilespmem:s29+$0x9820];
	v13 =	vand.u32 $0x7FFFFFFF, v40;
	v11 =	vadd.f32 v12, v11;
	v12 =	vand.u32 $0x7FFFFFFF, v15  }
0x1a3: {  	s17 =	sor.u32 $0x9C40, s25;
	v60 =	vld [tilespmem:s29+$0x9840];
	v3 =	vadd.f32 v13, v3;
	v4 =	vadd.f32 v12, v4;
	v12 =	vand.u32 $0x7FFFFFFF, v42  }
0x1a4: {  	v34 =	vld [tilespmem:s17+$0x0];
	v15 =	vand.u32 $0x7FFFFFFF, v43;
	v10 =	vadd.f32 v12, v10;
	v12 =	vand.u32 $0x7FFFFFFF, v45  }
0x1a5: {  	s1 =	sor.u32 $0x9C00, s25;
	v13 =	vld [tilespmem:s29+$0x9830];
	v11 =	vadd.f32 v15, v11;
	v3 =	vadd.f32 v12, v3;
	v12 =	vand.u32 $0x7FFFFFFF, v46  }
0x1a6: {  	v29 =	vld [tilespmem:s1+$0x0];
	v61 =	vand.u32 $0x7FFFFFFF, v48;
	v4 =	vadd.f32 v12, v4;
	v12 =	vand.u32 $0x7FFFFFFF, v49  }
0x1a7: {  	v62 =	vld [tilespmem:s29+$0x9860];
	v10 =	vadd.f32 v61, v10;
	v11 =	vadd.f32 v12, v11;
	v12 =	vand.u32 $0x7FFFFFFF, v51  }
0x1a8: {  	s18 =	sor.u32 s22, s31;
	s19 =	sor.u32 $0x9C10, s25;
	s8 =	sand.u32 $0xF, s31;
	v31 =	vand.u32 $0x7FFFFFFF, v57;
	v15 =	vld [tilespmem:s29+$0x9850];
	v3 =	vadd.f32 v12, v3;
	v12 =	vand.u32 $0x7FFFFFFF, v54  }
0x1a9: {  	p0 =	seq.s32 s18, $0x0;
	s5 =	sor.u32 $0x9C20, s25;
	p1 =	sne.s32 s8, $0x0;
	v30 =	vld [tilespmem:s19+$0x0];
	v4 =	vadd.f32 v24, v4;
	v10 =	vadd.f32 v12, v10;
	v12 =	vand.u32 $0x7FFFFFFF, v55  }
0x1aa: {  	s12 =	sor.u32 $0x9C30, s25;
	p0 =	por !p0, !p1;
	v32 =	vld [tilespmem:s5+$0x0];
	v13 =	vand.u32 $0x7FFFFFFF, v13;
	v11 =	vadd.f32 v12, v11;
	v12 =	vand.u32 $0x7FFFFFFF, v58  }
0x1ab: {  	s22 =	simm.s32 $0x1;
	s24 =	sor.u32 $0x9C60, s25;
	p0 =	por !p0, !p0;
	v33 =	vld [tilespmem:s12+$0x0];
	v3 =	vadd.f32 v31, v3;
	v4 =	vadd.f32 v12, v4;
	v12 =	vand.u32 $0x7FFFFFFF, v59  }
0x1ac: {  	s2 =	sshrl.u32 s18, $0x4;
	s14 =	sor.u32 $0x9C50, s25;
	s22 =	simm.s32 @!p0 $0x0;
	v35 =	vld [tilespmem:s24+$0x0];
	v10 =	vadd.f32 v12, v10;
	v11 =	vadd.f32 v13, v11;
	v12 =	vand.u32 $0x7FFFFFFF, v60  }
0x1ad: {  	s25 =	sor.u32 $0x9C70, s25;
	s2 =	ssub.s32 s2, s22;
	v13 =	vld [tilespmem:s14+$0x0];
	v3 =	vadd.f32 v12, v3;
	v12 =	vand.u32 $0x7FFFFFFF, v15;
	v15 =	vand.u32 $0x7FFFFFFF, v62  }
0x1ae: {  	s22 =	sshll.u32 s2, $0x7;
	v4 =	vadd.f32 v12, v4;
	v10 =	vadd.f32 v15, v10;
	v12 =	vand.u32 $0x7FFFFFFF, v63;
	v15 =	vld [tilespmem:s25+$0x0]  }
0x1af: {  	s2 =	sshll.u32 s2, $0x4;
	s22 =	sand.u32 $0xFFFFFC00, s22;
	v16 =	vand.u32 $0x7FFFFFFF, v34;
	v11 =	vadd.f32 v12, v11;
	v12 =	vand.u32 $0x7FFFFFFF, v29  }
0x1b0: {  	s22 =	sadd.s32 s22, s26;
	s26 =	sand.u32 $0x70, s2;
	v36 =	vand.u32 $0x7FFFFFFF, v30;
	v3 =	vadd.f32 v12, v3;
	v12 =	vand.u32 $0x7FFFFFFF, v32  }
0x1b1: {  	s22 =	sor.u32 s26, s22;
	v4 =	vadd.f32 v36, v4;
	v10 =	vadd.f32 v12, v10;
	v12 =	vand.u32 $0x7FFFFFFF, v33  }
0x1b2: {  	s30 =	sor.u32 s30, s22;
	v11 =	vadd.f32 v12, v11;
	v3 =	vadd.f32 v16, v3;
	v12 =	vand.u32 $0x7FFFFFFF, v13  }
0x1b3: {  	v4 =	vadd.f32 v12, v4;
	v12 =	vand.u32 $0x7FFFFFFF, v35;
	v13 =	vand.u32 $0x7FFFFFFF, v15;
	v15 =	vld [tilespmem:s30+$0x0]  }
0x1b4: {  	v10 =	vadd.f32 v12, v10;
	v11 =	vadd.f32 v13, v11;
	_ =	sdelay $0x1  }
0x1b5: {  	s2 =	ssub.s32 s18, s2;
	v3 =	vadd.f32 v4, v3;
	v37 =	vadd.f32 v11, v10  }
0x1b6: {  	v39 =	vmov s2  }
0x1b7: {  	vm3 =	veq.s32 v39, v14;
	v3 =	vadd.f32 v37, v3;
	v40 =	vand.u32 $0x7FFFFFFF, v15  }
0x1b8: {  	v4 =	vnsel vm3, $0x0, v40  }
0x1b9: {  	v3 =	vsub.f32 v3, v4;
	_ =	sdelay $0x1  }
0x1ba: {  	(xrf2) =	vadd.scan.msk.f32 $0xffff, v3;
	_ =	sdelay $0x9  }
0x1bb: {  	v3, _, _ =	vpop (xrf2)  }
0x1bc: {  	(v2sf) =	vpush v3, $0xF;
	_ =	sdelay $0x7  }
0x1bd: {  	s18 =	sand.u32 $0x10, s31  }
0x1be: {  	v41 =	vld [tilespmem:s18+$0x18000];
	_ =	sdelay $0x2  }
0x1bf: {  	v42 =	vmov s8  }
0x1c0: {  	vm4 =	veq.s32 v42, v14  }
0x1c1: {  	v3 =	vnsel vm4, $0x0, v41  }
0x1c2: {  	(xrf2) =	vadd.scan.msk.f32 $0xffff, v3;
	s26 =	spop (v2sf)  }
0x1c3: {  	s2 =	smax.f32 s26, $9.999999970e-07  }
0x1c4: {  	v43 =	vmov s2  }
0x1c5: {  	(erf) = vrcp.f32 v43;
	_ =	sdelay $0x6  }
0x1c6: {  	v44, _, _ =	vpop (xrf2)  }
0x1c7: {  	v3 =	vbroadcast v44, $0xF  }
0x1c8: {  	v45 =	vpop (erf)  }
0x1c9: {  	v10 =	vmul.f32 v45, v3;
	_ =	sdelay $0x1  }
0x1ca: {  	v3 =	vmul.f32 v10, v8  }
0x1cb: {  	v4 =	vmul.f32 v10, v9  }
0x1cc: {  	v46 =	vmul.f32 v10, v7;
	[tilespmem:s23+$0x0] =	vst v3  }
0x1cd: {  	v47 =	vmul.f32 v10, v6;
	[tilespmem:s23+$0x10] =	vst v4  }
0x1ce: {  	v48 =	vmul.f32 v10, v5;
	[tilespmem:s23+$0x20] =	vst v46  }
0x1cf: {  	v1 =	vmul.f32 v10, v1;
	[tilespmem:s23+$0x30] =	vst v47  }
0x1d0: {  	v0 =	vmul.f32 v10, v0;
	[tilespmem:s23+$0x40] =	vst v48  }
0x1d1: {  	v49 =	vmul.f32 v10, v2;
	[tilespmem:s23+$0x50] =	vst v1  }
0x1d2: {  	[tilespmem:s23+$0x60] =	vst v0  }
0x1d3: {  	[tilespmem:s23+$0x70] =	vst v49  }
0x1d4: {  	v0 =	vld [tilespmem:s29+$0x8400]  }
0x1d5: {  	v1 =	vld [tilespmem:s29+$0x8410]  }
0x1d6: {  	v50 =	vld [tilespmem:s29+$0x8420]  }
0x1d7: {  	v3 =	vld [tilespmem:s29+$0x8430]  }
0x1d8: {  	v4 =	vld [tilespmem:s29+$0x8450]  }
0x1d9: {  	v51 =	vld [tilespmem:s29+$0x8460];
	v0 =	vmul.f32 v10, v0  }
0x1da: {  	v52 =	vld [tilespmem:s29+$0x8470];
	v1 =	vmul.f32 v10, v1  }
0x1db: {  	v54 =	vld [tilespmem:s29+$0x8800];
	v53 =	vmul.f32 v50, v10;
	[tilespmem:s29+$0x8400] =	vst v0  }
0x1dc: {  	v56 =	vld [tilespmem:s29+$0x8810];
	v55 =	vmul.f32 v3, v10;
	[tilespmem:s29+$0x8410] =	vst v1  }
0x1dd: {  	v58 =	vld [tilespmem:s29+$0x8820];
	v57 =	vmul.f32 v4, v10;
	[tilespmem:s29+$0x8420] =	vst v53  }
0x1de: {  	v60 =	vld [tilespmem:s29+$0x8830];
	v59 =	vmul.f32 v51, v10;
	[tilespmem:s29+$0x8430] =	vst v55  }
0x1df: {  	v62 =	vld [tilespmem:s29+$0x8850];
	v61 =	vmul.f32 v52, v10;
	[tilespmem:s29+$0x8450] =	vst v57  }
0x1e0: {  	v7 =	vld [tilespmem:s29+$0x8860];
	v63 =	vmul.f32 v54, v10;
	[tilespmem:s29+$0x8460] =	vst v59  }
0x1e1: {  	v9 =	vld [tilespmem:s29+$0x8870];
	v8 =	vmul.f32 v56, v10;
	[tilespmem:s29+$0x8470] =	vst v61  }
0x1e2: {  	v11 =	vmul.f32 v58, v10;
	[tilespmem:s29+$0x8800] =	vst v63  }
0x1e3: {  	v16 =	vmul.f32 v60, v10;
	[tilespmem:s29+$0x8810] =	vst v8  }
0x1e4: {  	v17 =	vmul.f32 v62, v10;
	[tilespmem:s29+$0x8820] =	vst v11  }
0x1e5: {  	v18 =	vmul.f32 v7, v10;
	[tilespmem:s29+$0x8830] =	vst v16  }
0x1e6: {  	v19 =	vmul.f32 v9, v10;
	[tilespmem:s29+$0x8850] =	vst v17  }
0x1e7: {  	v20 =	vld [tilespmem:s29+$0x8440];
	[tilespmem:s29+$0x8860] =	vst v18  }
0x1e8: {  	v21 =	vld [tilespmem:s29+$0x8840];
	[tilespmem:s29+$0x8870] =	vst v19  }
0x1e9: {  	v1 =	vld [tilespmem:s10+$0x0];
	_ =	sdelay $0x2  }
0x1ea: {  	v2 =	vmul.f32 v20, v10  }
0x1eb: {  	v0 =	vmul.f32 v21, v10  }
0x1ec: {  	[tilespmem:s29+$0x8440] =	vst v2;
	v1 =	vmul.f32 v1, v10  }
0x1ed: {  	[tilespmem:s29+$0x8840] =	vst v0  }
0x1ee: {  	[tilespmem:s10+$0x0] =	vst v1  }
0x1ef: {  	v0 =	vld [tilespmem:s6+$0x0];
	_ =	sdelay $0x4  }
0x1f0: {  	v0 =	vmul.f32 v0, v10;
	_ =	sdelay $0x1  }
0x1f1: {  	[tilespmem:s6+$0x0] =	vst v0  }
0x1f2: {  	v0 =	vld [tilespmem:s15+$0x0];
	_ =	sdelay $0x4  }
0x1f3: {  	v0 =	vmul.f32 v0, v10;
	_ =	sdelay $0x1  }
0x1f4: {  	[tilespmem:s15+$0x0] =	vst v0  }
0x1f5: {  	v0 =	vld [tilespmem:s4+$0x0];
	_ =	sdelay $0x4  }
0x1f6: {  	v0 =	vmul.f32 v0, v10;
	_ =	sdelay $0x1  }
0x1f7: {  	[tilespmem:s4+$0x0] =	vst v0  }
0x1f8: {  	v0 =	vld [tilespmem:s0+$0x0];
	_ =	sdelay $0x4  }
0x1f9: {  	v0 =	vmul.f32 v0, v10;
	_ =	sdelay $0x1  }
0x1fa: {  	[tilespmem:s0+$0x0] =	vst v0  }
0x1fb: {  	v0 =	vld [tilespmem:s13+$0x0];
	_ =	sdelay $0x4  }
0x1fc: {  	v0 =	vmul.f32 v0, v10;
	_ =	sdelay $0x1  }
0x1fd: {  	[tilespmem:s13+$0x0] =	vst v0  }
0x1fe: {  	v0 =	vld [tilespmem:s7+$0x0];
	_ =	sdelay $0x4  }
0x1ff: {  	v0 =	vmul.f32 v0, v10;
	_ =	sdelay $0x1  }
0x200: {  	[tilespmem:s7+$0x0] =	vst v0  }
0x201: {  	v0 =	vld [tilespmem:s11+$0x0];
	_ =	sdelay $0x4  }
0x202: {  	v0 =	vmul.f32 v0, v10;
	_ =	sdelay $0x1  }
0x203: {  	[tilespmem:s11+$0x0] =	vst v0  }
0x204: {  	v0 =	vld [tilespmem:s29+$0x9000]  }
0x205: {  	v1 =	vld [tilespmem:s29+$0x9010]  }
0x206: {  	v22 =	vld [tilespmem:s29+$0x9020]  }
0x207: {  	v23 =	vld [tilespmem:s29+$0x9030]  }
0x208: {  	v24 =	vld [tilespmem:s29+$0x9050]  }
0x209: {  	v25 =	vld [tilespmem:s29+$0x9060];
	v0 =	vmul.f32 v0, v10  }
0x20a: {  	v26 =	vld [tilespmem:s29+$0x9070];
	v1 =	vmul.f32 v1, v10  }
0x20b: {  	v28 =	vld [tilespmem:s29+$0x9400];
	v27 =	vmul.f32 v22, v10;
	[tilespmem:s29+$0x9000] =	vst v0  }
0x20c: {  	v30 =	vld [tilespmem:s29+$0x9410];
	v29 =	vmul.f32 v23, v10;
	[tilespmem:s29+$0x9010] =	vst v1  }
0x20d: {  	v32 =	vld [tilespmem:s29+$0x9420];
	v31 =	vmul.f32 v24, v10;
	[tilespmem:s29+$0x9020] =	vst v27  }
0x20e: {  	v34 =	vld [tilespmem:s29+$0x9430];
	v33 =	vmul.f32 v25, v10;
	[tilespmem:s29+$0x9030] =	vst v29  }
0x20f: {  	v36 =	vld [tilespmem:s29+$0x9450];
	v35 =	vmul.f32 v26, v10;
	[tilespmem:s29+$0x9050] =	vst v31  }
0x210: {  	v39 =	vld [tilespmem:s29+$0x9460];
	v37 =	vmul.f32 v28, v10;
	[tilespmem:s29+$0x9060] =	vst v33  }
0x211: {  	v41 =	vld [tilespmem:s29+$0x9470];
	v40 =	vmul.f32 v30, v10;
	[tilespmem:s29+$0x9070] =	vst v35  }
0x212: {  	v43 =	vld [tilespmem:s29+$0x9800];
	v42 =	vmul.f32 v32, v10;
	[tilespmem:s29+$0x9400] =	vst v37  }
0x213: {  	v45 =	vld [tilespmem:s29+$0x9810];
	v44 =	vmul.f32 v34, v10;
	[tilespmem:s29+$0x9410] =	vst v40  }
0x214: {  	v47 =	vld [tilespmem:s29+$0x9820];
	v46 =	vmul.f32 v36, v10;
	[tilespmem:s29+$0x9420] =	vst v42  }
0x215: {  	v49 =	vld [tilespmem:s29+$0x9830];
	v48 =	vmul.f32 v39, v10;
	[tilespmem:s29+$0x9430] =	vst v44  }
0x216: {  	v51 =	vld [tilespmem:s29+$0x9850];
	v50 =	vmul.f32 v41, v10;
	[tilespmem:s29+$0x9450] =	vst v46  }
0x217: {  	v53 =	vld [tilespmem:s29+$0x9860];
	v52 =	vmul.f32 v43, v10;
	[tilespmem:s29+$0x9460] =	vst v48  }
0x218: {  	v55 =	vld [tilespmem:s29+$0x9870];
	v54 =	vmul.f32 v45, v10;
	[tilespmem:s29+$0x9470] =	vst v50  }
0x219: {  	v56 =	vmul.f32 v47, v10;
	[tilespmem:s29+$0x9800] =	vst v52  }
0x21a: {  	v57 =	vmul.f32 v49, v10;
	[tilespmem:s29+$0x9810] =	vst v54  }
0x21b: {  	v58 =	vmul.f32 v51, v10;
	[tilespmem:s29+$0x9820] =	vst v56  }
0x21c: {  	v59 =	vmul.f32 v53, v10;
	[tilespmem:s29+$0x9830] =	vst v57  }
0x21d: {  	v60 =	vld [tilespmem:s29+$0x9040];
	v61 =	vmul.f32 v55, v10;
	[tilespmem:s29+$0x9850] =	vst v58  }
0x21e: {  	v62 =	vld [tilespmem:s29+$0x9440];
	[tilespmem:s29+$0x9860] =	vst v59  }
0x21f: {  	v63 =	vld [tilespmem:s29+$0x9840];
	[tilespmem:s29+$0x9870] =	vst v61  }
0x220: {  	v0 =	vld [tilespmem:s1+$0x0];
	_ =	sdelay $0x1  }
0x221: {  	v2 =	vmul.f32 v60, v10  }
0x222: {  	v3 =	vmul.f32 v62, v10  }
0x223: {  	[tilespmem:s29+$0x9040] =	vst v2;
	v1 =	vmul.f32 v63, v10  }
0x224: {  	[tilespmem:s29+$0x9440] =	vst v3;
	v0 =	vmul.f32 v0, v10  }
0x225: {  	[tilespmem:s29+$0x9840] =	vst v1  }
0x226: {  	[tilespmem:s1+$0x0] =	vst v0  }
0x227: {  	v0 =	vld [tilespmem:s19+$0x0];
	_ =	sdelay $0x4  }
0x228: {  	v0 =	vmul.f32 v0, v10;
	_ =	sdelay $0x1  }
0x229: {  	[tilespmem:s19+$0x0] =	vst v0  }
0x22a: {  	v0 =	vld [tilespmem:s5+$0x0];
	_ =	sdelay $0x4  }
0x22b: {  	v0 =	vmul.f32 v0, v10;
	_ =	sdelay $0x1  }
0x22c: {  	[tilespmem:s5+$0x0] =	vst v0  }
0x22d: {  	v0 =	vld [tilespmem:s12+$0x0];
	_ =	sdelay $0x4  }
0x22e: {  	v0 =	vmul.f32 v0, v10;
	_ =	sdelay $0x1  }
0x22f: {  	[tilespmem:s12+$0x0] =	vst v0  }
0x230: {  	v0 =	vld [tilespmem:s17+$0x0];
	_ =	sdelay $0x4  }
0x231: {  	v0 =	vmul.f32 v0, v10;
	_ =	sdelay $0x1  }
0x232: {  	[tilespmem:s17+$0x0] =	vst v0  }
0x233: {  	v0 =	vld [tilespmem:s14+$0x0];
	_ =	sdelay $0x4  }
0x234: {  	v0 =	vmul.f32 v0, v10;
	_ =	sdelay $0x1  }
0x235: {  	[tilespmem:s14+$0x0] =	vst v0  }
0x236: {  	v0 =	vld [tilespmem:s24+$0x0];
	_ =	sdelay $0x4  }
0x237: {  	v0 =	vmul.f32 v0, v10;
	_ =	sdelay $0x1  }
0x238: {  	[tilespmem:s24+$0x0] =	vst v0  }
0x239: {  	v0 =	vld [tilespmem:s25+$0x0];
	_ =	sdelay $0x4  }
0x23a: {  	v0 =	vmul.f32 v0, v10;
	_ =	sdelay $0x1  }
0x23b: {  	[tilespmem:s25+$0x0] =	vst v0  }
0x23c: {  	v0 =	vld [tilespmem:s30+$0x0]  }
0x23d: {  	p0 =	sne.s32 s31, $0x1F  }
.Ltmp14:
0x23e: {  	_ = 	snop;
	(pc) =	sbr.rel @p0 .LBB2_14-.Ltmp14, $3  }
0x23f: {  	_ =	sdelay $0x1  }
0x240: {  	v0 =	vsel vm3, $0x0, v0  }
0x241: {  	s31 =	sadd.s32 $0x1, s31;
	s22 =	rddreg [dreg:$0x7];
	[tilespmem:s30+$0x0] =	vst v0  }
0x242: {  	s10 =	rddreg [dreg:$0xf]  }
0x243: {  	v0 =	vmov s10  }
0x244: {  	vm3 =	veq.s32 v0, v14  }
0x245: {  	v0 =	vnsel vm3, $0x0, v38  }
0x246: {  	(xrf0) =	vadd.scan.msk.s32 $0xffff, v0;
	_ =	sdelay $0x5  }
0x247: {  	v0, _, _ =	vpop (xrf0)  }
0x248: {  	(v2sf) =	vpush v0, $0xF;
	_ =	sdelay $0xe  }
0x249: {  	s29 =	spop (v2sf)  }
0x24a: {  	p0 =	slt.s32 s28, s29  }
.Ltmp15:
0x24b: {  	_ = 	snop;
	(pc) =	sbr.rel @!p0 .LBB2_16-.Ltmp15, $2  }
0x24c: {  	_ =	sdelay $0x2  }
0x24d: {  	s6 =	rddreg [dreg:$0x2];
	s7 =	simm.s32 $0x0;
	s8 =	simm.s32 $0x8000  }
0x24e: {  	s0 =	sand.u32 $0xF, s28  }
0x24f: {  	s1 =	sshra.s32 s28, $0x1F;
	p0 =	slt.s32 s28, $0x1;
	p1 =	sne.s32 s0, $0x0  }
0x250: {  	s31 =	sshrl.u32 s1, $0x1C;
	p0 =	por !p0, !p1  }
0x251: {  	s1 =	simm.s32 $0x1;
	s0 =	sadd.s32 s31, s28;
	p0 =	por !p0, !p0  }
0x252: {  	s0 =	sshrl.u32 s0, $0x4;
	s1 =	simm.s32 @!p0 $0x0  }
0x253: {  	s0 =	ssub.s32 s0, s1  }
0x254: {  	s0 =	sshll.u32 s0, $0x4  }
0x255: {  	v0 =	vld [tilespmem:s0+$0x18080];
	_ =	sdelay $0x1  }
0x256: {  	s0 =	ssub.s32 s28, s0  }
0x257: {  	v1 =	vmov s0  }
0x258: {  	vm3 =	veq.s32 v1, v14  }
0x259: {  	v0 =	vnsel vm3, $0x0, v0  }
0x25a: {  	(xrf0) =	vadd.scan.msk.s32 $0xffff, v0  }
0x25b: {  	s0 =	sadd.s32 $0x1, s28  }
0x25c: {  	p0 =	seq.s32 s29, s0  }
.Ltmp16:
0x25d: {  	_ = 	snop;
	(pc) =	sbr.rel @p0 .LBB2_42-.Ltmp16, $3  }
0x25e: {  	_ =	sdelay $0x1  }
0x25f: {  	v0, _, _ =	vpop (xrf0)  }
0x260: {  	(v2sf) =	vpush v0, $0xF  }
.LBB2_41:
0x261: {  	_ =	sdelay $0xa  }
0x262: {  	s1 =	sshra.s32 s0, $0x1F;
	p0 =	slt.s32 s0, $0x1  }
0x263: {  	s2 =	sand.u32 $0xF, s0;
	s4 =	smov.u32 s0;
	s0 =	sadd.s32 $0x1, s0  }
0x264: {  	s5 =	simm.s32 $0x1;
	s1 =	sshrl.u32 s1, $0x1C;
	p1 =	sne.s32 s2, $0x0  }
0x265: {  	p1 =	por !p0, !p1;
	p0 =	seq.s32 s29, s0;
	s2 =	spop (v2sf)  }
0x266: {  	s1 =	sadd.s32 s1, s4;
	p1 =	por !p1, !p1;
	s2 =	sshll.u32 s2, $0x14  }
0x267: {  	s1 =	sshrl.u32 s1, $0x4;
	s5 =	simm.s32 @!p1 $0x0;
	s2 =	sor.u32 s9, s2  }
0x268: {  	s1 =	ssub.s32 s1, s5;
	s2 =	sshrl.u32 s2, $0x3  }
0x269: {  	s1 =	sshll.u32 s1, $0x4;
	s2 =	sadd.s32 s6, s2  }
0x26a: {  	[hbm4b:s2+s7] =	stream.linear.scatter [tilespmem:s8], [sflag:$0x2], $0x8000, $0x38;
	[tilespmem:$0x18180] =	vst v63  }
0x26b: {  	v0 =	vld [tilespmem:s1+$0x18080];
	_ =	sdelay $0x1  }
0x26c: {  	s1 =	ssub.s32 s4, s1  }
0x26d: {  	v1 =	vmov s1  }
0x26e: {  	vm3 =	veq.s32 v1, v14  }
0x26f: {  	v0 =	vnsel vm3, $0x0, v0  }
0x270: {  	(xrf0) =	vadd.scan.msk.s32 $0xffff, v0;
	_ =	sdelay $0x2  }
.Ltmp17:
0x271: {  	(pc) =	sbr.rel @!p0 .LBB2_41-.Ltmp17, $3  }
0x272: {  	_ =	sdelay $0x1  }
0x273: {  	v0, _, _ =	vpop (xrf0)  }
0x274: {  	(v2sf) =	vpush v0, $0xF  }
.LBB2_42:
0x275: {  	_ =	sdelay $0xd  }
0x276: {  	s0 =	spop (v2sf)  }
0x277: {  	s0 =	sshll.u32 s0, $0x14  }
0x278: {  	s0 =	sor.u32 s9, s0  }
0x279: {  	s0 =	sshrl.u32 s0, $0x3  }
0x27a: {  	s0 =	sadd.s32 s6, s0  }
0x27b: {  	[hbm4b:s0+s7] =	stream.linear.scatter [tilespmem:s8], [sflag:$0x2], $0x8000, $0x38;
	[tilespmem:$0x18180] =	vst v63  }
.LBB2_16:
0x27c: {  	s0 =	rddreg [dreg:$0xe]  }
0x27d: {  	p0 =	sle.s32 s28, s0  }
.Ltmp18:
0x27e: {  	_ = 	snop;
	(pc) =	sbr.rel @p0 .LBB2_20-.Ltmp18, $2  }
0x27f: {  	_ =	sdelay $0x2  }
0x280: {  	s1 =	rddreg [dreg:$0xd]  }
0x281: {  	s0 =	ssub.s32 s28, s0  }
0x282: {  	p0 =	sne.s32 s0, $0x1  }
.Ltmp19:
0x283: {  	_ = 	snop;
	(pc) =	sbr.rel @!p0 .LBB2_19-.Ltmp19, $3  }
0x284: {  	_ =	sdelay $0x1  }
0x285: {  	_ =	swait.ge [sflag:s20], $0x8000  }
0x286: {  	s0 =	sadd.s32 $0xFFFFFFFF, s0;
	[sflag:s20] =	ssyncset.done $0x0  }
.LBB2_18:
0x287: {  	p0 =	sne.s32 s0, $0x1;
	s0 =	sadd.s32 $0xFFFFFFFF, s0;
	[sflag:s20] =	ssyncadd.s32 $0xFFFF8000  }
.Ltmp20:
0x288: {  	(pc) =	sbr.rel @p0 .LBB2_18-.Ltmp20, $3  }
0x289: {  	_ =	sdelay $0x1  }
0x28a: {  	_ =	swait.ge [sflag:s20], $0x8000  }
0x28b: {  	[sflag:s20] =	ssyncset.done $0x0  }
.LBB2_19:
0x28c: {  	[sflag:s20] =	ssyncadd.s32 $0xFFFF8000  }
.LBB2_20:
0x28d: {  	s0 =	sadd.s32 $0x3, s1  }
0x28e: {  	[dreg:$0x10] =	wrdreg s0;
	s0 =	smin.u32 s0, $0xB  }
0x28f: {  	s19 =	simm.s32 $0x4;
	s0 =	sshll.u32 s0, $0x14  }
0x290: {  	s26 =	simm.s32 $0x0;
	_ =	swait.ge [sflag:s19], $0x8000;
	s0 =	sor.u32 s9, s0  }
0x291: {  	s23 =	sshll.u32 s10, $0xA;
	[sflag:s19] =	ssyncset.done $0x0;
	s0 =	sshrl.u32 s0, $0x3  }
0x292: {  	s24 =	sshll.u32 s10, $0x7;
	[sflag:s19] =	ssyncadd.s32 $0xFFFF8000;
	s0 =	sadd.s32 s3, s0  }
0x293: {  	[tilespmem:s26], [sflag:$0x4] =	stream.linear.gather [hbm4b:s0+s26], $0x8000, $0x38;
	[tilespmem:$0x18180] =	vst v63  }
0x294: {  	s1 =	sand.u32 $0x380, s24;
	s0 =	sand.u32 $0x6000, s23  }
0x295: {  	s25 =	rddreg [dreg:$0xa];
	s0 =	sor.u32 s0, s1  }
0x296: {  	s0 =	sor.u32 s25, s0  }
0x297: {  	s28 =	rddreg [dreg:$0x4];
	s0 =	sshrl.u32 s0, $0x3  }
0x298: {  	s30 =	simm.s32 $0x18000;
	s31 =	simm.s32 $0x5;
	s0 =	sadd.s32 s28, s0  }
0x299: {  	[tilespmem:s30], [sflag:$0x5] =	stream.linear.gather [hbm4b:s0+s26], $0x20, $0x38;
	[tilespmem:$0x18180] =	vst v63  }
0x29a: {  	_ =	swait.ge [sflag:s31], $0x20  }
0x29b: {  	[sflag:s31] =	ssyncset.done $0x0  }
0x29c: {  	[sflag:s31] =	ssyncadd.s32 $0xFFFFFFE0  }
.LBB2_21:
0x29d: {  	s1 =	sshll.u32 s26, $0xA;
	s5 =	sshll.u32 s26, $0x7  }
0x29e: {  	s0 =	sand.u32 $0x6000, s1;
	s31 =	sand.u32 $0x380, s5  }
0x29f: {  	s28 =	sor.u32 s31, s0  }
0x2a0: {  	v3 =	vld [tilespmem:s28+$0x10400]  }
0x2a1: {  	v4 =	vld [tilespmem:s28+$0x10410]  }
0x2a2: {  	v10 =	vld [tilespmem:s28+$0x10420]  }
0x2a3: {  	v11 =	vld [tilespmem:s28+$0x10430]  }
0x2a4: {  	v12 =	vld [tilespmem:s28+$0x10440]  }
0x2a5: {  	v13 =	vld [tilespmem:s28+$0x10450]  }
0x2a6: {  	v15 =	vld [tilespmem:s28+$0x10460]  }
0x2a7: {  	v16 =	vld [tilespmem:s28+$0x10470]  }
0x2a8: {  	v17 =	vld [tilespmem:s28+$0x10800]  }
0x2a9: {  	v18 =	vld [tilespmem:s28+$0x10810]  }
0x2aa: {  	v19 =	vld [tilespmem:s28+$0x10820]  }
0x2ab: {  	v20 =	vld [tilespmem:s28+$0x10830]  }
0x2ac: {  	v21 =	vld [tilespmem:s28+$0x10840]  }
0x2ad: {  	v22 =	vld [tilespmem:s28+$0x10850]  }
0x2ae: {  	v23 =	vld [tilespmem:s28+$0x10860]  }
0x2af: {  	v24 =	vld [tilespmem:s28+$0x10870]  }
0x2b0: {  	v62 =	vld [tilespmem:s28+$0x11000]  }
0x2b1: {  	v63 =	vld [tilespmem:s28+$0x11010]  }
0x2b2: {  	v39 =	vld [tilespmem:s28+$0x11020]  }
0x2b3: {  	s25 =	sor.u32 $0x10000, s0;
	v40 =	vld [tilespmem:s28+$0x11040]  }
0x2b4: {  	s23 =	sor.u32 s31, s25;
	v42 =	vld [tilespmem:s28+$0x11060]  }
0x2b5: {  	v8 =	vld [tilespmem:s23+$0x0]  }
0x2b6: {  	v9 =	vld [tilespmem:s23+$0x10]  }
0x2b7: {  	v7 =	vld [tilespmem:s23+$0x20]  }
0x2b8: {  	v6 =	vld [tilespmem:s23+$0x30]  }
0x2b9: {  	v5 =	vld [tilespmem:s23+$0x40]  }
0x2ba: {  	v1 =	vld [tilespmem:s23+$0x50]  }
0x2bb: {  	v0 =	vld [tilespmem:s23+$0x60]  }
0x2bc: {  	v2 =	vld [tilespmem:s23+$0x70];
	v3 =	vand.u32 $0x7FFFFFFF, v3;
	v4 =	vand.u32 $0x7FFFFFFF, v4  }
0x2bd: {  	v43 =	vld [tilespmem:s28+$0x11070];
	v10 =	vand.u32 $0x7FFFFFFF, v10;
	v11 =	vand.u32 $0x7FFFFFFF, v11;
	v12 =	vand.u32 $0x7FFFFFFF, v12  }
0x2be: {  	v45 =	vld [tilespmem:s28+$0x11400];
	v29 =	vand.u32 $0x7FFFFFFF, v8;
	v30 =	vand.u32 $0x7FFFFFFF, v9;
	v34 =	vand.u32 $0x7FFFFFFF, v5  }
0x2bf: {  	v46 =	vld [tilespmem:s28+$0x11410];
	v32 =	vand.u32 $0x7FFFFFFF, v7;
	v59 =	vand.u32 $0x7FFFFFFF, v1;
	v29 =	vadd.f32 v34, v29  }
0x2c0: {  	v48 =	vld [tilespmem:s28+$0x11420];
	v33 =	vand.u32 $0x7FFFFFFF, v6;
	v36 =	vand.u32 $0x7FFFFFFF, v0;
	v30 =	vadd.f32 v59, v30  }
0x2c1: {  	s2 =	sor.u32 s0, s5;
	v49 =	vld [tilespmem:s28+$0x11430];
	v60 =	vand.u32 $0x7FFFFFFF, v2;
	v32 =	vadd.f32 v36, v32;
	v3 =	vadd.f32 v3, v29  }
0x2c2: {  	s10 =	sor.u32 $0x10C00, s2;
	v51 =	vld [tilespmem:s28+$0x11440];
	v41 =	vand.u32 $0x7FFFFFFF, v19;
	v33 =	vadd.f32 v60, v33;
	v4 =	vadd.f32 v4, v30  }
0x2c3: {  	s6 =	sor.u32 $0x10C10, s2;
	v25 =	vld [tilespmem:s10+$0x0];
	v10 =	vadd.f32 v10, v32;
	v3 =	vadd.f32 v12, v3;
	v12 =	vand.u32 $0x7FFFFFFF, v13  }
0x2c4: {  	s15 =	sor.u32 $0x10C20, s2;
	v26 =	vld [tilespmem:s6+$0x0];
	v11 =	vadd.f32 v11, v33;
	v4 =	vadd.f32 v12, v4;
	v12 =	vand.u32 $0x7FFFFFFF, v15  }
0x2c5: {  	s4 =	sor.u32 $0x10C30, s2;
	v27 =	vld [tilespmem:s15+$0x0];
	v15 =	vand.u32 $0x7FFFFFFF, v16;
	v10 =	vadd.f32 v12, v10;
	v12 =	vand.u32 $0x7FFFFFFF, v17  }
0x2c6: {  	s0 =	sor.u32 $0x10C40, s2;
	v28 =	vld [tilespmem:s4+$0x0];
	v11 =	vadd.f32 v15, v11;
	v3 =	vadd.f32 v12, v3;
	v12 =	vand.u32 $0x7FFFFFFF, v18  }
0x2c7: {  	s13 =	sor.u32 $0x10C50, s2;
	v31 =	vld [tilespmem:s0+$0x0];
	v44 =	vand.u32 $0x7FFFFFFF, v22;
	v4 =	vadd.f32 v12, v4;
	v12 =	vand.u32 $0x7FFFFFFF, v20  }
0x2c8: {  	s7 =	sor.u32 $0x10C60, s2;
	v35 =	vld [tilespmem:s13+$0x0];
	v10 =	vadd.f32 v41, v10;
	v11 =	vadd.f32 v12, v11;
	v12 =	vand.u32 $0x7FFFFFFF, v21  }
0x2c9: {  	s11 =	sor.u32 $0x10C70, s2;
	v37 =	vld [tilespmem:s7+$0x0];
	v56 =	vand.u32 $0x7FFFFFFF, v63;
	v3 =	vadd.f32 v12, v3;
	v12 =	vand.u32 $0x7FFFFFFF, v23  }
0x2ca: {  	v61 =	vld [tilespmem:s11+$0x0];
	v4 =	vadd.f32 v44, v4;
	v10 =	vadd.f32 v12, v10;
	v12 =	vand.u32 $0x7FFFFFFF, v24  }
0x2cb: {  	v52 =	vld [tilespmem:s28+$0x11450];
	v47 =	vand.u32 $0x7FFFFFFF, v25;
	v11 =	vadd.f32 v12, v11;
	v12 =	vand.u32 $0x7FFFFFFF, v26  }
0x2cc: {  	v54 =	vld [tilespmem:s28+$0x11460];
	v3 =	vadd.f32 v47, v3;
	v4 =	vadd.f32 v12, v4;
	v12 =	vand.u32 $0x7FFFFFFF, v27  }
0x2cd: {  	v50 =	vand.u32 $0x7FFFFFFF, v28;
	v13 =	vld [tilespmem:s28+$0x11030];
	v10 =	vadd.f32 v12, v10;
	v12 =	vand.u32 $0x7FFFFFFF, v31  }
0x2ce: {  	v15 =	vld [tilespmem:s28+$0x11050];
	v11 =	vadd.f32 v50, v11;
	v3 =	vadd.f32 v12, v3;
	v12 =	vand.u32 $0x7FFFFFFF, v35  }
0x2cf: {  	v55 =	vld [tilespmem:s28+$0x11470];
	v53 =	vand.u32 $0x7FFFFFFF, v37;
	v4 =	vadd.f32 v12, v4;
	v12 =	vand.u32 $0x7FFFFFFF, v61  }
0x2d0: {  	v57 =	vld [tilespmem:s28+$0x11800];
	v10 =	vadd.f32 v53, v10;
	v11 =	vadd.f32 v12, v11;
	v12 =	vand.u32 $0x7FFFFFFF, v62  }
0x2d1: {  	v58 =	vld [tilespmem:s28+$0x11810];
	v24 =	vand.u32 $0x7FFFFFFF, v52;
	v3 =	vadd.f32 v12, v3;
	v12 =	vand.u32 $0x7FFFFFFF, v39  }
0x2d2: {  	v63 =	vld [tilespmem:s28+$0x11870];
	v4 =	vadd.f32 v56, v4;
	v10 =	vadd.f32 v12, v10;
	v12 =	vand.u32 $0x7FFFFFFF, v13  }
0x2d3: {  	s30 =	sor.u32 s1, s5;
	v59 =	vld [tilespmem:s28+$0x11820];
	v13 =	vand.u32 $0x7FFFFFFF, v40;
	v11 =	vadd.f32 v12, v11;
	v12 =	vand.u32 $0x7FFFFFFF, v15  }
0x2d4: {  	s17 =	sor.u32 $0x11C40, s30;
	v60 =	vld [tilespmem:s28+$0x11840];
	v3 =	vadd.f32 v13, v3;
	v4 =	vadd.f32 v12, v4;
	v12 =	vand.u32 $0x7FFFFFFF, v42  }
0x2d5: {  	v34 =	vld [tilespmem:s17+$0x0];
	v15 =	vand.u32 $0x7FFFFFFF, v43;
	v10 =	vadd.f32 v12, v10;
	v12 =	vand.u32 $0x7FFFFFFF, v45  }
0x2d6: {  	s1 =	sor.u32 $0x11C00, s30;
	v13 =	vld [tilespmem:s28+$0x11830];
	v11 =	vadd.f32 v15, v11;
	v3 =	vadd.f32 v12, v3;
	v12 =	vand.u32 $0x7FFFFFFF, v46  }
0x2d7: {  	v29 =	vld [tilespmem:s1+$0x0];
	v61 =	vand.u32 $0x7FFFFFFF, v48;
	v4 =	vadd.f32 v12, v4;
	v12 =	vand.u32 $0x7FFFFFFF, v49  }
0x2d8: {  	v62 =	vld [tilespmem:s28+$0x11860];
	v10 =	vadd.f32 v61, v10;
	v11 =	vadd.f32 v12, v11;
	v12 =	vand.u32 $0x7FFFFFFF, v51  }
0x2d9: {  	s18 =	sor.u32 s22, s26;
	s8 =	sand.u32 $0xF, s26;
	s19 =	sor.u32 $0x11C10, s30;
	v31 =	vand.u32 $0x7FFFFFFF, v57;
	v15 =	vld [tilespmem:s28+$0x11850];
	v3 =	vadd.f32 v12, v3;
	v12 =	vand.u32 $0x7FFFFFFF, v54  }
0x2da: {  	p0 =	seq.s32 s18, $0x0;
	p1 =	sne.s32 s8, $0x0;
	s5 =	sor.u32 $0x11C20, s30;
	v30 =	vld [tilespmem:s19+$0x0];
	v4 =	vadd.f32 v24, v4;
	v10 =	vadd.f32 v12, v10;
	v12 =	vand.u32 $0x7FFFFFFF, v55  }
0x2db: {  	s12 =	sor.u32 $0x11C30, s30;
	p0 =	por !p0, !p1;
	v32 =	vld [tilespmem:s5+$0x0];
	v13 =	vand.u32 $0x7FFFFFFF, v13;
	v11 =	vadd.f32 v12, v11;
	v12 =	vand.u32 $0x7FFFFFFF, v58  }
0x2dc: {  	s22 =	simm.s32 $0x1;
	s24 =	sor.u32 $0x11C60, s30;
	p0 =	por !p0, !p0;
	v33 =	vld [tilespmem:s12+$0x0];
	v3 =	vadd.f32 v31, v3;
	v4 =	vadd.f32 v12, v4;
	v12 =	vand.u32 $0x7FFFFFFF, v59  }
0x2dd: {  	s3 =	sshrl.u32 s18, $0x4;
	s14 =	sor.u32 $0x11C50, s30;
	s22 =	simm.s32 @!p0 $0x0;
	v35 =	vld [tilespmem:s24+$0x0];
	v10 =	vadd.f32 v12, v10;
	v11 =	vadd.f32 v13, v11;
	v12 =	vand.u32 $0x7FFFFFFF, v60  }
0x2de: {  	s30 =	sor.u32 $0x11C70, s30;
	s22 =	ssub.s32 s3, s22;
	v13 =	vld [tilespmem:s14+$0x0];
	v3 =	vadd.f32 v12, v3;
	v12 =	vand.u32 $0x7FFFFFFF, v15;
	v15 =	vand.u32 $0x7FFFFFFF, v62  }
0x2df: {  	s3 =	sshll.u32 s22, $0x7;
	v4 =	vadd.f32 v12, v4;
	v10 =	vadd.f32 v15, v10;
	v12 =	vand.u32 $0x7FFFFFFF, v63;
	v15 =	vld [tilespmem:s30+$0x0]  }
0x2e0: {  	s2 =	sshll.u32 s22, $0x4;
	s3 =	sand.u32 $0xFFFFFC00, s3;
	v16 =	vand.u32 $0x7FFFFFFF, v34;
	v11 =	vadd.f32 v12, v11;
	v12 =	vand.u32 $0x7FFFFFFF, v29  }
0x2e1: {  	s3 =	sadd.s32 s3, s25;
	s25 =	sand.u32 $0x70, s2;
	v36 =	vand.u32 $0x7FFFFFFF, v30;
	v3 =	vadd.f32 v12, v3;
	v12 =	vand.u32 $0x7FFFFFFF, v32  }
0x2e2: {  	s3 =	sor.u32 s25, s3;
	v4 =	vadd.f32 v36, v4;
	v10 =	vadd.f32 v12, v10;
	v12 =	vand.u32 $0x7FFFFFFF, v33  }
0x2e3: {  	s31 =	sor.u32 s31, s3;
	v11 =	vadd.f32 v12, v11;
	v3 =	vadd.f32 v16, v3;
	v12 =	vand.u32 $0x7FFFFFFF, v13  }
0x2e4: {  	v4 =	vadd.f32 v12, v4;
	v12 =	vand.u32 $0x7FFFFFFF, v35;
	v13 =	vand.u32 $0x7FFFFFFF, v15;
	v15 =	vld [tilespmem:s31+$0x0]  }
0x2e5: {  	v10 =	vadd.f32 v12, v10;
	v11 =	vadd.f32 v13, v11;
	_ =	sdelay $0x1  }
0x2e6: {  	s2 =	ssub.s32 s18, s2;
	v3 =	vadd.f32 v4, v3;
	v37 =	vadd.f32 v11, v10  }
0x2e7: {  	v39 =	vmov s2  }
0x2e8: {  	vm3 =	veq.s32 v39, v14;
	v3 =	vadd.f32 v37, v3;
	v40 =	vand.u32 $0x7FFFFFFF, v15  }
0x2e9: {  	v4 =	vnsel vm3, $0x0, v40  }
0x2ea: {  	v3 =	vsub.f32 v3, v4;
	_ =	sdelay $0x1  }
0x2eb: {  	(xrf2) =	vadd.scan.msk.f32 $0xffff, v3;
	_ =	sdelay $0x9  }
0x2ec: {  	v3, _, _ =	vpop (xrf2)  }
0x2ed: {  	(v2sf) =	vpush v3, $0xF;
	_ =	sdelay $0x7  }
0x2ee: {  	s18 =	sand.u32 $0x10, s26  }
0x2ef: {  	v41 =	vld [tilespmem:s18+$0x18000];
	_ =	sdelay $0x2  }
0x2f0: {  	v42 =	vmov s8  }
0x2f1: {  	vm4 =	veq.s32 v42, v14  }
0x2f2: {  	v3 =	vnsel vm4, $0x0, v41  }
0x2f3: {  	(xrf2) =	vadd.scan.msk.f32 $0xffff, v3;
	s25 =	spop (v2sf)  }
0x2f4: {  	s2 =	smax.f32 s25, $9.999999970e-07  }
0x2f5: {  	v43 =	vmov s2  }
0x2f6: {  	(erf) = vrcp.f32 v43;
	_ =	sdelay $0x6  }
0x2f7: {  	v44, _, _ =	vpop (xrf2)  }
0x2f8: {  	v3 =	vbroadcast v44, $0xF  }
0x2f9: {  	v45 =	vpop (erf)  }
0x2fa: {  	v10 =	vmul.f32 v45, v3;
	_ =	sdelay $0x1  }
0x2fb: {  	v3 =	vmul.f32 v10, v8  }
0x2fc: {  	v4 =	vmul.f32 v10, v9  }
0x2fd: {  	v46 =	vmul.f32 v10, v7;
	[tilespmem:s23+$0x0] =	vst v3  }
0x2fe: {  	v47 =	vmul.f32 v10, v6;
	[tilespmem:s23+$0x10] =	vst v4  }
0x2ff: {  	v48 =	vmul.f32 v10, v5;
	[tilespmem:s23+$0x20] =	vst v46  }
0x300: {  	v1 =	vmul.f32 v10, v1;
	[tilespmem:s23+$0x30] =	vst v47  }
0x301: {  	v0 =	vmul.f32 v10, v0;
	[tilespmem:s23+$0x40] =	vst v48  }
0x302: {  	v49 =	vmul.f32 v10, v2;
	[tilespmem:s23+$0x50] =	vst v1  }
0x303: {  	[tilespmem:s23+$0x60] =	vst v0  }
0x304: {  	[tilespmem:s23+$0x70] =	vst v49  }
0x305: {  	v0 =	vld [tilespmem:s28+$0x10400]  }
0x306: {  	v1 =	vld [tilespmem:s28+$0x10410]  }
0x307: {  	v50 =	vld [tilespmem:s28+$0x10420]  }
0x308: {  	v3 =	vld [tilespmem:s28+$0x10430]  }
0x309: {  	v4 =	vld [tilespmem:s28+$0x10450]  }
0x30a: {  	v51 =	vld [tilespmem:s28+$0x10460];
	v0 =	vmul.f32 v10, v0  }
0x30b: {  	v52 =	vld [tilespmem:s28+$0x10470];
	v1 =	vmul.f32 v10, v1  }
0x30c: {  	v54 =	vld [tilespmem:s28+$0x10800];
	v53 =	vmul.f32 v50, v10;
	[tilespmem:s28+$0x10400] =	vst v0  }
0x30d: {  	v56 =	vld [tilespmem:s28+$0x10810];
	v55 =	vmul.f32 v3, v10;
	[tilespmem:s28+$0x10410] =	vst v1  }
0x30e: {  	v58 =	vld [tilespmem:s28+$0x10820];
	v57 =	vmul.f32 v4, v10;
	[tilespmem:s28+$0x10420] =	vst v53  }
0x30f: {  	v60 =	vld [tilespmem:s28+$0x10830];
	v59 =	vmul.f32 v51, v10;
	[tilespmem:s28+$0x10430] =	vst v55  }
0x310: {  	v62 =	vld [tilespmem:s28+$0x10850];
	v61 =	vmul.f32 v52, v10;
	[tilespmem:s28+$0x10450] =	vst v57  }
0x311: {  	v7 =	vld [tilespmem:s28+$0x10860];
	v63 =	vmul.f32 v54, v10;
	[tilespmem:s28+$0x10460] =	vst v59  }
0x312: {  	v9 =	vld [tilespmem:s28+$0x10870];
	v8 =	vmul.f32 v56, v10;
	[tilespmem:s28+$0x10470] =	vst v61  }
0x313: {  	v11 =	vmul.f32 v58, v10;
	[tilespmem:s28+$0x10800] =	vst v63  }
0x314: {  	v16 =	vmul.f32 v60, v10;
	[tilespmem:s28+$0x10810] =	vst v8  }
0x315: {  	v17 =	vmul.f32 v62, v10;
	[tilespmem:s28+$0x10820] =	vst v11  }
0x316: {  	v18 =	vmul.f32 v7, v10;
	[tilespmem:s28+$0x10830] =	vst v16  }
0x317: {  	v19 =	vmul.f32 v9, v10;
	[tilespmem:s28+$0x10850] =	vst v17  }
0x318: {  	v20 =	vld [tilespmem:s28+$0x10440];
	[tilespmem:s28+$0x10860] =	vst v18  }
0x319: {  	v21 =	vld [tilespmem:s28+$0x10840];
	[tilespmem:s28+$0x10870] =	vst v19  }
0x31a: {  	v1 =	vld [tilespmem:s10+$0x0];
	_ =	sdelay $0x2  }
0x31b: {  	v2 =	vmul.f32 v20, v10  }
0x31c: {  	v0 =	vmul.f32 v21, v10  }
0x31d: {  	[tilespmem:s28+$0x10440] =	vst v2;
	v1 =	vmul.f32 v1, v10  }
0x31e: {  	[tilespmem:s28+$0x10840] =	vst v0  }
0x31f: {  	[tilespmem:s10+$0x0] =	vst v1  }
0x320: {  	v0 =	vld [tilespmem:s6+$0x0];
	_ =	sdelay $0x4  }
0x321: {  	v0 =	vmul.f32 v0, v10;
	_ =	sdelay $0x1  }
0x322: {  	[tilespmem:s6+$0x0] =	vst v0  }
0x323: {  	v0 =	vld [tilespmem:s15+$0x0];
	_ =	sdelay $0x4  }
0x324: {  	v0 =	vmul.f32 v0, v10;
	_ =	sdelay $0x1  }
0x325: {  	[tilespmem:s15+$0x0] =	vst v0  }
0x326: {  	v0 =	vld [tilespmem:s4+$0x0];
	_ =	sdelay $0x4  }
0x327: {  	v0 =	vmul.f32 v0, v10;
	_ =	sdelay $0x1  }
0x328: {  	[tilespmem:s4+$0x0] =	vst v0  }
0x329: {  	v0 =	vld [tilespmem:s0+$0x0];
	_ =	sdelay $0x4  }
0x32a: {  	v0 =	vmul.f32 v0, v10;
	_ =	sdelay $0x1  }
0x32b: {  	[tilespmem:s0+$0x0] =	vst v0  }
0x32c: {  	v0 =	vld [tilespmem:s13+$0x0];
	_ =	sdelay $0x4  }
0x32d: {  	v0 =	vmul.f32 v0, v10;
	_ =	sdelay $0x1  }
0x32e: {  	[tilespmem:s13+$0x0] =	vst v0  }
0x32f: {  	v0 =	vld [tilespmem:s7+$0x0];
	_ =	sdelay $0x4  }
0x330: {  	v0 =	vmul.f32 v0, v10;
	_ =	sdelay $0x1  }
0x331: {  	[tilespmem:s7+$0x0] =	vst v0  }
0x332: {  	v0 =	vld [tilespmem:s11+$0x0];
	_ =	sdelay $0x4  }
0x333: {  	v0 =	vmul.f32 v0, v10;
	_ =	sdelay $0x1  }
0x334: {  	[tilespmem:s11+$0x0] =	vst v0  }
0x335: {  	v0 =	vld [tilespmem:s28+$0x11000]  }
0x336: {  	v1 =	vld [tilespmem:s28+$0x11010]  }
0x337: {  	v22 =	vld [tilespmem:s28+$0x11020]  }
0x338: {  	v23 =	vld [tilespmem:s28+$0x11030]  }
0x339: {  	v24 =	vld [tilespmem:s28+$0x11050]  }
0x33a: {  	v25 =	vld [tilespmem:s28+$0x11060];
	v0 =	vmul.f32 v0, v10  }
0x33b: {  	v26 =	vld [tilespmem:s28+$0x11070];
	v1 =	vmul.f32 v1, v10  }
0x33c: {  	v28 =	vld [tilespmem:s28+$0x11400];
	v27 =	vmul.f32 v22, v10;
	[tilespmem:s28+$0x11000] =	vst v0  }
0x33d: {  	v30 =	vld [tilespmem:s28+$0x11410];
	v29 =	vmul.f32 v23, v10;
	[tilespmem:s28+$0x11010] =	vst v1  }
0x33e: {  	v32 =	vld [tilespmem:s28+$0x11420];
	v31 =	vmul.f32 v24, v10;
	[tilespmem:s28+$0x11020] =	vst v27  }
0x33f: {  	v34 =	vld [tilespmem:s28+$0x11430];
	v33 =	vmul.f32 v25, v10;
	[tilespmem:s28+$0x11030] =	vst v29  }
0x340: {  	v36 =	vld [tilespmem:s28+$0x11450];
	v35 =	vmul.f32 v26, v10;
	[tilespmem:s28+$0x11050] =	vst v31  }
0x341: {  	v39 =	vld [tilespmem:s28+$0x11460];
	v37 =	vmul.f32 v28, v10;
	[tilespmem:s28+$0x11060] =	vst v33  }
0x342: {  	v41 =	vld [tilespmem:s28+$0x11470];
	v40 =	vmul.f32 v30, v10;
	[tilespmem:s28+$0x11070] =	vst v35  }
0x343: {  	v43 =	vld [tilespmem:s28+$0x11800];
	v42 =	vmul.f32 v32, v10;
	[tilespmem:s28+$0x11400] =	vst v37  }
0x344: {  	v45 =	vld [tilespmem:s28+$0x11810];
	v44 =	vmul.f32 v34, v10;
	[tilespmem:s28+$0x11410] =	vst v40  }
0x345: {  	v47 =	vld [tilespmem:s28+$0x11820];
	v46 =	vmul.f32 v36, v10;
	[tilespmem:s28+$0x11420] =	vst v42  }
0x346: {  	v49 =	vld [tilespmem:s28+$0x11830];
	v48 =	vmul.f32 v39, v10;
	[tilespmem:s28+$0x11430] =	vst v44  }
0x347: {  	v51 =	vld [tilespmem:s28+$0x11850];
	v50 =	vmul.f32 v41, v10;
	[tilespmem:s28+$0x11450] =	vst v46  }
0x348: {  	v53 =	vld [tilespmem:s28+$0x11860];
	v52 =	vmul.f32 v43, v10;
	[tilespmem:s28+$0x11460] =	vst v48  }
0x349: {  	v55 =	vld [tilespmem:s28+$0x11870];
	v54 =	vmul.f32 v45, v10;
	[tilespmem:s28+$0x11470] =	vst v50  }
0x34a: {  	v56 =	vmul.f32 v47, v10;
	[tilespmem:s28+$0x11800] =	vst v52  }
0x34b: {  	v57 =	vmul.f32 v49, v10;
	[tilespmem:s28+$0x11810] =	vst v54  }
0x34c: {  	v58 =	vmul.f32 v51, v10;
	[tilespmem:s28+$0x11820] =	vst v56  }
0x34d: {  	v59 =	vmul.f32 v53, v10;
	[tilespmem:s28+$0x11830] =	vst v57  }
0x34e: {  	v60 =	vld [tilespmem:s28+$0x11040];
	v61 =	vmul.f32 v55, v10;
	[tilespmem:s28+$0x11850] =	vst v58  }
0x34f: {  	v62 =	vld [tilespmem:s28+$0x11440];
	[tilespmem:s28+$0x11860] =	vst v59  }
0x350: {  	v63 =	vld [tilespmem:s28+$0x11840];
	[tilespmem:s28+$0x11870] =	vst v61  }
0x351: {  	v0 =	vld [tilespmem:s1+$0x0];
	_ =	sdelay $0x1  }
0x352: {  	v2 =	vmul.f32 v60, v10  }
0x353: {  	v3 =	vmul.f32 v62, v10  }
0x354: {  	[tilespmem:s28+$0x11040] =	vst v2;
	v1 =	vmul.f32 v63, v10  }
0x355: {  	[tilespmem:s28+$0x11440] =	vst v3;
	v0 =	vmul.f32 v0, v10  }
0x356: {  	[tilespmem:s28+$0x11840] =	vst v1  }
0x357: {  	[tilespmem:s1+$0x0] =	vst v0  }
0x358: {  	v0 =	vld [tilespmem:s19+$0x0];
	_ =	sdelay $0x4  }
0x359: {  	v0 =	vmul.f32 v0, v10;
	_ =	sdelay $0x1  }
0x35a: {  	[tilespmem:s19+$0x0] =	vst v0  }
0x35b: {  	v0 =	vld [tilespmem:s5+$0x0];
	_ =	sdelay $0x4  }
0x35c: {  	v0 =	vmul.f32 v0, v10;
	_ =	sdelay $0x1  }
0x35d: {  	[tilespmem:s5+$0x0] =	vst v0  }
0x35e: {  	v0 =	vld [tilespmem:s12+$0x0];
	_ =	sdelay $0x4  }
0x35f: {  	v0 =	vmul.f32 v0, v10;
	_ =	sdelay $0x1  }
0x360: {  	[tilespmem:s12+$0x0] =	vst v0  }
0x361: {  	v0 =	vld [tilespmem:s17+$0x0];
	_ =	sdelay $0x4  }
0x362: {  	v0 =	vmul.f32 v0, v10;
	_ =	sdelay $0x1  }
0x363: {  	[tilespmem:s17+$0x0] =	vst v0  }
0x364: {  	v0 =	vld [tilespmem:s14+$0x0];
	_ =	sdelay $0x4  }
0x365: {  	v0 =	vmul.f32 v0, v10;
	_ =	sdelay $0x1  }
0x366: {  	[tilespmem:s14+$0x0] =	vst v0  }
0x367: {  	v0 =	vld [tilespmem:s24+$0x0];
	_ =	sdelay $0x4  }
0x368: {  	v0 =	vmul.f32 v0, v10;
	_ =	sdelay $0x1  }
0x369: {  	[tilespmem:s24+$0x0] =	vst v0  }
0x36a: {  	v0 =	vld [tilespmem:s30+$0x0];
	_ =	sdelay $0x4  }
0x36b: {  	v0 =	vmul.f32 v0, v10;
	_ =	sdelay $0x1  }
0x36c: {  	[tilespmem:s30+$0x0] =	vst v0  }
0x36d: {  	v0 =	vld [tilespmem:s31+$0x0]  }
0x36e: {  	p0 =	sne.s32 s26, $0x1F  }
.Ltmp21:
0x36f: {  	_ = 	snop;
	(pc) =	sbr.rel @p0 .LBB2_21-.Ltmp21, $3  }
0x370: {  	_ =	sdelay $0x1  }
0x371: {  	v0 =	vsel vm3, $0x0, v0  }
0x372: {  	s22 =	rddreg [dreg:$0x7];
	s26 =	sadd.s32 $0x1, s26;
	[tilespmem:s31+$0x0] =	vst v0  }
0x373: {  	s0 =	rddreg [dreg:$0x10]  }
0x374: {  	v0 =	vmov s0  }
0x375: {  	vm3 =	veq.s32 v0, v14  }
0x376: {  	v0 =	vnsel vm3, $0x0, v38  }
0x377: {  	(xrf0) =	vadd.scan.msk.s32 $0xffff, v0;
	_ =	sdelay $0x5  }
0x378: {  	v0, _, _ =	vpop (xrf0)  }
0x379: {  	(v2sf) =	vpush v0, $0xF;
	_ =	sdelay $0xe  }
0x37a: {  	s0 =	spop (v2sf)  }
0x37b: {  	p0 =	sge.s32 s29, s0  }
.Ltmp22:
0x37c: {  	_ = 	snop;
	(pc) =	sbr.rel @p0 .LBB2_26-.Ltmp22, $3  }
0x37d: {  	_ =	sdelay $0x1  }
0x37e: {  	s18 =	rddreg [dreg:$0x2]  }
0x37f: {  	s19 =	simm.s32 $0x0;
	s6 =	simm.s32 $0x8000;
	s23 =	simm.s32 $0x10000  }
0x380: {  	s1 =	sand.u32 $0xF, s29  }
0x381: {  	s2 =	sshra.s32 s29, $0x1F;
	p0 =	slt.s32 s29, $0x1;
	p1 =	sne.s32 s1, $0x0  }
0x382: {  	s31 =	sshrl.u32 s2, $0x1C;
	p0 =	por !p0, !p1  }
0x383: {  	s2 =	simm.s32 $0x1;
	s1 =	sadd.s32 s31, s29;
	p0 =	por !p0, !p0  }
0x384: {  	s1 =	sshrl.u32 s1, $0x4;
	s2 =	simm.s32 @!p0 $0x0  }
0x385: {  	s1 =	ssub.s32 s1, s2  }
0x386: {  	s1 =	sshll.u32 s1, $0x4  }
0x387: {  	v0 =	vld [tilespmem:s1+$0x18080];
	_ =	sdelay $0x1  }
0x388: {  	s1 =	ssub.s32 s29, s1  }
0x389: {  	v1 =	vmov s1  }
0x38a: {  	vm3 =	veq.s32 v1, v14  }
0x38b: {  	v0 =	vnsel vm3, $0x0, v0  }
0x38c: {  	(xrf0) =	vadd.scan.msk.s32 $0xffff, v0;
	_ =	sdelay $0x5  }
0x38d: {  	s1 =	sadd.s32 $0x1, s29;
	v0, _, _ =	vpop (xrf0)  }
0x38e: {  	p0 =	sne.s32 s0, s1;
	(v2sf) =	vpush v0, $0xF  }
.Ltmp23:
0x38f: {  	_ = 	snop;
	(pc) =	sbr.rel @!p0 .LBB2_25-.Ltmp23, $1  }
0x390: {  	_ =	sdelay $0x3  }
.LBB2_24:
0x391: {  	_ =	sdelay $0x5  }
0x392: {  	s2 =	sshra.s32 s1, $0x1F;
	p0 =	slt.s32 s1, $0x1  }
0x393: {  	s3 =	sand.u32 $0xF, s1;
	s4 =	smov.u32 s1;
	s1 =	sadd.s32 $0x1, s1  }
0x394: {  	s5 =	simm.s32 $0x1;
	s2 =	sshrl.u32 s2, $0x1C;
	p1 =	sne.s32 s3, $0x0  }
0x395: {  	p1 =	por !p0, !p1;
	p0 =	sne.s32 s0, s1;
	s3 =	spop (v2sf)  }
0x396: {  	s2 =	sadd.s32 s2, s4;
	p1 =	por !p1, !p1;
	s3 =	sshll.u32 s3, $0x14  }
0x397: {  	s2 =	sshrl.u32 s2, $0x4;
	s5 =	simm.s32 @!p1 $0x0;
	s3 =	sor.u32 s9, s3  }
0x398: {  	s2 =	ssub.s32 s2, s5;
	s3 =	sshrl.u32 s3, $0x3  }
0x399: {  	s2 =	sshll.u32 s2, $0x4;
	s3 =	sadd.s32 s18, s3  }
0x39a: {  	[hbm4b:s3+s19] =	stream.linear.scatter [tilespmem:s23], [sflag:$0x3], $0x8000, $0x38;
	[tilespmem:$0x18180] =	vst v63  }
0x39b: {  	v0 =	vld [tilespmem:s2+$0x18080];
	_ =	sdelay $0x1  }
0x39c: {  	s2 =	ssub.s32 s4, s2  }
0x39d: {  	v1 =	vmov s2  }
0x39e: {  	vm3 =	veq.s32 v1, v14  }
0x39f: {  	v0 =	vnsel vm3, $0x0, v0  }
0x3a0: {  	(xrf0) =	vadd.scan.msk.s32 $0xffff, v0;
	_ =	sdelay $0x2  }
.Ltmp24:
0x3a1: {  	(pc) =	sbr.rel @p0 .LBB2_24-.Ltmp24, $3  }
0x3a2: {  	_ =	sdelay $0x1  }
0x3a3: {  	v0, _, _ =	vpop (xrf0)  }
0x3a4: {  	(v2sf) =	vpush v0, $0xF  }
.Ltmp25:
0x3a5: {  	_ = 	snop;
	(pc) =	sbr.rel .LBB2_25-.Ltmp25, $1  }
0x3a6: {  	_ =	sdelay $0x3  }
.LBB2_27:
0x3a7: {  	s2 =	simm.s32 $0x4  }
0x3a8: {  	v0 =	vsel vm0, $0x0, v38;
	_ =	swait.ge [sflag:s2], $0x8000  }
0x3a9: {  	v61 =	vsel vm1, $0x0, v38;
	(xrf0) =	vadd.scan.msk.s32 $0xffff, v0  }
0x3aa: {  	(xrf0) =	vadd.scan.msk.s32 $0xffff, v61;
	_ =	sdelay $0x4  }
0x3ab: {  	v62, _, _ =	vpop (xrf0)  }
0x3ac: {  	(v2sf) =	vpush v62, $0xF;
	v63, _, _ =	vpop (xrf0)  }
0x3ad: {  	(v2sf) =	vpush v63, $0xF;
	_ =	sdelay $0xd  }
0x3ae: {  	s1 =	spop (v2sf)  }
0x3af: {  	s0 =	spop (v2sf)  }
0x3b0: {  	p0 =	sle.s32 s0, s1  }
.Ltmp26:
0x3b1: {  	_ = 	snop;
	(pc) =	sbr.rel @p0 .LBB2_31-.Ltmp26, $3  }
0x3b2: {  	_ =	sdelay $0x1  }
0x3b3: {  	[sflag:s2] =	ssyncset.done $0x0  }
0x3b4: {  	[sflag:s2] =	ssyncadd.s32 $0xFFFF8000  }
0x3b5: {  	s1 =	ssub.s32 s0, s1  }
0x3b6: {  	p0 =	sne.s32 s1, $0x1  }
.Ltmp27:
0x3b7: {  	_ = 	snop;
	(pc) =	sbr.rel @!p0 .LBB2_30-.Ltmp27, $3  }
0x3b8: {  	_ =	sdelay $0x1  }
0x3b9: {  	_ =	swait.ge [sflag:s16], $0x8000  }
0x3ba: {  	s1 =	sadd.s32 $0xFFFFFFFF, s1;
	[sflag:s16] =	ssyncset.done $0x0  }
.LBB2_29:
0x3bb: {  	p0 =	sne.s32 s1, $0x1;
	s1 =	sadd.s32 $0xFFFFFFFF, s1;
	[sflag:s16] =	ssyncadd.s32 $0xFFFF8000  }
.Ltmp28:
0x3bc: {  	(pc) =	sbr.rel @p0 .LBB2_29-.Ltmp28, $3  }
0x3bd: {  	_ =	sdelay $0x1  }
0x3be: {  	_ =	swait.ge [sflag:s16], $0x8000  }
0x3bf: {  	[sflag:s16] =	ssyncset.done $0x0  }
.LBB2_30:
0x3c0: {  	[sflag:s16] =	ssyncadd.s32 $0xFFFF8000  }
.LBB2_31:
0x3c1: {  	v0 =	vsel vm2, $0x0, v38  }
0x3c2: {  	(xrf0) =	vadd.scan.msk.s32 $0xffff, v0;
	_ =	sdelay $0x5  }
0x3c3: {  	v0, _, _ =	vpop (xrf0)  }
0x3c4: {  	(v2sf) =	vpush v0, $0xF;
	_ =	sdelay $0xe  }
0x3c5: {  	s1 =	spop (v2sf)  }
0x3c6: {  	p0 =	sle.s32 s1, s0  }
.Ltmp29:
0x3c7: {  	_ = 	snop;
	(pc) =	sbr.rel @p0 .LBB2_35-.Ltmp29, $2  }
0x3c8: {  	_ =	sdelay $0x2  }
0x3c9: {  	s2 =	rddreg [dreg:$0xb]  }
0x3ca: {  	s0 =	ssub.s32 s1, s0  }
0x3cb: {  	p0 =	sne.s32 s0, $0x1  }
.Ltmp30:
0x3cc: {  	_ = 	snop;
	(pc) =	sbr.rel @!p0 .LBB2_34-.Ltmp30, $3  }
0x3cd: {  	_ =	sdelay $0x1  }
0x3ce: {  	_ =	swait.ge [sflag:s21], $0x8000  }
0x3cf: {  	s0 =	sadd.s32 $0xFFFFFFFF, s0;
	[sflag:s21] =	ssyncset.done $0x0  }
.LBB2_33:
0x3d0: {  	p0 =	sne.s32 s0, $0x1;
	s0 =	sadd.s32 $0xFFFFFFFF, s0;
	[sflag:s21] =	ssyncadd.s32 $0xFFFF8000  }
.Ltmp31:
0x3d1: {  	(pc) =	sbr.rel @p0 .LBB2_33-.Ltmp31, $3  }
0x3d2: {  	_ =	sdelay $0x1  }
0x3d3: {  	_ =	swait.ge [sflag:s21], $0x8000  }
0x3d4: {  	[sflag:s21] =	ssyncset.done $0x0  }
.Ltmp32:
0x3d5: {  	_ = 	snop;
	(pc) =	sbr.rel .LBB2_34-.Ltmp32, $1  }
0x3d6: {  	_ =	sdelay $0x3  }
.LBB2_36:
0x3d7: {  	_ =	sfence.sel $0x180000  }
0x3d8: {  	[bflag:$0x0] =	sbarrier.arrive $0xFFFF  }
0x3d9: {  	_ =	strace $0x90000047  }
0x3da: {  	s0 =	stileid.u32;
	[bflag:$0x2] =	sbarrier.arrive $0xFFFF  }
0x3db: {  	p0 =	sne.s32 s0, $0x0;
	s0 =	rddreg [dreg:$0x3]  }
0x3dc: {  	s0 =	sadd.s32 @!p0 $0x100000, s0  }
0x3dd: {  	[sflag:s0] =	ssyncadd.tile.s32 @!p0 $0x1;
	_ =	shalt  }
.Lfunc_end2:
_tile_overlayer_lowered:
.L_overlay_start_2:
0x3de: {  	(tag) =	ssettag $0x2  }
0x3df: {  	s0 =	rddreg [dreg:$0x0];
	s2 =	stileid.u32  }
0x3e0: {  	s1 =	rddreg [dreg:$0x1];
	p0 =	sne.s32 s2, $0x0  }
0x3e1: {  	s3 =	rddreg [dreg:$0x2];
	[bflag:$0x3] =	sbarrier.arrive $0xFFFF;
	s2 =	simm.s32 @!p0 $0x1C05  }
0x3e2: {  	[timem:s3], [sflag:s2] =	dma.local @!p0 [hbm:s0], s1  }
0x3e3: {  	s0 =	simm.s32 @!p0 $0x5  }
0x3e4: {  	_ =	swait.ge @!p0 [sflag:s0], s1  }
0x3e5: {  	s1 =	ssub.s32 @!p0 $0x0, s1;
	[sflag:s0] =	ssyncset.done @!p0 $0x0  }
0x3e6: {  	[sflag:s0] =	ssyncadd.s32 @!p0 s1  }
0x3e7: {  	[bflag:$0x3] =	sbarrier.arrive $0xFFFF  }
0x3e8: {  	_ =	shalt  }

</sc_bundles>
